<compile_context>
chip_gen: v7x
topology: tpu7x:2x2x1
jax: 0.10.2.dev20260603
libtpu: 0.0.44.dev20260713+nightly
codegen_flags: <defaults>
</compile_context>

<pallas_src>
import functools

import jax
import jax.numpy as jnp
from jax import lax
from jax.experimental import pallas as pl
from jax.experimental.pallas import tpu as pltpu
from jax.experimental.pallas import tpu_sc as plsc

N = 10000
E = 320000
D = 128
DH = D // 2
G = 64
ACCW = 80
CH = 128
NCH = E // CH
NC = 2
NS = 16
NCHW = (NCH // NS) & ~1
NREM = NCH - NCHW * NS
NP = 10240
NR = NP // NS


_NB1 = 1000


def _node_proj_body(x_ref, w_ref, asv_ref, adv_ref, xh2_ref, s_ref, d_ref):
    xh = jnp.dot(x_ref[...], w_ref[...], preferred_element_type=jnp.float32)
    xh2_ref[0] = xh[:, :DH]
    xh2_ref[1] = xh[:, DH:]
    s_ref[...] = jnp.sum(xh * asv_ref[...], axis=1, keepdims=True)
    d_ref[...] = jnp.sum(xh * adv_ref[...], axis=1, keepdims=True)


def _node_proj(x, W, att_src_row, att_dst_row):
    return pl.pallas_call(
        _node_proj_body,
        grid=(N // _NB1,),
        in_specs=[
            pl.BlockSpec((_NB1, D), lambda i: (i, 0)),
            pl.BlockSpec((D, D), lambda i: (0, 0)),
            pl.BlockSpec((1, D), lambda i: (0, 0)),
            pl.BlockSpec((1, D), lambda i: (0, 0)),
        ],
        out_specs=[
            pl.BlockSpec((2, _NB1, DH), lambda i: (0, i, 0)),
            pl.BlockSpec((_NB1, 1), lambda i: (i, 0)),
            pl.BlockSpec((_NB1, 1), lambda i: (i, 0)),
        ],
        out_shape=[
            jax.ShapeDtypeStruct((2, N, DH), jnp.float32),
            jax.ShapeDtypeStruct((N, 1), jnp.float32),
            jax.ShapeDtypeStruct((N, 1), jnp.float32),
        ],
    )(x, W, att_src_row, att_dst_row)



def _edge_body(edge_ref, asrc_hbm, adst_hbm, xh2_hbm, out_ref,
               asrc_v, adst_v,
               src_b0, dst_b0, rows_b0, scaled_b0, dsc_b0,
               src_b1, dst_b1, rows_b1, scaled_b1, dsc_b1,
               ex_b, acc_sh, se0, se1, sg, ss0, ss1):
    c = lax.axis_index("c")
    s = lax.axis_index("s")

    pltpu.sync_copy(asrc_hbm, asrc_v)
    pltpu.sync_copy(adst_hbm, adst_v)

    def _zb(j, cy):
        for q in range(ACCW // 16):
            scaled_b0[j, pl.ds(16 * q, 16)] = jnp.zeros((16,), jnp.float32)
        return cy
    lax.fori_loop(0, CH, _zb, 0)
    r0 = s * NR
    for t in range(NR // CH):
        pltpu.sync_copy(scaled_b0, acc_sh.at[pl.ds(r0 + CH * t, CH)])
    plsc.subcore_barrier()

    bufs = ((src_b0, dst_b0, rows_b0, scaled_b0, dsc_b0, se0, ss0),
            (src_b1, dst_b1, rows_b1, scaled_b1, dsc_b1, se1, ss1))

    def _start_edges(i, sbuf, dbuf, se):
        off = (s + NS * i) * CH
        pltpu.async_copy(edge_ref.at[0, pl.ds(off, CH)], sbuf, se)
        pltpu.async_copy(edge_ref.at[1, pl.ds(off, CH)], dbuf, se)

    def _wait_edges(sbuf, dbuf, se):
        pltpu.make_async_copy(edge_ref.at[0, pl.ds(0, CH)], sbuf, se).wait()
        pltpu.make_async_copy(edge_ref.at[1, pl.ds(0, CH)], dbuf, se).wait()

    def _compute_ex(sbuf, dbuf):
        svs = [sbuf[pl.ds(16 * v, 16)] for v in range(CH // 16)]
        dvs = [dbuf[pl.ds(16 * v, 16)] for v in range(CH // 16)]
        avs = [plsc.load_gather(asrc_v, [sv]) for sv in svs]
        bvs = [plsc.load_gather(adst_v, [dv]) for dv in dvs]
        for v in range(CH // 16):
            al = avs[v] + bvs[v]
            al = jnp.where(al >= 0.0, al, 0.2 * al)
            ex_b[pl.ds(16 * v, 16)] = jnp.exp(al)

    RB = 8

    def _scale(rbuf, cbuf):
        lane = lax.iota(jnp.int32, 16)

        def _blk(jb, cy):
            j0 = RB * jb
            es = [plsc.load_gather(ex_b, [jnp.full((16,), j0 + t, jnp.int32)])
                  for t in range(RB)]
            vals = [[rbuf[j0 + t, pl.ds(16 * q, 16)]
                     for q in range(DH // 16)] for t in range(RB)]
            for t in range(RB):
                for q in range(DH // 16):
                    cbuf[j0 + t, pl.ds(16 * q, 16)] = es[t] * vals[t][q]
                cbuf[j0 + t, pl.ds(DH, 16)] = jnp.where(lane == 0, es[t], 0.0)
            return cy
        lax.fori_loop(0, CH // RB, _blk, 0, unroll=1)

    _start_edges(0, src_b0, dst_b0, se0)
    _start_edges(1, src_b1, dst_b1, se1)
    _wait_edges(src_b0, dst_b0, se0)

    def _pair(k, cy):
        for b in range(2):
            i = 2 * k + b
            sbuf, dbuf, rbuf, cbuf, dsc, se, ss = bufs[b]
            nsbuf, ndbuf, nrbuf, _, _, nse, _ = bufs[1 - b]

            @pl.when(k >= 1)
            def _():
                pltpu.make_async_copy(cbuf, acc_sh.at[dsc], ss).wait()
            dvals = [dbuf[pl.ds(16 * v, 16)] for v in range(CH // 16)]
            for v in range(CH // 16):
                dsc[pl.ds(16 * v, 16)] = dvals[v]

            @pl.when(k < NCHW // 2 - 1)
            def _():
                _start_edges(i + 2, sbuf, dbuf, se)

            def _next_gather():
                _wait_edges(nsbuf, ndbuf, nse)
            if b == 0:
                _next_gather()
            else:
                pl.when(k < NCHW // 2 - 1)(_next_gather)
            _scale(rbuf, cbuf)
            pltpu.async_copy(cbuf, acc_sh.at[dsc], ss, add=True)
        return cy
    lax.fori_loop(0, NCHW // 2, _pair, 0)

    pltpu.make_async_copy(scaled_b0, acc_sh.at[dsc_b0], ss0).wait()
    pltpu.make_async_copy(scaled_b1, acc_sh.at[dsc_b1], ss1).wait()

    @pl.when(s < NREM)
    def _():
        off = (NCHW * NS + s) * CH
        pltpu.sync_copy(edge_ref.at[0, pl.ds(off, CH)], src_b0)
        pltpu.sync_copy(edge_ref.at[1, pl.ds(off, CH)], dst_b0)
        pltpu.async_copy(xh2_hbm.at[c].at[src_b0], rows_b0, sg).wait()
        _compute_ex(src_b0, dst_b0)
        _scale(rows_b0, scaled_b0)
        pltpu.sync_copy(scaled_b0, acc_sh.at[dst_b0], add=True)

    plsc.subcore_barrier()
    for t in range(NR // CH):
        pltpu.sync_copy(acc_sh.at[pl.ds(r0 + CH * t, CH)], scaled_b0)
        pltpu.sync_copy(scaled_b0, out_ref.at[c, pl.ds(r0 + CH * t, CH)])


@functools.cache
def _edge_pass():
    return pl.kernel(
        _edge_body,
        mesh=plsc.VectorSubcoreMesh(core_axis_name="c", subcore_axis_name="s",
                                    num_cores=NC, num_subcores=NS),
        out_type=jax.ShapeDtypeStruct((NC, NP, ACCW), jnp.float32),
        scratch_types=[
            pltpu.VMEM((N,), jnp.float32),
            pltpu.VMEM((N,), jnp.float32),
            pltpu.VMEM((CH,), jnp.int32),
            pltpu.VMEM((CH,), jnp.int32),
            pltpu.VMEM((CH, DH), jnp.float32),
            pltpu.VMEM((CH, ACCW), jnp.float32),
            pltpu.VMEM((CH,), jnp.int32),
            pltpu.VMEM((CH,), jnp.int32),
            pltpu.VMEM((CH,), jnp.int32),
            pltpu.VMEM((CH, DH), jnp.float32),
            pltpu.VMEM((CH, ACCW), jnp.float32),
            pltpu.VMEM((CH,), jnp.int32),
            pltpu.VMEM((CH,), jnp.float32),
            pltpu.VMEM_SHARED((NP, ACCW), jnp.float32),
            pltpu.SemaphoreType.DMA,
            pltpu.SemaphoreType.DMA,
            pltpu.SemaphoreType.DMA,
            pltpu.SemaphoreType.DMA,
            pltpu.SemaphoreType.DMA,
        ],
        compiler_params=pltpu.CompilerParams(needs_layout_passes=False,
                                             use_tc_tiling_on_sc=False),
    )



_NB3 = 400
_NG3 = N // _NB3


def _final_body(acc0_ref, acc1_ref, lo_ref, hi_ref, as_ref, ad_ref, b_ref,
                bias_ref, pw_ref, pb_ref, pooled_ref, s_ref,
                sums_ref, cnt_ref):
    i = pl.program_id(0)
    al = as_ref[...] + ad_ref[...]
    ex_self = jnp.exp(jnp.where(al >= 0.0, al, 0.2 * al))
    xh = jnp.concatenate([lo_ref[0], hi_ref[0]], axis=1)
    num = jnp.concatenate([acc0_ref[0, :, :DH], acc1_ref[0, :, :DH]], axis=1)
    num = num + ex_self * xh
    den = acc0_ref[0, :, DH:DH + 1] + ex_self + 1e-16
    xho = num / den + bias_ref[...]
    logits = jnp.sum(xho * pw_ref[...], axis=1, keepdims=True) + pb_ref[...]
    sc = 1.0 / (1.0 + jnp.exp(-logits))
    s_ref[...] = sc
    xw = sc * xho
    onehot = (b_ref[...] == lax.broadcasted_iota(jnp.int32, (_NB3, G), 1)
              ).astype(jnp.float32)
    psum = lax.dot_general(onehot, xw, (((0,), (0,)), ((), ())),
                           preferred_element_type=jnp.float32)
    pcnt = lax.dot_general(onehot, jnp.ones((_NB3, 1), jnp.float32),
                           (((0,), (0,)), ((), ())),
                           preferred_element_type=jnp.float32)

    @pl.when(i == 0)
    def _():
        sums_ref[...] = psum
        cnt_ref[...] = pcnt

    @pl.when(i > 0)
    def _():
        sums_ref[...] += psum
        cnt_ref[...] += pcnt

    @pl.when(i == _NG3 - 1)
    def _():
        pooled_ref[...] = sums_ref[...] / jnp.maximum(cnt_ref[...], 1.0)


def _finalize(acc, xh2, a_src, a_dst, batch2d, bias_row, pw_row, pb):
    return pl.pallas_call(
        _final_body,
        grid=(_NG3,),
        in_specs=[
            pl.BlockSpec((1, _NB3, ACCW), lambda i: (0, i, 0)),
            pl.BlockSpec((1, _NB3, ACCW), lambda i: (1, i, 0)),
            pl.BlockSpec((1, _NB3, DH), lambda i: (0, i, 0)),
            pl.BlockSpec((1, _NB3, DH), lambda i: (1, i, 0)),
            pl.BlockSpec((_NB3, 1), lambda i: (i, 0)),
            pl.BlockSpec((_NB3, 1), lambda i: (i, 0)),
            pl.BlockSpec((_NB3, 1), lambda i: (i, 0)),
            pl.BlockSpec((1, D), lambda i: (0, 0)),
            pl.BlockSpec((1, D), lambda i: (0, 0)),
            pl.BlockSpec((1, 1), lambda i: (0, 0)),
        ],
        out_specs=[
            pl.BlockSpec((G, D), lambda i: (0, 0)),
            pl.BlockSpec((_NB3, 1), lambda i: (i, 0)),
        ],
        out_shape=[
            jax.ShapeDtypeStruct((G, D), jnp.float32),
            jax.ShapeDtypeStruct((N, 1), jnp.float32),
        ],
        scratch_shapes=[
            pltpu.VMEM((G, D), jnp.float32),
            pltpu.VMEM((G, 1), jnp.float32),
        ],
    )(acc, acc, xh2, xh2, a_src, a_dst, batch2d, bias_row, pw_row, pb)



@jax.jit
def kernel(x, edge_index, batch, W, att_src, att_dst, bias, proj_W, proj_b):
    xh2, a_src, a_dst = _node_proj(
        x, W, att_src.reshape(1, D), att_dst.reshape(1, D))
    acc = _edge_pass()(edge_index, a_src.reshape(N), a_dst.reshape(N), xh2)
    pooled, scores = _finalize(
        acc, xh2, a_src, a_dst, batch.reshape(N, 1),
        bias.reshape(1, D), proj_W.reshape(1, D), proj_b.reshape(1, 1))
    return (pooled, scores)

# --- scband reference (transcript-rebuilt; emitter-appended) ---
"""Pipeline reference for scband-gatpool-layer-40381282517102 (READ-ONLY COPY).

The authoritative reference and input builder live on the scoring server;
editing this copy changes nothing except your own understanding.
"""

import jax, jax.numpy as jnp
import numpy as np

N = 10000
E = 320000
D_IN = 128
D_OUT = 128
G = 64


def setup_inputs(seed: int = 0) -> dict:
    key = jax.random.key(seed)
    ks = jax.random.split(key, 10)
    x = jax.random.normal(ks[0], (N, D_IN), dtype=jnp.float32)
    edge_index = jax.random.randint(ks[1], (2, E), 0, N, dtype=jnp.int32)
    batch = jnp.sort(jax.random.randint(ks[2], (N,), 0, G, dtype=jnp.int32))
    # GATConv (single head) parameters
    W = jax.random.normal(ks[3], (D_IN, D_OUT), dtype=jnp.float32) * 0.05
    att_src = jax.random.normal(ks[4], (D_OUT,), dtype=jnp.float32) * 0.05
    att_dst = jax.random.normal(ks[5], (D_OUT,), dtype=jnp.float32) * 0.05
    bias = jnp.zeros((D_OUT,), dtype=jnp.float32)
    # proj Linear(D_OUT, 1)
    proj_W = jax.random.normal(ks[6], (D_OUT, 1), dtype=jnp.float32) * 0.05
    proj_b = jnp.zeros((1,), dtype=jnp.float32)
    return {"x": x, "edge_index": edge_index, "batch": batch, "W": W,
            "att_src": att_src, "att_dst": att_dst, "bias": bias,
            "proj_W": proj_W, "proj_b": proj_b}


def _gat_conv(x, edge_index, W, att_src, att_dst, bias):
    n = x.shape[0]
    xh = x @ W  # [N, D_OUT]
    # add self loops (PyG GATConv default add_self_loops=True)
    loop = jnp.arange(n, dtype=edge_index.dtype)
    src = jnp.concatenate([edge_index[0], loop])
    dst = jnp.concatenate([edge_index[1], loop])
    a_src = (xh * att_src).sum(axis=-1)  # [N]
    a_dst = (xh * att_dst).sum(axis=-1)  # [N]
    alpha = a_src[src] + a_dst[dst]
    alpha = jax.nn.leaky_relu(alpha, negative_slope=0.2)
    # segment softmax over destination nodes
    amax = jax.ops.segment_max(alpha, dst, num_segments=n)
    amax = jnp.where(jnp.isfinite(amax), amax, 0.0)
    ex = jnp.exp(alpha - amax[dst])
    denom = jax.ops.segment_sum(ex, dst, num_segments=n)
    coef = ex / (denom[dst] + 1e-16)
    out = jax.ops.segment_sum(coef[:, None] * xh[src], dst, num_segments=n)
    return out + bias


def reference(x, edge_index, batch, W, att_src, att_dst, bias, proj_W, proj_b):
    xh = _gat_conv(x, edge_index, W, att_src, att_dst, bias)
    attention_scores = jax.nn.sigmoid(xh @ proj_W + proj_b)  # [N, 1]
    x_weighted = attention_scores * xh
    ones = jnp.ones((xh.shape[0],), dtype=xh.dtype)
    counts = jax.ops.segment_sum(ones, batch, num_segments=G)
    sums = jax.ops.segment_sum(x_weighted, batch, num_segments=G)
    pooled = sums / jnp.maximum(counts, 1.0)[:, None]
    return (pooled, attention_scores)

if __name__ == "__main__":
    import jax
    _d = setup_inputs()
    print(jax.jit(kernel)(*tuple(_d.values())))

</pallas_src>

<mosaic_0001>
#map = affine_map<(d0, d1) -> (0, 0)>
#map1 = affine_map<(d0, d1) -> (0)>
#map2 = affine_map<(d0, d1) -> (0, 0, 0)>
module attributes {stable_mosaic.version = 14 : i64} {
  func.func @_edge_body(%arg0: i32, %arg1: i32, %arg2: memref<2x320000xi32, #tpu.memory_space<hbm>>, %arg3: memref<10000xf32, #tpu.memory_space<hbm>>, %arg4: memref<10000xf32, #tpu.memory_space<hbm>>, %arg5: memref<2x10000x64xf32, #tpu.memory_space<hbm>>, %arg6: memref<2x10240x80xf32, #tpu.memory_space<hbm>>, %arg7: memref<10000xf32, #tpu.memory_space<vmem>>, %arg8: memref<10000xf32, #tpu.memory_space<vmem>>, %arg9: memref<128xi32, #tpu.memory_space<vmem>>, %arg10: memref<128xi32, #tpu.memory_space<vmem>>, %arg11: memref<128x64xf32, #tpu.memory_space<vmem>>, %arg12: memref<128x80xf32, #tpu.memory_space<vmem>>, %arg13: memref<128xi32, #tpu.memory_space<vmem>>, %arg14: memref<128xi32, #tpu.memory_space<vmem>>, %arg15: memref<128xi32, #tpu.memory_space<vmem>>, %arg16: memref<128x64xf32, #tpu.memory_space<vmem>>, %arg17: memref<128x80xf32, #tpu.memory_space<vmem>>, %arg18: memref<128xi32, #tpu.memory_space<vmem>>, %arg19: memref<128xf32, #tpu.memory_space<vmem>>, %arg20: memref<10240x80xf32, #tpu.memory_space<vmem_shared>>, %arg21: memref<!tpu.dma_semaphore, #tpu.memory_space<semaphore_mem>>, %arg22: memref<!tpu.dma_semaphore, #tpu.memory_space<semaphore_mem>>, %arg23: memref<!tpu.dma_semaphore, #tpu.memory_space<semaphore_mem>>, %arg24: memref<!tpu.dma_semaphore, #tpu.memory_space<semaphore_mem>>, %arg25: memref<!tpu.dma_semaphore, #tpu.memory_space<semaphore_mem>>) attributes {dimension_semantics = [#tpu.dimension_semantics<core_parallel>, #tpu.dimension_semantics<subcore_parallel>], iteration_bounds = array<i64: 2, 16>, scalar_prefetch = 0 : i64, scratch_operands = 19 : i64, tpu.core_type = #tpu.core_type<sc_vector_subcore>, window_params = [{transform_indices = #map}, {transform_indices = #map1}, {transform_indices = #map1}, {transform_indices = #map2}, {transform_indices = #map2}]} {
    "tpu.region"() ({
      %run_scoped3A = tpu.sem_alloc : memref<!tpu.dma_semaphore, #tpu.memory_space<semaphore_mem>>
      tpu.enqueue_dma source(%arg3 : memref<10000xf32, #tpu.memory_space<hbm>>) target(%arg7 : memref<10000xf32, #tpu.memory_space<vmem>>) target_semaphore(%run_scoped3A : memref<!tpu.dma_semaphore, #tpu.memory_space<semaphore_mem>>)
      tpu.wait_dma2 semaphore(%run_scoped3A : memref<!tpu.dma_semaphore, #tpu.memory_space<semaphore_mem>>) src(%arg3 : memref<10000xf32, #tpu.memory_space<hbm>>) dst(%arg7 : memref<10000xf32, #tpu.memory_space<vmem>>)
      tpu.yield
    }) : () -> ()
    "tpu.region"() ({
      %run_scoped3A = tpu.sem_alloc : memref<!tpu.dma_semaphore, #tpu.memory_space<semaphore_mem>>
      tpu.enqueue_dma source(%arg4 : memref<10000xf32, #tpu.memory_space<hbm>>) target(%arg8 : memref<10000xf32, #tpu.memory_space<vmem>>) target_semaphore(%run_scoped3A : memref<!tpu.dma_semaphore, #tpu.memory_space<semaphore_mem>>)
      tpu.wait_dma2 semaphore(%run_scoped3A : memref<!tpu.dma_semaphore, #tpu.memory_space<semaphore_mem>>) src(%arg4 : memref<10000xf32, #tpu.memory_space<hbm>>) dst(%arg8 : memref<10000xf32, #tpu.memory_space<vmem>>)
      tpu.yield
    }) : () -> ()
    %scan3A = arith.constant 0 : i32
    %scan3A_0 = arith.constant 0 : i32
    %scan3A_1 = arith.constant 128 : i32
    %scan3A_2 = arith.addi %scan3A_0, %scan3A_1 : i32
    %scan3A_3 = arith.constant 1 : i32
    scf.for %scan3A_90 = %scan3A_0 to %scan3A_2 step %scan3A_3  : i32 {
      %broadcast_in_dim3A = arith.constant 0.000000e+00 : f32
      %broadcast_in_dim3A_91 = vector.broadcast %broadcast_in_dim3A : f32 to vector<16xf32>
      %swap3A = arith.index_cast %scan3A_90 : i32 to index
      %swap3A_92 = arith.constant 0 : index
      %swap3A_93 = tpu.vector_load %arg12[%swap3A, %swap3A_92] {strides = array<i32>} : memref<128x80xf32, #tpu.memory_space<vmem>>, vector<16xf32>,
      tpu.vector_store %arg12[%swap3A, %swap3A_92], %broadcast_in_dim3A_91 {strides = array<i32>} : memref<128x80xf32, #tpu.memory_space<vmem>>, vector<16xf32>,
      %broadcast_in_dim3A_94 = arith.constant 0.000000e+00 : f32
      %broadcast_in_dim3A_95 = vector.broadcast %broadcast_in_dim3A_94 : f32 to vector<16xf32>
      %swap3A_96 = arith.index_cast %scan3A_90 : i32 to index
      %swap3A_97 = arith.constant 16 : index
      %swap3A_98 = tpu.vector_load %arg12[%swap3A_96, %swap3A_97] {strides = array<i32>} : memref<128x80xf32, #tpu.memory_space<vmem>>, vector<16xf32>,
      tpu.vector_store %arg12[%swap3A_96, %swap3A_97], %broadcast_in_dim3A_95 {strides = array<i32>} : memref<128x80xf32, #tpu.memory_space<vmem>>, vector<16xf32>,
      %broadcast_in_dim3A_99 = arith.constant 0.000000e+00 : f32
      %broadcast_in_dim3A_100 = vector.broadcast %broadcast_in_dim3A_99 : f32 to vector<16xf32>
      %swap3A_101 = arith.index_cast %scan3A_90 : i32 to index
      %swap3A_102 = arith.constant 32 : index
      %swap3A_103 = tpu.vector_load %arg12[%swap3A_101, %swap3A_102] {strides = array<i32>} : memref<128x80xf32, #tpu.memory_space<vmem>>, vector<16xf32>,
      tpu.vector_store %arg12[%swap3A_101, %swap3A_102], %broadcast_in_dim3A_100 {strides = array<i32>} : memref<128x80xf32, #tpu.memory_space<vmem>>, vector<16xf32>,
      %broadcast_in_dim3A_104 = arith.constant 0.000000e+00 : f32
      %broadcast_in_dim3A_105 = vector.broadcast %broadcast_in_dim3A_104 : f32 to vector<16xf32>
      %swap3A_106 = arith.index_cast %scan3A_90 : i32 to index
      %swap3A_107 = arith.constant 48 : index
      %swap3A_108 = tpu.vector_load %arg12[%swap3A_106, %swap3A_107] {strides = array<i32>} : memref<128x80xf32, #tpu.memory_space<vmem>>, vector<16xf32>,
      tpu.vector_store %arg12[%swap3A_106, %swap3A_107], %broadcast_in_dim3A_105 {strides = array<i32>} : memref<128x80xf32, #tpu.memory_space<vmem>>, vector<16xf32>,
      %broadcast_in_dim3A_109 = arith.constant 0.000000e+00 : f32
      %broadcast_in_dim3A_110 = vector.broadcast %broadcast_in_dim3A_109 : f32 to vector<16xf32>
      %swap3A_111 = arith.index_cast %scan3A_90 : i32 to index
      %swap3A_112 = arith.constant 64 : index
      %swap3A_113 = tpu.vector_load %arg12[%swap3A_111, %swap3A_112] {strides = array<i32>} : memref<128x80xf32, #tpu.memory_space<vmem>>, vector<16xf32>,
      tpu.vector_store %arg12[%swap3A_111, %swap3A_112], %broadcast_in_dim3A_110 {strides = array<i32>} : memref<128x80xf32, #tpu.memory_space<vmem>>, vector<16xf32>,
    }
    %scan3A_4 = arith.constant 128 : i32
    %mul3A = arith.constant 640 : i32
    %mul3A_5 = arith.muli %arg1, %mul3A : i32
    %add3A = arith.constant 0 : i32
    %add3A_6 = arith.addi %mul3A_5, %add3A : i32
    "tpu.region"() ({
      %run_scoped3A = tpu.sem_alloc : memref<!tpu.dma_semaphore, #tpu.memory_space<semaphore_mem>>
      %dma_start3A_90 = arith.constant 0 : i32
      %dma_start3A_91 = tpu.memref_slice %arg20[%add3A_6, %dma_start3A_90] : memref<10240x80xf32, #tpu.memory_space<vmem_shared>> -> memref<128x80xf32, #tpu.memory_space<vmem_shared>>
      %dma_start3A_92 = arith.constant 0 : i32
      %dma_start3A_93 = tpu.memref_slice %arg20[%add3A_6, %dma_start3A_92] : memref<10240x80xf32, #tpu.memory_space<vmem_shared>> -> memref<128x80xf32, #tpu.memory_space<vmem_shared>>
      tpu.enqueue_dma source(%arg12 : memref<128x80xf32, #tpu.memory_space<vmem>>) target(%dma_start3A_93 : memref<128x80xf32, #tpu.memory_space<vmem_shared>>) target_semaphore(%run_scoped3A : memref<!tpu.dma_semaphore, #tpu.memory_space<semaphore_mem>>)
      %dma_wait3A_94 = arith.constant 0 : i32
      %dma_wait3A_95 = tpu.memref_slice %arg20[%add3A_6, %dma_wait3A_94] : memref<10240x80xf32, #tpu.memory_space<vmem_shared>> -> memref<128x80xf32, #tpu.memory_space<vmem_shared>>
      %dma_wait3A_96 = arith.constant 0 : i32
      %dma_wait3A_97 = tpu.memref_slice %arg20[%add3A_6, %dma_wait3A_96] : memref<10240x80xf32, #tpu.memory_space<vmem_shared>> -> memref<128x80xf32, #tpu.memory_space<vmem_shared>>
      tpu.wait_dma2 semaphore(%run_scoped3A : memref<!tpu.dma_semaphore, #tpu.memory_space<semaphore_mem>>) src(%arg12 : memref<128x80xf32, #tpu.memory_space<vmem>>) dst(%dma_wait3A_97 : memref<128x80xf32, #tpu.memory_space<vmem_shared>>)
      tpu.yield
    }) : () -> ()
    %add3A_7 = arith.constant 128 : i32
    %add3A_8 = arith.addi %mul3A_5, %add3A_7 : i32
    "tpu.region"() ({
      %run_scoped3A = tpu.sem_alloc : memref<!tpu.dma_semaphore, #tpu.memory_space<semaphore_mem>>
      %dma_start3A_90 = arith.constant 0 : i32
      %dma_start3A_91 = tpu.memref_slice %arg20[%add3A_8, %dma_start3A_90] : memref<10240x80xf32, #tpu.memory_space<vmem_shared>> -> memref<128x80xf32, #tpu.memory_space<vmem_shared>>
      %dma_start3A_92 = arith.constant 0 : i32
      %dma_start3A_93 = tpu.memref_slice %arg20[%add3A_8, %dma_start3A_92] : memref<10240x80xf32, #tpu.memory_space<vmem_shared>> -> memref<128x80xf32, #tpu.memory_space<vmem_shared>>
      tpu.enqueue_dma source(%arg12 : memref<128x80xf32, #tpu.memory_space<vmem>>) target(%dma_start3A_93 : memref<128x80xf32, #tpu.memory_space<vmem_shared>>) target_semaphore(%run_scoped3A : memref<!tpu.dma_semaphore, #tpu.memory_space<semaphore_mem>>)
      %dma_wait3A_94 = arith.constant 0 : i32
      %dma_wait3A_95 = tpu.memref_slice %arg20[%add3A_8, %dma_wait3A_94] : memref<10240x80xf32, #tpu.memory_space<vmem_shared>> -> memref<128x80xf32, #tpu.memory_space<vmem_shared>>
      %dma_wait3A_96 = arith.constant 0 : i32
      %dma_wait3A_97 = tpu.memref_slice %arg20[%add3A_8, %dma_wait3A_96] : memref<10240x80xf32, #tpu.memory_space<vmem_shared>> -> memref<128x80xf32, #tpu.memory_space<vmem_shared>>
      tpu.wait_dma2 semaphore(%run_scoped3A : memref<!tpu.dma_semaphore, #tpu.memory_space<semaphore_mem>>) src(%arg12 : memref<128x80xf32, #tpu.memory_space<vmem>>) dst(%dma_wait3A_97 : memref<128x80xf32, #tpu.memory_space<vmem_shared>>)
      tpu.yield
    }) : () -> ()
    %add3A_9 = arith.constant 256 : i32
    %add3A_10 = arith.addi %mul3A_5, %add3A_9 : i32
    "tpu.region"() ({
      %run_scoped3A = tpu.sem_alloc : memref<!tpu.dma_semaphore, #tpu.memory_space<semaphore_mem>>
      %dma_start3A_90 = arith.constant 0 : i32
      %dma_start3A_91 = tpu.memref_slice %arg20[%add3A_10, %dma_start3A_90] : memref<10240x80xf32, #tpu.memory_space<vmem_shared>> -> memref<128x80xf32, #tpu.memory_space<vmem_shared>>
      %dma_start3A_92 = arith.constant 0 : i32
      %dma_start3A_93 = tpu.memref_slice %arg20[%add3A_10, %dma_start3A_92] : memref<10240x80xf32, #tpu.memory_space<vmem_shared>> -> memref<128x80xf32, #tpu.memory_space<vmem_shared>>
      tpu.enqueue_dma source(%arg12 : memref<128x80xf32, #tpu.memory_space<vmem>>) target(%dma_start3A_93 : memref<128x80xf32, #tpu.memory_space<vmem_shared>>) target_semaphore(%run_scoped3A : memref<!tpu.dma_semaphore, #tpu.memory_space<semaphore_mem>>)
      %dma_wait3A_94 = arith.constant 0 : i32
      %dma_wait3A_95 = tpu.memref_slice %arg20[%add3A_10, %dma_wait3A_94] : memref<10240x80xf32, #tpu.memory_space<vmem_shared>> -> memref<128x80xf32, #tpu.memory_space<vmem_shared>>
      %dma_wait3A_96 = arith.constant 0 : i32
      %dma_wait3A_97 = tpu.memref_slice %arg20[%add3A_10, %dma_wait3A_96] : memref<10240x80xf32, #tpu.memory_space<vmem_shared>> -> memref<128x80xf32, #tpu.memory_space<vmem_shared>>
      tpu.wait_dma2 semaphore(%run_scoped3A : memref<!tpu.dma_semaphore, #tpu.memory_space<semaphore_mem>>) src(%arg12 : memref<128x80xf32, #tpu.memory_space<vmem>>) dst(%dma_wait3A_97 : memref<128x80xf32, #tpu.memory_space<vmem_shared>>)
      tpu.yield
    }) : () -> ()
    %add3A_11 = arith.constant 384 : i32
    %add3A_12 = arith.addi %mul3A_5, %add3A_11 : i32
    "tpu.region"() ({
      %run_scoped3A = tpu.sem_alloc : memref<!tpu.dma_semaphore, #tpu.memory_space<semaphore_mem>>
      %dma_start3A_90 = arith.constant 0 : i32
      %dma_start3A_91 = tpu.memref_slice %arg20[%add3A_12, %dma_start3A_90] : memref<10240x80xf32, #tpu.memory_space<vmem_shared>> -> memref<128x80xf32, #tpu.memory_space<vmem_shared>>
      %dma_start3A_92 = arith.constant 0 : i32
      %dma_start3A_93 = tpu.memref_slice %arg20[%add3A_12, %dma_start3A_92] : memref<10240x80xf32, #tpu.memory_space<vmem_shared>> -> memref<128x80xf32, #tpu.memory_space<vmem_shared>>
      tpu.enqueue_dma source(%arg12 : memref<128x80xf32, #tpu.memory_space<vmem>>) target(%dma_start3A_93 : memref<128x80xf32, #tpu.memory_space<vmem_shared>>) target_semaphore(%run_scoped3A : memref<!tpu.dma_semaphore, #tpu.memory_space<semaphore_mem>>)
      %dma_wait3A_94 = arith.constant 0 : i32
      %dma_wait3A_95 = tpu.memref_slice %arg20[%add3A_12, %dma_wait3A_94] : memref<10240x80xf32, #tpu.memory_space<vmem_shared>> -> memref<128x80xf32, #tpu.memory_space<vmem_shared>>
      %dma_wait3A_96 = arith.constant 0 : i32
      %dma_wait3A_97 = tpu.memref_slice %arg20[%add3A_12, %dma_wait3A_96] : memref<10240x80xf32, #tpu.memory_space<vmem_shared>> -> memref<128x80xf32, #tpu.memory_space<vmem_shared>>
      tpu.wait_dma2 semaphore(%run_scoped3A : memref<!tpu.dma_semaphore, #tpu.memory_space<semaphore_mem>>) src(%arg12 : memref<128x80xf32, #tpu.memory_space<vmem>>) dst(%dma_wait3A_97 : memref<128x80xf32, #tpu.memory_space<vmem_shared>>)
      tpu.yield
    }) : () -> ()
    %add3A_13 = arith.constant 512 : i32
    %add3A_14 = arith.addi %mul3A_5, %add3A_13 : i32
    "tpu.region"() ({
      %run_scoped3A = tpu.sem_alloc : memref<!tpu.dma_semaphore, #tpu.memory_space<semaphore_mem>>
      %dma_start3A_90 = arith.constant 0 : i32
      %dma_start3A_91 = tpu.memref_slice %arg20[%add3A_14, %dma_start3A_90] : memref<10240x80xf32, #tpu.memory_space<vmem_shared>> -> memref<128x80xf32, #tpu.memory_space<vmem_shared>>
      %dma_start3A_92 = arith.constant 0 : i32
      %dma_start3A_93 = tpu.memref_slice %arg20[%add3A_14, %dma_start3A_92] : memref<10240x80xf32, #tpu.memory_space<vmem_shared>> -> memref<128x80xf32, #tpu.memory_space<vmem_shared>>
      tpu.enqueue_dma source(%arg12 : memref<128x80xf32, #tpu.memory_space<vmem>>) target(%dma_start3A_93 : memref<128x80xf32, #tpu.memory_space<vmem_shared>>) target_semaphore(%run_scoped3A : memref<!tpu.dma_semaphore, #tpu.memory_space<semaphore_mem>>)
      %dma_wait3A_94 = arith.constant 0 : i32
      %dma_wait3A_95 = tpu.memref_slice %arg20[%add3A_14, %dma_wait3A_94] : memref<10240x80xf32, #tpu.memory_space<vmem_shared>> -> memref<128x80xf32, #tpu.memory_space<vmem_shared>>
      %dma_wait3A_96 = arith.constant 0 : i32
      %dma_wait3A_97 = tpu.memref_slice %arg20[%add3A_14, %dma_wait3A_96] : memref<10240x80xf32, #tpu.memory_space<vmem_shared>> -> memref<128x80xf32, #tpu.memory_space<vmem_shared>>
      tpu.wait_dma2 semaphore(%run_scoped3A : memref<!tpu.dma_semaphore, #tpu.memory_space<semaphore_mem>>) src(%arg12 : memref<128x80xf32, #tpu.memory_space<vmem>>) dst(%dma_wait3A_97 : memref<128x80xf32, #tpu.memory_space<vmem_shared>>)
      tpu.yield
    }) : () -> ()
    %barrier3A = arith.constant 0 : index
    tpu.barrier barrier_id(%barrier3A)
    %add3A_15 = arith.constant 0 : i32
    %add3A_16 = arith.addi %arg1, %add3A_15 : i32
    %mul3A_17 = arith.constant 128 : i32
    %mul3A_18 = arith.muli %add3A_16, %mul3A_17 : i32
    %dma_start3A = arith.constant 0 : i32
    %dma_start3A_19 = tpu.memref_slice %arg2[%dma_start3A, %mul3A_18] : memref<2x320000xi32, #tpu.memory_space<hbm>> -> memref<1x128xi32, #tpu.memory_space<hbm>>
    %dma_start3A_20 = tpu.memref_squeeze %dma_start3A_19 : memref<1x128xi32, #tpu.memory_space<hbm>> -> memref<128xi32, #tpu.memory_space<hbm>>
    %dma_start3A_21 = tpu.memref_slice %arg2[%dma_start3A, %mul3A_18] : memref<2x320000xi32, #tpu.memory_space<hbm>> -> memref<1x128xi32, #tpu.memory_space<hbm>>
    %dma_start3A_22 = tpu.memref_squeeze %dma_start3A_21 : memref<1x128xi32, #tpu.memory_space<hbm>> -> memref<128xi32, #tpu.memory_space<hbm>>
    tpu.enqueue_dma source(%dma_start3A_22 : memref<128xi32, #tpu.memory_space<hbm>>) target(%arg9 : memref<128xi32, #tpu.memory_space<vmem>>) target_semaphore(%arg21 : memref<!tpu.dma_semaphore, #tpu.memory_space<semaphore_mem>>)
    %dma_start3A_23 = arith.constant 1 : i32
    %dma_start3A_24 = tpu.memref_slice %arg2[%dma_start3A_23, %mul3A_18] : memref<2x320000xi32, #tpu.memory_space<hbm>> -> memref<1x128xi32, #tpu.memory_space<hbm>>
    %dma_start3A_25 = tpu.memref_squeeze %dma_start3A_24 : memref<1x128xi32, #tpu.memory_space<hbm>> -> memref<128xi32, #tpu.memory_space<hbm>>
    %dma_start3A_26 = tpu.memref_slice %arg2[%dma_start3A_23, %mul3A_18] : memref<2x320000xi32, #tpu.memory_space<hbm>> -> memref<1x128xi32, #tpu.memory_space<hbm>>
    %dma_start3A_27 = tpu.memref_squeeze %dma_start3A_26 : memref<1x128xi32, #tpu.memory_space<hbm>> -> memref<128xi32, #tpu.memory_space<hbm>>
    tpu.enqueue_dma source(%dma_start3A_27 : memref<128xi32, #tpu.memory_space<hbm>>) target(%arg10 : memref<128xi32, #tpu.memory_space<vmem>>) target_semaphore(%arg21 : memref<!tpu.dma_semaphore, #tpu.memory_space<semaphore_mem>>)
    %add3A_28 = arith.constant 16 : i32
    %add3A_29 = arith.addi %arg1, %add3A_28 : i32
    %mul3A_30 = arith.constant 128 : i32
    %mul3A_31 = arith.muli %add3A_29, %mul3A_30 : i32
    %dma_start3A_32 = arith.constant 0 : i32
    %dma_start3A_33 = tpu.memref_slice %arg2[%dma_start3A_32, %mul3A_31] : memref<2x320000xi32, #tpu.memory_space<hbm>> -> memref<1x128xi32, #tpu.memory_space<hbm>>
    %dma_start3A_34 = tpu.memref_squeeze %dma_start3A_33 : memref<1x128xi32, #tpu.memory_space<hbm>> -> memref<128xi32, #tpu.memory_space<hbm>>
    %dma_start3A_35 = tpu.memref_slice %arg2[%dma_start3A_32, %mul3A_31] : memref<2x320000xi32, #tpu.memory_space<hbm>> -> memref<1x128xi32, #tpu.memory_space<hbm>>
    %dma_start3A_36 = tpu.memref_squeeze %dma_start3A_35 : memref<1x128xi32, #tpu.memory_space<hbm>> -> memref<128xi32, #tpu.memory_space<hbm>>
    tpu.enqueue_dma source(%dma_start3A_36 : memref<128xi32, #tpu.memory_space<hbm>>) target(%arg14 : memref<128xi32, #tpu.memory_space<vmem>>) target_semaphore(%arg22 : memref<!tpu.dma_semaphore, #tpu.memory_space<semaphore_mem>>)
    %dma_start3A_37 = arith.constant 1 : i32
    %dma_start3A_38 = tpu.memref_slice %arg2[%dma_start3A_37, %mul3A_31] : memref<2x320000xi32, #tpu.memory_space<hbm>> -> memref<1x128xi32, #tpu.memory_space<hbm>>
    %dma_start3A_39 = tpu.memref_squeeze %dma_start3A_38 : memref<1x128xi32, #tpu.memory_space<hbm>> -> memref<128xi32, #tpu.memory_space<hbm>>
    %dma_start3A_40 = tpu.memref_slice %arg2[%dma_start3A_37, %mul3A_31] : memref<2x320000xi32, #tpu.memory_space<hbm>> -> memref<1x128xi32, #tpu.memory_space<hbm>>
    %dma_start3A_41 = tpu.memref_squeeze %dma_start3A_40 : memref<1x128xi32, #tpu.memory_space<hbm>> -> memref<128xi32, #tpu.memory_space<hbm>>
    tpu.enqueue_dma source(%dma_start3A_41 : memref<128xi32, #tpu.memory_space<hbm>>) target(%arg15 : memref<128xi32, #tpu.memory_space<vmem>>) target_semaphore(%arg22 : memref<!tpu.dma_semaphore, #tpu.memory_space<semaphore_mem>>)
    %dma_wait3A = arith.constant 0 : i32
    %dma_wait3A_42 = arith.constant 0 : i32
    %dma_wait3A_43 = tpu.memref_slice %arg2[%dma_wait3A, %dma_wait3A_42] : memref<2x320000xi32, #tpu.memory_space<hbm>> -> memref<1x128xi32, #tpu.memory_space<hbm>>
    %dma_wait3A_44 = tpu.memref_squeeze %dma_wait3A_43 : memref<1x128xi32, #tpu.memory_space<hbm>> -> memref<128xi32, #tpu.memory_space<hbm>>
    %dma_wait3A_45 = arith.constant 0 : i32
    %dma_wait3A_46 = tpu.memref_slice %arg2[%dma_wait3A, %dma_wait3A_45] : memref<2x320000xi32, #tpu.memory_space<hbm>> -> memref<1x128xi32, #tpu.memory_space<hbm>>
    %dma_wait3A_47 = tpu.memref_squeeze %dma_wait3A_46 : memref<1x128xi32, #tpu.memory_space<hbm>> -> memref<128xi32, #tpu.memory_space<hbm>>
    tpu.wait_dma2 semaphore(%arg21 : memref<!tpu.dma_semaphore, #tpu.memory_space<semaphore_mem>>) src(%dma_wait3A_47 : memref<128xi32, #tpu.memory_space<hbm>>) dst(%arg9 : memref<128xi32, #tpu.memory_space<vmem>>)
    %dma_wait3A_48 = arith.constant 1 : i32
    %dma_wait3A_49 = arith.constant 0 : i32
    %dma_wait3A_50 = tpu.memref_slice %arg2[%dma_wait3A_48, %dma_wait3A_49] : memref<2x320000xi32, #tpu.memory_space<hbm>> -> memref<1x128xi32, #tpu.memory_space<hbm>>
    %dma_wait3A_51 = tpu.memref_squeeze %dma_wait3A_50 : memref<1x128xi32, #tpu.memory_space<hbm>> -> memref<128xi32, #tpu.memory_space<hbm>>
    %dma_wait3A_52 = arith.constant 0 : i32
    %dma_wait3A_53 = tpu.memref_slice %arg2[%dma_wait3A_48, %dma_wait3A_52] : memref<2x320000xi32, #tpu.memory_space<hbm>> -> memref<1x128xi32, #tpu.memory_space<hbm>>
    %dma_wait3A_54 = tpu.memref_squeeze %dma_wait3A_53 : memref<1x128xi32, #tpu.memory_space<hbm>> -> memref<128xi32, #tpu.memory_space<hbm>>
    tpu.wait_dma2 semaphore(%arg21 : memref<!tpu.dma_semaphore, #tpu.memory_space<semaphore_mem>>) src(%dma_wait3A_54 : memref<128xi32, #tpu.memory_space<hbm>>) dst(%arg10 : memref<128xi32, #tpu.memory_space<vmem>>)
    %scan3A_55 = arith.constant 0 : i32
    %scan3A_56 = arith.constant 0 : i32
    %scan3A_57 = arith.constant 78 : i32
    %scan3A_58 = arith.addi %scan3A_56, %scan3A_57 : i32
    %scan3A_59 = arith.constant 1 : i32
    scf.for %scan3A_90 = %scan3A_56 to %scan3A_58 step %scan3A_59  : i32 {
      %mul3A_91 = arith.constant 2 : i32
      %mul3A_92 = arith.muli %mul3A_91, %scan3A_90 : i32
      %add3A_93 = arith.constant 0 : i32
      %add3A_94 = arith.addi %mul3A_92, %add3A_93 : i32
      %ge3A = arith.constant 1 : i32
      %ge3A_95 = arith.cmpi sge, %scan3A_90, %ge3A : i32
      %convert_element_type3A_96 = arith.extui %ge3A_95 : i1 to i32
      %cond3A_97 = arith.constant 0 : i32
      %cond3A_98 = arith.cmpi ne, %convert_element_type3A_96, %cond3A_97 : i32
      scf.if %cond3A_98 {
        %dma_wait3A_218 = arith.constant 0 : i32
        %dma_wait3A_219 = arith.constant 0 : i32
        %dma_wait3A_220 = tpu.memref_slice %arg20[%dma_wait3A_218, %dma_wait3A_219] : memref<10240x80xf32, #tpu.memory_space<vmem_shared>> -> memref<10240x80xf32, #tpu.memory_space<vmem_shared>>
        tpu.wait_indirect_dma semaphore(%arg24 : memref<!tpu.dma_semaphore, #tpu.memory_space<semaphore_mem>>) src(%arg12 : memref<128x80xf32, #tpu.memory_space<vmem>>) dst(%dma_wait3A_220 : memref<10240x80xf32, #tpu.memory_space<vmem_shared>>)
      } else {
      }
      %get3A = arith.constant 0 : index
      %get3A_99 = tpu.vector_load %arg10[%get3A] {strides = array<i32>} : memref<128xi32, #tpu.memory_space<vmem>>, vector<16xi32>,
      %get3A_100 = arith.constant 16 : index
      %get3A_101 = tpu.vector_load %arg10[%get3A_100] {strides = array<i32>} : memref<128xi32, #tpu.memory_space<vmem>>, vector<16xi32>,
      %get3A_102 = arith.constant 32 : index
      %get3A_103 = tpu.vector_load %arg10[%get3A_102] {strides = array<i32>} : memref<128xi32, #tpu.memory_space<vmem>>, vector<16xi32>,
      %get3A_104 = arith.constant 48 : index
      %get3A_105 = tpu.vector_load %arg10[%get3A_104] {strides = array<i32>} : memref<128xi32, #tpu.memory_space<vmem>>, vector<16xi32>,
      %get3A_106 = arith.constant 64 : index
      %get3A_107 = tpu.vector_load %arg10[%get3A_106] {strides = array<i32>} : memref<128xi32, #tpu.memory_space<vmem>>, vector<16xi32>,
      %get3A_108 = arith.constant 80 : index
      %get3A_109 = tpu.vector_load %arg10[%get3A_108] {strides = array<i32>} : memref<128xi32, #tpu.memory_space<vmem>>, vector<16xi32>,
      %get3A_110 = arith.constant 96 : index
      %get3A_111 = tpu.vector_load %arg10[%get3A_110] {strides = array<i32>} : memref<128xi32, #tpu.memory_space<vmem>>, vector<16xi32>,
      %get3A_112 = arith.constant 112 : index
      %get3A_113 = tpu.vector_load %arg10[%get3A_112] {strides = array<i32>} : memref<128xi32, #tpu.memory_space<vmem>>, vector<16xi32>,
      %swap3A = arith.constant 0 : index
      %swap3A_114 = tpu.vector_load %arg13[%swap3A] {strides = array<i32>} : memref<128xi32, #tpu.memory_space<vmem>>, vector<16xi32>,
      tpu.vector_store %arg13[%swap3A], %get3A_99 {strides = array<i32>} : memref<128xi32, #tpu.memory_space<vmem>>, vector<16xi32>,
      %swap3A_115 = arith.constant 16 : index
      %swap3A_116 = tpu.vector_load %arg13[%swap3A_115] {strides = array<i32>} : memref<128xi32, #tpu.memory_space<vmem>>, vector<16xi32>,
      tpu.vector_store %arg13[%swap3A_115], %get3A_101 {strides = array<i32>} : memref<128xi32, #tpu.memory_space<vmem>>, vector<16xi32>,
      %swap3A_117 = arith.constant 32 : index
      %swap3A_118 = tpu.vector_load %arg13[%swap3A_117] {strides = array<i32>} : memref<128xi32, #tpu.memory_space<vmem>>, vector<16xi32>,
      tpu.vector_store %arg13[%swap3A_117], %get3A_103 {strides = array<i32>} : memref<128xi32, #tpu.memory_space<vmem>>, vector<16xi32>,
      %swap3A_119 = arith.constant 48 : index
      %swap3A_120 = tpu.vector_load %arg13[%swap3A_119] {strides = array<i32>} : memref<128xi32, #tpu.memory_space<vmem>>, vector<16xi32>,
      tpu.vector_store %arg13[%swap3A_119], %get3A_105 {strides = array<i32>} : memref<128xi32, #tpu.memory_space<vmem>>, vector<16xi32>,
      %swap3A_121 = arith.constant 64 : index
      %swap3A_122 = tpu.vector_load %arg13[%swap3A_121] {strides = array<i32>} : memref<128xi32, #tpu.memory_space<vmem>>, vector<16xi32>,
      tpu.vector_store %arg13[%swap3A_121], %get3A_107 {strides = array<i32>} : memref<128xi32, #tpu.memory_space<vmem>>, vector<16xi32>,
      %swap3A_123 = arith.constant 80 : index
      %swap3A_124 = tpu.vector_load %arg13[%swap3A_123] {strides = array<i32>} : memref<128xi32, #tpu.memory_space<vmem>>, vector<16xi32>,
      tpu.vector_store %arg13[%swap3A_123], %get3A_109 {strides = array<i32>} : memref<128xi32, #tpu.memory_space<vmem>>, vector<16xi32>,
      %swap3A_125 = arith.constant 96 : index
      %swap3A_126 = tpu.vector_load %arg13[%swap3A_125] {strides = array<i32>} : memref<128xi32, #tpu.memory_space<vmem>>, vector<16xi32>,
      tpu.vector_store %arg13[%swap3A_125], %get3A_111 {strides = array<i32>} : memref<128xi32, #tpu.memory_space<vmem>>, vector<16xi32>,
      %swap3A_127 = arith.constant 112 : index
      %swap3A_128 = tpu.vector_load %arg13[%swap3A_127] {strides = array<i32>} : memref<128xi32, #tpu.memory_space<vmem>>, vector<16xi32>,
      tpu.vector_store %arg13[%swap3A_127], %get3A_113 {strides = array<i32>} : memref<128xi32, #tpu.memory_space<vmem>>, vector<16xi32>,
      %lt3A_129 = arith.constant 77 : i32
      %lt3A_130 = arith.cmpi slt, %scan3A_90, %lt3A_129 : i32
      %convert_element_type3A_131 = arith.extui %lt3A_130 : i1 to i32
      %cond3A_132 = arith.constant 0 : i32
      %cond3A_133 = arith.cmpi ne, %convert_element_type3A_131, %cond3A_132 : i32
      scf.if %cond3A_133 {
        %add3A_218 = arith.constant 2 : i32
        %add3A_219 = arith.addi %add3A_94, %add3A_218 : i32
        %mul3A_220 = arith.constant 16 : i32
        %mul3A_221 = arith.muli %mul3A_220, %add3A_219 : i32
        %add3A_222 = arith.addi %arg1, %mul3A_221 : i32
        %mul3A_223 = arith.constant 128 : i32
        %mul3A_224 = arith.muli %add3A_222, %mul3A_223 : i32
        %dma_start3A_225 = arith.constant 0 : i32
        %dma_start3A_226 = tpu.memref_slice %arg2[%dma_start3A_225, %mul3A_224] : memref<2x320000xi32, #tpu.memory_space<hbm>> -> memref<1x128xi32, #tpu.memory_space<hbm>>
        %dma_start3A_227 = tpu.memref_squeeze %dma_start3A_226 : memref<1x128xi32, #tpu.memory_space<hbm>> -> memref<128xi32, #tpu.memory_space<hbm>>
        %dma_start3A_228 = tpu.memref_slice %arg2[%dma_start3A_225, %mul3A_224] : memref<2x320000xi32, #tpu.memory_space<hbm>> -> memref<1x128xi32, #tpu.memory_space<hbm>>
        %dma_start3A_229 = tpu.memref_squeeze %dma_start3A_228 : memref<1x128xi32, #tpu.memory_space<hbm>> -> memref<128xi32, #tpu.memory_space<hbm>>
        tpu.enqueue_dma source(%dma_start3A_229 : memref<128xi32, #tpu.memory_space<hbm>>) target(%arg9 : memref<128xi32, #tpu.memory_space<vmem>>) target_semaphore(%arg21 : memref<!tpu.dma_semaphore, #tpu.memory_space<semaphore_mem>>)
        %dma_start3A_230 = arith.constant 1 : i32
        %dma_start3A_231 = tpu.memref_slice %arg2[%dma_start3A_230, %mul3A_224] : memref<2x320000xi32, #tpu.memory_space<hbm>> -> memref<1x128xi32, #tpu.memory_space<hbm>>
        %dma_start3A_232 = tpu.memref_squeeze %dma_start3A_231 : memref<1x128xi32, #tpu.memory_space<hbm>> -> memref<128xi32, #tpu.memory_space<hbm>>
        %dma_start3A_233 = tpu.memref_slice %arg2[%dma_start3A_230, %mul3A_224] : memref<2x320000xi32, #tpu.memory_space<hbm>> -> memref<1x128xi32, #tpu.memory_space<hbm>>
        %dma_start3A_234 = tpu.memref_squeeze %dma_start3A_233 : memref<1x128xi32, #tpu.memory_space<hbm>> -> memref<128xi32, #tpu.memory_space<hbm>>
        tpu.enqueue_dma source(%dma_start3A_234 : memref<128xi32, #tpu.memory_space<hbm>>) target(%arg10 : memref<128xi32, #tpu.memory_space<vmem>>) target_semaphore(%arg21 : memref<!tpu.dma_semaphore, #tpu.memory_space<semaphore_mem>>)
      } else {
      }
      %dma_wait3A_134 = arith.constant 0 : i32
      %dma_wait3A_135 = arith.constant 0 : i32
      %dma_wait3A_136 = tpu.memref_slice %arg2[%dma_wait3A_134, %dma_wait3A_135] : memref<2x320000xi32, #tpu.memory_space<hbm>> -> memref<1x128xi32, #tpu.memory_space<hbm>>
      %dma_wait3A_137 = tpu.memref_squeeze %dma_wait3A_136 : memref<1x128xi32, #tpu.memory_space<hbm>> -> memref<128xi32, #tpu.memory_space<hbm>>
      %dma_wait3A_138 = arith.constant 0 : i32
      %dma_wait3A_139 = tpu.memref_slice %arg2[%dma_wait3A_134, %dma_wait3A_138] : memref<2x320000xi32, #tpu.memory_space<hbm>> -> memref<1x128xi32, #tpu.memory_space<hbm>>
      %dma_wait3A_140 = tpu.memref_squeeze %dma_wait3A_139 : memref<1x128xi32, #tpu.memory_space<hbm>> -> memref<128xi32, #tpu.memory_space<hbm>>
      tpu.wait_dma2 semaphore(%arg22 : memref<!tpu.dma_semaphore, #tpu.memory_space<semaphore_mem>>) src(%dma_wait3A_140 : memref<128xi32, #tpu.memory_space<hbm>>) dst(%arg14 : memref<128xi32, #tpu.memory_space<vmem>>)
      %dma_wait3A_141 = arith.constant 1 : i32
      %dma_wait3A_142 = arith.constant 0 : i32
      %dma_wait3A_143 = tpu.memref_slice %arg2[%dma_wait3A_141, %dma_wait3A_142] : memref<2x320000xi32, #tpu.memory_space<hbm>> -> memref<1x128xi32, #tpu.memory_space<hbm>>
      %dma_wait3A_144 = tpu.memref_squeeze %dma_wait3A_143 : memref<1x128xi32, #tpu.memory_space<hbm>> -> memref<128xi32, #tpu.memory_space<hbm>>
      %dma_wait3A_145 = arith.constant 0 : i32
      %dma_wait3A_146 = tpu.memref_slice %arg2[%dma_wait3A_141, %dma_wait3A_145] : memref<2x320000xi32, #tpu.memory_space<hbm>> -> memref<1x128xi32, #tpu.memory_space<hbm>>
      %dma_wait3A_147 = tpu.memref_squeeze %dma_wait3A_146 : memref<1x128xi32, #tpu.memory_space<hbm>> -> memref<128xi32, #tpu.memory_space<hbm>>
      tpu.wait_dma2 semaphore(%arg22 : memref<!tpu.dma_semaphore, #tpu.memory_space<semaphore_mem>>) src(%dma_wait3A_147 : memref<128xi32, #tpu.memory_space<hbm>>) dst(%arg15 : memref<128xi32, #tpu.memory_space<vmem>>)
      %iota3A = tpu.iota {dimensions = array<i32: 0>} : vector<16xi32>
      %scan3A_148 = arith.constant 0 : i32
      %scan3A_149 = arith.constant 0 : i32
      %scan3A_150 = arith.constant 16 : i32
      %scan3A_151 = arith.addi %scan3A_149, %scan3A_150 : i32
      %scan3A_152 = arith.constant 1 : i32
      scf.for %scan3A_218 = %scan3A_149 to %scan3A_151 step %scan3A_152  : i32 {
        %mul3A_219 = arith.constant 8 : i32
        %mul3A_220 = arith.muli %mul3A_219, %scan3A_218 : i32
        %add3A_221 = arith.constant 0 : i32
        %add3A_222 = arith.addi %mul3A_220, %add3A_221 : i32
        %broadcast_in_dim3A = vector.broadcast %add3A_222 : i32 to vector<16xi32>
        %gather3A = tpu.vector_load_idx %arg19[%broadcast_in_dim3A] : memref<128xf32, #tpu.memory_space<vmem>>[vector<16xi32>], vector<16xf32>,
        %add3A_223 = arith.constant 1 : i32
        %add3A_224 = arith.addi %mul3A_220, %add3A_223 : i32
        %broadcast_in_dim3A_225 = vector.broadcast %add3A_224 : i32 to vector<16xi32>
        %gather3A_226 = tpu.vector_load_idx %arg19[%broadcast_in_dim3A_225] : memref<128xf32, #tpu.memory_space<vmem>>[vector<16xi32>], vector<16xf32>,
        %add3A_227 = arith.constant 2 : i32
        %add3A_228 = arith.addi %mul3A_220, %add3A_227 : i32
        %broadcast_in_dim3A_229 = vector.broadcast %add3A_228 : i32 to vector<16xi32>
        %gather3A_230 = tpu.vector_load_idx %arg19[%broadcast_in_dim3A_229] : memref<128xf32, #tpu.memory_space<vmem>>[vector<16xi32>], vector<16xf32>,
        %add3A_231 = arith.constant 3 : i32
        %add3A_232 = arith.addi %mul3A_220, %add3A_231 : i32
        %broadcast_in_dim3A_233 = vector.broadcast %add3A_232 : i32 to vector<16xi32>
        %gather3A_234 = tpu.vector_load_idx %arg19[%broadcast_in_dim3A_233] : memref<128xf32, #tpu.memory_space<vmem>>[vector<16xi32>], vector<16xf32>,
        %add3A_235 = arith.constant 4 : i32
        %add3A_236 = arith.addi %mul3A_220, %add3A_235 : i32
        %broadcast_in_dim3A_237 = vector.broadcast %add3A_236 : i32 to vector<16xi32>
        %gather3A_238 = tpu.vector_load_idx %arg19[%broadcast_in_dim3A_237] : memref<128xf32, #tpu.memory_space<vmem>>[vector<16xi32>], vector<16xf32>,
        %add3A_239 = arith.constant 5 : i32
        %add3A_240 = arith.addi %mul3A_220, %add3A_239 : i32
        %broadcast_in_dim3A_241 = vector.broadcast %add3A_240 : i32 to vector<16xi32>
        %gather3A_242 = tpu.vector_load_idx %arg19[%broadcast_in_dim3A_241] : memref<128xf32, #tpu.memory_space<vmem>>[vector<16xi32>], vector<16xf32>,
        %add3A_243 = arith.constant 6 : i32
        %add3A_244 = arith.addi %mul3A_220, %add3A_243 : i32
        %broadcast_in_dim3A_245 = vector.broadcast %add3A_244 : i32 to vector<16xi32>
        %gather3A_246 = tpu.vector_load_idx %arg19[%broadcast_in_dim3A_245] : memref<128xf32, #tpu.memory_space<vmem>>[vector<16xi32>], vector<16xf32>,
        %add3A_247 = arith.constant 7 : i32
        %add3A_248 = arith.addi %mul3A_220, %add3A_247 : i32
        %broadcast_in_dim3A_249 = vector.broadcast %add3A_248 : i32 to vector<16xi32>
        %gather3A_250 = tpu.vector_load_idx %arg19[%broadcast_in_dim3A_249] : memref<128xf32, #tpu.memory_space<vmem>>[vector<16xi32>], vector<16xf32>,
        %add3A_251 = arith.constant 0 : i32
        %add3A_252 = arith.addi %mul3A_220, %add3A_251 : i32
        %get3A_253 = arith.index_cast %add3A_252 : i32 to index
        %get3A_254 = arith.constant 0 : index
        %get3A_255 = tpu.vector_load %arg11[%get3A_253, %get3A_254] {strides = array<i32>} : memref<128x64xf32, #tpu.memory_space<vmem>>, vector<16xf32>,
        %add3A_256 = arith.constant 0 : i32
        %add3A_257 = arith.addi %mul3A_220, %add3A_256 : i32
        %get3A_258 = arith.index_cast %add3A_257 : i32 to index
        %get3A_259 = arith.constant 16 : index
        %get3A_260 = tpu.vector_load %arg11[%get3A_258, %get3A_259] {strides = array<i32>} : memref<128x64xf32, #tpu.memory_space<vmem>>, vector<16xf32>,
        %add3A_261 = arith.constant 0 : i32
        %add3A_262 = arith.addi %mul3A_220, %add3A_261 : i32
        %get3A_263 = arith.index_cast %add3A_262 : i32 to index
        %get3A_264 = arith.constant 32 : index
        %get3A_265 = tpu.vector_load %arg11[%get3A_263, %get3A_264] {strides = array<i32>} : memref<128x64xf32, #tpu.memory_space<vmem>>, vector<16xf32>,
        %add3A_266 = arith.constant 0 : i32
        %add3A_267 = arith.addi %mul3A_220, %add3A_266 : i32
        %get3A_268 = arith.index_cast %add3A_267 : i32 to index
        %get3A_269 = arith.constant 48 : index
        %get3A_270 = tpu.vector_load %arg11[%get3A_268, %get3A_269] {strides = array<i32>} : memref<128x64xf32, #tpu.memory_space<vmem>>, vector<16xf32>,
        %add3A_271 = arith.constant 1 : i32
        %add3A_272 = arith.addi %mul3A_220, %add3A_271 : i32
        %get3A_273 = arith.index_cast %add3A_272 : i32 to index
        %get3A_274 = arith.constant 0 : index
        %get3A_275 = tpu.vector_load %arg11[%get3A_273, %get3A_274] {strides = array<i32>} : memref<128x64xf32, #tpu.memory_space<vmem>>, vector<16xf32>,
        %add3A_276 = arith.constant 1 : i32
        %add3A_277 = arith.addi %mul3A_220, %add3A_276 : i32
        %get3A_278 = arith.index_cast %add3A_277 : i32 to index
        %get3A_279 = arith.constant 16 : index
        %get3A_280 = tpu.vector_load %arg11[%get3A_278, %get3A_279] {strides = array<i32>} : memref<128x64xf32, #tpu.memory_space<vmem>>, vector<16xf32>,
        %add3A_281 = arith.constant 1 : i32
        %add3A_282 = arith.addi %mul3A_220, %add3A_281 : i32
        %get3A_283 = arith.index_cast %add3A_282 : i32 to index
        %get3A_284 = arith.constant 32 : index
        %get3A_285 = tpu.vector_load %arg11[%get3A_283, %get3A_284] {strides = array<i32>} : memref<128x64xf32, #tpu.memory_space<vmem>>, vector<16xf32>,
        %add3A_286 = arith.constant 1 : i32
        %add3A_287 = arith.addi %mul3A_220, %add3A_286 : i32
        %get3A_288 = arith.index_cast %add3A_287 : i32 to index
        %get3A_289 = arith.constant 48 : index
        %get3A_290 = tpu.vector_load %arg11[%get3A_288, %get3A_289] {strides = array<i32>} : memref<128x64xf32, #tpu.memory_space<vmem>>, vector<16xf32>,
        %add3A_291 = arith.constant 2 : i32
        %add3A_292 = arith.addi %mul3A_220, %add3A_291 : i32
        %get3A_293 = arith.index_cast %add3A_292 : i32 to index
        %get3A_294 = arith.constant 0 : index
        %get3A_295 = tpu.vector_load %arg11[%get3A_293, %get3A_294] {strides = array<i32>} : memref<128x64xf32, #tpu.memory_space<vmem>>, vector<16xf32>,
        %add3A_296 = arith.constant 2 : i32
        %add3A_297 = arith.addi %mul3A_220, %add3A_296 : i32
        %get3A_298 = arith.index_cast %add3A_297 : i32 to index
        %get3A_299 = arith.constant 16 : index
        %get3A_300 = tpu.vector_load %arg11[%get3A_298, %get3A_299] {strides = array<i32>} : memref<128x64xf32, #tpu.memory_space<vmem>>, vector<16xf32>,
        %add3A_301 = arith.constant 2 : i32
        %add3A_302 = arith.addi %mul3A_220, %add3A_301 : i32
        %get3A_303 = arith.index_cast %add3A_302 : i32 to index
        %get3A_304 = arith.constant 32 : index
        %get3A_305 = tpu.vector_load %arg11[%get3A_303, %get3A_304] {strides = array<i32>} : memref<128x64xf32, #tpu.memory_space<vmem>>, vector<16xf32>,
        %add3A_306 = arith.constant 2 : i32
        %add3A_307 = arith.addi %mul3A_220, %add3A_306 : i32
        %get3A_308 = arith.index_cast %add3A_307 : i32 to index
        %get3A_309 = arith.constant 48 : index
        %get3A_310 = tpu.vector_load %arg11[%get3A_308, %get3A_309] {strides = array<i32>} : memref<128x64xf32, #tpu.memory_space<vmem>>, vector<16xf32>,
        %add3A_311 = arith.constant 3 : i32
        %add3A_312 = arith.addi %mul3A_220, %add3A_311 : i32
        %get3A_313 = arith.index_cast %add3A_312 : i32 to index
        %get3A_314 = arith.constant 0 : index
        %get3A_315 = tpu.vector_load %arg11[%get3A_313, %get3A_314] {strides = array<i32>} : memref<128x64xf32, #tpu.memory_space<vmem>>, vector<16xf32>,
        %add3A_316 = arith.constant 3 : i32
        %add3A_317 = arith.addi %mul3A_220, %add3A_316 : i32
        %get3A_318 = arith.index_cast %add3A_317 : i32 to index
        %get3A_319 = arith.constant 16 : index
        %get3A_320 = tpu.vector_load %arg11[%get3A_318, %get3A_319] {strides = array<i32>} : memref<128x64xf32, #tpu.memory_space<vmem>>, vector<16xf32>,
        %add3A_321 = arith.constant 3 : i32
        %add3A_322 = arith.addi %mul3A_220, %add3A_321 : i32
        %get3A_323 = arith.index_cast %add3A_322 : i32 to index
        %get3A_324 = arith.constant 32 : index
        %get3A_325 = tpu.vector_load %arg11[%get3A_323, %get3A_324] {strides = array<i32>} : memref<128x64xf32, #tpu.memory_space<vmem>>, vector<16xf32>,
        %add3A_326 = arith.constant 3 : i32
        %add3A_327 = arith.addi %mul3A_220, %add3A_326 : i32
        %get3A_328 = arith.index_cast %add3A_327 : i32 to index
        %get3A_329 = arith.constant 48 : index
        %get3A_330 = tpu.vector_load %arg11[%get3A_328, %get3A_329] {strides = array<i32>} : memref<128x64xf32, #tpu.memory_space<vmem>>, vector<16xf32>,
        %add3A_331 = arith.constant 4 : i32
        %add3A_332 = arith.addi %mul3A_220, %add3A_331 : i32
        %get3A_333 = arith.index_cast %add3A_332 : i32 to index
        %get3A_334 = arith.constant 0 : index
        %get3A_335 = tpu.vector_load %arg11[%get3A_333, %get3A_334] {strides = array<i32>} : memref<128x64xf32, #tpu.memory_space<vmem>>, vector<16xf32>,
        %add3A_336 = arith.constant 4 : i32
        %add3A_337 = arith.addi %mul3A_220, %add3A_336 : i32
        %get3A_338 = arith.index_cast %add3A_337 : i32 to index
        %get3A_339 = arith.constant 16 : index
        %get3A_340 = tpu.vector_load %arg11[%get3A_338, %get3A_339] {strides = array<i32>} : memref<128x64xf32, #tpu.memory_space<vmem>>, vector<16xf32>,
        %add3A_341 = arith.constant 4 : i32
        %add3A_342 = arith.addi %mul3A_220, %add3A_341 : i32
        %get3A_343 = arith.index_cast %add3A_342 : i32 to index
        %get3A_344 = arith.constant 32 : index
        %get3A_345 = tpu.vector_load %arg11[%get3A_343, %get3A_344] {strides = array<i32>} : memref<128x64xf32, #tpu.memory_space<vmem>>, vector<16xf32>,
        %add3A_346 = arith.constant 4 : i32
        %add3A_347 = arith.addi %mul3A_220, %add3A_346 : i32
        %get3A_348 = arith.index_cast %add3A_347 : i32 to index
        %get3A_349 = arith.constant 48 : index
        %get3A_350 = tpu.vector_load %arg11[%get3A_348, %get3A_349] {strides = array<i32>} : memref<128x64xf32, #tpu.memory_space<vmem>>, vector<16xf32>,
        %add3A_351 = arith.constant 5 : i32
        %add3A_352 = arith.addi %mul3A_220, %add3A_351 : i32
        %get3A_353 = arith.index_cast %add3A_352 : i32 to index
        %get3A_354 = arith.constant 0 : index
        %get3A_355 = tpu.vector_load %arg11[%get3A_353, %get3A_354] {strides = array<i32>} : memref<128x64xf32, #tpu.memory_space<vmem>>, vector<16xf32>,
        %add3A_356 = arith.constant 5 : i32
        %add3A_357 = arith.addi %mul3A_220, %add3A_356 : i32
        %get3A_358 = arith.index_cast %add3A_357 : i32 to index
        %get3A_359 = arith.constant 16 : index
        %get3A_360 = tpu.vector_load %arg11[%get3A_358, %get3A_359] {strides = array<i32>} : memref<128x64xf32, #tpu.memory_space<vmem>>, vector<16xf32>,
        %add3A_361 = arith.constant 5 : i32
        %add3A_362 = arith.addi %mul3A_220, %add3A_361 : i32
        %get3A_363 = arith.index_cast %add3A_362 : i32 to index
        %get3A_364 = arith.constant 32 : index
        %get3A_365 = tpu.vector_load %arg11[%get3A_363, %get3A_364] {strides = array<i32>} : memref<128x64xf32, #tpu.memory_space<vmem>>, vector<16xf32>,
        %add3A_366 = arith.constant 5 : i32
        %add3A_367 = arith.addi %mul3A_220, %add3A_366 : i32
        %get3A_368 = arith.index_cast %add3A_367 : i32 to index
        %get3A_369 = arith.constant 48 : index
        %get3A_370 = tpu.vector_load %arg11[%get3A_368, %get3A_369] {strides = array<i32>} : memref<128x64xf32, #tpu.memory_space<vmem>>, vector<16xf32>,
        %add3A_371 = arith.constant 6 : i32
        %add3A_372 = arith.addi %mul3A_220, %add3A_371 : i32
        %get3A_373 = arith.index_cast %add3A_372 : i32 to index
        %get3A_374 = arith.constant 0 : index
        %get3A_375 = tpu.vector_load %arg11[%get3A_373, %get3A_374] {strides = array<i32>} : memref<128x64xf32, #tpu.memory_space<vmem>>, vector<16xf32>,
        %add3A_376 = arith.constant 6 : i32
        %add3A_377 = arith.addi %mul3A_220, %add3A_376 : i32
        %get3A_378 = arith.index_cast %add3A_377 : i32 to index
        %get3A_379 = arith.constant 16 : index
        %get3A_380 = tpu.vector_load %arg11[%get3A_378, %get3A_379] {strides = array<i32>} : memref<128x64xf32, #tpu.memory_space<vmem>>, vector<16xf32>,
        %add3A_381 = arith.constant 6 : i32
        %add3A_382 = arith.addi %mul3A_220, %add3A_381 : i32
        %get3A_383 = arith.index_cast %add3A_382 : i32 to index
        %get3A_384 = arith.constant 32 : index
        %get3A_385 = tpu.vector_load %arg11[%get3A_383, %get3A_384] {strides = array<i32>} : memref<128x64xf32, #tpu.memory_space<vmem>>, vector<16xf32>,
        %add3A_386 = arith.constant 6 : i32
        %add3A_387 = arith.addi %mul3A_220, %add3A_386 : i32
        %get3A_388 = arith.index_cast %add3A_387 : i32 to index
        %get3A_389 = arith.constant 48 : index
        %get3A_390 = tpu.vector_load %arg11[%get3A_388, %get3A_389] {strides = array<i32>} : memref<128x64xf32, #tpu.memory_space<vmem>>, vector<16xf32>,
        %add3A_391 = arith.constant 7 : i32
        %add3A_392 = arith.addi %mul3A_220, %add3A_391 : i32
        %get3A_393 = arith.index_cast %add3A_392 : i32 to index
        %get3A_394 = arith.constant 0 : index
        %get3A_395 = tpu.vector_load %arg11[%get3A_393, %get3A_394] {strides = array<i32>} : memref<128x64xf32, #tpu.memory_space<vmem>>, vector<16xf32>,
        %add3A_396 = arith.constant 7 : i32
        %add3A_397 = arith.addi %mul3A_220, %add3A_396 : i32
        %get3A_398 = arith.index_cast %add3A_397 : i32 to index
        %get3A_399 = arith.constant 16 : index
        %get3A_400 = tpu.vector_load %arg11[%get3A_398, %get3A_399] {strides = array<i32>} : memref<128x64xf32, #tpu.memory_space<vmem>>, vector<16xf32>,
        %add3A_401 = arith.constant 7 : i32
        %add3A_402 = arith.addi %mul3A_220, %add3A_401 : i32
        %get3A_403 = arith.index_cast %add3A_402 : i32 to index
        %get3A_404 = arith.constant 32 : index
        %get3A_405 = tpu.vector_load %arg11[%get3A_403, %get3A_404] {strides = array<i32>} : memref<128x64xf32, #tpu.memory_space<vmem>>, vector<16xf32>,
        %add3A_406 = arith.constant 7 : i32
        %add3A_407 = arith.addi %mul3A_220, %add3A_406 : i32
        %get3A_408 = arith.index_cast %add3A_407 : i32 to index
        %get3A_409 = arith.constant 48 : index
        %get3A_410 = tpu.vector_load %arg11[%get3A_408, %get3A_409] {strides = array<i32>} : memref<128x64xf32, #tpu.memory_space<vmem>>, vector<16xf32>,
        %mul3A_411 = arith.mulf %gather3A, %get3A_255 : vector<16xf32>
        %add3A_412 = arith.constant 0 : i32
        %add3A_413 = arith.addi %mul3A_220, %add3A_412 : i32
        %swap3A_414 = arith.index_cast %add3A_413 : i32 to index
        %swap3A_415 = arith.constant 0 : index
        %swap3A_416 = tpu.vector_load %arg12[%swap3A_414, %swap3A_415] {strides = array<i32>} : memref<128x80xf32, #tpu.memory_space<vmem>>, vector<16xf32>,
        tpu.vector_store %arg12[%swap3A_414, %swap3A_415], %mul3A_411 {strides = array<i32>} : memref<128x80xf32, #tpu.memory_space<vmem>>, vector<16xf32>,
        %mul3A_417 = arith.mulf %gather3A, %get3A_260 : vector<16xf32>
        %add3A_418 = arith.constant 0 : i32
        %add3A_419 = arith.addi %mul3A_220, %add3A_418 : i32
        %swap3A_420 = arith.index_cast %add3A_419 : i32 to index
        %swap3A_421 = arith.constant 16 : index
        %swap3A_422 = tpu.vector_load %arg12[%swap3A_420, %swap3A_421] {strides = array<i32>} : memref<128x80xf32, #tpu.memory_space<vmem>>, vector<16xf32>,
        tpu.vector_store %arg12[%swap3A_420, %swap3A_421], %mul3A_417 {strides = array<i32>} : memref<128x80xf32, #tpu.memory_space<vmem>>, vector<16xf32>,
        %mul3A_423 = arith.mulf %gather3A, %get3A_265 : vector<16xf32>
        %add3A_424 = arith.constant 0 : i32
        %add3A_425 = arith.addi %mul3A_220, %add3A_424 : i32
        %swap3A_426 = arith.index_cast %add3A_425 : i32 to index
        %swap3A_427 = arith.constant 32 : index
        %swap3A_428 = tpu.vector_load %arg12[%swap3A_426, %swap3A_427] {strides = array<i32>} : memref<128x80xf32, #tpu.memory_space<vmem>>, vector<16xf32>,
        tpu.vector_store %arg12[%swap3A_426, %swap3A_427], %mul3A_423 {strides = array<i32>} : memref<128x80xf32, #tpu.memory_space<vmem>>, vector<16xf32>,
        %mul3A_429 = arith.mulf %gather3A, %get3A_270 : vector<16xf32>
        %add3A_430 = arith.constant 0 : i32
        %add3A_431 = arith.addi %mul3A_220, %add3A_430 : i32
        %swap3A_432 = arith.index_cast %add3A_431 : i32 to index
        %swap3A_433 = arith.constant 48 : index
        %swap3A_434 = tpu.vector_load %arg12[%swap3A_432, %swap3A_433] {strides = array<i32>} : memref<128x80xf32, #tpu.memory_space<vmem>>, vector<16xf32>,
        tpu.vector_store %arg12[%swap3A_432, %swap3A_433], %mul3A_429 {strides = array<i32>} : memref<128x80xf32, #tpu.memory_space<vmem>>, vector<16xf32>,
        %eq3A = arith.constant 0 : i32
        %eq3A_435 = vector.broadcast %eq3A : i32 to vector<16xi32>
        %eq3A_436 = arith.cmpi eq, %iota3A, %eq3A_435 : vector<16xi32>
        %jit3A = arith.constant 0.000000e+00 : f32
        %broadcast_in_dim3A_437 = vector.broadcast %jit3A : f32 to vector<16xf32>
        %select_n3A = arith.select %eq3A_436, %gather3A, %broadcast_in_dim3A_437 : vector<16xi1>, vector<16xf32>
        %add3A_438 = arith.constant 0 : i32
        %add3A_439 = arith.addi %mul3A_220, %add3A_438 : i32
        %swap3A_440 = arith.index_cast %add3A_439 : i32 to index
        %swap3A_441 = arith.constant 64 : index
        %swap3A_442 = tpu.vector_load %arg12[%swap3A_440, %swap3A_441] {strides = array<i32>} : memref<128x80xf32, #tpu.memory_space<vmem>>, vector<16xf32>,
        tpu.vector_store %arg12[%swap3A_440, %swap3A_441], %select_n3A {strides = array<i32>} : memref<128x80xf32, #tpu.memory_space<vmem>>, vector<16xf32>,
        %mul3A_443 = arith.mulf %gather3A_226, %get3A_275 : vector<16xf32>
        %add3A_444 = arith.constant 1 : i32
        %add3A_445 = arith.addi %mul3A_220, %add3A_444 : i32
        %swap3A_446 = arith.index_cast %add3A_445 : i32 to index
        %swap3A_447 = arith.constant 0 : index
        %swap3A_448 = tpu.vector_load %arg12[%swap3A_446, %swap3A_447] {strides = array<i32>} : memref<128x80xf32, #tpu.memory_space<vmem>>, vector<16xf32>,
        tpu.vector_store %arg12[%swap3A_446, %swap3A_447], %mul3A_443 {strides = array<i32>} : memref<128x80xf32, #tpu.memory_space<vmem>>, vector<16xf32>,
        %mul3A_449 = arith.mulf %gather3A_226, %get3A_280 : vector<16xf32>
        %add3A_450 = arith.constant 1 : i32
        %add3A_451 = arith.addi %mul3A_220, %add3A_450 : i32
        %swap3A_452 = arith.index_cast %add3A_451 : i32 to index
        %swap3A_453 = arith.constant 16 : index
        %swap3A_454 = tpu.vector_load %arg12[%swap3A_452, %swap3A_453] {strides = array<i32>} : memref<128x80xf32, #tpu.memory_space<vmem>>, vector<16xf32>,
        tpu.vector_store %arg12[%swap3A_452, %swap3A_453], %mul3A_449 {strides = array<i32>} : memref<128x80xf32, #tpu.memory_space<vmem>>, vector<16xf32>,
        %mul3A_455 = arith.mulf %gather3A_226, %get3A_285 : vector<16xf32>
        %add3A_456 = arith.constant 1 : i32
        %add3A_457 = arith.addi %mul3A_220, %add3A_456 : i32
        %swap3A_458 = arith.index_cast %add3A_457 : i32 to index
        %swap3A_459 = arith.constant 32 : index
        %swap3A_460 = tpu.vector_load %arg12[%swap3A_458, %swap3A_459] {strides = array<i32>} : memref<128x80xf32, #tpu.memory_space<vmem>>, vector<16xf32>,
        tpu.vector_store %arg12[%swap3A_458, %swap3A_459], %mul3A_455 {strides = array<i32>} : memref<128x80xf32, #tpu.memory_space<vmem>>, vector<16xf32>,
        %mul3A_461 = arith.mulf %gather3A_226, %get3A_290 : vector<16xf32>
        %add3A_462 = arith.constant 1 : i32
        %add3A_463 = arith.addi %mul3A_220, %add3A_462 : i32
        %swap3A_464 = arith.index_cast %add3A_463 : i32 to index
        %swap3A_465 = arith.constant 48 : index
        %swap3A_466 = tpu.vector_load %arg12[%swap3A_464, %swap3A_465] {strides = array<i32>} : memref<128x80xf32, #tpu.memory_space<vmem>>, vector<16xf32>,
        tpu.vector_store %arg12[%swap3A_464, %swap3A_465], %mul3A_461 {strides = array<i32>} : memref<128x80xf32, #tpu.memory_space<vmem>>, vector<16xf32>,
        %eq3A_467 = arith.constant 0 : i32
        %eq3A_468 = vector.broadcast %eq3A_467 : i32 to vector<16xi32>
        %eq3A_469 = arith.cmpi eq, %iota3A, %eq3A_468 : vector<16xi32>
        %jit3A_470 = arith.constant 0.000000e+00 : f32
        %broadcast_in_dim3A_471 = vector.broadcast %jit3A_470 : f32 to vector<16xf32>
        %select_n3A_472 = arith.select %eq3A_469, %gather3A_226, %broadcast_in_dim3A_471 : vector<16xi1>, vector<16xf32>
        %add3A_473 = arith.constant 1 : i32
        %add3A_474 = arith.addi %mul3A_220, %add3A_473 : i32
        %swap3A_475 = arith.index_cast %add3A_474 : i32 to index
        %swap3A_476 = arith.constant 64 : index
        %swap3A_477 = tpu.vector_load %arg12[%swap3A_475, %swap3A_476] {strides = array<i32>} : memref<128x80xf32, #tpu.memory_space<vmem>>, vector<16xf32>,
        tpu.vector_store %arg12[%swap3A_475, %swap3A_476], %select_n3A_472 {strides = array<i32>} : memref<128x80xf32, #tpu.memory_space<vmem>>, vector<16xf32>,
        %mul3A_478 = arith.mulf %gather3A_230, %get3A_295 : vector<16xf32>
        %add3A_479 = arith.constant 2 : i32
        %add3A_480 = arith.addi %mul3A_220, %add3A_479 : i32
        %swap3A_481 = arith.index_cast %add3A_480 : i32 to index
        %swap3A_482 = arith.constant 0 : index
        %swap3A_483 = tpu.vector_load %arg12[%swap3A_481, %swap3A_482] {strides = array<i32>} : memref<128x80xf32, #tpu.memory_space<vmem>>, vector<16xf32>,
        tpu.vector_store %arg12[%swap3A_481, %swap3A_482], %mul3A_478 {strides = array<i32>} : memref<128x80xf32, #tpu.memory_space<vmem>>, vector<16xf32>,
        %mul3A_484 = arith.mulf %gather3A_230, %get3A_300 : vector<16xf32>
        %add3A_485 = arith.constant 2 : i32
        %add3A_486 = arith.addi %mul3A_220, %add3A_485 : i32
        %swap3A_487 = arith.index_cast %add3A_486 : i32 to index
        %swap3A_488 = arith.constant 16 : index
        %swap3A_489 = tpu.vector_load %arg12[%swap3A_487, %swap3A_488] {strides = array<i32>} : memref<128x80xf32, #tpu.memory_space<vmem>>, vector<16xf32>,
        tpu.vector_store %arg12[%swap3A_487, %swap3A_488], %mul3A_484 {strides = array<i32>} : memref<128x80xf32, #tpu.memory_space<vmem>>, vector<16xf32>,
        %mul3A_490 = arith.mulf %gather3A_230, %get3A_305 : vector<16xf32>
        %add3A_491 = arith.constant 2 : i32
        %add3A_492 = arith.addi %mul3A_220, %add3A_491 : i32
        %swap3A_493 = arith.index_cast %add3A_492 : i32 to index
        %swap3A_494 = arith.constant 32 : index
        %swap3A_495 = tpu.vector_load %arg12[%swap3A_493, %swap3A_494] {strides = array<i32>} : memref<128x80xf32, #tpu.memory_space<vmem>>, vector<16xf32>,
        tpu.vector_store %arg12[%swap3A_493, %swap3A_494], %mul3A_490 {strides = array<i32>} : memref<128x80xf32, #tpu.memory_space<vmem>>, vector<16xf32>,
        %mul3A_496 = arith.mulf %gather3A_230, %get3A_310 : vector<16xf32>
        %add3A_497 = arith.constant 2 : i32
        %add3A_498 = arith.addi %mul3A_220, %add3A_497 : i32
        %swap3A_499 = arith.index_cast %add3A_498 : i32 to index
        %swap3A_500 = arith.constant 48 : index
        %swap3A_501 = tpu.vector_load %arg12[%swap3A_499, %swap3A_500] {strides = array<i32>} : memref<128x80xf32, #tpu.memory_space<vmem>>, vector<16xf32>,
        tpu.vector_store %arg12[%swap3A_499, %swap3A_500], %mul3A_496 {strides = array<i32>} : memref<128x80xf32, #tpu.memory_space<vmem>>, vector<16xf32>,
        %eq3A_502 = arith.constant 0 : i32
        %eq3A_503 = vector.broadcast %eq3A_502 : i32 to vector<16xi32>
        %eq3A_504 = arith.cmpi eq, %iota3A, %eq3A_503 : vector<16xi32>
        %jit3A_505 = arith.constant 0.000000e+00 : f32
        %broadcast_in_dim3A_506 = vector.broadcast %jit3A_505 : f32 to vector<16xf32>
        %select_n3A_507 = arith.select %eq3A_504, %gather3A_230, %broadcast_in_dim3A_506 : vector<16xi1>, vector<16xf32>
        %add3A_508 = arith.constant 2 : i32
        %add3A_509 = arith.addi %mul3A_220, %add3A_508 : i32
        %swap3A_510 = arith.index_cast %add3A_509 : i32 to index
        %swap3A_511 = arith.constant 64 : index
        %swap3A_512 = tpu.vector_load %arg12[%swap3A_510, %swap3A_511] {strides = array<i32>} : memref<128x80xf32, #tpu.memory_space<vmem>>, vector<16xf32>,
        tpu.vector_store %arg12[%swap3A_510, %swap3A_511], %select_n3A_507 {strides = array<i32>} : memref<128x80xf32, #tpu.memory_space<vmem>>, vector<16xf32>,
        %mul3A_513 = arith.mulf %gather3A_234, %get3A_315 : vector<16xf32>
        %add3A_514 = arith.constant 3 : i32
        %add3A_515 = arith.addi %mul3A_220, %add3A_514 : i32
        %swap3A_516 = arith.index_cast %add3A_515 : i32 to index
        %swap3A_517 = arith.constant 0 : index
        %swap3A_518 = tpu.vector_load %arg12[%swap3A_516, %swap3A_517] {strides = array<i32>} : memref<128x80xf32, #tpu.memory_space<vmem>>, vector<16xf32>,
        tpu.vector_store %arg12[%swap3A_516, %swap3A_517], %mul3A_513 {strides = array<i32>} : memref<128x80xf32, #tpu.memory_space<vmem>>, vector<16xf32>,
        %mul3A_519 = arith.mulf %gather3A_234, %get3A_320 : vector<16xf32>
        %add3A_520 = arith.constant 3 : i32
        %add3A_521 = arith.addi %mul3A_220, %add3A_520 : i32
        %swap3A_522 = arith.index_cast %add3A_521 : i32 to index
        %swap3A_523 = arith.constant 16 : index
        %swap3A_524 = tpu.vector_load %arg12[%swap3A_522, %swap3A_523] {strides = array<i32>} : memref<128x80xf32, #tpu.memory_space<vmem>>, vector<16xf32>,
        tpu.vector_store %arg12[%swap3A_522, %swap3A_523], %mul3A_519 {strides = array<i32>} : memref<128x80xf32, #tpu.memory_space<vmem>>, vector<16xf32>,
        %mul3A_525 = arith.mulf %gather3A_234, %get3A_325 : vector<16xf32>
        %add3A_526 = arith.constant 3 : i32
        %add3A_527 = arith.addi %mul3A_220, %add3A_526 : i32
        %swap3A_528 = arith.index_cast %add3A_527 : i32 to index
        %swap3A_529 = arith.constant 32 : index
        %swap3A_530 = tpu.vector_load %arg12[%swap3A_528, %swap3A_529] {strides = array<i32>} : memref<128x80xf32, #tpu.memory_space<vmem>>, vector<16xf32>,
        tpu.vector_store %arg12[%swap3A_528, %swap3A_529], %mul3A_525 {strides = array<i32>} : memref<128x80xf32, #tpu.memory_space<vmem>>, vector<16xf32>,
        %mul3A_531 = arith.mulf %gather3A_234, %get3A_330 : vector<16xf32>
        %add3A_532 = arith.constant 3 : i32
        %add3A_533 = arith.addi %mul3A_220, %add3A_532 : i32
        %swap3A_534 = arith.index_cast %add3A_533 : i32 to index
        %swap3A_535 = arith.constant 48 : index
        %swap3A_536 = tpu.vector_load %arg12[%swap3A_534, %swap3A_535] {strides = array<i32>} : memref<128x80xf32, #tpu.memory_space<vmem>>, vector<16xf32>,
        tpu.vector_store %arg12[%swap3A_534, %swap3A_535], %mul3A_531 {strides = array<i32>} : memref<128x80xf32, #tpu.memory_space<vmem>>, vector<16xf32>,
        %eq3A_537 = arith.constant 0 : i32
        %eq3A_538 = vector.broadcast %eq3A_537 : i32 to vector<16xi32>
        %eq3A_539 = arith.cmpi eq, %iota3A, %eq3A_538 : vector<16xi32>
        %jit3A_540 = arith.constant 0.000000e+00 : f32
        %broadcast_in_dim3A_541 = vector.broadcast %jit3A_540 : f32 to vector<16xf32>
        %select_n3A_542 = arith.select %eq3A_539, %gather3A_234, %broadcast_in_dim3A_541 : vector<16xi1>, vector<16xf32>
        %add3A_543 = arith.constant 3 : i32
        %add3A_544 = arith.addi %mul3A_220, %add3A_543 : i32
        %swap3A_545 = arith.index_cast %add3A_544 : i32 to index
        %swap3A_546 = arith.constant 64 : index
        %swap3A_547 = tpu.vector_load %arg12[%swap3A_545, %swap3A_546] {strides = array<i32>} : memref<128x80xf32, #tpu.memory_space<vmem>>, vector<16xf32>,
        tpu.vector_store %arg12[%swap3A_545, %swap3A_546], %select_n3A_542 {strides = array<i32>} : memref<128x80xf32, #tpu.memory_space<vmem>>, vector<16xf32>,
        %mul3A_548 = arith.mulf %gather3A_238, %get3A_335 : vector<16xf32>
        %add3A_549 = arith.constant 4 : i32
        %add3A_550 = arith.addi %mul3A_220, %add3A_549 : i32
        %swap3A_551 = arith.index_cast %add3A_550 : i32 to index
        %swap3A_552 = arith.constant 0 : index
        %swap3A_553 = tpu.vector_load %arg12[%swap3A_551, %swap3A_552] {strides = array<i32>} : memref<128x80xf32, #tpu.memory_space<vmem>>, vector<16xf32>,
        tpu.vector_store %arg12[%swap3A_551, %swap3A_552], %mul3A_548 {strides = array<i32>} : memref<128x80xf32, #tpu.memory_space<vmem>>, vector<16xf32>,
        %mul3A_554 = arith.mulf %gather3A_238, %get3A_340 : vector<16xf32>
        %add3A_555 = arith.constant 4 : i32
        %add3A_556 = arith.addi %mul3A_220, %add3A_555 : i32
        %swap3A_557 = arith.index_cast %add3A_556 : i32 to index
        %swap3A_558 = arith.constant 16 : index
        %swap3A_559 = tpu.vector_load %arg12[%swap3A_557, %swap3A_558] {strides = array<i32>} : memref<128x80xf32, #tpu.memory_space<vmem>>, vector<16xf32>,
        tpu.vector_store %arg12[%swap3A_557, %swap3A_558], %mul3A_554 {strides = array<i32>} : memref<128x80xf32, #tpu.memory_space<vmem>>, vector<16xf32>,
        %mul3A_560 = arith.mulf %gather3A_238, %get3A_345 : vector<16xf32>
        %add3A_561 = arith.constant 4 : i32
        %add3A_562 = arith.addi %mul3A_220, %add3A_561 : i32
        %swap3A_563 = arith.index_cast %add3A_562 : i32 to index
        %swap3A_564 = arith.constant 32 : index
        %swap3A_565 = tpu.vector_load %arg12[%swap3A_563, %swap3A_564] {strides = array<i32>} : memref<128x80xf32, #tpu.memory_space<vmem>>, vector<16xf32>,
        tpu.vector_store %arg12[%swap3A_563, %swap3A_564], %mul3A_560 {strides = array<i32>} : memref<128x80xf32, #tpu.memory_space<vmem>>, vector<16xf32>,
        %mul3A_566 = arith.mulf %gather3A_238, %get3A_350 : vector<16xf32>
        %add3A_567 = arith.constant 4 : i32
        %add3A_568 = arith.addi %mul3A_220, %add3A_567 : i32
        %swap3A_569 = arith.index_cast %add3A_568 : i32 to index
        %swap3A_570 = arith.constant 48 : index
        %swap3A_571 = tpu.vector_load %arg12[%swap3A_569, %swap3A_570] {strides = array<i32>} : memref<128x80xf32, #tpu.memory_space<vmem>>, vector<16xf32>,
        tpu.vector_store %arg12[%swap3A_569, %swap3A_570], %mul3A_566 {strides = array<i32>} : memref<128x80xf32, #tpu.memory_space<vmem>>, vector<16xf32>,
        %eq3A_572 = arith.constant 0 : i32
        %eq3A_573 = vector.broadcast %eq3A_572 : i32 to vector<16xi32>
        %eq3A_574 = arith.cmpi eq, %iota3A, %eq3A_573 : vector<16xi32>
        %jit3A_575 = arith.constant 0.000000e+00 : f32
        %broadcast_in_dim3A_576 = vector.broadcast %jit3A_575 : f32 to vector<16xf32>
        %select_n3A_577 = arith.select %eq3A_574, %gather3A_238, %broadcast_in_dim3A_576 : vector<16xi1>, vector<16xf32>
        %add3A_578 = arith.constant 4 : i32
        %add3A_579 = arith.addi %mul3A_220, %add3A_578 : i32
        %swap3A_580 = arith.index_cast %add3A_579 : i32 to index
        %swap3A_581 = arith.constant 64 : index
        %swap3A_582 = tpu.vector_load %arg12[%swap3A_580, %swap3A_581] {strides = array<i32>} : memref<128x80xf32, #tpu.memory_space<vmem>>, vector<16xf32>,
        tpu.vector_store %arg12[%swap3A_580, %swap3A_581], %select_n3A_577 {strides = array<i32>} : memref<128x80xf32, #tpu.memory_space<vmem>>, vector<16xf32>,
        %mul3A_583 = arith.mulf %gather3A_242, %get3A_355 : vector<16xf32>
        %add3A_584 = arith.constant 5 : i32
        %add3A_585 = arith.addi %mul3A_220, %add3A_584 : i32
        %swap3A_586 = arith.index_cast %add3A_585 : i32 to index
        %swap3A_587 = arith.constant 0 : index
        %swap3A_588 = tpu.vector_load %arg12[%swap3A_586, %swap3A_587] {strides = array<i32>} : memref<128x80xf32, #tpu.memory_space<vmem>>, vector<16xf32>,
        tpu.vector_store %arg12[%swap3A_586, %swap3A_587], %mul3A_583 {strides = array<i32>} : memref<128x80xf32, #tpu.memory_space<vmem>>, vector<16xf32>,
        %mul3A_589 = arith.mulf %gather3A_242, %get3A_360 : vector<16xf32>
        %add3A_590 = arith.constant 5 : i32
        %add3A_591 = arith.addi %mul3A_220, %add3A_590 : i32
        %swap3A_592 = arith.index_cast %add3A_591 : i32 to index
        %swap3A_593 = arith.constant 16 : index
        %swap3A_594 = tpu.vector_load %arg12[%swap3A_592, %swap3A_593] {strides = array<i32>} : memref<128x80xf32, #tpu.memory_space<vmem>>, vector<16xf32>,
        tpu.vector_store %arg12[%swap3A_592, %swap3A_593], %mul3A_589 {strides = array<i32>} : memref<128x80xf32, #tpu.memory_space<vmem>>, vector<16xf32>,
        %mul3A_595 = arith.mulf %gather3A_242, %get3A_365 : vector<16xf32>
        %add3A_596 = arith.constant 5 : i32
        %add3A_597 = arith.addi %mul3A_220, %add3A_596 : i32
        %swap3A_598 = arith.index_cast %add3A_597 : i32 to index
        %swap3A_599 = arith.constant 32 : index
        %swap3A_600 = tpu.vector_load %arg12[%swap3A_598, %swap3A_599] {strides = array<i32>} : memref<128x80xf32, #tpu.memory_space<vmem>>, vector<16xf32>,
        tpu.vector_store %arg12[%swap3A_598, %swap3A_599], %mul3A_595 {strides = array<i32>} : memref<128x80xf32, #tpu.memory_space<vmem>>, vector<16xf32>,
        %mul3A_601 = arith.mulf %gather3A_242, %get3A_370 : vector<16xf32>
        %add3A_602 = arith.constant 5 : i32
        %add3A_603 = arith.addi %mul3A_220, %add3A_602 : i32
        %swap3A_604 = arith.index_cast %add3A_603 : i32 to index
        %swap3A_605 = arith.constant 48 : index
        %swap3A_606 = tpu.vector_load %arg12[%swap3A_604, %swap3A_605] {strides = array<i32>} : memref<128x80xf32, #tpu.memory_space<vmem>>, vector<16xf32>,
        tpu.vector_store %arg12[%swap3A_604, %swap3A_605], %mul3A_601 {strides = array<i32>} : memref<128x80xf32, #tpu.memory_space<vmem>>, vector<16xf32>,
        %eq3A_607 = arith.constant 0 : i32
        %eq3A_608 = vector.broadcast %eq3A_607 : i32 to vector<16xi32>
        %eq3A_609 = arith.cmpi eq, %iota3A, %eq3A_608 : vector<16xi32>
        %jit3A_610 = arith.constant 0.000000e+00 : f32
        %broadcast_in_dim3A_611 = vector.broadcast %jit3A_610 : f32 to vector<16xf32>
        %select_n3A_612 = arith.select %eq3A_609, %gather3A_242, %broadcast_in_dim3A_611 : vector<16xi1>, vector<16xf32>
        %add3A_613 = arith.constant 5 : i32
        %add3A_614 = arith.addi %mul3A_220, %add3A_613 : i32
        %swap3A_615 = arith.index_cast %add3A_614 : i32 to index
        %swap3A_616 = arith.constant 64 : index
        %swap3A_617 = tpu.vector_load %arg12[%swap3A_615, %swap3A_616] {strides = array<i32>} : memref<128x80xf32, #tpu.memory_space<vmem>>, vector<16xf32>,
        tpu.vector_store %arg12[%swap3A_615, %swap3A_616], %select_n3A_612 {strides = array<i32>} : memref<128x80xf32, #tpu.memory_space<vmem>>, vector<16xf32>,
        %mul3A_618 = arith.mulf %gather3A_246, %get3A_375 : vector<16xf32>
        %add3A_619 = arith.constant 6 : i32
        %add3A_620 = arith.addi %mul3A_220, %add3A_619 : i32
        %swap3A_621 = arith.index_cast %add3A_620 : i32 to index
        %swap3A_622 = arith.constant 0 : index
        %swap3A_623 = tpu.vector_load %arg12[%swap3A_621, %swap3A_622] {strides = array<i32>} : memref<128x80xf32, #tpu.memory_space<vmem>>, vector<16xf32>,
        tpu.vector_store %arg12[%swap3A_621, %swap3A_622], %mul3A_618 {strides = array<i32>} : memref<128x80xf32, #tpu.memory_space<vmem>>, vector<16xf32>,
        %mul3A_624 = arith.mulf %gather3A_246, %get3A_380 : vector<16xf32>
        %add3A_625 = arith.constant 6 : i32
        %add3A_626 = arith.addi %mul3A_220, %add3A_625 : i32
        %swap3A_627 = arith.index_cast %add3A_626 : i32 to index
        %swap3A_628 = arith.constant 16 : index
        %swap3A_629 = tpu.vector_load %arg12[%swap3A_627, %swap3A_628] {strides = array<i32>} : memref<128x80xf32, #tpu.memory_space<vmem>>, vector<16xf32>,
        tpu.vector_store %arg12[%swap3A_627, %swap3A_628], %mul3A_624 {strides = array<i32>} : memref<128x80xf32, #tpu.memory_space<vmem>>, vector<16xf32>,
        %mul3A_630 = arith.mulf %gather3A_246, %get3A_385 : vector<16xf32>
        %add3A_631 = arith.constant 6 : i32
        %add3A_632 = arith.addi %mul3A_220, %add3A_631 : i32
        %swap3A_633 = arith.index_cast %add3A_632 : i32 to index
        %swap3A_634 = arith.constant 32 : index
        %swap3A_635 = tpu.vector_load %arg12[%swap3A_633, %swap3A_634] {strides = array<i32>} : memref<128x80xf32, #tpu.memory_space<vmem>>, vector<16xf32>,
        tpu.vector_store %arg12[%swap3A_633, %swap3A_634], %mul3A_630 {strides = array<i32>} : memref<128x80xf32, #tpu.memory_space<vmem>>, vector<16xf32>,
        %mul3A_636 = arith.mulf %gather3A_246, %get3A_390 : vector<16xf32>
        %add3A_637 = arith.constant 6 : i32
        %add3A_638 = arith.addi %mul3A_220, %add3A_637 : i32
        %swap3A_639 = arith.index_cast %add3A_638 : i32 to index
        %swap3A_640 = arith.constant 48 : index
        %swap3A_641 = tpu.vector_load %arg12[%swap3A_639, %swap3A_640] {strides = array<i32>} : memref<128x80xf32, #tpu.memory_space<vmem>>, vector<16xf32>,
        tpu.vector_store %arg12[%swap3A_639, %swap3A_640], %mul3A_636 {strides = array<i32>} : memref<128x80xf32, #tpu.memory_space<vmem>>, vector<16xf32>,
        %eq3A_642 = arith.constant 0 : i32
        %eq3A_643 = vector.broadcast %eq3A_642 : i32 to vector<16xi32>
        %eq3A_644 = arith.cmpi eq, %iota3A, %eq3A_643 : vector<16xi32>
        %jit3A_645 = arith.constant 0.000000e+00 : f32
        %broadcast_in_dim3A_646 = vector.broadcast %jit3A_645 : f32 to vector<16xf32>
        %select_n3A_647 = arith.select %eq3A_644, %gather3A_246, %broadcast_in_dim3A_646 : vector<16xi1>, vector<16xf32>
        %add3A_648 = arith.constant 6 : i32
        %add3A_649 = arith.addi %mul3A_220, %add3A_648 : i32
        %swap3A_650 = arith.index_cast %add3A_649 : i32 to index
        %swap3A_651 = arith.constant 64 : index
        %swap3A_652 = tpu.vector_load %arg12[%swap3A_650, %swap3A_651] {strides = array<i32>} : memref<128x80xf32, #tpu.memory_space<vmem>>, vector<16xf32>,
        tpu.vector_store %arg12[%swap3A_650, %swap3A_651], %select_n3A_647 {strides = array<i32>} : memref<128x80xf32, #tpu.memory_space<vmem>>, vector<16xf32>,
        %mul3A_653 = arith.mulf %gather3A_250, %get3A_395 : vector<16xf32>
        %add3A_654 = arith.constant 7 : i32
        %add3A_655 = arith.addi %mul3A_220, %add3A_654 : i32
        %swap3A_656 = arith.index_cast %add3A_655 : i32 to index
        %swap3A_657 = arith.constant 0 : index
        %swap3A_658 = tpu.vector_load %arg12[%swap3A_656, %swap3A_657] {strides = array<i32>} : memref<128x80xf32, #tpu.memory_space<vmem>>, vector<16xf32>,
        tpu.vector_store %arg12[%swap3A_656, %swap3A_657], %mul3A_653 {strides = array<i32>} : memref<128x80xf32, #tpu.memory_space<vmem>>, vector<16xf32>,
        %mul3A_659 = arith.mulf %gather3A_250, %get3A_400 : vector<16xf32>
        %add3A_660 = arith.constant 7 : i32
        %add3A_661 = arith.addi %mul3A_220, %add3A_660 : i32
        %swap3A_662 = arith.index_cast %add3A_661 : i32 to index
        %swap3A_663 = arith.constant 16 : index
        %swap3A_664 = tpu.vector_load %arg12[%swap3A_662, %swap3A_663] {strides = array<i32>} : memref<128x80xf32, #tpu.memory_space<vmem>>, vector<16xf32>,
        tpu.vector_store %arg12[%swap3A_662, %swap3A_663], %mul3A_659 {strides = array<i32>} : memref<128x80xf32, #tpu.memory_space<vmem>>, vector<16xf32>,
        %mul3A_665 = arith.mulf %gather3A_250, %get3A_405 : vector<16xf32>
        %add3A_666 = arith.constant 7 : i32
        %add3A_667 = arith.addi %mul3A_220, %add3A_666 : i32
        %swap3A_668 = arith.index_cast %add3A_667 : i32 to index
        %swap3A_669 = arith.constant 32 : index
        %swap3A_670 = tpu.vector_load %arg12[%swap3A_668, %swap3A_669] {strides = array<i32>} : memref<128x80xf32, #tpu.memory_space<vmem>>, vector<16xf32>,
        tpu.vector_store %arg12[%swap3A_668, %swap3A_669], %mul3A_665 {strides = array<i32>} : memref<128x80xf32, #tpu.memory_space<vmem>>, vector<16xf32>,
        %mul3A_671 = arith.mulf %gather3A_250, %get3A_410 : vector<16xf32>
        %add3A_672 = arith.constant 7 : i32
        %add3A_673 = arith.addi %mul3A_220, %add3A_672 : i32
        %swap3A_674 = arith.index_cast %add3A_673 : i32 to index
        %swap3A_675 = arith.constant 48 : index
        %swap3A_676 = tpu.vector_load %arg12[%swap3A_674, %swap3A_675] {strides = array<i32>} : memref<128x80xf32, #tpu.memory_space<vmem>>, vector<16xf32>,
        tpu.vector_store %arg12[%swap3A_674, %swap3A_675], %mul3A_671 {strides = array<i32>} : memref<128x80xf32, #tpu.memory_space<vmem>>, vector<16xf32>,
        %eq3A_677 = arith.constant 0 : i32
        %eq3A_678 = vector.broadcast %eq3A_677 : i32 to vector<16xi32>
        %eq3A_679 = arith.cmpi eq, %iota3A, %eq3A_678 : vector<16xi32>
        %jit3A_680 = arith.constant 0.000000e+00 : f32
        %broadcast_in_dim3A_681 = vector.broadcast %jit3A_680 : f32 to vector<16xf32>
        %select_n3A_682 = arith.select %eq3A_679, %gather3A_250, %broadcast_in_dim3A_681 : vector<16xi1>, vector<16xf32>
        %add3A_683 = arith.constant 7 : i32
        %add3A_684 = arith.addi %mul3A_220, %add3A_683 : i32
        %swap3A_685 = arith.index_cast %add3A_684 : i32 to index
        %swap3A_686 = arith.constant 64 : index
        %swap3A_687 = tpu.vector_load %arg12[%swap3A_685, %swap3A_686] {strides = array<i32>} : memref<128x80xf32, #tpu.memory_space<vmem>>, vector<16xf32>,
        tpu.vector_store %arg12[%swap3A_685, %swap3A_686], %select_n3A_682 {strides = array<i32>} : memref<128x80xf32, #tpu.memory_space<vmem>>, vector<16xf32>,
      }
      %scan3A_153 = arith.constant 16 : i32
      %dma_start3A_154 = arith.constant 0 : i32
      %dma_start3A_155 = arith.constant 0 : i32
      %dma_start3A_156 = tpu.memref_slice %arg20[%dma_start3A_154, %dma_start3A_155] : memref<10240x80xf32, #tpu.memory_space<vmem_shared>> -> memref<10240x80xf32, #tpu.memory_space<vmem_shared>>
      tpu.enqueue_indirect_dma source(%arg12 : memref<128x80xf32, #tpu.memory_space<vmem>>) target(%dma_start3A_156 : memref<10240x80xf32, #tpu.memory_space<vmem_shared>>) offsets(%arg13 : memref<128xi32, #tpu.memory_space<vmem>>) semaphore(%arg24 : memref<!tpu.dma_semaphore, #tpu.memory_space<semaphore_mem>>) {add = true}
      %mul3A_157 = arith.constant 2 : i32
      %mul3A_158 = arith.muli %mul3A_157, %scan3A_90 : i32
      %add3A_159 = arith.constant 1 : i32
      %add3A_160 = arith.addi %mul3A_158, %add3A_159 : i32
      %ge3A_161 = arith.constant 1 : i32
      %ge3A_162 = arith.cmpi sge, %scan3A_90, %ge3A_161 : i32
      %convert_element_type3A_163 = arith.extui %ge3A_162 : i1 to i32
      %cond3A_164 = arith.constant 0 : i32
      %cond3A_165 = arith.cmpi ne, %convert_element_type3A_163, %cond3A_164 : i32
      scf.if %cond3A_165 {
        %dma_wait3A_218 = arith.constant 0 : i32
        %dma_wait3A_219 = arith.constant 0 : i32
        %dma_wait3A_220 = tpu.memref_slice %arg20[%dma_wait3A_218, %dma_wait3A_219] : memref<10240x80xf32, #tpu.memory_space<vmem_shared>> -> memref<10240x80xf32, #tpu.memory_space<vmem_shared>>
        tpu.wait_indirect_dma semaphore(%arg25 : memref<!tpu.dma_semaphore, #tpu.memory_space<semaphore_mem>>) src(%arg17 : memref<128x80xf32, #tpu.memory_space<vmem>>) dst(%dma_wait3A_220 : memref<10240x80xf32, #tpu.memory_space<vmem_shared>>)
      } else {
      }
      %get3A_166 = arith.constant 0 : index
      %get3A_167 = tpu.vector_load %arg15[%get3A_166] {strides = array<i32>} : memref<128xi32, #tpu.memory_space<vmem>>, vector<16xi32>,
      %get3A_168 = arith.constant 16 : index
      %get3A_169 = tpu.vector_load %arg15[%get3A_168] {strides = array<i32>} : memref<128xi32, #tpu.memory_space<vmem>>, vector<16xi32>,
      %get3A_170 = arith.constant 32 : index
      %get3A_171 = tpu.vector_load %arg15[%get3A_170] {strides = array<i32>} : memref<128xi32, #tpu.memory_space<vmem>>, vector<16xi32>,
      %get3A_172 = arith.constant 48 : index
      %get3A_173 = tpu.vector_load %arg15[%get3A_172] {strides = array<i32>} : memref<128xi32, #tpu.memory_space<vmem>>, vector<16xi32>,
      %get3A_174 = arith.constant 64 : index
      %get3A_175 = tpu.vector_load %arg15[%get3A_174] {strides = array<i32>} : memref<128xi32, #tpu.memory_space<vmem>>, vector<16xi32>,
      %get3A_176 = arith.constant 80 : index
      %get3A_177 = tpu.vector_load %arg15[%get3A_176] {strides = array<i32>} : memref<128xi32, #tpu.memory_space<vmem>>, vector<16xi32>,
      %get3A_178 = arith.constant 96 : index
      %get3A_179 = tpu.vector_load %arg15[%get3A_178] {strides = array<i32>} : memref<128xi32, #tpu.memory_space<vmem>>, vector<16xi32>,
      %get3A_180 = arith.constant 112 : index
      %get3A_181 = tpu.vector_load %arg15[%get3A_180] {strides = array<i32>} : memref<128xi32, #tpu.memory_space<vmem>>, vector<16xi32>,
      %swap3A_182 = arith.constant 0 : index
      %swap3A_183 = tpu.vector_load %arg18[%swap3A_182] {strides = array<i32>} : memref<128xi32, #tpu.memory_space<vmem>>, vector<16xi32>,
      tpu.vector_store %arg18[%swap3A_182], %get3A_167 {strides = array<i32>} : memref<128xi32, #tpu.memory_space<vmem>>, vector<16xi32>,
      %swap3A_184 = arith.constant 16 : index
      %swap3A_185 = tpu.vector_load %arg18[%swap3A_184] {strides = array<i32>} : memref<128xi32, #tpu.memory_space<vmem>>, vector<16xi32>,
      tpu.vector_store %arg18[%swap3A_184], %get3A_169 {strides = array<i32>} : memref<128xi32, #tpu.memory_space<vmem>>, vector<16xi32>,
      %swap3A_186 = arith.constant 32 : index
      %swap3A_187 = tpu.vector_load %arg18[%swap3A_186] {strides = array<i32>} : memref<128xi32, #tpu.memory_space<vmem>>, vector<16xi32>,
      tpu.vector_store %arg18[%swap3A_186], %get3A_171 {strides = array<i32>} : memref<128xi32, #tpu.memory_space<vmem>>, vector<16xi32>,
      %swap3A_188 = arith.constant 48 : index
      %swap3A_189 = tpu.vector_load %arg18[%swap3A_188] {strides = array<i32>} : memref<128xi32, #tpu.memory_space<vmem>>, vector<16xi32>,
      tpu.vector_store %arg18[%swap3A_188], %get3A_173 {strides = array<i32>} : memref<128xi32, #tpu.memory_space<vmem>>, vector<16xi32>,
      %swap3A_190 = arith.constant 64 : index
      %swap3A_191 = tpu.vector_load %arg18[%swap3A_190] {strides = array<i32>} : memref<128xi32, #tpu.memory_space<vmem>>, vector<16xi32>,
      tpu.vector_store %arg18[%swap3A_190], %get3A_175 {strides = array<i32>} : memref<128xi32, #tpu.memory_space<vmem>>, vector<16xi32>,
      %swap3A_192 = arith.constant 80 : index
      %swap3A_193 = tpu.vector_load %arg18[%swap3A_192] {strides = array<i32>} : memref<128xi32, #tpu.memory_space<vmem>>, vector<16xi32>,
      tpu.vector_store %arg18[%swap3A_192], %get3A_177 {strides = array<i32>} : memref<128xi32, #tpu.memory_space<vmem>>, vector<16xi32>,
      %swap3A_194 = arith.constant 96 : index
      %swap3A_195 = tpu.vector_load %arg18[%swap3A_194] {strides = array<i32>} : memref<128xi32, #tpu.memory_space<vmem>>, vector<16xi32>,
      tpu.vector_store %arg18[%swap3A_194], %get3A_179 {strides = array<i32>} : memref<128xi32, #tpu.memory_space<vmem>>, vector<16xi32>,
      %swap3A_196 = arith.constant 112 : index
      %swap3A_197 = tpu.vector_load %arg18[%swap3A_196] {strides = array<i32>} : memref<128xi32, #tpu.memory_space<vmem>>, vector<16xi32>,
      tpu.vector_store %arg18[%swap3A_196], %get3A_181 {strides = array<i32>} : memref<128xi32, #tpu.memory_space<vmem>>, vector<16xi32>,
      %lt3A_198 = arith.constant 77 : i32
      %lt3A_199 = arith.cmpi slt, %scan3A_90, %lt3A_198 : i32
      %convert_element_type3A_200 = arith.extui %lt3A_199 : i1 to i32
      %cond3A_201 = arith.constant 0 : i32
      %cond3A_202 = arith.cmpi ne, %convert_element_type3A_200, %cond3A_201 : i32
      scf.if %cond3A_202 {
        %add3A_218 = arith.constant 2 : i32
        %add3A_219 = arith.addi %add3A_160, %add3A_218 : i32
        %mul3A_220 = arith.constant 16 : i32
        %mul3A_221 = arith.muli %mul3A_220, %add3A_219 : i32
        %add3A_222 = arith.addi %arg1, %mul3A_221 : i32
        %mul3A_223 = arith.constant 128 : i32
        %mul3A_224 = arith.muli %add3A_222, %mul3A_223 : i32
        %dma_start3A_225 = arith.constant 0 : i32
        %dma_start3A_226 = tpu.memref_slice %arg2[%dma_start3A_225, %mul3A_224] : memref<2x320000xi32, #tpu.memory_space<hbm>> -> memref<1x128xi32, #tpu.memory_space<hbm>>
        %dma_start3A_227 = tpu.memref_squeeze %dma_start3A_226 : memref<1x128xi32, #tpu.memory_space<hbm>> -> memref<128xi32, #tpu.memory_space<hbm>>
        %dma_start3A_228 = tpu.memref_slice %arg2[%dma_start3A_225, %mul3A_224] : memref<2x320000xi32, #tpu.memory_space<hbm>> -> memref<1x128xi32, #tpu.memory_space<hbm>>
        %dma_start3A_229 = tpu.memref_squeeze %dma_start3A_228 : memref<1x128xi32, #tpu.memory_space<hbm>> -> memref<128xi32, #tpu.memory_space<hbm>>
        tpu.enqueue_dma source(%dma_start3A_229 : memref<128xi32, #tpu.memory_space<hbm>>) target(%arg14 : memref<128xi32, #tpu.memory_space<vmem>>) target_semaphore(%arg22 : memref<!tpu.dma_semaphore, #tpu.memory_space<semaphore_mem>>)
        %dma_start3A_230 = arith.constant 1 : i32
        %dma_start3A_231 = tpu.memref_slice %arg2[%dma_start3A_230, %mul3A_224] : memref<2x320000xi32, #tpu.memory_space<hbm>> -> memref<1x128xi32, #tpu.memory_space<hbm>>
        %dma_start3A_232 = tpu.memref_squeeze %dma_start3A_231 : memref<1x128xi32, #tpu.memory_space<hbm>> -> memref<128xi32, #tpu.memory_space<hbm>>
        %dma_start3A_233 = tpu.memref_slice %arg2[%dma_start3A_230, %mul3A_224] : memref<2x320000xi32, #tpu.memory_space<hbm>> -> memref<1x128xi32, #tpu.memory_space<hbm>>
        %dma_start3A_234 = tpu.memref_squeeze %dma_start3A_233 : memref<1x128xi32, #tpu.memory_space<hbm>> -> memref<128xi32, #tpu.memory_space<hbm>>
        tpu.enqueue_dma source(%dma_start3A_234 : memref<128xi32, #tpu.memory_space<hbm>>) target(%arg15 : memref<128xi32, #tpu.memory_space<vmem>>) target_semaphore(%arg22 : memref<!tpu.dma_semaphore, #tpu.memory_space<semaphore_mem>>)
      } else {
      }
      %lt3A_203 = arith.constant 77 : i32
      %lt3A_204 = arith.cmpi slt, %scan3A_90, %lt3A_203 : i32
      %convert_element_type3A_205 = arith.extui %lt3A_204 : i1 to i32
      %cond3A_206 = arith.constant 0 : i32
      %cond3A_207 = arith.cmpi ne, %convert_element_type3A_205, %cond3A_206 : i32
      scf.if %cond3A_207 {
        %dma_wait3A_218 = arith.constant 0 : i32
        %dma_wait3A_219 = arith.constant 0 : i32
        %dma_wait3A_220 = tpu.memref_slice %arg2[%dma_wait3A_218, %dma_wait3A_219] : memref<2x320000xi32, #tpu.memory_space<hbm>> -> memref<1x128xi32, #tpu.memory_space<hbm>>
        %dma_wait3A_221 = tpu.memref_squeeze %dma_wait3A_220 : memref<1x128xi32, #tpu.memory_space<hbm>> -> memref<128xi32, #tpu.memory_space<hbm>>
        %dma_wait3A_222 = arith.constant 0 : i32
        %dma_wait3A_223 = tpu.memref_slice %arg2[%dma_wait3A_218, %dma_wait3A_222] : memref<2x320000xi32, #tpu.memory_space<hbm>> -> memref<1x128xi32, #tpu.memory_space<hbm>>
        %dma_wait3A_224 = tpu.memref_squeeze %dma_wait3A_223 : memref<1x128xi32, #tpu.memory_space<hbm>> -> memref<128xi32, #tpu.memory_space<hbm>>
        tpu.wait_dma2 semaphore(%arg21 : memref<!tpu.dma_semaphore, #tpu.memory_space<semaphore_mem>>) src(%dma_wait3A_224 : memref<128xi32, #tpu.memory_space<hbm>>) dst(%arg9 : memref<128xi32, #tpu.memory_space<vmem>>)
        %dma_wait3A_225 = arith.constant 1 : i32
        %dma_wait3A_226 = arith.constant 0 : i32
        %dma_wait3A_227 = tpu.memref_slice %arg2[%dma_wait3A_225, %dma_wait3A_226] : memref<2x320000xi32, #tpu.memory_space<hbm>> -> memref<1x128xi32, #tpu.memory_space<hbm>>
        %dma_wait3A_228 = tpu.memref_squeeze %dma_wait3A_227 : memref<1x128xi32, #tpu.memory_space<hbm>> -> memref<128xi32, #tpu.memory_space<hbm>>
        %dma_wait3A_229 = arith.constant 0 : i32
        %dma_wait3A_230 = tpu.memref_slice %arg2[%dma_wait3A_225, %dma_wait3A_229] : memref<2x320000xi32, #tpu.memory_space<hbm>> -> memref<1x128xi32, #tpu.memory_space<hbm>>
        %dma_wait3A_231 = tpu.memref_squeeze %dma_wait3A_230 : memref<1x128xi32, #tpu.memory_space<hbm>> -> memref<128xi32, #tpu.memory_space<hbm>>
        tpu.wait_dma2 semaphore(%arg21 : memref<!tpu.dma_semaphore, #tpu.memory_space<semaphore_mem>>) src(%dma_wait3A_231 : memref<128xi32, #tpu.memory_space<hbm>>) dst(%arg10 : memref<128xi32, #tpu.memory_space<vmem>>)
      } else {
      }
      %iota3A_208 = tpu.iota {dimensions = array<i32: 0>} : vector<16xi32>
      %scan3A_209 = arith.constant 0 : i32
      %scan3A_210 = arith.constant 0 : i32
      %scan3A_211 = arith.constant 16 : i32
      %scan3A_212 = arith.addi %scan3A_210, %scan3A_211 : i32
      %scan3A_213 = arith.constant 1 : i32
      scf.for %scan3A_218 = %scan3A_210 to %scan3A_212 step %scan3A_213  : i32 {
        %mul3A_219 = arith.constant 8 : i32
        %mul3A_220 = arith.muli %mul3A_219, %scan3A_218 : i32
        %add3A_221 = arith.constant 0 : i32
        %add3A_222 = arith.addi %mul3A_220, %add3A_221 : i32
        %broadcast_in_dim3A = vector.broadcast %add3A_222 : i32 to vector<16xi32>
        %gather3A = tpu.vector_load_idx %arg19[%broadcast_in_dim3A] : memref<128xf32, #tpu.memory_space<vmem>>[vector<16xi32>], vector<16xf32>,
        %add3A_223 = arith.constant 1 : i32
        %add3A_224 = arith.addi %mul3A_220, %add3A_223 : i32
        %broadcast_in_dim3A_225 = vector.broadcast %add3A_224 : i32 to vector<16xi32>
        %gather3A_226 = tpu.vector_load_idx %arg19[%broadcast_in_dim3A_225] : memref<128xf32, #tpu.memory_space<vmem>>[vector<16xi32>], vector<16xf32>,
        %add3A_227 = arith.constant 2 : i32
        %add3A_228 = arith.addi %mul3A_220, %add3A_227 : i32
        %broadcast_in_dim3A_229 = vector.broadcast %add3A_228 : i32 to vector<16xi32>
        %gather3A_230 = tpu.vector_load_idx %arg19[%broadcast_in_dim3A_229] : memref<128xf32, #tpu.memory_space<vmem>>[vector<16xi32>], vector<16xf32>,
        %add3A_231 = arith.constant 3 : i32
        %add3A_232 = arith.addi %mul3A_220, %add3A_231 : i32
        %broadcast_in_dim3A_233 = vector.broadcast %add3A_232 : i32 to vector<16xi32>
        %gather3A_234 = tpu.vector_load_idx %arg19[%broadcast_in_dim3A_233] : memref<128xf32, #tpu.memory_space<vmem>>[vector<16xi32>], vector<16xf32>,
        %add3A_235 = arith.constant 4 : i32
        %add3A_236 = arith.addi %mul3A_220, %add3A_235 : i32
        %broadcast_in_dim3A_237 = vector.broadcast %add3A_236 : i32 to vector<16xi32>
        %gather3A_238 = tpu.vector_load_idx %arg19[%broadcast_in_dim3A_237] : memref<128xf32, #tpu.memory_space<vmem>>[vector<16xi32>], vector<16xf32>,
        %add3A_239 = arith.constant 5 : i32
        %add3A_240 = arith.addi %mul3A_220, %add3A_239 : i32
        %broadcast_in_dim3A_241 = vector.broadcast %add3A_240 : i32 to vector<16xi32>
        %gather3A_242 = tpu.vector_load_idx %arg19[%broadcast_in_dim3A_241] : memref<128xf32, #tpu.memory_space<vmem>>[vector<16xi32>], vector<16xf32>,
        %add3A_243 = arith.constant 6 : i32
        %add3A_244 = arith.addi %mul3A_220, %add3A_243 : i32
        %broadcast_in_dim3A_245 = vector.broadcast %add3A_244 : i32 to vector<16xi32>
        %gather3A_246 = tpu.vector_load_idx %arg19[%broadcast_in_dim3A_245] : memref<128xf32, #tpu.memory_space<vmem>>[vector<16xi32>], vector<16xf32>,
        %add3A_247 = arith.constant 7 : i32
        %add3A_248 = arith.addi %mul3A_220, %add3A_247 : i32
        %broadcast_in_dim3A_249 = vector.broadcast %add3A_248 : i32 to vector<16xi32>
        %gather3A_250 = tpu.vector_load_idx %arg19[%broadcast_in_dim3A_249] : memref<128xf32, #tpu.memory_space<vmem>>[vector<16xi32>], vector<16xf32>,
        %add3A_251 = arith.constant 0 : i32
        %add3A_252 = arith.addi %mul3A_220, %add3A_251 : i32
        %get3A_253 = arith.index_cast %add3A_252 : i32 to index
        %get3A_254 = arith.constant 0 : index
        %get3A_255 = tpu.vector_load %arg16[%get3A_253, %get3A_254] {strides = array<i32>} : memref<128x64xf32, #tpu.memory_space<vmem>>, vector<16xf32>,
        %add3A_256 = arith.constant 0 : i32
        %add3A_257 = arith.addi %mul3A_220, %add3A_256 : i32
        %get3A_258 = arith.index_cast %add3A_257 : i32 to index
        %get3A_259 = arith.constant 16 : index
        %get3A_260 = tpu.vector_load %arg16[%get3A_258, %get3A_259] {strides = array<i32>} : memref<128x64xf32, #tpu.memory_space<vmem>>, vector<16xf32>,
        %add3A_261 = arith.constant 0 : i32
        %add3A_262 = arith.addi %mul3A_220, %add3A_261 : i32
        %get3A_263 = arith.index_cast %add3A_262 : i32 to index
        %get3A_264 = arith.constant 32 : index
        %get3A_265 = tpu.vector_load %arg16[%get3A_263, %get3A_264] {strides = array<i32>} : memref<128x64xf32, #tpu.memory_space<vmem>>, vector<16xf32>,
        %add3A_266 = arith.constant 0 : i32
        %add3A_267 = arith.addi %mul3A_220, %add3A_266 : i32
        %get3A_268 = arith.index_cast %add3A_267 : i32 to index
        %get3A_269 = arith.constant 48 : index
        %get3A_270 = tpu.vector_load %arg16[%get3A_268, %get3A_269] {strides = array<i32>} : memref<128x64xf32, #tpu.memory_space<vmem>>, vector<16xf32>,
        %add3A_271 = arith.constant 1 : i32
        %add3A_272 = arith.addi %mul3A_220, %add3A_271 : i32
        %get3A_273 = arith.index_cast %add3A_272 : i32 to index
        %get3A_274 = arith.constant 0 : index
        %get3A_275 = tpu.vector_load %arg16[%get3A_273, %get3A_274] {strides = array<i32>} : memref<128x64xf32, #tpu.memory_space<vmem>>, vector<16xf32>,
        %add3A_276 = arith.constant 1 : i32
        %add3A_277 = arith.addi %mul3A_220, %add3A_276 : i32
        %get3A_278 = arith.index_cast %add3A_277 : i32 to index
        %get3A_279 = arith.constant 16 : index
        %get3A_280 = tpu.vector_load %arg16[%get3A_278, %get3A_279] {strides = array<i32>} : memref<128x64xf32, #tpu.memory_space<vmem>>, vector<16xf32>,
        %add3A_281 = arith.constant 1 : i32
        %add3A_282 = arith.addi %mul3A_220, %add3A_281 : i32
        %get3A_283 = arith.index_cast %add3A_282 : i32 to index
        %get3A_284 = arith.constant 32 : index
        %get3A_285 = tpu.vector_load %arg16[%get3A_283, %get3A_284] {strides = array<i32>} : memref<128x64xf32, #tpu.memory_space<vmem>>, vector<16xf32>,
        %add3A_286 = arith.constant 1 : i32
        %add3A_287 = arith.addi %mul3A_220, %add3A_286 : i32
        %get3A_288 = arith.index_cast %add3A_287 : i32 to index
        %get3A_289 = arith.constant 48 : index
        %get3A_290 = tpu.vector_load %arg16[%get3A_288, %get3A_289] {strides = array<i32>} : memref<128x64xf32, #tpu.memory_space<vmem>>, vector<16xf32>,
        %add3A_291 = arith.constant 2 : i32
        %add3A_292 = arith.addi %mul3A_220, %add3A_291 : i32
        %get3A_293 = arith.index_cast %add3A_292 : i32 to index
        %get3A_294 = arith.constant 0 : index
        %get3A_295 = tpu.vector_load %arg16[%get3A_293, %get3A_294] {strides = array<i32>} : memref<128x64xf32, #tpu.memory_space<vmem>>, vector<16xf32>,
        %add3A_296 = arith.constant 2 : i32
        %add3A_297 = arith.addi %mul3A_220, %add3A_296 : i32
        %get3A_298 = arith.index_cast %add3A_297 : i32 to index
        %get3A_299 = arith.constant 16 : index
        %get3A_300 = tpu.vector_load %arg16[%get3A_298, %get3A_299] {strides = array<i32>} : memref<128x64xf32, #tpu.memory_space<vmem>>, vector<16xf32>,
        %add3A_301 = arith.constant 2 : i32
        %add3A_302 = arith.addi %mul3A_220, %add3A_301 : i32
        %get3A_303 = arith.index_cast %add3A_302 : i32 to index
        %get3A_304 = arith.constant 32 : index
        %get3A_305 = tpu.vector_load %arg16[%get3A_303, %get3A_304] {strides = array<i32>} : memref<128x64xf32, #tpu.memory_space<vmem>>, vector<16xf32>,
        %add3A_306 = arith.constant 2 : i32
        %add3A_307 = arith.addi %mul3A_220, %add3A_306 : i32
        %get3A_308 = arith.index_cast %add3A_307 : i32 to index
        %get3A_309 = arith.constant 48 : index
        %get3A_310 = tpu.vector_load %arg16[%get3A_308, %get3A_309] {strides = array<i32>} : memref<128x64xf32, #tpu.memory_space<vmem>>, vector<16xf32>,
        %add3A_311 = arith.constant 3 : i32
        %add3A_312 = arith.addi %mul3A_220, %add3A_311 : i32
        %get3A_313 = arith.index_cast %add3A_312 : i32 to index
        %get3A_314 = arith.constant 0 : index
        %get3A_315 = tpu.vector_load %arg16[%get3A_313, %get3A_314] {strides = array<i32>} : memref<128x64xf32, #tpu.memory_space<vmem>>, vector<16xf32>,
        %add3A_316 = arith.constant 3 : i32
        %add3A_317 = arith.addi %mul3A_220, %add3A_316 : i32
        %get3A_318 = arith.index_cast %add3A_317 : i32 to index
        %get3A_319 = arith.constant 16 : index
        %get3A_320 = tpu.vector_load %arg16[%get3A_318, %get3A_319] {strides = array<i32>} : memref<128x64xf32, #tpu.memory_space<vmem>>, vector<16xf32>,
        %add3A_321 = arith.constant 3 : i32
        %add3A_322 = arith.addi %mul3A_220, %add3A_321 : i32
        %get3A_323 = arith.index_cast %add3A_322 : i32 to index
        %get3A_324 = arith.constant 32 : index
        %get3A_325 = tpu.vector_load %arg16[%get3A_323, %get3A_324] {strides = array<i32>} : memref<128x64xf32, #tpu.memory_space<vmem>>, vector<16xf32>,
        %add3A_326 = arith.constant 3 : i32
        %add3A_327 = arith.addi %mul3A_220, %add3A_326 : i32
        %get3A_328 = arith.index_cast %add3A_327 : i32 to index
        %get3A_329 = arith.constant 48 : index
        %get3A_330 = tpu.vector_load %arg16[%get3A_328, %get3A_329] {strides = array<i32>} : memref<128x64xf32, #tpu.memory_space<vmem>>, vector<16xf32>,
        %add3A_331 = arith.constant 4 : i32
        %add3A_332 = arith.addi %mul3A_220, %add3A_331 : i32
        %get3A_333 = arith.index_cast %add3A_332 : i32 to index
        %get3A_334 = arith.constant 0 : index
        %get3A_335 = tpu.vector_load %arg16[%get3A_333, %get3A_334] {strides = array<i32>} : memref<128x64xf32, #tpu.memory_space<vmem>>, vector<16xf32>,
        %add3A_336 = arith.constant 4 : i32
        %add3A_337 = arith.addi %mul3A_220, %add3A_336 : i32
        %get3A_338 = arith.index_cast %add3A_337 : i32 to index
        %get3A_339 = arith.constant 16 : index
        %get3A_340 = tpu.vector_load %arg16[%get3A_338, %get3A_339] {strides = array<i32>} : memref<128x64xf32, #tpu.memory_space<vmem>>, vector<16xf32>,
        %add3A_341 = arith.constant 4 : i32
        %add3A_342 = arith.addi %mul3A_220, %add3A_341 : i32
        %get3A_343 = arith.index_cast %add3A_342 : i32 to index
        %get3A_344 = arith.constant 32 : index
        %get3A_345 = tpu.vector_load %arg16[%get3A_343, %get3A_344] {strides = array<i32>} : memref<128x64xf32, #tpu.memory_space<vmem>>, vector<16xf32>,
        %add3A_346 = arith.constant 4 : i32
        %add3A_347 = arith.addi %mul3A_220, %add3A_346 : i32
        %get3A_348 = arith.index_cast %add3A_347 : i32 to index
        %get3A_349 = arith.constant 48 : index
        %get3A_350 = tpu.vector_load %arg16[%get3A_348, %get3A_349] {strides = array<i32>} : memref<128x64xf32, #tpu.memory_space<vmem>>, vector<16xf32>,
        %add3A_351 = arith.constant 5 : i32
        %add3A_352 = arith.addi %mul3A_220, %add3A_351 : i32
        %get3A_353 = arith.index_cast %add3A_352 : i32 to index
        %get3A_354 = arith.constant 0 : index
        %get3A_355 = tpu.vector_load %arg16[%get3A_353, %get3A_354] {strides = array<i32>} : memref<128x64xf32, #tpu.memory_space<vmem>>, vector<16xf32>,
        %add3A_356 = arith.constant 5 : i32
        %add3A_357 = arith.addi %mul3A_220, %add3A_356 : i32
        %get3A_358 = arith.index_cast %add3A_357 : i32 to index
        %get3A_359 = arith.constant 16 : index
        %get3A_360 = tpu.vector_load %arg16[%get3A_358, %get3A_359] {strides = array<i32>} : memref<128x64xf32, #tpu.memory_space<vmem>>, vector<16xf32>,
        %add3A_361 = arith.constant 5 : i32
        %add3A_362 = arith.addi %mul3A_220, %add3A_361 : i32
        %get3A_363 = arith.index_cast %add3A_362 : i32 to index
        %get3A_364 = arith.constant 32 : index
        %get3A_365 = tpu.vector_load %arg16[%get3A_363, %get3A_364] {strides = array<i32>} : memref<128x64xf32, #tpu.memory_space<vmem>>, vector<16xf32>,
        %add3A_366 = arith.constant 5 : i32
        %add3A_367 = arith.addi %mul3A_220, %add3A_366 : i32
        %get3A_368 = arith.index_cast %add3A_367 : i32 to index
        %get3A_369 = arith.constant 48 : index
        %get3A_370 = tpu.vector_load %arg16[%get3A_368, %get3A_369] {strides = array<i32>} : memref<128x64xf32, #tpu.memory_space<vmem>>, vector<16xf32>,
        %add3A_371 = arith.constant 6 : i32
        %add3A_372 = arith.addi %mul3A_220, %add3A_371 : i32
        %get3A_373 = arith.index_cast %add3A_372 : i32 to index
        %get3A_374 = arith.constant 0 : index
        %get3A_375 = tpu.vector_load %arg16[%get3A_373, %get3A_374] {strides = array<i32>} : memref<128x64xf32, #tpu.memory_space<vmem>>, vector<16xf32>,
        %add3A_376 = arith.constant 6 : i32
        %add3A_377 = arith.addi %mul3A_220, %add3A_376 : i32
        %get3A_378 = arith.index_cast %add3A_377 : i32 to index
        %get3A_379 = arith.constant 16 : index
        %get3A_380 = tpu.vector_load %arg16[%get3A_378, %get3A_379] {strides = array<i32>} : memref<128x64xf32, #tpu.memory_space<vmem>>, vector<16xf32>,
        %add3A_381 = arith.constant 6 : i32
        %add3A_382 = arith.addi %mul3A_220, %add3A_381 : i32
        %get3A_383 = arith.index_cast %add3A_382 : i32 to index
        %get3A_384 = arith.constant 32 : index
        %get3A_385 = tpu.vector_load %arg16[%get3A_383, %get3A_384] {strides = array<i32>} : memref<128x64xf32, #tpu.memory_space<vmem>>, vector<16xf32>,
        %add3A_386 = arith.constant 6 : i32
        %add3A_387 = arith.addi %mul3A_220, %add3A_386 : i32
        %get3A_388 = arith.index_cast %add3A_387 : i32 to index
        %get3A_389 = arith.constant 48 : index
        %get3A_390 = tpu.vector_load %arg16[%get3A_388, %get3A_389] {strides = array<i32>} : memref<128x64xf32, #tpu.memory_space<vmem>>, vector<16xf32>,
        %add3A_391 = arith.constant 7 : i32
        %add3A_392 = arith.addi %mul3A_220, %add3A_391 : i32
        %get3A_393 = arith.index_cast %add3A_392 : i32 to index
        %get3A_394 = arith.constant 0 : index
        %get3A_395 = tpu.vector_load %arg16[%get3A_393, %get3A_394] {strides = array<i32>} : memref<128x64xf32, #tpu.memory_space<vmem>>, vector<16xf32>,
        %add3A_396 = arith.constant 7 : i32
        %add3A_397 = arith.addi %mul3A_220, %add3A_396 : i32
        %get3A_398 = arith.index_cast %add3A_397 : i32 to index
        %get3A_399 = arith.constant 16 : index
        %get3A_400 = tpu.vector_load %arg16[%get3A_398, %get3A_399] {strides = array<i32>} : memref<128x64xf32, #tpu.memory_space<vmem>>, vector<16xf32>,
        %add3A_401 = arith.constant 7 : i32
        %add3A_402 = arith.addi %mul3A_220, %add3A_401 : i32
        %get3A_403 = arith.index_cast %add3A_402 : i32 to index
        %get3A_404 = arith.constant 32 : index
        %get3A_405 = tpu.vector_load %arg16[%get3A_403, %get3A_404] {strides = array<i32>} : memref<128x64xf32, #tpu.memory_space<vmem>>, vector<16xf32>,
        %add3A_406 = arith.constant 7 : i32
        %add3A_407 = arith.addi %mul3A_220, %add3A_406 : i32
        %get3A_408 = arith.index_cast %add3A_407 : i32 to index
        %get3A_409 = arith.constant 48 : index
        %get3A_410 = tpu.vector_load %arg16[%get3A_408, %get3A_409] {strides = array<i32>} : memref<128x64xf32, #tpu.memory_space<vmem>>, vector<16xf32>,
        %mul3A_411 = arith.mulf %gather3A, %get3A_255 : vector<16xf32>
        %add3A_412 = arith.constant 0 : i32
        %add3A_413 = arith.addi %mul3A_220, %add3A_412 : i32
        %swap3A_414 = arith.index_cast %add3A_413 : i32 to index
        %swap3A_415 = arith.constant 0 : index
        %swap3A_416 = tpu.vector_load %arg17[%swap3A_414, %swap3A_415] {strides = array<i32>} : memref<128x80xf32, #tpu.memory_space<vmem>>, vector<16xf32>,
        tpu.vector_store %arg17[%swap3A_414, %swap3A_415], %mul3A_411 {strides = array<i32>} : memref<128x80xf32, #tpu.memory_space<vmem>>, vector<16xf32>,
        %mul3A_417 = arith.mulf %gather3A, %get3A_260 : vector<16xf32>
        %add3A_418 = arith.constant 0 : i32
        %add3A_419 = arith.addi %mul3A_220, %add3A_418 : i32
        %swap3A_420 = arith.index_cast %add3A_419 : i32 to index
        %swap3A_421 = arith.constant 16 : index
        %swap3A_422 = tpu.vector_load %arg17[%swap3A_420, %swap3A_421] {strides = array<i32>} : memref<128x80xf32, #tpu.memory_space<vmem>>, vector<16xf32>,
        tpu.vector_store %arg17[%swap3A_420, %swap3A_421], %mul3A_417 {strides = array<i32>} : memref<128x80xf32, #tpu.memory_space<vmem>>, vector<16xf32>,
        %mul3A_423 = arith.mulf %gather3A, %get3A_265 : vector<16xf32>
        %add3A_424 = arith.constant 0 : i32
        %add3A_425 = arith.addi %mul3A_220, %add3A_424 : i32
        %swap3A_426 = arith.index_cast %add3A_425 : i32 to index
        %swap3A_427 = arith.constant 32 : index
        %swap3A_428 = tpu.vector_load %arg17[%swap3A_426, %swap3A_427] {strides = array<i32>} : memref<128x80xf32, #tpu.memory_space<vmem>>, vector<16xf32>,
        tpu.vector_store %arg17[%swap3A_426, %swap3A_427], %mul3A_423 {strides = array<i32>} : memref<128x80xf32, #tpu.memory_space<vmem>>, vector<16xf32>,
        %mul3A_429 = arith.mulf %gather3A, %get3A_270 : vector<16xf32>
        %add3A_430 = arith.constant 0 : i32
        %add3A_431 = arith.addi %mul3A_220, %add3A_430 : i32
        %swap3A_432 = arith.index_cast %add3A_431 : i32 to index
        %swap3A_433 = arith.constant 48 : index
        %swap3A_434 = tpu.vector_load %arg17[%swap3A_432, %swap3A_433] {strides = array<i32>} : memref<128x80xf32, #tpu.memory_space<vmem>>, vector<16xf32>,
        tpu.vector_store %arg17[%swap3A_432, %swap3A_433], %mul3A_429 {strides = array<i32>} : memref<128x80xf32, #tpu.memory_space<vmem>>, vector<16xf32>,
        %eq3A = arith.constant 0 : i32
        %eq3A_435 = vector.broadcast %eq3A : i32 to vector<16xi32>
        %eq3A_436 = arith.cmpi eq, %iota3A_208, %eq3A_435 : vector<16xi32>
        %jit3A = arith.constant 0.000000e+00 : f32
        %broadcast_in_dim3A_437 = vector.broadcast %jit3A : f32 to vector<16xf32>
        %select_n3A = arith.select %eq3A_436, %gather3A, %broadcast_in_dim3A_437 : vector<16xi1>, vector<16xf32>
        %add3A_438 = arith.constant 0 : i32
        %add3A_439 = arith.addi %mul3A_220, %add3A_438 : i32
        %swap3A_440 = arith.index_cast %add3A_439 : i32 to index
        %swap3A_441 = arith.constant 64 : index
        %swap3A_442 = tpu.vector_load %arg17[%swap3A_440, %swap3A_441] {strides = array<i32>} : memref<128x80xf32, #tpu.memory_space<vmem>>, vector<16xf32>,
        tpu.vector_store %arg17[%swap3A_440, %swap3A_441], %select_n3A {strides = array<i32>} : memref<128x80xf32, #tpu.memory_space<vmem>>, vector<16xf32>,
        %mul3A_443 = arith.mulf %gather3A_226, %get3A_275 : vector<16xf32>
        %add3A_444 = arith.constant 1 : i32
        %add3A_445 = arith.addi %mul3A_220, %add3A_444 : i32
        %swap3A_446 = arith.index_cast %add3A_445 : i32 to index
        %swap3A_447 = arith.constant 0 : index
        %swap3A_448 = tpu.vector_load %arg17[%swap3A_446, %swap3A_447] {strides = array<i32>} : memref<128x80xf32, #tpu.memory_space<vmem>>, vector<16xf32>,
        tpu.vector_store %arg17[%swap3A_446, %swap3A_447], %mul3A_443 {strides = array<i32>} : memref<128x80xf32, #tpu.memory_space<vmem>>, vector<16xf32>,
        %mul3A_449 = arith.mulf %gather3A_226, %get3A_280 : vector<16xf32>
        %add3A_450 = arith.constant 1 : i32
        %add3A_451 = arith.addi %mul3A_220, %add3A_450 : i32
        %swap3A_452 = arith.index_cast %add3A_451 : i32 to index
        %swap3A_453 = arith.constant 16 : index
        %swap3A_454 = tpu.vector_load %arg17[%swap3A_452, %swap3A_453] {strides = array<i32>} : memref<128x80xf32, #tpu.memory_space<vmem>>, vector<16xf32>,
        tpu.vector_store %arg17[%swap3A_452, %swap3A_453], %mul3A_449 {strides = array<i32>} : memref<128x80xf32, #tpu.memory_space<vmem>>, vector<16xf32>,
        %mul3A_455 = arith.mulf %gather3A_226, %get3A_285 : vector<16xf32>
        %add3A_456 = arith.constant 1 : i32
        %add3A_457 = arith.addi %mul3A_220, %add3A_456 : i32
        %swap3A_458 = arith.index_cast %add3A_457 : i32 to index
        %swap3A_459 = arith.constant 32 : index
        %swap3A_460 = tpu.vector_load %arg17[%swap3A_458, %swap3A_459] {strides = array<i32>} : memref<128x80xf32, #tpu.memory_space<vmem>>, vector<16xf32>,
        tpu.vector_store %arg17[%swap3A_458, %swap3A_459], %mul3A_455 {strides = array<i32>} : memref<128x80xf32, #tpu.memory_space<vmem>>, vector<16xf32>,
        %mul3A_461 = arith.mulf %gather3A_226, %get3A_290 : vector<16xf32>
        %add3A_462 = arith.constant 1 : i32
        %add3A_463 = arith.addi %mul3A_220, %add3A_462 : i32
        %swap3A_464 = arith.index_cast %add3A_463 : i32 to index
        %swap3A_465 = arith.constant 48 : index
        %swap3A_466 = tpu.vector_load %arg17[%swap3A_464, %swap3A_465] {strides = array<i32>} : memref<128x80xf32, #tpu.memory_space<vmem>>, vector<16xf32>,
        tpu.vector_store %arg17[%swap3A_464, %swap3A_465], %mul3A_461 {strides = array<i32>} : memref<128x80xf32, #tpu.memory_space<vmem>>, vector<16xf32>,
        %eq3A_467 = arith.constant 0 : i32
        %eq3A_468 = vector.broadcast %eq3A_467 : i32 to vector<16xi32>
        %eq3A_469 = arith.cmpi eq, %iota3A_208, %eq3A_468 : vector<16xi32>
        %jit3A_470 = arith.constant 0.000000e+00 : f32
        %broadcast_in_dim3A_471 = vector.broadcast %jit3A_470 : f32 to vector<16xf32>
        %select_n3A_472 = arith.select %eq3A_469, %gather3A_226, %broadcast_in_dim3A_471 : vector<16xi1>, vector<16xf32>
        %add3A_473 = arith.constant 1 : i32
        %add3A_474 = arith.addi %mul3A_220, %add3A_473 : i32
        %swap3A_475 = arith.index_cast %add3A_474 : i32 to index
        %swap3A_476 = arith.constant 64 : index
        %swap3A_477 = tpu.vector_load %arg17[%swap3A_475, %swap3A_476] {strides = array<i32>} : memref<128x80xf32, #tpu.memory_space<vmem>>, vector<16xf32>,
        tpu.vector_store %arg17[%swap3A_475, %swap3A_476], %select_n3A_472 {strides = array<i32>} : memref<128x80xf32, #tpu.memory_space<vmem>>, vector<16xf32>,
        %mul3A_478 = arith.mulf %gather3A_230, %get3A_295 : vector<16xf32>
        %add3A_479 = arith.constant 2 : i32
        %add3A_480 = arith.addi %mul3A_220, %add3A_479 : i32
        %swap3A_481 = arith.index_cast %add3A_480 : i32 to index
        %swap3A_482 = arith.constant 0 : index
        %swap3A_483 = tpu.vector_load %arg17[%swap3A_481, %swap3A_482] {strides = array<i32>} : memref<128x80xf32, #tpu.memory_space<vmem>>, vector<16xf32>,
        tpu.vector_store %arg17[%swap3A_481, %swap3A_482], %mul3A_478 {strides = array<i32>} : memref<128x80xf32, #tpu.memory_space<vmem>>, vector<16xf32>,
        %mul3A_484 = arith.mulf %gather3A_230, %get3A_300 : vector<16xf32>
        %add3A_485 = arith.constant 2 : i32
        %add3A_486 = arith.addi %mul3A_220, %add3A_485 : i32
        %swap3A_487 = arith.index_cast %add3A_486 : i32 to index
        %swap3A_488 = arith.constant 16 : index
        %swap3A_489 = tpu.vector_load %arg17[%swap3A_487, %swap3A_488] {strides = array<i32>} : memref<128x80xf32, #tpu.memory_space<vmem>>, vector<16xf32>,
        tpu.vector_store %arg17[%swap3A_487, %swap3A_488], %mul3A_484 {strides = array<i32>} : memref<128x80xf32, #tpu.memory_space<vmem>>, vector<16xf32>,
        %mul3A_490 = arith.mulf %gather3A_230, %get3A_305 : vector<16xf32>
        %add3A_491 = arith.constant 2 : i32
        %add3A_492 = arith.addi %mul3A_220, %add3A_491 : i32
        %swap3A_493 = arith.index_cast %add3A_492 : i32 to index
        %swap3A_494 = arith.constant 32 : index
        %swap3A_495 = tpu.vector_load %arg17[%swap3A_493, %swap3A_494] {strides = array<i32>} : memref<128x80xf32, #tpu.memory_space<vmem>>, vector<16xf32>,
        tpu.vector_store %arg17[%swap3A_493, %swap3A_494], %mul3A_490 {strides = array<i32>} : memref<128x80xf32, #tpu.memory_space<vmem>>, vector<16xf32>,
        %mul3A_496 = arith.mulf %gather3A_230, %get3A_310 : vector<16xf32>
        %add3A_497 = arith.constant 2 : i32
        %add3A_498 = arith.addi %mul3A_220, %add3A_497 : i32
        %swap3A_499 = arith.index_cast %add3A_498 : i32 to index
        %swap3A_500 = arith.constant 48 : index
        %swap3A_501 = tpu.vector_load %arg17[%swap3A_499, %swap3A_500] {strides = array<i32>} : memref<128x80xf32, #tpu.memory_space<vmem>>, vector<16xf32>,
        tpu.vector_store %arg17[%swap3A_499, %swap3A_500], %mul3A_496 {strides = array<i32>} : memref<128x80xf32, #tpu.memory_space<vmem>>, vector<16xf32>,
        %eq3A_502 = arith.constant 0 : i32
        %eq3A_503 = vector.broadcast %eq3A_502 : i32 to vector<16xi32>
        %eq3A_504 = arith.cmpi eq, %iota3A_208, %eq3A_503 : vector<16xi32>
        %jit3A_505 = arith.constant 0.000000e+00 : f32
        %broadcast_in_dim3A_506 = vector.broadcast %jit3A_505 : f32 to vector<16xf32>
        %select_n3A_507 = arith.select %eq3A_504, %gather3A_230, %broadcast_in_dim3A_506 : vector<16xi1>, vector<16xf32>
        %add3A_508 = arith.constant 2 : i32
        %add3A_509 = arith.addi %mul3A_220, %add3A_508 : i32
        %swap3A_510 = arith.index_cast %add3A_509 : i32 to index
        %swap3A_511 = arith.constant 64 : index
        %swap3A_512 = tpu.vector_load %arg17[%swap3A_510, %swap3A_511] {strides = array<i32>} : memref<128x80xf32, #tpu.memory_space<vmem>>, vector<16xf32>,
        tpu.vector_store %arg17[%swap3A_510, %swap3A_511], %select_n3A_507 {strides = array<i32>} : memref<128x80xf32, #tpu.memory_space<vmem>>, vector<16xf32>,
        %mul3A_513 = arith.mulf %gather3A_234, %get3A_315 : vector<16xf32>
        %add3A_514 = arith.constant 3 : i32
        %add3A_515 = arith.addi %mul3A_220, %add3A_514 : i32
        %swap3A_516 = arith.index_cast %add3A_515 : i32 to index
        %swap3A_517 = arith.constant 0 : index
        %swap3A_518 = tpu.vector_load %arg17[%swap3A_516, %swap3A_517] {strides = array<i32>} : memref<128x80xf32, #tpu.memory_space<vmem>>, vector<16xf32>,
        tpu.vector_store %arg17[%swap3A_516, %swap3A_517], %mul3A_513 {strides = array<i32>} : memref<128x80xf32, #tpu.memory_space<vmem>>, vector<16xf32>,
        %mul3A_519 = arith.mulf %gather3A_234, %get3A_320 : vector<16xf32>
        %add3A_520 = arith.constant 3 : i32
        %add3A_521 = arith.addi %mul3A_220, %add3A_520 : i32
        %swap3A_522 = arith.index_cast %add3A_521 : i32 to index
        %swap3A_523 = arith.constant 16 : index
        %swap3A_524 = tpu.vector_load %arg17[%swap3A_522, %swap3A_523] {strides = array<i32>} : memref<128x80xf32, #tpu.memory_space<vmem>>, vector<16xf32>,
        tpu.vector_store %arg17[%swap3A_522, %swap3A_523], %mul3A_519 {strides = array<i32>} : memref<128x80xf32, #tpu.memory_space<vmem>>, vector<16xf32>,
        %mul3A_525 = arith.mulf %gather3A_234, %get3A_325 : vector<16xf32>
        %add3A_526 = arith.constant 3 : i32
        %add3A_527 = arith.addi %mul3A_220, %add3A_526 : i32
        %swap3A_528 = arith.index_cast %add3A_527 : i32 to index
        %swap3A_529 = arith.constant 32 : index
        %swap3A_530 = tpu.vector_load %arg17[%swap3A_528, %swap3A_529] {strides = array<i32>} : memref<128x80xf32, #tpu.memory_space<vmem>>, vector<16xf32>,
        tpu.vector_store %arg17[%swap3A_528, %swap3A_529], %mul3A_525 {strides = array<i32>} : memref<128x80xf32, #tpu.memory_space<vmem>>, vector<16xf32>,
        %mul3A_531 = arith.mulf %gather3A_234, %get3A_330 : vector<16xf32>
        %add3A_532 = arith.constant 3 : i32
        %add3A_533 = arith.addi %mul3A_220, %add3A_532 : i32
        %swap3A_534 = arith.index_cast %add3A_533 : i32 to index
        %swap3A_535 = arith.constant 48 : index
        %swap3A_536 = tpu.vector_load %arg17[%swap3A_534, %swap3A_535] {strides = array<i32>} : memref<128x80xf32, #tpu.memory_space<vmem>>, vector<16xf32>,
        tpu.vector_store %arg17[%swap3A_534, %swap3A_535], %mul3A_531 {strides = array<i32>} : memref<128x80xf32, #tpu.memory_space<vmem>>, vector<16xf32>,
        %eq3A_537 = arith.constant 0 : i32
        %eq3A_538 = vector.broadcast %eq3A_537 : i32 to vector<16xi32>
        %eq3A_539 = arith.cmpi eq, %iota3A_208, %eq3A_538 : vector<16xi32>
        %jit3A_540 = arith.constant 0.000000e+00 : f32
        %broadcast_in_dim3A_541 = vector.broadcast %jit3A_540 : f32 to vector<16xf32>
        %select_n3A_542 = arith.select %eq3A_539, %gather3A_234, %broadcast_in_dim3A_541 : vector<16xi1>, vector<16xf32>
        %add3A_543 = arith.constant 3 : i32
        %add3A_544 = arith.addi %mul3A_220, %add3A_543 : i32
        %swap3A_545 = arith.index_cast %add3A_544 : i32 to index
        %swap3A_546 = arith.constant 64 : index
        %swap3A_547 = tpu.vector_load %arg17[%swap3A_545, %swap3A_546] {strides = array<i32>} : memref<128x80xf32, #tpu.memory_space<vmem>>, vector<16xf32>,
        tpu.vector_store %arg17[%swap3A_545, %swap3A_546], %select_n3A_542 {strides = array<i32>} : memref<128x80xf32, #tpu.memory_space<vmem>>, vector<16xf32>,
        %mul3A_548 = arith.mulf %gather3A_238, %get3A_335 : vector<16xf32>
        %add3A_549 = arith.constant 4 : i32
        %add3A_550 = arith.addi %mul3A_220, %add3A_549 : i32
        %swap3A_551 = arith.index_cast %add3A_550 : i32 to index
        %swap3A_552 = arith.constant 0 : index
        %swap3A_553 = tpu.vector_load %arg17[%swap3A_551, %swap3A_552] {strides = array<i32>} : memref<128x80xf32, #tpu.memory_space<vmem>>, vector<16xf32>,
        tpu.vector_store %arg17[%swap3A_551, %swap3A_552], %mul3A_548 {strides = array<i32>} : memref<128x80xf32, #tpu.memory_space<vmem>>, vector<16xf32>,
        %mul3A_554 = arith.mulf %gather3A_238, %get3A_340 : vector<16xf32>
        %add3A_555 = arith.constant 4 : i32
        %add3A_556 = arith.addi %mul3A_220, %add3A_555 : i32
        %swap3A_557 = arith.index_cast %add3A_556 : i32 to index
        %swap3A_558 = arith.constant 16 : index
        %swap3A_559 = tpu.vector_load %arg17[%swap3A_557, %swap3A_558] {strides = array<i32>} : memref<128x80xf32, #tpu.memory_space<vmem>>, vector<16xf32>,
        tpu.vector_store %arg17[%swap3A_557, %swap3A_558], %mul3A_554 {strides = array<i32>} : memref<128x80xf32, #tpu.memory_space<vmem>>, vector<16xf32>,
        %mul3A_560 = arith.mulf %gather3A_238, %get3A_345 : vector<16xf32>
        %add3A_561 = arith.constant 4 : i32
        %add3A_562 = arith.addi %mul3A_220, %add3A_561 : i32
        %swap3A_563 = arith.index_cast %add3A_562 : i32 to index
        %swap3A_564 = arith.constant 32 : index
        %swap3A_565 = tpu.vector_load %arg17[%swap3A_563, %swap3A_564] {strides = array<i32>} : memref<128x80xf32, #tpu.memory_space<vmem>>, vector<16xf32>,
        tpu.vector_store %arg17[%swap3A_563, %swap3A_564], %mul3A_560 {strides = array<i32>} : memref<128x80xf32, #tpu.memory_space<vmem>>, vector<16xf32>,
        %mul3A_566 = arith.mulf %gather3A_238, %get3A_350 : vector<16xf32>
        %add3A_567 = arith.constant 4 : i32
        %add3A_568 = arith.addi %mul3A_220, %add3A_567 : i32
        %swap3A_569 = arith.index_cast %add3A_568 : i32 to index
        %swap3A_570 = arith.constant 48 : index
        %swap3A_571 = tpu.vector_load %arg17[%swap3A_569, %swap3A_570] {strides = array<i32>} : memref<128x80xf32, #tpu.memory_space<vmem>>, vector<16xf32>,
        tpu.vector_store %arg17[%swap3A_569, %swap3A_570], %mul3A_566 {strides = array<i32>} : memref<128x80xf32, #tpu.memory_space<vmem>>, vector<16xf32>,
        %eq3A_572 = arith.constant 0 : i32
        %eq3A_573 = vector.broadcast %eq3A_572 : i32 to vector<16xi32>
        %eq3A_574 = arith.cmpi eq, %iota3A_208, %eq3A_573 : vector<16xi32>
        %jit3A_575 = arith.constant 0.000000e+00 : f32
        %broadcast_in_dim3A_576 = vector.broadcast %jit3A_575 : f32 to vector<16xf32>
        %select_n3A_577 = arith.select %eq3A_574, %gather3A_238, %broadcast_in_dim3A_576 : vector<16xi1>, vector<16xf32>
        %add3A_578 = arith.constant 4 : i32
        %add3A_579 = arith.addi %mul3A_220, %add3A_578 : i32
        %swap3A_580 = arith.index_cast %add3A_579 : i32 to index
        %swap3A_581 = arith.constant 64 : index
        %swap3A_582 = tpu.vector_load %arg17[%swap3A_580, %swap3A_581] {strides = array<i32>} : memref<128x80xf32, #tpu.memory_space<vmem>>, vector<16xf32>,
        tpu.vector_store %arg17[%swap3A_580, %swap3A_581], %select_n3A_577 {strides = array<i32>} : memref<128x80xf32, #tpu.memory_space<vmem>>, vector<16xf32>,
        %mul3A_583 = arith.mulf %gather3A_242, %get3A_355 : vector<16xf32>
        %add3A_584 = arith.constant 5 : i32
        %add3A_585 = arith.addi %mul3A_220, %add3A_584 : i32
        %swap3A_586 = arith.index_cast %add3A_585 : i32 to index
        %swap3A_587 = arith.constant 0 : index
        %swap3A_588 = tpu.vector_load %arg17[%swap3A_586, %swap3A_587] {strides = array<i32>} : memref<128x80xf32, #tpu.memory_space<vmem>>, vector<16xf32>,
        tpu.vector_store %arg17[%swap3A_586, %swap3A_587], %mul3A_583 {strides = array<i32>} : memref<128x80xf32, #tpu.memory_space<vmem>>, vector<16xf32>,
        %mul3A_589 = arith.mulf %gather3A_242, %get3A_360 : vector<16xf32>
        %add3A_590 = arith.constant 5 : i32
        %add3A_591 = arith.addi %mul3A_220, %add3A_590 : i32
        %swap3A_592 = arith.index_cast %add3A_591 : i32 to index
        %swap3A_593 = arith.constant 16 : index
        %swap3A_594 = tpu.vector_load %arg17[%swap3A_592, %swap3A_593] {strides = array<i32>} : memref<128x80xf32, #tpu.memory_space<vmem>>, vector<16xf32>,
        tpu.vector_store %arg17[%swap3A_592, %swap3A_593], %mul3A_589 {strides = array<i32>} : memref<128x80xf32, #tpu.memory_space<vmem>>, vector<16xf32>,
        %mul3A_595 = arith.mulf %gather3A_242, %get3A_365 : vector<16xf32>
        %add3A_596 = arith.constant 5 : i32
        %add3A_597 = arith.addi %mul3A_220, %add3A_596 : i32
        %swap3A_598 = arith.index_cast %add3A_597 : i32 to index
        %swap3A_599 = arith.constant 32 : index
        %swap3A_600 = tpu.vector_load %arg17[%swap3A_598, %swap3A_599] {strides = array<i32>} : memref<128x80xf32, #tpu.memory_space<vmem>>, vector<16xf32>,
        tpu.vector_store %arg17[%swap3A_598, %swap3A_599], %mul3A_595 {strides = array<i32>} : memref<128x80xf32, #tpu.memory_space<vmem>>, vector<16xf32>,
        %mul3A_601 = arith.mulf %gather3A_242, %get3A_370 : vector<16xf32>
        %add3A_602 = arith.constant 5 : i32
        %add3A_603 = arith.addi %mul3A_220, %add3A_602 : i32
        %swap3A_604 = arith.index_cast %add3A_603 : i32 to index
        %swap3A_605 = arith.constant 48 : index
        %swap3A_606 = tpu.vector_load %arg17[%swap3A_604, %swap3A_605] {strides = array<i32>} : memref<128x80xf32, #tpu.memory_space<vmem>>, vector<16xf32>,
        tpu.vector_store %arg17[%swap3A_604, %swap3A_605], %mul3A_601 {strides = array<i32>} : memref<128x80xf32, #tpu.memory_space<vmem>>, vector<16xf32>,
        %eq3A_607 = arith.constant 0 : i32
        %eq3A_608 = vector.broadcast %eq3A_607 : i32 to vector<16xi32>
        %eq3A_609 = arith.cmpi eq, %iota3A_208, %eq3A_608 : vector<16xi32>
        %jit3A_610 = arith.constant 0.000000e+00 : f32
        %broadcast_in_dim3A_611 = vector.broadcast %jit3A_610 : f32 to vector<16xf32>
        %select_n3A_612 = arith.select %eq3A_609, %gather3A_242, %broadcast_in_dim3A_611 : vector<16xi1>, vector<16xf32>
        %add3A_613 = arith.constant 5 : i32
        %add3A_614 = arith.addi %mul3A_220, %add3A_613 : i32
        %swap3A_615 = arith.index_cast %add3A_614 : i32 to index
        %swap3A_616 = arith.constant 64 : index
        %swap3A_617 = tpu.vector_load %arg17[%swap3A_615, %swap3A_616] {strides = array<i32>} : memref<128x80xf32, #tpu.memory_space<vmem>>, vector<16xf32>,
        tpu.vector_store %arg17[%swap3A_615, %swap3A_616], %select_n3A_612 {strides = array<i32>} : memref<128x80xf32, #tpu.memory_space<vmem>>, vector<16xf32>,
        %mul3A_618 = arith.mulf %gather3A_246, %get3A_375 : vector<16xf32>
        %add3A_619 = arith.constant 6 : i32
        %add3A_620 = arith.addi %mul3A_220, %add3A_619 : i32
        %swap3A_621 = arith.index_cast %add3A_620 : i32 to index
        %swap3A_622 = arith.constant 0 : index
        %swap3A_623 = tpu.vector_load %arg17[%swap3A_621, %swap3A_622] {strides = array<i32>} : memref<128x80xf32, #tpu.memory_space<vmem>>, vector<16xf32>,
        tpu.vector_store %arg17[%swap3A_621, %swap3A_622], %mul3A_618 {strides = array<i32>} : memref<128x80xf32, #tpu.memory_space<vmem>>, vector<16xf32>,
        %mul3A_624 = arith.mulf %gather3A_246, %get3A_380 : vector<16xf32>
        %add3A_625 = arith.constant 6 : i32
        %add3A_626 = arith.addi %mul3A_220, %add3A_625 : i32
        %swap3A_627 = arith.index_cast %add3A_626 : i32 to index
        %swap3A_628 = arith.constant 16 : index
        %swap3A_629 = tpu.vector_load %arg17[%swap3A_627, %swap3A_628] {strides = array<i32>} : memref<128x80xf32, #tpu.memory_space<vmem>>, vector<16xf32>,
        tpu.vector_store %arg17[%swap3A_627, %swap3A_628], %mul3A_624 {strides = array<i32>} : memref<128x80xf32, #tpu.memory_space<vmem>>, vector<16xf32>,
        %mul3A_630 = arith.mulf %gather3A_246, %get3A_385 : vector<16xf32>
        %add3A_631 = arith.constant 6 : i32
        %add3A_632 = arith.addi %mul3A_220, %add3A_631 : i32
        %swap3A_633 = arith.index_cast %add3A_632 : i32 to index
        %swap3A_634 = arith.constant 32 : index
        %swap3A_635 = tpu.vector_load %arg17[%swap3A_633, %swap3A_634] {strides = array<i32>} : memref<128x80xf32, #tpu.memory_space<vmem>>, vector<16xf32>,
        tpu.vector_store %arg17[%swap3A_633, %swap3A_634], %mul3A_630 {strides = array<i32>} : memref<128x80xf32, #tpu.memory_space<vmem>>, vector<16xf32>,
        %mul3A_636 = arith.mulf %gather3A_246, %get3A_390 : vector<16xf32>
        %add3A_637 = arith.constant 6 : i32
        %add3A_638 = arith.addi %mul3A_220, %add3A_637 : i32
        %swap3A_639 = arith.index_cast %add3A_638 : i32 to index
        %swap3A_640 = arith.constant 48 : index
        %swap3A_641 = tpu.vector_load %arg17[%swap3A_639, %swap3A_640] {strides = array<i32>} : memref<128x80xf32, #tpu.memory_space<vmem>>, vector<16xf32>,
        tpu.vector_store %arg17[%swap3A_639, %swap3A_640], %mul3A_636 {strides = array<i32>} : memref<128x80xf32, #tpu.memory_space<vmem>>, vector<16xf32>,
        %eq3A_642 = arith.constant 0 : i32
        %eq3A_643 = vector.broadcast %eq3A_642 : i32 to vector<16xi32>
        %eq3A_644 = arith.cmpi eq, %iota3A_208, %eq3A_643 : vector<16xi32>
        %jit3A_645 = arith.constant 0.000000e+00 : f32
        %broadcast_in_dim3A_646 = vector.broadcast %jit3A_645 : f32 to vector<16xf32>
        %select_n3A_647 = arith.select %eq3A_644, %gather3A_246, %broadcast_in_dim3A_646 : vector<16xi1>, vector<16xf32>
        %add3A_648 = arith.constant 6 : i32
        %add3A_649 = arith.addi %mul3A_220, %add3A_648 : i32
        %swap3A_650 = arith.index_cast %add3A_649 : i32 to index
        %swap3A_651 = arith.constant 64 : index
        %swap3A_652 = tpu.vector_load %arg17[%swap3A_650, %swap3A_651] {strides = array<i32>} : memref<128x80xf32, #tpu.memory_space<vmem>>, vector<16xf32>,
        tpu.vector_store %arg17[%swap3A_650, %swap3A_651], %select_n3A_647 {strides = array<i32>} : memref<128x80xf32, #tpu.memory_space<vmem>>, vector<16xf32>,
        %mul3A_653 = arith.mulf %gather3A_250, %get3A_395 : vector<16xf32>
        %add3A_654 = arith.constant 7 : i32
        %add3A_655 = arith.addi %mul3A_220, %add3A_654 : i32
        %swap3A_656 = arith.index_cast %add3A_655 : i32 to index
        %swap3A_657 = arith.constant 0 : index
        %swap3A_658 = tpu.vector_load %arg17[%swap3A_656, %swap3A_657] {strides = array<i32>} : memref<128x80xf32, #tpu.memory_space<vmem>>, vector<16xf32>,
        tpu.vector_store %arg17[%swap3A_656, %swap3A_657], %mul3A_653 {strides = array<i32>} : memref<128x80xf32, #tpu.memory_space<vmem>>, vector<16xf32>,
        %mul3A_659 = arith.mulf %gather3A_250, %get3A_400 : vector<16xf32>
        %add3A_660 = arith.constant 7 : i32
        %add3A_661 = arith.addi %mul3A_220, %add3A_660 : i32
        %swap3A_662 = arith.index_cast %add3A_661 : i32 to index
        %swap3A_663 = arith.constant 16 : index
        %swap3A_664 = tpu.vector_load %arg17[%swap3A_662, %swap3A_663] {strides = array<i32>} : memref<128x80xf32, #tpu.memory_space<vmem>>, vector<16xf32>,
        tpu.vector_store %arg17[%swap3A_662, %swap3A_663], %mul3A_659 {strides = array<i32>} : memref<128x80xf32, #tpu.memory_space<vmem>>, vector<16xf32>,
        %mul3A_665 = arith.mulf %gather3A_250, %get3A_405 : vector<16xf32>
        %add3A_666 = arith.constant 7 : i32
        %add3A_667 = arith.addi %mul3A_220, %add3A_666 : i32
        %swap3A_668 = arith.index_cast %add3A_667 : i32 to index
        %swap3A_669 = arith.constant 32 : index
        %swap3A_670 = tpu.vector_load %arg17[%swap3A_668, %swap3A_669] {strides = array<i32>} : memref<128x80xf32, #tpu.memory_space<vmem>>, vector<16xf32>,
        tpu.vector_store %arg17[%swap3A_668, %swap3A_669], %mul3A_665 {strides = array<i32>} : memref<128x80xf32, #tpu.memory_space<vmem>>, vector<16xf32>,
        %mul3A_671 = arith.mulf %gather3A_250, %get3A_410 : vector<16xf32>
        %add3A_672 = arith.constant 7 : i32
        %add3A_673 = arith.addi %mul3A_220, %add3A_672 : i32
        %swap3A_674 = arith.index_cast %add3A_673 : i32 to index
        %swap3A_675 = arith.constant 48 : index
        %swap3A_676 = tpu.vector_load %arg17[%swap3A_674, %swap3A_675] {strides = array<i32>} : memref<128x80xf32, #tpu.memory_space<vmem>>, vector<16xf32>,
        tpu.vector_store %arg17[%swap3A_674, %swap3A_675], %mul3A_671 {strides = array<i32>} : memref<128x80xf32, #tpu.memory_space<vmem>>, vector<16xf32>,
        %eq3A_677 = arith.constant 0 : i32
        %eq3A_678 = vector.broadcast %eq3A_677 : i32 to vector<16xi32>
        %eq3A_679 = arith.cmpi eq, %iota3A_208, %eq3A_678 : vector<16xi32>
        %jit3A_680 = arith.constant 0.000000e+00 : f32
        %broadcast_in_dim3A_681 = vector.broadcast %jit3A_680 : f32 to vector<16xf32>
        %select_n3A_682 = arith.select %eq3A_679, %gather3A_250, %broadcast_in_dim3A_681 : vector<16xi1>, vector<16xf32>
        %add3A_683 = arith.constant 7 : i32
        %add3A_684 = arith.addi %mul3A_220, %add3A_683 : i32
        %swap3A_685 = arith.index_cast %add3A_684 : i32 to index
        %swap3A_686 = arith.constant 64 : index
        %swap3A_687 = tpu.vector_load %arg17[%swap3A_685, %swap3A_686] {strides = array<i32>} : memref<128x80xf32, #tpu.memory_space<vmem>>, vector<16xf32>,
        tpu.vector_store %arg17[%swap3A_685, %swap3A_686], %select_n3A_682 {strides = array<i32>} : memref<128x80xf32, #tpu.memory_space<vmem>>, vector<16xf32>,
      }
      %scan3A_214 = arith.constant 16 : i32
      %dma_start3A_215 = arith.constant 0 : i32
      %dma_start3A_216 = arith.constant 0 : i32
      %dma_start3A_217 = tpu.memref_slice %arg20[%dma_start3A_215, %dma_start3A_216] : memref<10240x80xf32, #tpu.memory_space<vmem_shared>> -> memref<10240x80xf32, #tpu.memory_space<vmem_shared>>
      tpu.enqueue_indirect_dma source(%arg17 : memref<128x80xf32, #tpu.memory_space<vmem>>) target(%dma_start3A_217 : memref<10240x80xf32, #tpu.memory_space<vmem_shared>>) offsets(%arg18 : memref<128xi32, #tpu.memory_space<vmem>>) semaphore(%arg25 : memref<!tpu.dma_semaphore, #tpu.memory_space<semaphore_mem>>) {add = true}
    }
    %scan3A_60 = arith.constant 78 : i32
    %dma_wait3A_61 = arith.constant 0 : i32
    %dma_wait3A_62 = arith.constant 0 : i32
    %dma_wait3A_63 = tpu.memref_slice %arg20[%dma_wait3A_61, %dma_wait3A_62] : memref<10240x80xf32, #tpu.memory_space<vmem_shared>> -> memref<10240x80xf32, #tpu.memory_space<vmem_shared>>
    tpu.wait_indirect_dma semaphore(%arg24 : memref<!tpu.dma_semaphore, #tpu.memory_space<semaphore_mem>>) src(%arg12 : memref<128x80xf32, #tpu.memory_space<vmem>>) dst(%dma_wait3A_63 : memref<10240x80xf32, #tpu.memory_space<vmem_shared>>)
    %dma_wait3A_64 = arith.constant 0 : i32
    %dma_wait3A_65 = arith.constant 0 : i32
    %dma_wait3A_66 = tpu.memref_slice %arg20[%dma_wait3A_64, %dma_wait3A_65] : memref<10240x80xf32, #tpu.memory_space<vmem_shared>> -> memref<10240x80xf32, #tpu.memory_space<vmem_shared>>
    tpu.wait_indirect_dma semaphore(%arg25 : memref<!tpu.dma_semaphore, #tpu.memory_space<semaphore_mem>>) src(%arg17 : memref<128x80xf32, #tpu.memory_space<vmem>>) dst(%dma_wait3A_66 : memref<10240x80xf32, #tpu.memory_space<vmem_shared>>)
    %lt3A = arith.constant 4 : i32
    %lt3A_67 = arith.cmpi slt, %arg1, %lt3A : i32
    %convert_element_type3A = arith.extui %lt3A_67 : i1 to i32
    %cond3A = arith.constant 0 : i32
    %cond3A_68 = arith.cmpi ne, %convert_element_type3A, %cond3A : i32
    scf.if %cond3A_68 {
      %add3A_90 = arith.constant 2496 : i32
      %add3A_91 = arith.addi %add3A_90, %arg1 : i32
      %mul3A_92 = arith.constant 128 : i32
      %mul3A_93 = arith.muli %add3A_91, %mul3A_92 : i32
      %run_scoped3A = arith.constant 0 : i32
      "tpu.region"() ({
        %run_scoped3A_245 = tpu.sem_alloc : memref<!tpu.dma_semaphore, #tpu.memory_space<semaphore_mem>>
        %dma_start3A_246 = tpu.memref_slice %arg2[%run_scoped3A, %mul3A_93] : memref<2x320000xi32, #tpu.memory_space<hbm>> -> memref<1x128xi32, #tpu.memory_space<hbm>>
        %dma_start3A_247 = tpu.memref_squeeze %dma_start3A_246 : memref<1x128xi32, #tpu.memory_space<hbm>> -> memref<128xi32, #tpu.memory_space<hbm>>
        %dma_start3A_248 = tpu.memref_slice %arg2[%run_scoped3A, %mul3A_93] : memref<2x320000xi32, #tpu.memory_space<hbm>> -> memref<1x128xi32, #tpu.memory_space<hbm>>
        %dma_start3A_249 = tpu.memref_squeeze %dma_start3A_248 : memref<1x128xi32, #tpu.memory_space<hbm>> -> memref<128xi32, #tpu.memory_space<hbm>>
        tpu.enqueue_dma source(%dma_start3A_249 : memref<128xi32, #tpu.memory_space<hbm>>) target(%arg9 : memref<128xi32, #tpu.memory_space<vmem>>) target_semaphore(%run_scoped3A_245 : memref<!tpu.dma_semaphore, #tpu.memory_space<semaphore_mem>>)
        %dma_wait3A_250 = tpu.memref_slice %arg2[%run_scoped3A, %mul3A_93] : memref<2x320000xi32, #tpu.memory_space<hbm>> -> memref<1x128xi32, #tpu.memory_space<hbm>>
        %dma_wait3A_251 = tpu.memref_squeeze %dma_wait3A_250 : memref<1x128xi32, #tpu.memory_space<hbm>> -> memref<128xi32, #tpu.memory_space<hbm>>
        %dma_wait3A_252 = tpu.memref_slice %arg2[%run_scoped3A, %mul3A_93] : memref<2x320000xi32, #tpu.memory_space<hbm>> -> memref<1x128xi32, #tpu.memory_space<hbm>>
        %dma_wait3A_253 = tpu.memref_squeeze %dma_wait3A_252 : memref<1x128xi32, #tpu.memory_space<hbm>> -> memref<128xi32, #tpu.memory_space<hbm>>
        tpu.wait_dma2 semaphore(%run_scoped3A_245 : memref<!tpu.dma_semaphore, #tpu.memory_space<semaphore_mem>>) src(%dma_wait3A_253 : memref<128xi32, #tpu.memory_space<hbm>>) dst(%arg9 : memref<128xi32, #tpu.memory_space<vmem>>)
        tpu.yield
      }) : () -> ()
      %run_scoped3A_94 = arith.constant 1 : i32
      "tpu.region"() ({
        %run_scoped3A_245 = tpu.sem_alloc : memref<!tpu.dma_semaphore, #tpu.memory_space<semaphore_mem>>
        %dma_start3A_246 = tpu.memref_slice %arg2[%run_scoped3A_94, %mul3A_93] : memref<2x320000xi32, #tpu.memory_space<hbm>> -> memref<1x128xi32, #tpu.memory_space<hbm>>
        %dma_start3A_247 = tpu.memref_squeeze %dma_start3A_246 : memref<1x128xi32, #tpu.memory_space<hbm>> -> memref<128xi32, #tpu.memory_space<hbm>>
        %dma_start3A_248 = tpu.memref_slice %arg2[%run_scoped3A_94, %mul3A_93] : memref<2x320000xi32, #tpu.memory_space<hbm>> -> memref<1x128xi32, #tpu.memory_space<hbm>>
        %dma_start3A_249 = tpu.memref_squeeze %dma_start3A_248 : memref<1x128xi32, #tpu.memory_space<hbm>> -> memref<128xi32, #tpu.memory_space<hbm>>
        tpu.enqueue_dma source(%dma_start3A_249 : memref<128xi32, #tpu.memory_space<hbm>>) target(%arg10 : memref<128xi32, #tpu.memory_space<vmem>>) target_semaphore(%run_scoped3A_245 : memref<!tpu.dma_semaphore, #tpu.memory_space<semaphore_mem>>)
        %dma_wait3A_250 = tpu.memref_slice %arg2[%run_scoped3A_94, %mul3A_93] : memref<2x320000xi32, #tpu.memory_space<hbm>> -> memref<1x128xi32, #tpu.memory_space<hbm>>
        %dma_wait3A_251 = tpu.memref_squeeze %dma_wait3A_250 : memref<1x128xi32, #tpu.memory_space<hbm>> -> memref<128xi32, #tpu.memory_space<hbm>>
        %dma_wait3A_252 = tpu.memref_slice %arg2[%run_scoped3A_94, %mul3A_93] : memref<2x320000xi32, #tpu.memory_space<hbm>> -> memref<1x128xi32, #tpu.memory_space<hbm>>
        %dma_wait3A_253 = tpu.memref_squeeze %dma_wait3A_252 : memref<1x128xi32, #tpu.memory_space<hbm>> -> memref<128xi32, #tpu.memory_space<hbm>>
        tpu.wait_dma2 semaphore(%run_scoped3A_245 : memref<!tpu.dma_semaphore, #tpu.memory_space<semaphore_mem>>) src(%dma_wait3A_253 : memref<128xi32, #tpu.memory_space<hbm>>) dst(%arg10 : memref<128xi32, #tpu.memory_space<vmem>>)
        tpu.yield
      }) : () -> ()
      %dma_start3A_95 = arith.constant 0 : i32
      %dma_start3A_96 = arith.constant 0 : i32
      %dma_start3A_97 = tpu.memref_slice %arg5[%arg0, %dma_start3A_95, %dma_start3A_96] : memref<2x10000x64xf32, #tpu.memory_space<hbm>> -> memref<1x10000x64xf32, #tpu.memory_space<hbm>>
      %dma_start3A_98 = tpu.memref_squeeze %dma_start3A_97 : memref<1x10000x64xf32, #tpu.memory_space<hbm>> -> memref<10000x64xf32, #tpu.memory_space<hbm>>
      %dma_start3A_99 = arith.constant 0 : i32
      %dma_start3A_100 = arith.constant 0 : i32
      %dma_start3A_101 = tpu.memref_slice %dma_start3A_98[%dma_start3A_99, %dma_start3A_100] : memref<10000x64xf32, #tpu.memory_space<hbm>> -> memref<10000x64xf32, #tpu.memory_space<hbm>>
      tpu.enqueue_indirect_dma source(%dma_start3A_101 : memref<10000x64xf32, #tpu.memory_space<hbm>>) target(%arg11 : memref<128x64xf32, #tpu.memory_space<vmem>>) offsets(%arg9 : memref<128xi32, #tpu.memory_space<vmem>>) semaphore(%arg23 : memref<!tpu.dma_semaphore, #tpu.memory_space<semaphore_mem>>)
      %dma_wait3A_102 = arith.constant 0 : i32
      %dma_wait3A_103 = arith.constant 0 : i32
      %dma_wait3A_104 = tpu.memref_slice %arg5[%arg0, %dma_wait3A_102, %dma_wait3A_103] : memref<2x10000x64xf32, #tpu.memory_space<hbm>> -> memref<1x10000x64xf32, #tpu.memory_space<hbm>>
      %dma_wait3A_105 = tpu.memref_squeeze %dma_wait3A_104 : memref<1x10000x64xf32, #tpu.memory_space<hbm>> -> memref<10000x64xf32, #tpu.memory_space<hbm>>
      %dma_wait3A_106 = arith.constant 0 : i32
      %dma_wait3A_107 = arith.constant 0 : i32
      %dma_wait3A_108 = tpu.memref_slice %dma_wait3A_105[%dma_wait3A_106, %dma_wait3A_107] : memref<10000x64xf32, #tpu.memory_space<hbm>> -> memref<10000x64xf32, #tpu.memory_space<hbm>>
      tpu.wait_indirect_dma semaphore(%arg23 : memref<!tpu.dma_semaphore, #tpu.memory_space<semaphore_mem>>) src(%dma_wait3A_108 : memref<10000x64xf32, #tpu.memory_space<hbm>>) dst(%arg11 : memref<128x64xf32, #tpu.memory_space<vmem>>)
      %get3A = arith.constant 0 : index
      %get3A_109 = tpu.vector_load %arg9[%get3A] {strides = array<i32>} : memref<128xi32, #tpu.memory_space<vmem>>, vector<16xi32>,
      %get3A_110 = arith.constant 16 : index
      %get3A_111 = tpu.vector_load %arg9[%get3A_110] {strides = array<i32>} : memref<128xi32, #tpu.memory_space<vmem>>, vector<16xi32>,
      %get3A_112 = arith.constant 32 : index
      %get3A_113 = tpu.vector_load %arg9[%get3A_112] {strides = array<i32>} : memref<128xi32, #tpu.memory_space<vmem>>, vector<16xi32>,
      %get3A_114 = arith.constant 48 : index
      %get3A_115 = tpu.vector_load %arg9[%get3A_114] {strides = array<i32>} : memref<128xi32, #tpu.memory_space<vmem>>, vector<16xi32>,
      %get3A_116 = arith.constant 64 : index
      %get3A_117 = tpu.vector_load %arg9[%get3A_116] {strides = array<i32>} : memref<128xi32, #tpu.memory_space<vmem>>, vector<16xi32>,
      %get3A_118 = arith.constant 80 : index
      %get3A_119 = tpu.vector_load %arg9[%get3A_118] {strides = array<i32>} : memref<128xi32, #tpu.memory_space<vmem>>, vector<16xi32>,
      %get3A_120 = arith.constant 96 : index
      %get3A_121 = tpu.vector_load %arg9[%get3A_120] {strides = array<i32>} : memref<128xi32, #tpu.memory_space<vmem>>, vector<16xi32>,
      %get3A_122 = arith.constant 112 : index
      %get3A_123 = tpu.vector_load %arg9[%get3A_122] {strides = array<i32>} : memref<128xi32, #tpu.memory_space<vmem>>, vector<16xi32>,
      %get3A_124 = arith.constant 0 : index
      %get3A_125 = tpu.vector_load %arg10[%get3A_124] {strides = array<i32>} : memref<128xi32, #tpu.memory_space<vmem>>, vector<16xi32>,
      %get3A_126 = arith.constant 16 : index
      %get3A_127 = tpu.vector_load %arg10[%get3A_126] {strides = array<i32>} : memref<128xi32, #tpu.memory_space<vmem>>, vector<16xi32>,
      %get3A_128 = arith.constant 32 : index
      %get3A_129 = tpu.vector_load %arg10[%get3A_128] {strides = array<i32>} : memref<128xi32, #tpu.memory_space<vmem>>, vector<16xi32>,
      %get3A_130 = arith.constant 48 : index
      %get3A_131 = tpu.vector_load %arg10[%get3A_130] {strides = array<i32>} : memref<128xi32, #tpu.memory_space<vmem>>, vector<16xi32>,
      %get3A_132 = arith.constant 64 : index
      %get3A_133 = tpu.vector_load %arg10[%get3A_132] {strides = array<i32>} : memref<128xi32, #tpu.memory_space<vmem>>, vector<16xi32>,
      %get3A_134 = arith.constant 80 : index
      %get3A_135 = tpu.vector_load %arg10[%get3A_134] {strides = array<i32>} : memref<128xi32, #tpu.memory_space<vmem>>, vector<16xi32>,
      %get3A_136 = arith.constant 96 : index
      %get3A_137 = tpu.vector_load %arg10[%get3A_136] {strides = array<i32>} : memref<128xi32, #tpu.memory_space<vmem>>, vector<16xi32>,
      %get3A_138 = arith.constant 112 : index
      %get3A_139 = tpu.vector_load %arg10[%get3A_138] {strides = array<i32>} : memref<128xi32, #tpu.memory_space<vmem>>, vector<16xi32>,
      %gather3A = tpu.vector_load_idx %arg7[%get3A_109] : memref<10000xf32, #tpu.memory_space<vmem>>[vector<16xi32>], vector<16xf32>,
      %gather3A_140 = tpu.vector_load_idx %arg7[%get3A_111] : memref<10000xf32, #tpu.memory_space<vmem>>[vector<16xi32>], vector<16xf32>,
      %gather3A_141 = tpu.vector_load_idx %arg7[%get3A_113] : memref<10000xf32, #tpu.memory_space<vmem>>[vector<16xi32>], vector<16xf32>,
      %gather3A_142 = tpu.vector_load_idx %arg7[%get3A_115] : memref<10000xf32, #tpu.memory_space<vmem>>[vector<16xi32>], vector<16xf32>,
      %gather3A_143 = tpu.vector_load_idx %arg7[%get3A_117] : memref<10000xf32, #tpu.memory_space<vmem>>[vector<16xi32>], vector<16xf32>,
      %gather3A_144 = tpu.vector_load_idx %arg7[%get3A_119] : memref<10000xf32, #tpu.memory_space<vmem>>[vector<16xi32>], vector<16xf32>,
      %gather3A_145 = tpu.vector_load_idx %arg7[%get3A_121] : memref<10000xf32, #tpu.memory_space<vmem>>[vector<16xi32>], vector<16xf32>,
      %gather3A_146 = tpu.vector_load_idx %arg7[%get3A_123] : memref<10000xf32, #tpu.memory_space<vmem>>[vector<16xi32>], vector<16xf32>,
      %gather3A_147 = tpu.vector_load_idx %arg8[%get3A_125] : memref<10000xf32, #tpu.memory_space<vmem>>[vector<16xi32>], vector<16xf32>,
      %gather3A_148 = tpu.vector_load_idx %arg8[%get3A_127] : memref<10000xf32, #tpu.memory_space<vmem>>[vector<16xi32>], vector<16xf32>,
      %gather3A_149 = tpu.vector_load_idx %arg8[%get3A_129] : memref<10000xf32, #tpu.memory_space<vmem>>[vector<16xi32>], vector<16xf32>,
      %gather3A_150 = tpu.vector_load_idx %arg8[%get3A_131] : memref<10000xf32, #tpu.memory_space<vmem>>[vector<16xi32>], vector<16xf32>,
      %gather3A_151 = tpu.vector_load_idx %arg8[%get3A_133] : memref<10000xf32, #tpu.memory_space<vmem>>[vector<16xi32>], vector<16xf32>,
      %gather3A_152 = tpu.vector_load_idx %arg8[%get3A_135] : memref<10000xf32, #tpu.memory_space<vmem>>[vector<16xi32>], vector<16xf32>,
      %gather3A_153 = tpu.vector_load_idx %arg8[%get3A_137] : memref<10000xf32, #tpu.memory_space<vmem>>[vector<16xi32>], vector<16xf32>,
      %gather3A_154 = tpu.vector_load_idx %arg8[%get3A_139] : memref<10000xf32, #tpu.memory_space<vmem>>[vector<16xi32>], vector<16xf32>,
      %add3A_155 = arith.addf %gather3A, %gather3A_147 : vector<16xf32>
      %ge3A = arith.constant 0.000000e+00 : f32
      %ge3A_156 = vector.broadcast %ge3A : f32 to vector<16xf32>
      %ge3A_157 = arith.cmpf oge, %add3A_155, %ge3A_156 : vector<16xf32>
      %mul3A_158 = arith.constant 2.000000e-01 : f32
      %mul3A_159 = vector.broadcast %mul3A_158 : f32 to vector<16xf32>
      %mul3A_160 = arith.mulf %mul3A_159, %add3A_155 : vector<16xf32>
      %select_n3A = arith.select %ge3A_157, %add3A_155, %mul3A_160 : vector<16xi1>, vector<16xf32>
      %exp3A = math.exp %select_n3A : vector<16xf32>
      %swap3A = arith.constant 0 : index
      %swap3A_161 = tpu.vector_load %arg19[%swap3A] {strides = array<i32>} : memref<128xf32, #tpu.memory_space<vmem>>, vector<16xf32>,
      tpu.vector_store %arg19[%swap3A], %exp3A {strides = array<i32>} : memref<128xf32, #tpu.memory_space<vmem>>, vector<16xf32>,
      %add3A_162 = arith.addf %gather3A_140, %gather3A_148 : vector<16xf32>
      %ge3A_163 = arith.constant 0.000000e+00 : f32
      %ge3A_164 = vector.broadcast %ge3A_163 : f32 to vector<16xf32>
      %ge3A_165 = arith.cmpf oge, %add3A_162, %ge3A_164 : vector<16xf32>
      %mul3A_166 = arith.constant 2.000000e-01 : f32
      %mul3A_167 = vector.broadcast %mul3A_166 : f32 to vector<16xf32>
      %mul3A_168 = arith.mulf %mul3A_167, %add3A_162 : vector<16xf32>
      %select_n3A_169 = arith.select %ge3A_165, %add3A_162, %mul3A_168 : vector<16xi1>, vector<16xf32>
      %exp3A_170 = math.exp %select_n3A_169 : vector<16xf32>
      %swap3A_171 = arith.constant 16 : index
      %swap3A_172 = tpu.vector_load %arg19[%swap3A_171] {strides = array<i32>} : memref<128xf32, #tpu.memory_space<vmem>>, vector<16xf32>,
      tpu.vector_store %arg19[%swap3A_171], %exp3A_170 {strides = array<i32>} : memref<128xf32, #tpu.memory_space<vmem>>, vector<16xf32>,
      %add3A_173 = arith.addf %gather3A_141, %gather3A_149 : vector<16xf32>
      %ge3A_174 = arith.constant 0.000000e+00 : f32
      %ge3A_175 = vector.broadcast %ge3A_174 : f32 to vector<16xf32>
      %ge3A_176 = arith.cmpf oge, %add3A_173, %ge3A_175 : vector<16xf32>
      %mul3A_177 = arith.constant 2.000000e-01 : f32
      %mul3A_178 = vector.broadcast %mul3A_177 : f32 to vector<16xf32>
      %mul3A_179 = arith.mulf %mul3A_178, %add3A_173 : vector<16xf32>
      %select_n3A_180 = arith.select %ge3A_176, %add3A_173, %mul3A_179 : vector<16xi1>, vector<16xf32>
      %exp3A_181 = math.exp %select_n3A_180 : vector<16xf32>
      %swap3A_182 = arith.constant 32 : index
      %swap3A_183 = tpu.vector_load %arg19[%swap3A_182] {strides = array<i32>} : memref<128xf32, #tpu.memory_space<vmem>>, vector<16xf32>,
      tpu.vector_store %arg19[%swap3A_182], %exp3A_181 {strides = array<i32>} : memref<128xf32, #tpu.memory_space<vmem>>, vector<16xf32>,
      %add3A_184 = arith.addf %gather3A_142, %gather3A_150 : vector<16xf32>
      %ge3A_185 = arith.constant 0.000000e+00 : f32
      %ge3A_186 = vector.broadcast %ge3A_185 : f32 to vector<16xf32>
      %ge3A_187 = arith.cmpf oge, %add3A_184, %ge3A_186 : vector<16xf32>
      %mul3A_188 = arith.constant 2.000000e-01 : f32
      %mul3A_189 = vector.broadcast %mul3A_188 : f32 to vector<16xf32>
      %mul3A_190 = arith.mulf %mul3A_189, %add3A_184 : vector<16xf32>
      %select_n3A_191 = arith.select %ge3A_187, %add3A_184, %mul3A_190 : vector<16xi1>, vector<16xf32>
      %exp3A_192 = math.exp %select_n3A_191 : vector<16xf32>
      %swap3A_193 = arith.constant 48 : index
      %swap3A_194 = tpu.vector_load %arg19[%swap3A_193] {strides = array<i32>} : memref<128xf32, #tpu.memory_space<vmem>>, vector<16xf32>,
      tpu.vector_store %arg19[%swap3A_193], %exp3A_192 {strides = array<i32>} : memref<128xf32, #tpu.memory_space<vmem>>, vector<16xf32>,
      %add3A_195 = arith.addf %gather3A_143, %gather3A_151 : vector<16xf32>
      %ge3A_196 = arith.constant 0.000000e+00 : f32
      %ge3A_197 = vector.broadcast %ge3A_196 : f32 to vector<16xf32>
      %ge3A_198 = arith.cmpf oge, %add3A_195, %ge3A_197 : vector<16xf32>
      %mul3A_199 = arith.constant 2.000000e-01 : f32
      %mul3A_200 = vector.broadcast %mul3A_199 : f32 to vector<16xf32>
      %mul3A_201 = arith.mulf %mul3A_200, %add3A_195 : vector<16xf32>
      %select_n3A_202 = arith.select %ge3A_198, %add3A_195, %mul3A_201 : vector<16xi1>, vector<16xf32>
      %exp3A_203 = math.exp %select_n3A_202 : vector<16xf32>
      %swap3A_204 = arith.constant 64 : index
      %swap3A_205 = tpu.vector_load %arg19[%swap3A_204] {strides = array<i32>} : memref<128xf32, #tpu.memory_space<vmem>>, vector<16xf32>,
      tpu.vector_store %arg19[%swap3A_204], %exp3A_203 {strides = array<i32>} : memref<128xf32, #tpu.memory_space<vmem>>, vector<16xf32>,
      %add3A_206 = arith.addf %gather3A_144, %gather3A_152 : vector<16xf32>
      %ge3A_207 = arith.constant 0.000000e+00 : f32
      %ge3A_208 = vector.broadcast %ge3A_207 : f32 to vector<16xf32>
      %ge3A_209 = arith.cmpf oge, %add3A_206, %ge3A_208 : vector<16xf32>
      %mul3A_210 = arith.constant 2.000000e-01 : f32
      %mul3A_211 = vector.broadcast %mul3A_210 : f32 to vector<16xf32>
      %mul3A_212 = arith.mulf %mul3A_211, %add3A_206 : vector<16xf32>
      %select_n3A_213 = arith.select %ge3A_209, %add3A_206, %mul3A_212 : vector<16xi1>, vector<16xf32>
      %exp3A_214 = math.exp %select_n3A_213 : vector<16xf32>
      %swap3A_215 = arith.constant 80 : index
      %swap3A_216 = tpu.vector_load %arg19[%swap3A_215] {strides = array<i32>} : memref<128xf32, #tpu.memory_space<vmem>>, vector<16xf32>,
      tpu.vector_store %arg19[%swap3A_215], %exp3A_214 {strides = array<i32>} : memref<128xf32, #tpu.memory_space<vmem>>, vector<16xf32>,
      %add3A_217 = arith.addf %gather3A_145, %gather3A_153 : vector<16xf32>
      %ge3A_218 = arith.constant 0.000000e+00 : f32
      %ge3A_219 = vector.broadcast %ge3A_218 : f32 to vector<16xf32>
      %ge3A_220 = arith.cmpf oge, %add3A_217, %ge3A_219 : vector<16xf32>
      %mul3A_221 = arith.constant 2.000000e-01 : f32
      %mul3A_222 = vector.broadcast %mul3A_221 : f32 to vector<16xf32>
      %mul3A_223 = arith.mulf %mul3A_222, %add3A_217 : vector<16xf32>
      %select_n3A_224 = arith.select %ge3A_220, %add3A_217, %mul3A_223 : vector<16xi1>, vector<16xf32>
      %exp3A_225 = math.exp %select_n3A_224 : vector<16xf32>
      %swap3A_226 = arith.constant 96 : index
      %swap3A_227 = tpu.vector_load %arg19[%swap3A_226] {strides = array<i32>} : memref<128xf32, #tpu.memory_space<vmem>>, vector<16xf32>,
      tpu.vector_store %arg19[%swap3A_226], %exp3A_225 {strides = array<i32>} : memref<128xf32, #tpu.memory_space<vmem>>, vector<16xf32>,
      %add3A_228 = arith.addf %gather3A_146, %gather3A_154 : vector<16xf32>
      %ge3A_229 = arith.constant 0.000000e+00 : f32
      %ge3A_230 = vector.broadcast %ge3A_229 : f32 to vector<16xf32>
      %ge3A_231 = arith.cmpf oge, %add3A_228, %ge3A_230 : vector<16xf32>
      %mul3A_232 = arith.constant 2.000000e-01 : f32
      %mul3A_233 = vector.broadcast %mul3A_232 : f32 to vector<16xf32>
      %mul3A_234 = arith.mulf %mul3A_233, %add3A_228 : vector<16xf32>
      %select_n3A_235 = arith.select %ge3A_231, %add3A_228, %mul3A_234 : vector<16xi1>, vector<16xf32>
      %exp3A_236 = math.exp %select_n3A_235 : vector<16xf32>
      %swap3A_237 = arith.constant 112 : index
      %swap3A_238 = tpu.vector_load %arg19[%swap3A_237] {strides = array<i32>} : memref<128xf32, #tpu.memory_space<vmem>>, vector<16xf32>,
      tpu.vector_store %arg19[%swap3A_237], %exp3A_236 {strides = array<i32>} : memref<128xf32, #tpu.memory_space<vmem>>, vector<16xf32>,
      %iota3A = tpu.iota {dimensions = array<i32: 0>} : vector<16xi32>
      %scan3A_239 = arith.constant 0 : i32
      %scan3A_240 = arith.constant 0 : i32
      %scan3A_241 = arith.constant 16 : i32
      %scan3A_242 = arith.addi %scan3A_240, %scan3A_241 : i32
      %scan3A_243 = arith.constant 1 : i32
      scf.for %scan3A_245 = %scan3A_240 to %scan3A_242 step %scan3A_243  : i32 {
        %mul3A_246 = arith.constant 8 : i32
        %mul3A_247 = arith.muli %mul3A_246, %scan3A_245 : i32
        %add3A_248 = arith.constant 0 : i32
        %add3A_249 = arith.addi %mul3A_247, %add3A_248 : i32
        %broadcast_in_dim3A = vector.broadcast %add3A_249 : i32 to vector<16xi32>
        %gather3A_250 = tpu.vector_load_idx %arg19[%broadcast_in_dim3A] : memref<128xf32, #tpu.memory_space<vmem>>[vector<16xi32>], vector<16xf32>,
        %add3A_251 = arith.constant 1 : i32
        %add3A_252 = arith.addi %mul3A_247, %add3A_251 : i32
        %broadcast_in_dim3A_253 = vector.broadcast %add3A_252 : i32 to vector<16xi32>
        %gather3A_254 = tpu.vector_load_idx %arg19[%broadcast_in_dim3A_253] : memref<128xf32, #tpu.memory_space<vmem>>[vector<16xi32>], vector<16xf32>,
        %add3A_255 = arith.constant 2 : i32
        %add3A_256 = arith.addi %mul3A_247, %add3A_255 : i32
        %broadcast_in_dim3A_257 = vector.broadcast %add3A_256 : i32 to vector<16xi32>
        %gather3A_258 = tpu.vector_load_idx %arg19[%broadcast_in_dim3A_257] : memref<128xf32, #tpu.memory_space<vmem>>[vector<16xi32>], vector<16xf32>,
        %add3A_259 = arith.constant 3 : i32
        %add3A_260 = arith.addi %mul3A_247, %add3A_259 : i32
        %broadcast_in_dim3A_261 = vector.broadcast %add3A_260 : i32 to vector<16xi32>
        %gather3A_262 = tpu.vector_load_idx %arg19[%broadcast_in_dim3A_261] : memref<128xf32, #tpu.memory_space<vmem>>[vector<16xi32>], vector<16xf32>,
        %add3A_263 = arith.constant 4 : i32
        %add3A_264 = arith.addi %mul3A_247, %add3A_263 : i32
        %broadcast_in_dim3A_265 = vector.broadcast %add3A_264 : i32 to vector<16xi32>
        %gather3A_266 = tpu.vector_load_idx %arg19[%broadcast_in_dim3A_265] : memref<128xf32, #tpu.memory_space<vmem>>[vector<16xi32>], vector<16xf32>,
        %add3A_267 = arith.constant 5 : i32
        %add3A_268 = arith.addi %mul3A_247, %add3A_267 : i32
        %broadcast_in_dim3A_269 = vector.broadcast %add3A_268 : i32 to vector<16xi32>
        %gather3A_270 = tpu.vector_load_idx %arg19[%broadcast_in_dim3A_269] : memref<128xf32, #tpu.memory_space<vmem>>[vector<16xi32>], vector<16xf32>,
        %add3A_271 = arith.constant 6 : i32
        %add3A_272 = arith.addi %mul3A_247, %add3A_271 : i32
        %broadcast_in_dim3A_273 = vector.broadcast %add3A_272 : i32 to vector<16xi32>
        %gather3A_274 = tpu.vector_load_idx %arg19[%broadcast_in_dim3A_273] : memref<128xf32, #tpu.memory_space<vmem>>[vector<16xi32>], vector<16xf32>,
        %add3A_275 = arith.constant 7 : i32
        %add3A_276 = arith.addi %mul3A_247, %add3A_275 : i32
        %broadcast_in_dim3A_277 = vector.broadcast %add3A_276 : i32 to vector<16xi32>
        %gather3A_278 = tpu.vector_load_idx %arg19[%broadcast_in_dim3A_277] : memref<128xf32, #tpu.memory_space<vmem>>[vector<16xi32>], vector<16xf32>,
        %add3A_279 = arith.constant 0 : i32
        %add3A_280 = arith.addi %mul3A_247, %add3A_279 : i32
        %get3A_281 = arith.index_cast %add3A_280 : i32 to index
        %get3A_282 = arith.constant 0 : index
        %get3A_283 = tpu.vector_load %arg11[%get3A_281, %get3A_282] {strides = array<i32>} : memref<128x64xf32, #tpu.memory_space<vmem>>, vector<16xf32>,
        %add3A_284 = arith.constant 0 : i32
        %add3A_285 = arith.addi %mul3A_247, %add3A_284 : i32
        %get3A_286 = arith.index_cast %add3A_285 : i32 to index
        %get3A_287 = arith.constant 16 : index
        %get3A_288 = tpu.vector_load %arg11[%get3A_286, %get3A_287] {strides = array<i32>} : memref<128x64xf32, #tpu.memory_space<vmem>>, vector<16xf32>,
        %add3A_289 = arith.constant 0 : i32
        %add3A_290 = arith.addi %mul3A_247, %add3A_289 : i32
        %get3A_291 = arith.index_cast %add3A_290 : i32 to index
        %get3A_292 = arith.constant 32 : index
        %get3A_293 = tpu.vector_load %arg11[%get3A_291, %get3A_292] {strides = array<i32>} : memref<128x64xf32, #tpu.memory_space<vmem>>, vector<16xf32>,
        %add3A_294 = arith.constant 0 : i32
        %add3A_295 = arith.addi %mul3A_247, %add3A_294 : i32
        %get3A_296 = arith.index_cast %add3A_295 : i32 to index
        %get3A_297 = arith.constant 48 : index
        %get3A_298 = tpu.vector_load %arg11[%get3A_296, %get3A_297] {strides = array<i32>} : memref<128x64xf32, #tpu.memory_space<vmem>>, vector<16xf32>,
        %add3A_299 = arith.constant 1 : i32
        %add3A_300 = arith.addi %mul3A_247, %add3A_299 : i32
        %get3A_301 = arith.index_cast %add3A_300 : i32 to index
        %get3A_302 = arith.constant 0 : index
        %get3A_303 = tpu.vector_load %arg11[%get3A_301, %get3A_302] {strides = array<i32>} : memref<128x64xf32, #tpu.memory_space<vmem>>, vector<16xf32>,
        %add3A_304 = arith.constant 1 : i32
        %add3A_305 = arith.addi %mul3A_247, %add3A_304 : i32
        %get3A_306 = arith.index_cast %add3A_305 : i32 to index
        %get3A_307 = arith.constant 16 : index
        %get3A_308 = tpu.vector_load %arg11[%get3A_306, %get3A_307] {strides = array<i32>} : memref<128x64xf32, #tpu.memory_space<vmem>>, vector<16xf32>,
        %add3A_309 = arith.constant 1 : i32
        %add3A_310 = arith.addi %mul3A_247, %add3A_309 : i32
        %get3A_311 = arith.index_cast %add3A_310 : i32 to index
        %get3A_312 = arith.constant 32 : index
        %get3A_313 = tpu.vector_load %arg11[%get3A_311, %get3A_312] {strides = array<i32>} : memref<128x64xf32, #tpu.memory_space<vmem>>, vector<16xf32>,
        %add3A_314 = arith.constant 1 : i32
        %add3A_315 = arith.addi %mul3A_247, %add3A_314 : i32
        %get3A_316 = arith.index_cast %add3A_315 : i32 to index
        %get3A_317 = arith.constant 48 : index
        %get3A_318 = tpu.vector_load %arg11[%get3A_316, %get3A_317] {strides = array<i32>} : memref<128x64xf32, #tpu.memory_space<vmem>>, vector<16xf32>,
        %add3A_319 = arith.constant 2 : i32
        %add3A_320 = arith.addi %mul3A_247, %add3A_319 : i32
        %get3A_321 = arith.index_cast %add3A_320 : i32 to index
        %get3A_322 = arith.constant 0 : index
        %get3A_323 = tpu.vector_load %arg11[%get3A_321, %get3A_322] {strides = array<i32>} : memref<128x64xf32, #tpu.memory_space<vmem>>, vector<16xf32>,
        %add3A_324 = arith.constant 2 : i32
        %add3A_325 = arith.addi %mul3A_247, %add3A_324 : i32
        %get3A_326 = arith.index_cast %add3A_325 : i32 to index
        %get3A_327 = arith.constant 16 : index
        %get3A_328 = tpu.vector_load %arg11[%get3A_326, %get3A_327] {strides = array<i32>} : memref<128x64xf32, #tpu.memory_space<vmem>>, vector<16xf32>,
        %add3A_329 = arith.constant 2 : i32
        %add3A_330 = arith.addi %mul3A_247, %add3A_329 : i32
        %get3A_331 = arith.index_cast %add3A_330 : i32 to index
        %get3A_332 = arith.constant 32 : index
        %get3A_333 = tpu.vector_load %arg11[%get3A_331, %get3A_332] {strides = array<i32>} : memref<128x64xf32, #tpu.memory_space<vmem>>, vector<16xf32>,
        %add3A_334 = arith.constant 2 : i32
        %add3A_335 = arith.addi %mul3A_247, %add3A_334 : i32
        %get3A_336 = arith.index_cast %add3A_335 : i32 to index
        %get3A_337 = arith.constant 48 : index
        %get3A_338 = tpu.vector_load %arg11[%get3A_336, %get3A_337] {strides = array<i32>} : memref<128x64xf32, #tpu.memory_space<vmem>>, vector<16xf32>,
        %add3A_339 = arith.constant 3 : i32
        %add3A_340 = arith.addi %mul3A_247, %add3A_339 : i32
        %get3A_341 = arith.index_cast %add3A_340 : i32 to index
        %get3A_342 = arith.constant 0 : index
        %get3A_343 = tpu.vector_load %arg11[%get3A_341, %get3A_342] {strides = array<i32>} : memref<128x64xf32, #tpu.memory_space<vmem>>, vector<16xf32>,
        %add3A_344 = arith.constant 3 : i32
        %add3A_345 = arith.addi %mul3A_247, %add3A_344 : i32
        %get3A_346 = arith.index_cast %add3A_345 : i32 to index
        %get3A_347 = arith.constant 16 : index
        %get3A_348 = tpu.vector_load %arg11[%get3A_346, %get3A_347] {strides = array<i32>} : memref<128x64xf32, #tpu.memory_space<vmem>>, vector<16xf32>,
        %add3A_349 = arith.constant 3 : i32
        %add3A_350 = arith.addi %mul3A_247, %add3A_349 : i32
        %get3A_351 = arith.index_cast %add3A_350 : i32 to index
        %get3A_352 = arith.constant 32 : index
        %get3A_353 = tpu.vector_load %arg11[%get3A_351, %get3A_352] {strides = array<i32>} : memref<128x64xf32, #tpu.memory_space<vmem>>, vector<16xf32>,
        %add3A_354 = arith.constant 3 : i32
        %add3A_355 = arith.addi %mul3A_247, %add3A_354 : i32
        %get3A_356 = arith.index_cast %add3A_355 : i32 to index
        %get3A_357 = arith.constant 48 : index
        %get3A_358 = tpu.vector_load %arg11[%get3A_356, %get3A_357] {strides = array<i32>} : memref<128x64xf32, #tpu.memory_space<vmem>>, vector<16xf32>,
        %add3A_359 = arith.constant 4 : i32
        %add3A_360 = arith.addi %mul3A_247, %add3A_359 : i32
        %get3A_361 = arith.index_cast %add3A_360 : i32 to index
        %get3A_362 = arith.constant 0 : index
        %get3A_363 = tpu.vector_load %arg11[%get3A_361, %get3A_362] {strides = array<i32>} : memref<128x64xf32, #tpu.memory_space<vmem>>, vector<16xf32>,
        %add3A_364 = arith.constant 4 : i32
        %add3A_365 = arith.addi %mul3A_247, %add3A_364 : i32
        %get3A_366 = arith.index_cast %add3A_365 : i32 to index
        %get3A_367 = arith.constant 16 : index
        %get3A_368 = tpu.vector_load %arg11[%get3A_366, %get3A_367] {strides = array<i32>} : memref<128x64xf32, #tpu.memory_space<vmem>>, vector<16xf32>,
        %add3A_369 = arith.constant 4 : i32
        %add3A_370 = arith.addi %mul3A_247, %add3A_369 : i32
        %get3A_371 = arith.index_cast %add3A_370 : i32 to index
        %get3A_372 = arith.constant 32 : index
        %get3A_373 = tpu.vector_load %arg11[%get3A_371, %get3A_372] {strides = array<i32>} : memref<128x64xf32, #tpu.memory_space<vmem>>, vector<16xf32>,
        %add3A_374 = arith.constant 4 : i32
        %add3A_375 = arith.addi %mul3A_247, %add3A_374 : i32
        %get3A_376 = arith.index_cast %add3A_375 : i32 to index
        %get3A_377 = arith.constant 48 : index
        %get3A_378 = tpu.vector_load %arg11[%get3A_376, %get3A_377] {strides = array<i32>} : memref<128x64xf32, #tpu.memory_space<vmem>>, vector<16xf32>,
        %add3A_379 = arith.constant 5 : i32
        %add3A_380 = arith.addi %mul3A_247, %add3A_379 : i32
        %get3A_381 = arith.index_cast %add3A_380 : i32 to index
        %get3A_382 = arith.constant 0 : index
        %get3A_383 = tpu.vector_load %arg11[%get3A_381, %get3A_382] {strides = array<i32>} : memref<128x64xf32, #tpu.memory_space<vmem>>, vector<16xf32>,
        %add3A_384 = arith.constant 5 : i32
        %add3A_385 = arith.addi %mul3A_247, %add3A_384 : i32
        %get3A_386 = arith.index_cast %add3A_385 : i32 to index
        %get3A_387 = arith.constant 16 : index
        %get3A_388 = tpu.vector_load %arg11[%get3A_386, %get3A_387] {strides = array<i32>} : memref<128x64xf32, #tpu.memory_space<vmem>>, vector<16xf32>,
        %add3A_389 = arith.constant 5 : i32
        %add3A_390 = arith.addi %mul3A_247, %add3A_389 : i32
        %get3A_391 = arith.index_cast %add3A_390 : i32 to index
        %get3A_392 = arith.constant 32 : index
        %get3A_393 = tpu.vector_load %arg11[%get3A_391, %get3A_392] {strides = array<i32>} : memref<128x64xf32, #tpu.memory_space<vmem>>, vector<16xf32>,
        %add3A_394 = arith.constant 5 : i32
        %add3A_395 = arith.addi %mul3A_247, %add3A_394 : i32
        %get3A_396 = arith.index_cast %add3A_395 : i32 to index
        %get3A_397 = arith.constant 48 : index
        %get3A_398 = tpu.vector_load %arg11[%get3A_396, %get3A_397] {strides = array<i32>} : memref<128x64xf32, #tpu.memory_space<vmem>>, vector<16xf32>,
        %add3A_399 = arith.constant 6 : i32
        %add3A_400 = arith.addi %mul3A_247, %add3A_399 : i32
        %get3A_401 = arith.index_cast %add3A_400 : i32 to index
        %get3A_402 = arith.constant 0 : index
        %get3A_403 = tpu.vector_load %arg11[%get3A_401, %get3A_402] {strides = array<i32>} : memref<128x64xf32, #tpu.memory_space<vmem>>, vector<16xf32>,
        %add3A_404 = arith.constant 6 : i32
        %add3A_405 = arith.addi %mul3A_247, %add3A_404 : i32
        %get3A_406 = arith.index_cast %add3A_405 : i32 to index
        %get3A_407 = arith.constant 16 : index
        %get3A_408 = tpu.vector_load %arg11[%get3A_406, %get3A_407] {strides = array<i32>} : memref<128x64xf32, #tpu.memory_space<vmem>>, vector<16xf32>,
        %add3A_409 = arith.constant 6 : i32
        %add3A_410 = arith.addi %mul3A_247, %add3A_409 : i32
        %get3A_411 = arith.index_cast %add3A_410 : i32 to index
        %get3A_412 = arith.constant 32 : index
        %get3A_413 = tpu.vector_load %arg11[%get3A_411, %get3A_412] {strides = array<i32>} : memref<128x64xf32, #tpu.memory_space<vmem>>, vector<16xf32>,
        %add3A_414 = arith.constant 6 : i32
        %add3A_415 = arith.addi %mul3A_247, %add3A_414 : i32
        %get3A_416 = arith.index_cast %add3A_415 : i32 to index
        %get3A_417 = arith.constant 48 : index
        %get3A_418 = tpu.vector_load %arg11[%get3A_416, %get3A_417] {strides = array<i32>} : memref<128x64xf32, #tpu.memory_space<vmem>>, vector<16xf32>,
        %add3A_419 = arith.constant 7 : i32
        %add3A_420 = arith.addi %mul3A_247, %add3A_419 : i32
        %get3A_421 = arith.index_cast %add3A_420 : i32 to index
        %get3A_422 = arith.constant 0 : index
        %get3A_423 = tpu.vector_load %arg11[%get3A_421, %get3A_422] {strides = array<i32>} : memref<128x64xf32, #tpu.memory_space<vmem>>, vector<16xf32>,
        %add3A_424 = arith.constant 7 : i32
        %add3A_425 = arith.addi %mul3A_247, %add3A_424 : i32
        %get3A_426 = arith.index_cast %add3A_425 : i32 to index
        %get3A_427 = arith.constant 16 : index
        %get3A_428 = tpu.vector_load %arg11[%get3A_426, %get3A_427] {strides = array<i32>} : memref<128x64xf32, #tpu.memory_space<vmem>>, vector<16xf32>,
        %add3A_429 = arith.constant 7 : i32
        %add3A_430 = arith.addi %mul3A_247, %add3A_429 : i32
        %get3A_431 = arith.index_cast %add3A_430 : i32 to index
        %get3A_432 = arith.constant 32 : index
        %get3A_433 = tpu.vector_load %arg11[%get3A_431, %get3A_432] {strides = array<i32>} : memref<128x64xf32, #tpu.memory_space<vmem>>, vector<16xf32>,
        %add3A_434 = arith.constant 7 : i32
        %add3A_435 = arith.addi %mul3A_247, %add3A_434 : i32
        %get3A_436 = arith.index_cast %add3A_435 : i32 to index
        %get3A_437 = arith.constant 48 : index
        %get3A_438 = tpu.vector_load %arg11[%get3A_436, %get3A_437] {strides = array<i32>} : memref<128x64xf32, #tpu.memory_space<vmem>>, vector<16xf32>,
        %mul3A_439 = arith.mulf %gather3A_250, %get3A_283 : vector<16xf32>
        %add3A_440 = arith.constant 0 : i32
        %add3A_441 = arith.addi %mul3A_247, %add3A_440 : i32
        %swap3A_442 = arith.index_cast %add3A_441 : i32 to index
        %swap3A_443 = arith.constant 0 : index
        %swap3A_444 = tpu.vector_load %arg12[%swap3A_442, %swap3A_443] {strides = array<i32>} : memref<128x80xf32, #tpu.memory_space<vmem>>, vector<16xf32>,
        tpu.vector_store %arg12[%swap3A_442, %swap3A_443], %mul3A_439 {strides = array<i32>} : memref<128x80xf32, #tpu.memory_space<vmem>>, vector<16xf32>,
        %mul3A_445 = arith.mulf %gather3A_250, %get3A_288 : vector<16xf32>
        %add3A_446 = arith.constant 0 : i32
        %add3A_447 = arith.addi %mul3A_247, %add3A_446 : i32
        %swap3A_448 = arith.index_cast %add3A_447 : i32 to index
        %swap3A_449 = arith.constant 16 : index
        %swap3A_450 = tpu.vector_load %arg12[%swap3A_448, %swap3A_449] {strides = array<i32>} : memref<128x80xf32, #tpu.memory_space<vmem>>, vector<16xf32>,
        tpu.vector_store %arg12[%swap3A_448, %swap3A_449], %mul3A_445 {strides = array<i32>} : memref<128x80xf32, #tpu.memory_space<vmem>>, vector<16xf32>,
        %mul3A_451 = arith.mulf %gather3A_250, %get3A_293 : vector<16xf32>
        %add3A_452 = arith.constant 0 : i32
        %add3A_453 = arith.addi %mul3A_247, %add3A_452 : i32
        %swap3A_454 = arith.index_cast %add3A_453 : i32 to index
        %swap3A_455 = arith.constant 32 : index
        %swap3A_456 = tpu.vector_load %arg12[%swap3A_454, %swap3A_455] {strides = array<i32>} : memref<128x80xf32, #tpu.memory_space<vmem>>, vector<16xf32>,
        tpu.vector_store %arg12[%swap3A_454, %swap3A_455], %mul3A_451 {strides = array<i32>} : memref<128x80xf32, #tpu.memory_space<vmem>>, vector<16xf32>,
        %mul3A_457 = arith.mulf %gather3A_250, %get3A_298 : vector<16xf32>
        %add3A_458 = arith.constant 0 : i32
        %add3A_459 = arith.addi %mul3A_247, %add3A_458 : i32
        %swap3A_460 = arith.index_cast %add3A_459 : i32 to index
        %swap3A_461 = arith.constant 48 : index
        %swap3A_462 = tpu.vector_load %arg12[%swap3A_460, %swap3A_461] {strides = array<i32>} : memref<128x80xf32, #tpu.memory_space<vmem>>, vector<16xf32>,
        tpu.vector_store %arg12[%swap3A_460, %swap3A_461], %mul3A_457 {strides = array<i32>} : memref<128x80xf32, #tpu.memory_space<vmem>>, vector<16xf32>,
        %eq3A = arith.constant 0 : i32
        %eq3A_463 = vector.broadcast %eq3A : i32 to vector<16xi32>
        %eq3A_464 = arith.cmpi eq, %iota3A, %eq3A_463 : vector<16xi32>
        %jit3A = arith.constant 0.000000e+00 : f32
        %broadcast_in_dim3A_465 = vector.broadcast %jit3A : f32 to vector<16xf32>
        %select_n3A_466 = arith.select %eq3A_464, %gather3A_250, %broadcast_in_dim3A_465 : vector<16xi1>, vector<16xf32>
        %add3A_467 = arith.constant 0 : i32
        %add3A_468 = arith.addi %mul3A_247, %add3A_467 : i32
        %swap3A_469 = arith.index_cast %add3A_468 : i32 to index
        %swap3A_470 = arith.constant 64 : index
        %swap3A_471 = tpu.vector_load %arg12[%swap3A_469, %swap3A_470] {strides = array<i32>} : memref<128x80xf32, #tpu.memory_space<vmem>>, vector<16xf32>,
        tpu.vector_store %arg12[%swap3A_469, %swap3A_470], %select_n3A_466 {strides = array<i32>} : memref<128x80xf32, #tpu.memory_space<vmem>>, vector<16xf32>,
        %mul3A_472 = arith.mulf %gather3A_254, %get3A_303 : vector<16xf32>
        %add3A_473 = arith.constant 1 : i32
        %add3A_474 = arith.addi %mul3A_247, %add3A_473 : i32
        %swap3A_475 = arith.index_cast %add3A_474 : i32 to index
        %swap3A_476 = arith.constant 0 : index
        %swap3A_477 = tpu.vector_load %arg12[%swap3A_475, %swap3A_476] {strides = array<i32>} : memref<128x80xf32, #tpu.memory_space<vmem>>, vector<16xf32>,
        tpu.vector_store %arg12[%swap3A_475, %swap3A_476], %mul3A_472 {strides = array<i32>} : memref<128x80xf32, #tpu.memory_space<vmem>>, vector<16xf32>,
        %mul3A_478 = arith.mulf %gather3A_254, %get3A_308 : vector<16xf32>
        %add3A_479 = arith.constant 1 : i32
        %add3A_480 = arith.addi %mul3A_247, %add3A_479 : i32
        %swap3A_481 = arith.index_cast %add3A_480 : i32 to index
        %swap3A_482 = arith.constant 16 : index
        %swap3A_483 = tpu.vector_load %arg12[%swap3A_481, %swap3A_482] {strides = array<i32>} : memref<128x80xf32, #tpu.memory_space<vmem>>, vector<16xf32>,
        tpu.vector_store %arg12[%swap3A_481, %swap3A_482], %mul3A_478 {strides = array<i32>} : memref<128x80xf32, #tpu.memory_space<vmem>>, vector<16xf32>,
        %mul3A_484 = arith.mulf %gather3A_254, %get3A_313 : vector<16xf32>
        %add3A_485 = arith.constant 1 : i32
        %add3A_486 = arith.addi %mul3A_247, %add3A_485 : i32
        %swap3A_487 = arith.index_cast %add3A_486 : i32 to index
        %swap3A_488 = arith.constant 32 : index
        %swap3A_489 = tpu.vector_load %arg12[%swap3A_487, %swap3A_488] {strides = array<i32>} : memref<128x80xf32, #tpu.memory_space<vmem>>, vector<16xf32>,
        tpu.vector_store %arg12[%swap3A_487, %swap3A_488], %mul3A_484 {strides = array<i32>} : memref<128x80xf32, #tpu.memory_space<vmem>>, vector<16xf32>,
        %mul3A_490 = arith.mulf %gather3A_254, %get3A_318 : vector<16xf32>
        %add3A_491 = arith.constant 1 : i32
        %add3A_492 = arith.addi %mul3A_247, %add3A_491 : i32
        %swap3A_493 = arith.index_cast %add3A_492 : i32 to index
        %swap3A_494 = arith.constant 48 : index
        %swap3A_495 = tpu.vector_load %arg12[%swap3A_493, %swap3A_494] {strides = array<i32>} : memref<128x80xf32, #tpu.memory_space<vmem>>, vector<16xf32>,
        tpu.vector_store %arg12[%swap3A_493, %swap3A_494], %mul3A_490 {strides = array<i32>} : memref<128x80xf32, #tpu.memory_space<vmem>>, vector<16xf32>,
        %eq3A_496 = arith.constant 0 : i32
        %eq3A_497 = vector.broadcast %eq3A_496 : i32 to vector<16xi32>
        %eq3A_498 = arith.cmpi eq, %iota3A, %eq3A_497 : vector<16xi32>
        %jit3A_499 = arith.constant 0.000000e+00 : f32
        %broadcast_in_dim3A_500 = vector.broadcast %jit3A_499 : f32 to vector<16xf32>
        %select_n3A_501 = arith.select %eq3A_498, %gather3A_254, %broadcast_in_dim3A_500 : vector<16xi1>, vector<16xf32>
        %add3A_502 = arith.constant 1 : i32
        %add3A_503 = arith.addi %mul3A_247, %add3A_502 : i32
        %swap3A_504 = arith.index_cast %add3A_503 : i32 to index
        %swap3A_505 = arith.constant 64 : index
        %swap3A_506 = tpu.vector_load %arg12[%swap3A_504, %swap3A_505] {strides = array<i32>} : memref<128x80xf32, #tpu.memory_space<vmem>>, vector<16xf32>,
        tpu.vector_store %arg12[%swap3A_504, %swap3A_505], %select_n3A_501 {strides = array<i32>} : memref<128x80xf32, #tpu.memory_space<vmem>>, vector<16xf32>,
        %mul3A_507 = arith.mulf %gather3A_258, %get3A_323 : vector<16xf32>
        %add3A_508 = arith.constant 2 : i32
        %add3A_509 = arith.addi %mul3A_247, %add3A_508 : i32
        %swap3A_510 = arith.index_cast %add3A_509 : i32 to index
        %swap3A_511 = arith.constant 0 : index
        %swap3A_512 = tpu.vector_load %arg12[%swap3A_510, %swap3A_511] {strides = array<i32>} : memref<128x80xf32, #tpu.memory_space<vmem>>, vector<16xf32>,
        tpu.vector_store %arg12[%swap3A_510, %swap3A_511], %mul3A_507 {strides = array<i32>} : memref<128x80xf32, #tpu.memory_space<vmem>>, vector<16xf32>,
        %mul3A_513 = arith.mulf %gather3A_258, %get3A_328 : vector<16xf32>
        %add3A_514 = arith.constant 2 : i32
        %add3A_515 = arith.addi %mul3A_247, %add3A_514 : i32
        %swap3A_516 = arith.index_cast %add3A_515 : i32 to index
        %swap3A_517 = arith.constant 16 : index
        %swap3A_518 = tpu.vector_load %arg12[%swap3A_516, %swap3A_517] {strides = array<i32>} : memref<128x80xf32, #tpu.memory_space<vmem>>, vector<16xf32>,
        tpu.vector_store %arg12[%swap3A_516, %swap3A_517], %mul3A_513 {strides = array<i32>} : memref<128x80xf32, #tpu.memory_space<vmem>>, vector<16xf32>,
        %mul3A_519 = arith.mulf %gather3A_258, %get3A_333 : vector<16xf32>
        %add3A_520 = arith.constant 2 : i32
        %add3A_521 = arith.addi %mul3A_247, %add3A_520 : i32
        %swap3A_522 = arith.index_cast %add3A_521 : i32 to index
        %swap3A_523 = arith.constant 32 : index
        %swap3A_524 = tpu.vector_load %arg12[%swap3A_522, %swap3A_523] {strides = array<i32>} : memref<128x80xf32, #tpu.memory_space<vmem>>, vector<16xf32>,
        tpu.vector_store %arg12[%swap3A_522, %swap3A_523], %mul3A_519 {strides = array<i32>} : memref<128x80xf32, #tpu.memory_space<vmem>>, vector<16xf32>,
        %mul3A_525 = arith.mulf %gather3A_258, %get3A_338 : vector<16xf32>
        %add3A_526 = arith.constant 2 : i32
        %add3A_527 = arith.addi %mul3A_247, %add3A_526 : i32
        %swap3A_528 = arith.index_cast %add3A_527 : i32 to index
        %swap3A_529 = arith.constant 48 : index
        %swap3A_530 = tpu.vector_load %arg12[%swap3A_528, %swap3A_529] {strides = array<i32>} : memref<128x80xf32, #tpu.memory_space<vmem>>, vector<16xf32>,
        tpu.vector_store %arg12[%swap3A_528, %swap3A_529], %mul3A_525 {strides = array<i32>} : memref<128x80xf32, #tpu.memory_space<vmem>>, vector<16xf32>,
        %eq3A_531 = arith.constant 0 : i32
        %eq3A_532 = vector.broadcast %eq3A_531 : i32 to vector<16xi32>
        %eq3A_533 = arith.cmpi eq, %iota3A, %eq3A_532 : vector<16xi32>
        %jit3A_534 = arith.constant 0.000000e+00 : f32
        %broadcast_in_dim3A_535 = vector.broadcast %jit3A_534 : f32 to vector<16xf32>
        %select_n3A_536 = arith.select %eq3A_533, %gather3A_258, %broadcast_in_dim3A_535 : vector<16xi1>, vector<16xf32>
        %add3A_537 = arith.constant 2 : i32
        %add3A_538 = arith.addi %mul3A_247, %add3A_537 : i32
        %swap3A_539 = arith.index_cast %add3A_538 : i32 to index
        %swap3A_540 = arith.constant 64 : index
        %swap3A_541 = tpu.vector_load %arg12[%swap3A_539, %swap3A_540] {strides = array<i32>} : memref<128x80xf32, #tpu.memory_space<vmem>>, vector<16xf32>,
        tpu.vector_store %arg12[%swap3A_539, %swap3A_540], %select_n3A_536 {strides = array<i32>} : memref<128x80xf32, #tpu.memory_space<vmem>>, vector<16xf32>,
        %mul3A_542 = arith.mulf %gather3A_262, %get3A_343 : vector<16xf32>
        %add3A_543 = arith.constant 3 : i32
        %add3A_544 = arith.addi %mul3A_247, %add3A_543 : i32
        %swap3A_545 = arith.index_cast %add3A_544 : i32 to index
        %swap3A_546 = arith.constant 0 : index
        %swap3A_547 = tpu.vector_load %arg12[%swap3A_545, %swap3A_546] {strides = array<i32>} : memref<128x80xf32, #tpu.memory_space<vmem>>, vector<16xf32>,
        tpu.vector_store %arg12[%swap3A_545, %swap3A_546], %mul3A_542 {strides = array<i32>} : memref<128x80xf32, #tpu.memory_space<vmem>>, vector<16xf32>,
        %mul3A_548 = arith.mulf %gather3A_262, %get3A_348 : vector<16xf32>
        %add3A_549 = arith.constant 3 : i32
        %add3A_550 = arith.addi %mul3A_247, %add3A_549 : i32
        %swap3A_551 = arith.index_cast %add3A_550 : i32 to index
        %swap3A_552 = arith.constant 16 : index
        %swap3A_553 = tpu.vector_load %arg12[%swap3A_551, %swap3A_552] {strides = array<i32>} : memref<128x80xf32, #tpu.memory_space<vmem>>, vector<16xf32>,
        tpu.vector_store %arg12[%swap3A_551, %swap3A_552], %mul3A_548 {strides = array<i32>} : memref<128x80xf32, #tpu.memory_space<vmem>>, vector<16xf32>,
        %mul3A_554 = arith.mulf %gather3A_262, %get3A_353 : vector<16xf32>
        %add3A_555 = arith.constant 3 : i32
        %add3A_556 = arith.addi %mul3A_247, %add3A_555 : i32
        %swap3A_557 = arith.index_cast %add3A_556 : i32 to index
        %swap3A_558 = arith.constant 32 : index
        %swap3A_559 = tpu.vector_load %arg12[%swap3A_557, %swap3A_558] {strides = array<i32>} : memref<128x80xf32, #tpu.memory_space<vmem>>, vector<16xf32>,
        tpu.vector_store %arg12[%swap3A_557, %swap3A_558], %mul3A_554 {strides = array<i32>} : memref<128x80xf32, #tpu.memory_space<vmem>>, vector<16xf32>,
        %mul3A_560 = arith.mulf %gather3A_262, %get3A_358 : vector<16xf32>
        %add3A_561 = arith.constant 3 : i32
        %add3A_562 = arith.addi %mul3A_247, %add3A_561 : i32
        %swap3A_563 = arith.index_cast %add3A_562 : i32 to index
        %swap3A_564 = arith.constant 48 : index
        %swap3A_565 = tpu.vector_load %arg12[%swap3A_563, %swap3A_564] {strides = array<i32>} : memref<128x80xf32, #tpu.memory_space<vmem>>, vector<16xf32>,
        tpu.vector_store %arg12[%swap3A_563, %swap3A_564], %mul3A_560 {strides = array<i32>} : memref<128x80xf32, #tpu.memory_space<vmem>>, vector<16xf32>,
        %eq3A_566 = arith.constant 0 : i32
        %eq3A_567 = vector.broadcast %eq3A_566 : i32 to vector<16xi32>
        %eq3A_568 = arith.cmpi eq, %iota3A, %eq3A_567 : vector<16xi32>
        %jit3A_569 = arith.constant 0.000000e+00 : f32
        %broadcast_in_dim3A_570 = vector.broadcast %jit3A_569 : f32 to vector<16xf32>
        %select_n3A_571 = arith.select %eq3A_568, %gather3A_262, %broadcast_in_dim3A_570 : vector<16xi1>, vector<16xf32>
        %add3A_572 = arith.constant 3 : i32
        %add3A_573 = arith.addi %mul3A_247, %add3A_572 : i32
        %swap3A_574 = arith.index_cast %add3A_573 : i32 to index
        %swap3A_575 = arith.constant 64 : index
        %swap3A_576 = tpu.vector_load %arg12[%swap3A_574, %swap3A_575] {strides = array<i32>} : memref<128x80xf32, #tpu.memory_space<vmem>>, vector<16xf32>,
        tpu.vector_store %arg12[%swap3A_574, %swap3A_575], %select_n3A_571 {strides = array<i32>} : memref<128x80xf32, #tpu.memory_space<vmem>>, vector<16xf32>,
        %mul3A_577 = arith.mulf %gather3A_266, %get3A_363 : vector<16xf32>
        %add3A_578 = arith.constant 4 : i32
        %add3A_579 = arith.addi %mul3A_247, %add3A_578 : i32
        %swap3A_580 = arith.index_cast %add3A_579 : i32 to index
        %swap3A_581 = arith.constant 0 : index
        %swap3A_582 = tpu.vector_load %arg12[%swap3A_580, %swap3A_581] {strides = array<i32>} : memref<128x80xf32, #tpu.memory_space<vmem>>, vector<16xf32>,
        tpu.vector_store %arg12[%swap3A_580, %swap3A_581], %mul3A_577 {strides = array<i32>} : memref<128x80xf32, #tpu.memory_space<vmem>>, vector<16xf32>,
        %mul3A_583 = arith.mulf %gather3A_266, %get3A_368 : vector<16xf32>
        %add3A_584 = arith.constant 4 : i32
        %add3A_585 = arith.addi %mul3A_247, %add3A_584 : i32
        %swap3A_586 = arith.index_cast %add3A_585 : i32 to index
        %swap3A_587 = arith.constant 16 : index
        %swap3A_588 = tpu.vector_load %arg12[%swap3A_586, %swap3A_587] {strides = array<i32>} : memref<128x80xf32, #tpu.memory_space<vmem>>, vector<16xf32>,
        tpu.vector_store %arg12[%swap3A_586, %swap3A_587], %mul3A_583 {strides = array<i32>} : memref<128x80xf32, #tpu.memory_space<vmem>>, vector<16xf32>,
        %mul3A_589 = arith.mulf %gather3A_266, %get3A_373 : vector<16xf32>
        %add3A_590 = arith.constant 4 : i32
        %add3A_591 = arith.addi %mul3A_247, %add3A_590 : i32
        %swap3A_592 = arith.index_cast %add3A_591 : i32 to index
        %swap3A_593 = arith.constant 32 : index
        %swap3A_594 = tpu.vector_load %arg12[%swap3A_592, %swap3A_593] {strides = array<i32>} : memref<128x80xf32, #tpu.memory_space<vmem>>, vector<16xf32>,
        tpu.vector_store %arg12[%swap3A_592, %swap3A_593], %mul3A_589 {strides = array<i32>} : memref<128x80xf32, #tpu.memory_space<vmem>>, vector<16xf32>,
        %mul3A_595 = arith.mulf %gather3A_266, %get3A_378 : vector<16xf32>
        %add3A_596 = arith.constant 4 : i32
        %add3A_597 = arith.addi %mul3A_247, %add3A_596 : i32
        %swap3A_598 = arith.index_cast %add3A_597 : i32 to index
        %swap3A_599 = arith.constant 48 : index
        %swap3A_600 = tpu.vector_load %arg12[%swap3A_598, %swap3A_599] {strides = array<i32>} : memref<128x80xf32, #tpu.memory_space<vmem>>, vector<16xf32>,
        tpu.vector_store %arg12[%swap3A_598, %swap3A_599], %mul3A_595 {strides = array<i32>} : memref<128x80xf32, #tpu.memory_space<vmem>>, vector<16xf32>,
        %eq3A_601 = arith.constant 0 : i32
        %eq3A_602 = vector.broadcast %eq3A_601 : i32 to vector<16xi32>
        %eq3A_603 = arith.cmpi eq, %iota3A, %eq3A_602 : vector<16xi32>
        %jit3A_604 = arith.constant 0.000000e+00 : f32
        %broadcast_in_dim3A_605 = vector.broadcast %jit3A_604 : f32 to vector<16xf32>
        %select_n3A_606 = arith.select %eq3A_603, %gather3A_266, %broadcast_in_dim3A_605 : vector<16xi1>, vector<16xf32>
        %add3A_607 = arith.constant 4 : i32
        %add3A_608 = arith.addi %mul3A_247, %add3A_607 : i32
        %swap3A_609 = arith.index_cast %add3A_608 : i32 to index
        %swap3A_610 = arith.constant 64 : index
        %swap3A_611 = tpu.vector_load %arg12[%swap3A_609, %swap3A_610] {strides = array<i32>} : memref<128x80xf32, #tpu.memory_space<vmem>>, vector<16xf32>,
        tpu.vector_store %arg12[%swap3A_609, %swap3A_610], %select_n3A_606 {strides = array<i32>} : memref<128x80xf32, #tpu.memory_space<vmem>>, vector<16xf32>,
        %mul3A_612 = arith.mulf %gather3A_270, %get3A_383 : vector<16xf32>
        %add3A_613 = arith.constant 5 : i32
        %add3A_614 = arith.addi %mul3A_247, %add3A_613 : i32
        %swap3A_615 = arith.index_cast %add3A_614 : i32 to index
        %swap3A_616 = arith.constant 0 : index
        %swap3A_617 = tpu.vector_load %arg12[%swap3A_615, %swap3A_616] {strides = array<i32>} : memref<128x80xf32, #tpu.memory_space<vmem>>, vector<16xf32>,
        tpu.vector_store %arg12[%swap3A_615, %swap3A_616], %mul3A_612 {strides = array<i32>} : memref<128x80xf32, #tpu.memory_space<vmem>>, vector<16xf32>,
        %mul3A_618 = arith.mulf %gather3A_270, %get3A_388 : vector<16xf32>
        %add3A_619 = arith.constant 5 : i32
        %add3A_620 = arith.addi %mul3A_247, %add3A_619 : i32
        %swap3A_621 = arith.index_cast %add3A_620 : i32 to index
        %swap3A_622 = arith.constant 16 : index
        %swap3A_623 = tpu.vector_load %arg12[%swap3A_621, %swap3A_622] {strides = array<i32>} : memref<128x80xf32, #tpu.memory_space<vmem>>, vector<16xf32>,
        tpu.vector_store %arg12[%swap3A_621, %swap3A_622], %mul3A_618 {strides = array<i32>} : memref<128x80xf32, #tpu.memory_space<vmem>>, vector<16xf32>,
        %mul3A_624 = arith.mulf %gather3A_270, %get3A_393 : vector<16xf32>
        %add3A_625 = arith.constant 5 : i32
        %add3A_626 = arith.addi %mul3A_247, %add3A_625 : i32
        %swap3A_627 = arith.index_cast %add3A_626 : i32 to index
        %swap3A_628 = arith.constant 32 : index
        %swap3A_629 = tpu.vector_load %arg12[%swap3A_627, %swap3A_628] {strides = array<i32>} : memref<128x80xf32, #tpu.memory_space<vmem>>, vector<16xf32>,
        tpu.vector_store %arg12[%swap3A_627, %swap3A_628], %mul3A_624 {strides = array<i32>} : memref<128x80xf32, #tpu.memory_space<vmem>>, vector<16xf32>,
        %mul3A_630 = arith.mulf %gather3A_270, %get3A_398 : vector<16xf32>
        %add3A_631 = arith.constant 5 : i32
        %add3A_632 = arith.addi %mul3A_247, %add3A_631 : i32
        %swap3A_633 = arith.index_cast %add3A_632 : i32 to index
        %swap3A_634 = arith.constant 48 : index
        %swap3A_635 = tpu.vector_load %arg12[%swap3A_633, %swap3A_634] {strides = array<i32>} : memref<128x80xf32, #tpu.memory_space<vmem>>, vector<16xf32>,
        tpu.vector_store %arg12[%swap3A_633, %swap3A_634], %mul3A_630 {strides = array<i32>} : memref<128x80xf32, #tpu.memory_space<vmem>>, vector<16xf32>,
        %eq3A_636 = arith.constant 0 : i32
        %eq3A_637 = vector.broadcast %eq3A_636 : i32 to vector<16xi32>
        %eq3A_638 = arith.cmpi eq, %iota3A, %eq3A_637 : vector<16xi32>
        %jit3A_639 = arith.constant 0.000000e+00 : f32
        %broadcast_in_dim3A_640 = vector.broadcast %jit3A_639 : f32 to vector<16xf32>
        %select_n3A_641 = arith.select %eq3A_638, %gather3A_270, %broadcast_in_dim3A_640 : vector<16xi1>, vector<16xf32>
        %add3A_642 = arith.constant 5 : i32
        %add3A_643 = arith.addi %mul3A_247, %add3A_642 : i32
        %swap3A_644 = arith.index_cast %add3A_643 : i32 to index
        %swap3A_645 = arith.constant 64 : index
        %swap3A_646 = tpu.vector_load %arg12[%swap3A_644, %swap3A_645] {strides = array<i32>} : memref<128x80xf32, #tpu.memory_space<vmem>>, vector<16xf32>,
        tpu.vector_store %arg12[%swap3A_644, %swap3A_645], %select_n3A_641 {strides = array<i32>} : memref<128x80xf32, #tpu.memory_space<vmem>>, vector<16xf32>,
        %mul3A_647 = arith.mulf %gather3A_274, %get3A_403 : vector<16xf32>
        %add3A_648 = arith.constant 6 : i32
        %add3A_649 = arith.addi %mul3A_247, %add3A_648 : i32
        %swap3A_650 = arith.index_cast %add3A_649 : i32 to index
        %swap3A_651 = arith.constant 0 : index
        %swap3A_652 = tpu.vector_load %arg12[%swap3A_650, %swap3A_651] {strides = array<i32>} : memref<128x80xf32, #tpu.memory_space<vmem>>, vector<16xf32>,
        tpu.vector_store %arg12[%swap3A_650, %swap3A_651], %mul3A_647 {strides = array<i32>} : memref<128x80xf32, #tpu.memory_space<vmem>>, vector<16xf32>,
        %mul3A_653 = arith.mulf %gather3A_274, %get3A_408 : vector<16xf32>
        %add3A_654 = arith.constant 6 : i32
        %add3A_655 = arith.addi %mul3A_247, %add3A_654 : i32
        %swap3A_656 = arith.index_cast %add3A_655 : i32 to index
        %swap3A_657 = arith.constant 16 : index
        %swap3A_658 = tpu.vector_load %arg12[%swap3A_656, %swap3A_657] {strides = array<i32>} : memref<128x80xf32, #tpu.memory_space<vmem>>, vector<16xf32>,
        tpu.vector_store %arg12[%swap3A_656, %swap3A_657], %mul3A_653 {strides = array<i32>} : memref<128x80xf32, #tpu.memory_space<vmem>>, vector<16xf32>,
        %mul3A_659 = arith.mulf %gather3A_274, %get3A_413 : vector<16xf32>
        %add3A_660 = arith.constant 6 : i32
        %add3A_661 = arith.addi %mul3A_247, %add3A_660 : i32
        %swap3A_662 = arith.index_cast %add3A_661 : i32 to index
        %swap3A_663 = arith.constant 32 : index
        %swap3A_664 = tpu.vector_load %arg12[%swap3A_662, %swap3A_663] {strides = array<i32>} : memref<128x80xf32, #tpu.memory_space<vmem>>, vector<16xf32>,
        tpu.vector_store %arg12[%swap3A_662, %swap3A_663], %mul3A_659 {strides = array<i32>} : memref<128x80xf32, #tpu.memory_space<vmem>>, vector<16xf32>,
        %mul3A_665 = arith.mulf %gather3A_274, %get3A_418 : vector<16xf32>
        %add3A_666 = arith.constant 6 : i32
        %add3A_667 = arith.addi %mul3A_247, %add3A_666 : i32
        %swap3A_668 = arith.index_cast %add3A_667 : i32 to index
        %swap3A_669 = arith.constant 48 : index
        %swap3A_670 = tpu.vector_load %arg12[%swap3A_668, %swap3A_669] {strides = array<i32>} : memref<128x80xf32, #tpu.memory_space<vmem>>, vector<16xf32>,
        tpu.vector_store %arg12[%swap3A_668, %swap3A_669], %mul3A_665 {strides = array<i32>} : memref<128x80xf32, #tpu.memory_space<vmem>>, vector<16xf32>,
        %eq3A_671 = arith.constant 0 : i32
        %eq3A_672 = vector.broadcast %eq3A_671 : i32 to vector<16xi32>
        %eq3A_673 = arith.cmpi eq, %iota3A, %eq3A_672 : vector<16xi32>
        %jit3A_674 = arith.constant 0.000000e+00 : f32
        %broadcast_in_dim3A_675 = vector.broadcast %jit3A_674 : f32 to vector<16xf32>
        %select_n3A_676 = arith.select %eq3A_673, %gather3A_274, %broadcast_in_dim3A_675 : vector<16xi1>, vector<16xf32>
        %add3A_677 = arith.constant 6 : i32
        %add3A_678 = arith.addi %mul3A_247, %add3A_677 : i32
        %swap3A_679 = arith.index_cast %add3A_678 : i32 to index
        %swap3A_680 = arith.constant 64 : index
        %swap3A_681 = tpu.vector_load %arg12[%swap3A_679, %swap3A_680] {strides = array<i32>} : memref<128x80xf32, #tpu.memory_space<vmem>>, vector<16xf32>,
        tpu.vector_store %arg12[%swap3A_679, %swap3A_680], %select_n3A_676 {strides = array<i32>} : memref<128x80xf32, #tpu.memory_space<vmem>>, vector<16xf32>,
        %mul3A_682 = arith.mulf %gather3A_278, %get3A_423 : vector<16xf32>
        %add3A_683 = arith.constant 7 : i32
        %add3A_684 = arith.addi %mul3A_247, %add3A_683 : i32
        %swap3A_685 = arith.index_cast %add3A_684 : i32 to index
        %swap3A_686 = arith.constant 0 : index
        %swap3A_687 = tpu.vector_load %arg12[%swap3A_685, %swap3A_686] {strides = array<i32>} : memref<128x80xf32, #tpu.memory_space<vmem>>, vector<16xf32>,
        tpu.vector_store %arg12[%swap3A_685, %swap3A_686], %mul3A_682 {strides = array<i32>} : memref<128x80xf32, #tpu.memory_space<vmem>>, vector<16xf32>,
        %mul3A_688 = arith.mulf %gather3A_278, %get3A_428 : vector<16xf32>
        %add3A_689 = arith.constant 7 : i32
        %add3A_690 = arith.addi %mul3A_247, %add3A_689 : i32
        %swap3A_691 = arith.index_cast %add3A_690 : i32 to index
        %swap3A_692 = arith.constant 16 : index
        %swap3A_693 = tpu.vector_load %arg12[%swap3A_691, %swap3A_692] {strides = array<i32>} : memref<128x80xf32, #tpu.memory_space<vmem>>, vector<16xf32>,
        tpu.vector_store %arg12[%swap3A_691, %swap3A_692], %mul3A_688 {strides = array<i32>} : memref<128x80xf32, #tpu.memory_space<vmem>>, vector<16xf32>,
        %mul3A_694 = arith.mulf %gather3A_278, %get3A_433 : vector<16xf32>
        %add3A_695 = arith.constant 7 : i32
        %add3A_696 = arith.addi %mul3A_247, %add3A_695 : i32
        %swap3A_697 = arith.index_cast %add3A_696 : i32 to index
        %swap3A_698 = arith.constant 32 : index
        %swap3A_699 = tpu.vector_load %arg12[%swap3A_697, %swap3A_698] {strides = array<i32>} : memref<128x80xf32, #tpu.memory_space<vmem>>, vector<16xf32>,
        tpu.vector_store %arg12[%swap3A_697, %swap3A_698], %mul3A_694 {strides = array<i32>} : memref<128x80xf32, #tpu.memory_space<vmem>>, vector<16xf32>,
        %mul3A_700 = arith.mulf %gather3A_278, %get3A_438 : vector<16xf32>
        %add3A_701 = arith.constant 7 : i32
        %add3A_702 = arith.addi %mul3A_247, %add3A_701 : i32
        %swap3A_703 = arith.index_cast %add3A_702 : i32 to index
        %swap3A_704 = arith.constant 48 : index
        %swap3A_705 = tpu.vector_load %arg12[%swap3A_703, %swap3A_704] {strides = array<i32>} : memref<128x80xf32, #tpu.memory_space<vmem>>, vector<16xf32>,
        tpu.vector_store %arg12[%swap3A_703, %swap3A_704], %mul3A_700 {strides = array<i32>} : memref<128x80xf32, #tpu.memory_space<vmem>>, vector<16xf32>,
        %eq3A_706 = arith.constant 0 : i32
        %eq3A_707 = vector.broadcast %eq3A_706 : i32 to vector<16xi32>
        %eq3A_708 = arith.cmpi eq, %iota3A, %eq3A_707 : vector<16xi32>
        %jit3A_709 = arith.constant 0.000000e+00 : f32
        %broadcast_in_dim3A_710 = vector.broadcast %jit3A_709 : f32 to vector<16xf32>
        %select_n3A_711 = arith.select %eq3A_708, %gather3A_278, %broadcast_in_dim3A_710 : vector<16xi1>, vector<16xf32>
        %add3A_712 = arith.constant 7 : i32
        %add3A_713 = arith.addi %mul3A_247, %add3A_712 : i32
        %swap3A_714 = arith.index_cast %add3A_713 : i32 to index
        %swap3A_715 = arith.constant 64 : index
        %swap3A_716 = tpu.vector_load %arg12[%swap3A_714, %swap3A_715] {strides = array<i32>} : memref<128x80xf32, #tpu.memory_space<vmem>>, vector<16xf32>,
        tpu.vector_store %arg12[%swap3A_714, %swap3A_715], %select_n3A_711 {strides = array<i32>} : memref<128x80xf32, #tpu.memory_space<vmem>>, vector<16xf32>,
      }
      %scan3A_244 = arith.constant 16 : i32
      "tpu.region"() ({
        %run_scoped3A_245 = tpu.sem_alloc : memref<!tpu.dma_semaphore, #tpu.memory_space<semaphore_mem>>
        %dma_start3A_246 = arith.constant 0 : i32
        %dma_start3A_247 = arith.constant 0 : i32
        %dma_start3A_248 = tpu.memref_slice %arg20[%dma_start3A_246, %dma_start3A_247] : memref<10240x80xf32, #tpu.memory_space<vmem_shared>> -> memref<10240x80xf32, #tpu.memory_space<vmem_shared>>
        tpu.enqueue_indirect_dma source(%arg12 : memref<128x80xf32, #tpu.memory_space<vmem>>) target(%dma_start3A_248 : memref<10240x80xf32, #tpu.memory_space<vmem_shared>>) offsets(%arg10 : memref<128xi32, #tpu.memory_space<vmem>>) semaphore(%run_scoped3A_245 : memref<!tpu.dma_semaphore, #tpu.memory_space<semaphore_mem>>) {add = true}
        %dma_wait3A_249 = arith.constant 0 : i32
        %dma_wait3A_250 = arith.constant 0 : i32
        %dma_wait3A_251 = tpu.memref_slice %arg20[%dma_wait3A_249, %dma_wait3A_250] : memref<10240x80xf32, #tpu.memory_space<vmem_shared>> -> memref<10240x80xf32, #tpu.memory_space<vmem_shared>>
        tpu.wait_indirect_dma semaphore(%run_scoped3A_245 : memref<!tpu.dma_semaphore, #tpu.memory_space<semaphore_mem>>) src(%arg12 : memref<128x80xf32, #tpu.memory_space<vmem>>) dst(%dma_wait3A_251 : memref<10240x80xf32, #tpu.memory_space<vmem_shared>>)
        tpu.yield
      }) : () -> ()
    } else {
    }
    %barrier3A_69 = arith.constant 0 : index
    tpu.barrier barrier_id(%barrier3A_69)
    %add3A_70 = arith.constant 0 : i32
    %add3A_71 = arith.addi %mul3A_5, %add3A_70 : i32
    "tpu.region"() ({
      %run_scoped3A = tpu.sem_alloc : memref<!tpu.dma_semaphore, #tpu.memory_space<semaphore_mem>>
      %dma_start3A_90 = arith.constant 0 : i32
      %dma_start3A_91 = tpu.memref_slice %arg20[%add3A_71, %dma_start3A_90] : memref<10240x80xf32, #tpu.memory_space<vmem_shared>> -> memref<128x80xf32, #tpu.memory_space<vmem_shared>>
      %dma_start3A_92 = arith.constant 0 : i32
      %dma_start3A_93 = tpu.memref_slice %arg20[%add3A_71, %dma_start3A_92] : memref<10240x80xf32, #tpu.memory_space<vmem_shared>> -> memref<128x80xf32, #tpu.memory_space<vmem_shared>>
      tpu.enqueue_dma source(%dma_start3A_93 : memref<128x80xf32, #tpu.memory_space<vmem_shared>>) target(%arg12 : memref<128x80xf32, #tpu.memory_space<vmem>>) target_semaphore(%run_scoped3A : memref<!tpu.dma_semaphore, #tpu.memory_space<semaphore_mem>>)
      %dma_wait3A_94 = arith.constant 0 : i32
      %dma_wait3A_95 = tpu.memref_slice %arg20[%add3A_71, %dma_wait3A_94] : memref<10240x80xf32, #tpu.memory_space<vmem_shared>> -> memref<128x80xf32, #tpu.memory_space<vmem_shared>>
      %dma_wait3A_96 = arith.constant 0 : i32
      %dma_wait3A_97 = tpu.memref_slice %arg20[%add3A_71, %dma_wait3A_96] : memref<10240x80xf32, #tpu.memory_space<vmem_shared>> -> memref<128x80xf32, #tpu.memory_space<vmem_shared>>
      tpu.wait_dma2 semaphore(%run_scoped3A : memref<!tpu.dma_semaphore, #tpu.memory_space<semaphore_mem>>) src(%dma_wait3A_97 : memref<128x80xf32, #tpu.memory_space<vmem_shared>>) dst(%arg12 : memref<128x80xf32, #tpu.memory_space<vmem>>)
      tpu.yield
    }) : () -> ()
    %add3A_72 = arith.constant 0 : i32
    %add3A_73 = arith.addi %mul3A_5, %add3A_72 : i32
    "tpu.region"() ({
      %run_scoped3A = tpu.sem_alloc : memref<!tpu.dma_semaphore, #tpu.memory_space<semaphore_mem>>
      %dma_start3A_90 = arith.constant 0 : i32
      %dma_start3A_91 = tpu.memref_slice %arg6[%arg0, %add3A_73, %dma_start3A_90] : memref<2x10240x80xf32, #tpu.memory_space<hbm>> -> memref<1x128x80xf32, #tpu.memory_space<hbm>>
      %dma_start3A_92 = tpu.memref_squeeze %dma_start3A_91 : memref<1x128x80xf32, #tpu.memory_space<hbm>> -> memref<128x80xf32, #tpu.memory_space<hbm>>
      %dma_start3A_93 = arith.constant 0 : i32
      %dma_start3A_94 = tpu.memref_slice %arg6[%arg0, %add3A_73, %dma_start3A_93] : memref<2x10240x80xf32, #tpu.memory_space<hbm>> -> memref<1x128x80xf32, #tpu.memory_space<hbm>>
      %dma_start3A_95 = tpu.memref_squeeze %dma_start3A_94 : memref<1x128x80xf32, #tpu.memory_space<hbm>> -> memref<128x80xf32, #tpu.memory_space<hbm>>
      tpu.enqueue_dma source(%arg12 : memref<128x80xf32, #tpu.memory_space<vmem>>) target(%dma_start3A_95 : memref<128x80xf32, #tpu.memory_space<hbm>>) target_semaphore(%run_scoped3A : memref<!tpu.dma_semaphore, #tpu.memory_space<semaphore_mem>>)
      %dma_wait3A_96 = arith.constant 0 : i32
      %dma_wait3A_97 = tpu.memref_slice %arg6[%arg0, %add3A_73, %dma_wait3A_96] : memref<2x10240x80xf32, #tpu.memory_space<hbm>> -> memref<1x128x80xf32, #tpu.memory_space<hbm>>
      %dma_wait3A_98 = tpu.memref_squeeze %dma_wait3A_97 : memref<1x128x80xf32, #tpu.memory_space<hbm>> -> memref<128x80xf32, #tpu.memory_space<hbm>>
      %dma_wait3A_99 = arith.constant 0 : i32
      %dma_wait3A_100 = tpu.memref_slice %arg6[%arg0, %add3A_73, %dma_wait3A_99] : memref<2x10240x80xf32, #tpu.memory_space<hbm>> -> memref<1x128x80xf32, #tpu.memory_space<hbm>>
      %dma_wait3A_101 = tpu.memref_squeeze %dma_wait3A_100 : memref<1x128x80xf32, #tpu.memory_space<hbm>> -> memref<128x80xf32, #tpu.memory_space<hbm>>
      tpu.wait_dma2 semaphore(%run_scoped3A : memref<!tpu.dma_semaphore, #tpu.memory_space<semaphore_mem>>) src(%arg12 : memref<128x80xf32, #tpu.memory_space<vmem>>) dst(%dma_wait3A_101 : memref<128x80xf32, #tpu.memory_space<hbm>>)
      tpu.yield
    }) : () -> ()
    %add3A_74 = arith.constant 128 : i32
    %add3A_75 = arith.addi %mul3A_5, %add3A_74 : i32
    "tpu.region"() ({
      %run_scoped3A = tpu.sem_alloc : memref<!tpu.dma_semaphore, #tpu.memory_space<semaphore_mem>>
      %dma_start3A_90 = arith.constant 0 : i32
      %dma_start3A_91 = tpu.memref_slice %arg20[%add3A_75, %dma_start3A_90] : memref<10240x80xf32, #tpu.memory_space<vmem_shared>> -> memref<128x80xf32, #tpu.memory_space<vmem_shared>>
      %dma_start3A_92 = arith.constant 0 : i32
      %dma_start3A_93 = tpu.memref_slice %arg20[%add3A_75, %dma_start3A_92] : memref<10240x80xf32, #tpu.memory_space<vmem_shared>> -> memref<128x80xf32, #tpu.memory_space<vmem_shared>>
      tpu.enqueue_dma source(%dma_start3A_93 : memref<128x80xf32, #tpu.memory_space<vmem_shared>>) target(%arg12 : memref<128x80xf32, #tpu.memory_space<vmem>>) target_semaphore(%run_scoped3A : memref<!tpu.dma_semaphore, #tpu.memory_space<semaphore_mem>>)
      %dma_wait3A_94 = arith.constant 0 : i32
      %dma_wait3A_95 = tpu.memref_slice %arg20[%add3A_75, %dma_wait3A_94] : memref<10240x80xf32, #tpu.memory_space<vmem_shared>> -> memref<128x80xf32, #tpu.memory_space<vmem_shared>>
      %dma_wait3A_96 = arith.constant 0 : i32
      %dma_wait3A_97 = tpu.memref_slice %arg20[%add3A_75, %dma_wait3A_96] : memref<10240x80xf32, #tpu.memory_space<vmem_shared>> -> memref<128x80xf32, #tpu.memory_space<vmem_shared>>
      tpu.wait_dma2 semaphore(%run_scoped3A : memref<!tpu.dma_semaphore, #tpu.memory_space<semaphore_mem>>) src(%dma_wait3A_97 : memref<128x80xf32, #tpu.memory_space<vmem_shared>>) dst(%arg12 : memref<128x80xf32, #tpu.memory_space<vmem>>)
      tpu.yield
    }) : () -> ()
    %add3A_76 = arith.constant 128 : i32
    %add3A_77 = arith.addi %mul3A_5, %add3A_76 : i32
    "tpu.region"() ({
      %run_scoped3A = tpu.sem_alloc : memref<!tpu.dma_semaphore, #tpu.memory_space<semaphore_mem>>
      %dma_start3A_90 = arith.constant 0 : i32
      %dma_start3A_91 = tpu.memref_slice %arg6[%arg0, %add3A_77, %dma_start3A_90] : memref<2x10240x80xf32, #tpu.memory_space<hbm>> -> memref<1x128x80xf32, #tpu.memory_space<hbm>>
      %dma_start3A_92 = tpu.memref_squeeze %dma_start3A_91 : memref<1x128x80xf32, #tpu.memory_space<hbm>> -> memref<128x80xf32, #tpu.memory_space<hbm>>
      %dma_start3A_93 = arith.constant 0 : i32
      %dma_start3A_94 = tpu.memref_slice %arg6[%arg0, %add3A_77, %dma_start3A_93] : memref<2x10240x80xf32, #tpu.memory_space<hbm>> -> memref<1x128x80xf32, #tpu.memory_space<hbm>>
      %dma_start3A_95 = tpu.memref_squeeze %dma_start3A_94 : memref<1x128x80xf32, #tpu.memory_space<hbm>> -> memref<128x80xf32, #tpu.memory_space<hbm>>
      tpu.enqueue_dma source(%arg12 : memref<128x80xf32, #tpu.memory_space<vmem>>) target(%dma_start3A_95 : memref<128x80xf32, #tpu.memory_space<hbm>>) target_semaphore(%run_scoped3A : memref<!tpu.dma_semaphore, #tpu.memory_space<semaphore_mem>>)
      %dma_wait3A_96 = arith.constant 0 : i32
      %dma_wait3A_97 = tpu.memref_slice %arg6[%arg0, %add3A_77, %dma_wait3A_96] : memref<2x10240x80xf32, #tpu.memory_space<hbm>> -> memref<1x128x80xf32, #tpu.memory_space<hbm>>
      %dma_wait3A_98 = tpu.memref_squeeze %dma_wait3A_97 : memref<1x128x80xf32, #tpu.memory_space<hbm>> -> memref<128x80xf32, #tpu.memory_space<hbm>>
      %dma_wait3A_99 = arith.constant 0 : i32
      %dma_wait3A_100 = tpu.memref_slice %arg6[%arg0, %add3A_77, %dma_wait3A_99] : memref<2x10240x80xf32, #tpu.memory_space<hbm>> -> memref<1x128x80xf32, #tpu.memory_space<hbm>>
      %dma_wait3A_101 = tpu.memref_squeeze %dma_wait3A_100 : memref<1x128x80xf32, #tpu.memory_space<hbm>> -> memref<128x80xf32, #tpu.memory_space<hbm>>
      tpu.wait_dma2 semaphore(%run_scoped3A : memref<!tpu.dma_semaphore, #tpu.memory_space<semaphore_mem>>) src(%arg12 : memref<128x80xf32, #tpu.memory_space<vmem>>) dst(%dma_wait3A_101 : memref<128x80xf32, #tpu.memory_space<hbm>>)
      tpu.yield
    }) : () -> ()
    %add3A_78 = arith.constant 256 : i32
    %add3A_79 = arith.addi %mul3A_5, %add3A_78 : i32
    "tpu.region"() ({
      %run_scoped3A = tpu.sem_alloc : memref<!tpu.dma_semaphore, #tpu.memory_space<semaphore_mem>>
      %dma_start3A_90 = arith.constant 0 : i32
      %dma_start3A_91 = tpu.memref_slice %arg20[%add3A_79, %dma_start3A_90] : memref<10240x80xf32, #tpu.memory_space<vmem_shared>> -> memref<128x80xf32, #tpu.memory_space<vmem_shared>>
      %dma_start3A_92 = arith.constant 0 : i32
      %dma_start3A_93 = tpu.memref_slice %arg20[%add3A_79, %dma_start3A_92] : memref<10240x80xf32, #tpu.memory_space<vmem_shared>> -> memref<128x80xf32, #tpu.memory_space<vmem_shared>>
      tpu.enqueue_dma source(%dma_start3A_93 : memref<128x80xf32, #tpu.memory_space<vmem_shared>>) target(%arg12 : memref<128x80xf32, #tpu.memory_space<vmem>>) target_semaphore(%run_scoped3A : memref<!tpu.dma_semaphore, #tpu.memory_space<semaphore_mem>>)
      %dma_wait3A_94 = arith.constant 0 : i32
      %dma_wait3A_95 = tpu.memref_slice %arg20[%add3A_79, %dma_wait3A_94] : memref<10240x80xf32, #tpu.memory_space<vmem_shared>> -> memref<128x80xf32, #tpu.memory_space<vmem_shared>>
      %dma_wait3A_96 = arith.constant 0 : i32
      %dma_wait3A_97 = tpu.memref_slice %arg20[%add3A_79, %dma_wait3A_96] : memref<10240x80xf32, #tpu.memory_space<vmem_shared>> -> memref<128x80xf32, #tpu.memory_space<vmem_shared>>
      tpu.wait_dma2 semaphore(%run_scoped3A : memref<!tpu.dma_semaphore, #tpu.memory_space<semaphore_mem>>) src(%dma_wait3A_97 : memref<128x80xf32, #tpu.memory_space<vmem_shared>>) dst(%arg12 : memref<128x80xf32, #tpu.memory_space<vmem>>)
      tpu.yield
    }) : () -> ()
    %add3A_80 = arith.constant 256 : i32
    %add3A_81 = arith.addi %mul3A_5, %add3A_80 : i32
    "tpu.region"() ({
      %run_scoped3A = tpu.sem_alloc : memref<!tpu.dma_semaphore, #tpu.memory_space<semaphore_mem>>
      %dma_start3A_90 = arith.constant 0 : i32
      %dma_start3A_91 = tpu.memref_slice %arg6[%arg0, %add3A_81, %dma_start3A_90] : memref<2x10240x80xf32, #tpu.memory_space<hbm>> -> memref<1x128x80xf32, #tpu.memory_space<hbm>>
      %dma_start3A_92 = tpu.memref_squeeze %dma_start3A_91 : memref<1x128x80xf32, #tpu.memory_space<hbm>> -> memref<128x80xf32, #tpu.memory_space<hbm>>
      %dma_start3A_93 = arith.constant 0 : i32
      %dma_start3A_94 = tpu.memref_slice %arg6[%arg0, %add3A_81, %dma_start3A_93] : memref<2x10240x80xf32, #tpu.memory_space<hbm>> -> memref<1x128x80xf32, #tpu.memory_space<hbm>>
      %dma_start3A_95 = tpu.memref_squeeze %dma_start3A_94 : memref<1x128x80xf32, #tpu.memory_space<hbm>> -> memref<128x80xf32, #tpu.memory_space<hbm>>
      tpu.enqueue_dma source(%arg12 : memref<128x80xf32, #tpu.memory_space<vmem>>) target(%dma_start3A_95 : memref<128x80xf32, #tpu.memory_space<hbm>>) target_semaphore(%run_scoped3A : memref<!tpu.dma_semaphore, #tpu.memory_space<semaphore_mem>>)
      %dma_wait3A_96 = arith.constant 0 : i32
      %dma_wait3A_97 = tpu.memref_slice %arg6[%arg0, %add3A_81, %dma_wait3A_96] : memref<2x10240x80xf32, #tpu.memory_space<hbm>> -> memref<1x128x80xf32, #tpu.memory_space<hbm>>
      %dma_wait3A_98 = tpu.memref_squeeze %dma_wait3A_97 : memref<1x128x80xf32, #tpu.memory_space<hbm>> -> memref<128x80xf32, #tpu.memory_space<hbm>>
      %dma_wait3A_99 = arith.constant 0 : i32
      %dma_wait3A_100 = tpu.memref_slice %arg6[%arg0, %add3A_81, %dma_wait3A_99] : memref<2x10240x80xf32, #tpu.memory_space<hbm>> -> memref<1x128x80xf32, #tpu.memory_space<hbm>>
      %dma_wait3A_101 = tpu.memref_squeeze %dma_wait3A_100 : memref<1x128x80xf32, #tpu.memory_space<hbm>> -> memref<128x80xf32, #tpu.memory_space<hbm>>
      tpu.wait_dma2 semaphore(%run_scoped3A : memref<!tpu.dma_semaphore, #tpu.memory_space<semaphore_mem>>) src(%arg12 : memref<128x80xf32, #tpu.memory_space<vmem>>) dst(%dma_wait3A_101 : memref<128x80xf32, #tpu.memory_space<hbm>>)
      tpu.yield
    }) : () -> ()
    %add3A_82 = arith.constant 384 : i32
    %add3A_83 = arith.addi %mul3A_5, %add3A_82 : i32
    "tpu.region"() ({
      %run_scoped3A = tpu.sem_alloc : memref<!tpu.dma_semaphore, #tpu.memory_space<semaphore_mem>>
      %dma_start3A_90 = arith.constant 0 : i32
      %dma_start3A_91 = tpu.memref_slice %arg20[%add3A_83, %dma_start3A_90] : memref<10240x80xf32, #tpu.memory_space<vmem_shared>> -> memref<128x80xf32, #tpu.memory_space<vmem_shared>>
      %dma_start3A_92 = arith.constant 0 : i32
      %dma_start3A_93 = tpu.memref_slice %arg20[%add3A_83, %dma_start3A_92] : memref<10240x80xf32, #tpu.memory_space<vmem_shared>> -> memref<128x80xf32, #tpu.memory_space<vmem_shared>>
      tpu.enqueue_dma source(%dma_start3A_93 : memref<128x80xf32, #tpu.memory_space<vmem_shared>>) target(%arg12 : memref<128x80xf32, #tpu.memory_space<vmem>>) target_semaphore(%run_scoped3A : memref<!tpu.dma_semaphore, #tpu.memory_space<semaphore_mem>>)
      %dma_wait3A_94 = arith.constant 0 : i32
      %dma_wait3A_95 = tpu.memref_slice %arg20[%add3A_83, %dma_wait3A_94] : memref<10240x80xf32, #tpu.memory_space<vmem_shared>> -> memref<128x80xf32, #tpu.memory_space<vmem_shared>>
      %dma_wait3A_96 = arith.constant 0 : i32
      %dma_wait3A_97 = tpu.memref_slice %arg20[%add3A_83, %dma_wait3A_96] : memref<10240x80xf32, #tpu.memory_space<vmem_shared>> -> memref<128x80xf32, #tpu.memory_space<vmem_shared>>
      tpu.wait_dma2 semaphore(%run_scoped3A : memref<!tpu.dma_semaphore, #tpu.memory_space<semaphore_mem>>) src(%dma_wait3A_97 : memref<128x80xf32, #tpu.memory_space<vmem_shared>>) dst(%arg12 : memref<128x80xf32, #tpu.memory_space<vmem>>)
      tpu.yield
    }) : () -> ()
    %add3A_84 = arith.constant 384 : i32
    %add3A_85 = arith.addi %mul3A_5, %add3A_84 : i32
    "tpu.region"() ({
      %run_scoped3A = tpu.sem_alloc : memref<!tpu.dma_semaphore, #tpu.memory_space<semaphore_mem>>
      %dma_start3A_90 = arith.constant 0 : i32
      %dma_start3A_91 = tpu.memref_slice %arg6[%arg0, %add3A_85, %dma_start3A_90] : memref<2x10240x80xf32, #tpu.memory_space<hbm>> -> memref<1x128x80xf32, #tpu.memory_space<hbm>>
      %dma_start3A_92 = tpu.memref_squeeze %dma_start3A_91 : memref<1x128x80xf32, #tpu.memory_space<hbm>> -> memref<128x80xf32, #tpu.memory_space<hbm>>
      %dma_start3A_93 = arith.constant 0 : i32
      %dma_start3A_94 = tpu.memref_slice %arg6[%arg0, %add3A_85, %dma_start3A_93] : memref<2x10240x80xf32, #tpu.memory_space<hbm>> -> memref<1x128x80xf32, #tpu.memory_space<hbm>>
      %dma_start3A_95 = tpu.memref_squeeze %dma_start3A_94 : memref<1x128x80xf32, #tpu.memory_space<hbm>> -> memref<128x80xf32, #tpu.memory_space<hbm>>
      tpu.enqueue_dma source(%arg12 : memref<128x80xf32, #tpu.memory_space<vmem>>) target(%dma_start3A_95 : memref<128x80xf32, #tpu.memory_space<hbm>>) target_semaphore(%run_scoped3A : memref<!tpu.dma_semaphore, #tpu.memory_space<semaphore_mem>>)
      %dma_wait3A_96 = arith.constant 0 : i32
      %dma_wait3A_97 = tpu.memref_slice %arg6[%arg0, %add3A_85, %dma_wait3A_96] : memref<2x10240x80xf32, #tpu.memory_space<hbm>> -> memref<1x128x80xf32, #tpu.memory_space<hbm>>
      %dma_wait3A_98 = tpu.memref_squeeze %dma_wait3A_97 : memref<1x128x80xf32, #tpu.memory_space<hbm>> -> memref<128x80xf32, #tpu.memory_space<hbm>>
      %dma_wait3A_99 = arith.constant 0 : i32
      %dma_wait3A_100 = tpu.memref_slice %arg6[%arg0, %add3A_85, %dma_wait3A_99] : memref<2x10240x80xf32, #tpu.memory_space<hbm>> -> memref<1x128x80xf32, #tpu.memory_space<hbm>>
      %dma_wait3A_101 = tpu.memref_squeeze %dma_wait3A_100 : memref<1x128x80xf32, #tpu.memory_space<hbm>> -> memref<128x80xf32, #tpu.memory_space<hbm>>
      tpu.wait_dma2 semaphore(%run_scoped3A : memref<!tpu.dma_semaphore, #tpu.memory_space<semaphore_mem>>) src(%arg12 : memref<128x80xf32, #tpu.memory_space<vmem>>) dst(%dma_wait3A_101 : memref<128x80xf32, #tpu.memory_space<hbm>>)
      tpu.yield
    }) : () -> ()
    %add3A_86 = arith.constant 512 : i32
    %add3A_87 = arith.addi %mul3A_5, %add3A_86 : i32
    "tpu.region"() ({
      %run_scoped3A = tpu.sem_alloc : memref<!tpu.dma_semaphore, #tpu.memory_space<semaphore_mem>>
      %dma_start3A_90 = arith.constant 0 : i32
      %dma_start3A_91 = tpu.memref_slice %arg20[%add3A_87, %dma_start3A_90] : memref<10240x80xf32, #tpu.memory_space<vmem_shared>> -> memref<128x80xf32, #tpu.memory_space<vmem_shared>>
      %dma_start3A_92 = arith.constant 0 : i32
      %dma_start3A_93 = tpu.memref_slice %arg20[%add3A_87, %dma_start3A_92] : memref<10240x80xf32, #tpu.memory_space<vmem_shared>> -> memref<128x80xf32, #tpu.memory_space<vmem_shared>>
      tpu.enqueue_dma source(%dma_start3A_93 : memref<128x80xf32, #tpu.memory_space<vmem_shared>>) target(%arg12 : memref<128x80xf32, #tpu.memory_space<vmem>>) target_semaphore(%run_scoped3A : memref<!tpu.dma_semaphore, #tpu.memory_space<semaphore_mem>>)
      %dma_wait3A_94 = arith.constant 0 : i32
      %dma_wait3A_95 = tpu.memref_slice %arg20[%add3A_87, %dma_wait3A_94] : memref<10240x80xf32, #tpu.memory_space<vmem_shared>> -> memref<128x80xf32, #tpu.memory_space<vmem_shared>>
      %dma_wait3A_96 = arith.constant 0 : i32
      %dma_wait3A_97 = tpu.memref_slice %arg20[%add3A_87, %dma_wait3A_96] : memref<10240x80xf32, #tpu.memory_space<vmem_shared>> -> memref<128x80xf32, #tpu.memory_space<vmem_shared>>
      tpu.wait_dma2 semaphore(%run_scoped3A : memref<!tpu.dma_semaphore, #tpu.memory_space<semaphore_mem>>) src(%dma_wait3A_97 : memref<128x80xf32, #tpu.memory_space<vmem_shared>>) dst(%arg12 : memref<128x80xf32, #tpu.memory_space<vmem>>)
      tpu.yield
    }) : () -> ()
    %add3A_88 = arith.constant 512 : i32
    %add3A_89 = arith.addi %mul3A_5, %add3A_88 : i32
    "tpu.region"() ({
      %run_scoped3A = tpu.sem_alloc : memref<!tpu.dma_semaphore, #tpu.memory_space<semaphore_mem>>
      %dma_start3A_90 = arith.constant 0 : i32
      %dma_start3A_91 = tpu.memref_slice %arg6[%arg0, %add3A_89, %dma_start3A_90] : memref<2x10240x80xf32, #tpu.memory_space<hbm>> -> memref<1x128x80xf32, #tpu.memory_space<hbm>>
      %dma_start3A_92 = tpu.memref_squeeze %dma_start3A_91 : memref<1x128x80xf32, #tpu.memory_space<hbm>> -> memref<128x80xf32, #tpu.memory_space<hbm>>
      %dma_start3A_93 = arith.constant 0 : i32
      %dma_start3A_94 = tpu.memref_slice %arg6[%arg0, %add3A_89, %dma_start3A_93] : memref<2x10240x80xf32, #tpu.memory_space<hbm>> -> memref<1x128x80xf32, #tpu.memory_space<hbm>>
      %dma_start3A_95 = tpu.memref_squeeze %dma_start3A_94 : memref<1x128x80xf32, #tpu.memory_space<hbm>> -> memref<128x80xf32, #tpu.memory_space<hbm>>
      tpu.enqueue_dma source(%arg12 : memref<128x80xf32, #tpu.memory_space<vmem>>) target(%dma_start3A_95 : memref<128x80xf32, #tpu.memory_space<hbm>>) target_semaphore(%run_scoped3A : memref<!tpu.dma_semaphore, #tpu.memory_space<semaphore_mem>>)
      %dma_wait3A_96 = arith.constant 0 : i32
      %dma_wait3A_97 = tpu.memref_slice %arg6[%arg0, %add3A_89, %dma_wait3A_96] : memref<2x10240x80xf32, #tpu.memory_space<hbm>> -> memref<1x128x80xf32, #tpu.memory_space<hbm>>
      %dma_wait3A_98 = tpu.memref_squeeze %dma_wait3A_97 : memref<1x128x80xf32, #tpu.memory_space<hbm>> -> memref<128x80xf32, #tpu.memory_space<hbm>>
      %dma_wait3A_99 = arith.constant 0 : i32
      %dma_wait3A_100 = tpu.memref_slice %arg6[%arg0, %add3A_89, %dma_wait3A_99] : memref<2x10240x80xf32, #tpu.memory_space<hbm>> -> memref<1x128x80xf32, #tpu.memory_space<hbm>>
      %dma_wait3A_101 = tpu.memref_squeeze %dma_wait3A_100 : memref<1x128x80xf32, #tpu.memory_space<hbm>> -> memref<128x80xf32, #tpu.memory_space<hbm>>
      tpu.wait_dma2 semaphore(%run_scoped3A : memref<!tpu.dma_semaphore, #tpu.memory_space<semaphore_mem>>) src(%arg12 : memref<128x80xf32, #tpu.memory_space<vmem>>) dst(%dma_wait3A_101 : memref<128x80xf32, #tpu.memory_space<hbm>>)
      tpu.yield
    }) : () -> ()
    return
  }
}

module attributes {stable_mosaic.version = 14 : i64} {
  func.func @_node_proj_body(%arg0: i32, %arg1: memref<1000x128xf32, #tpu.memory_space<vmem>>, %arg2: memref<128x128xf32, #tpu.memory_space<vmem>>, %arg3: memref<1x128xf32, #tpu.memory_space<vmem>>, %arg4: memref<1x128xf32, #tpu.memory_space<vmem>>, %arg5: memref<2x1000x64xf32, #tpu.memory_space<vmem>>, %arg6: memref<1000x1xf32, #tpu.memory_space<vmem>>, %arg7: memref<1000x1xf32, #tpu.memory_space<vmem>>) attributes {dimension_semantics = [#tpu.dimension_semantics<arbitrary>], iteration_bounds = array<i64: 10>, scalar_prefetch = 0 : i64, scratch_operands = 0 : i64, tpu.core_type = #tpu.core_type<tc>, window_params = [{transform_indices = @transform_0, window_bounds = array<i64: 1000, 128>}, {pipeline_mode = #tpu.pipeline_mode<synchronous>, transform_indices = @transform_1, window_bounds = array<i64: 128, 128>}, {pipeline_mode = #tpu.pipeline_mode<synchronous>, transform_indices = @transform_2, window_bounds = array<i64: 1, 128>}, {pipeline_mode = #tpu.pipeline_mode<synchronous>, transform_indices = @transform_3, window_bounds = array<i64: 1, 128>}, {transform_indices = @transform_4, window_bounds = array<i64: 2, 1000, 64>}, {transform_indices = @transform_5, window_bounds = array<i64: 1000, 1>}, {transform_indices = @transform_6, window_bounds = array<i64: 1000, 1>}]} {
    %get3A = arith.constant 0 : index
    %get3A_0 = arith.constant 0 : index
    %get3A_1 = vector.load %arg1[%get3A, %get3A_0] : memref<1000x128xf32, #tpu.memory_space<vmem>>, vector<1000x128xf32>
    %get3A_2 = arith.constant 0 : index
    %get3A_3 = arith.constant 0 : index
    %get3A_4 = vector.load %arg2[%get3A_2, %get3A_3] : memref<128x128xf32, #tpu.memory_space<vmem>>, vector<128x128xf32>
    %dot_general3A = arith.constant dense<0.000000e+00> : vector<1000x128xf32>
    %dot_general3A_5 = tpu.matmul %get3A_1, %get3A_4, %dot_general3A {dimension_numbers = #tpu.dot_dimension_numbers<[1], [0], [0], [1], [0, 0, 1, 1], [], []>, transpose_lhs_hint = false} : vector<1000x128xf32>, vector<128x128xf32>, vector<1000x128xf32> -> vector<1000x128xf32>
    %slice3A = vector.extract_strided_slice %dot_general3A_5 {offsets = [0, 0], sizes = [1000, 64], strides = [1, 1]} : vector<1000x128xf32> to vector<1000x64xf32>
    %swap3A = arith.constant 0 : index
    %swap3A_6 = arith.constant 0 : index
    %swap3A_7 = arith.constant 0 : index
    %swap3A_8 = vector.load %arg5[%swap3A, %swap3A_6, %swap3A_7] : memref<2x1000x64xf32, #tpu.memory_space<vmem>>, vector<1x1000x64xf32>
    %swap3A_9 = vector.shape_cast %swap3A_8 : vector<1x1000x64xf32> to vector<1000x64xf32>
    %swap3A_10 = vector.shape_cast %slice3A : vector<1000x64xf32> to vector<1x1000x64xf32>
    tpu.vector_store %arg5[%swap3A, %swap3A_6, %swap3A_7], %swap3A_10 {strides = array<i32>} : memref<2x1000x64xf32, #tpu.memory_space<vmem>>, vector<1x1000x64xf32>,
    %slice3A_11 = vector.extract_strided_slice %dot_general3A_5 {offsets = [0, 64], sizes = [1000, 64], strides = [1, 1]} : vector<1000x128xf32> to vector<1000x64xf32>
    %swap3A_12 = arith.constant 1 : index
    %swap3A_13 = arith.constant 0 : index
    %swap3A_14 = arith.constant 0 : index
    %swap3A_15 = vector.load %arg5[%swap3A_12, %swap3A_13, %swap3A_14] : memref<2x1000x64xf32, #tpu.memory_space<vmem>>, vector<1x1000x64xf32>
    %swap3A_16 = vector.shape_cast %swap3A_15 : vector<1x1000x64xf32> to vector<1000x64xf32>
    %swap3A_17 = vector.shape_cast %slice3A_11 : vector<1000x64xf32> to vector<1x1000x64xf32>
    tpu.vector_store %arg5[%swap3A_12, %swap3A_13, %swap3A_14], %swap3A_17 {strides = array<i32>} : memref<2x1000x64xf32, #tpu.memory_space<vmem>>, vector<1x1000x64xf32>,
    %get3A_18 = arith.constant 0 : index
    %get3A_19 = arith.constant 0 : index
    %get3A_20 = vector.load %arg3[%get3A_18, %get3A_19] : memref<1x128xf32, #tpu.memory_space<vmem>>, vector<1x128xf32>
    %mul3A = vector.broadcast %get3A_20 : vector<1x128xf32> to vector<1000x128xf32>
    %mul3A_21 = arith.mulf %dot_general3A_5, %mul3A : vector<1000x128xf32>
    %reduce_sum3A = arith.constant dense<0.000000e+00> : vector<1000xf32>
    %reduce_sum3A_22 = vector.multi_reduction <add>, %mul3A_21, %reduce_sum3A [1] : vector<1000x128xf32> to vector<1000xf32>
    %broadcast_in_dim3A = vector.shape_cast %reduce_sum3A_22 : vector<1000xf32> to vector<1000x1xf32>
    %swap3A_23 = arith.constant 0 : index
    %swap3A_24 = arith.constant 0 : index
    %swap3A_25 = vector.load %arg6[%swap3A_23, %swap3A_24] : memref<1000x1xf32, #tpu.memory_space<vmem>>, vector<1000x1xf32>
    tpu.vector_store %arg6[%swap3A_23, %swap3A_24], %broadcast_in_dim3A {strides = array<i32>} : memref<1000x1xf32, #tpu.memory_space<vmem>>, vector<1000x1xf32>,
    %get3A_26 = arith.constant 0 : index
    %get3A_27 = arith.constant 0 : index
    %get3A_28 = vector.load %arg4[%get3A_26, %get3A_27] : memref<1x128xf32, #tpu.memory_space<vmem>>, vector<1x128xf32>
    %mul3A_29 = vector.broadcast %get3A_28 : vector<1x128xf32> to vector<1000x128xf32>
    %mul3A_30 = arith.mulf %dot_general3A_5, %mul3A_29 : vector<1000x128xf32>
    %reduce_sum3A_31 = arith.constant dense<0.000000e+00> : vector<1000xf32>
    %reduce_sum3A_32 = vector.multi_reduction <add>, %mul3A_30, %reduce_sum3A_31 [1] : vector<1000x128xf32> to vector<1000xf32>
    %broadcast_in_dim3A_33 = vector.shape_cast %reduce_sum3A_32 : vector<1000xf32> to vector<1000x1xf32>
    %swap3A_34 = arith.constant 0 : index
    %swap3A_35 = arith.constant 0 : index
    %swap3A_36 = vector.load %arg7[%swap3A_34, %swap3A_35] : memref<1000x1xf32, #tpu.memory_space<vmem>>, vector<1000x1xf32>
    tpu.vector_store %arg7[%swap3A_34, %swap3A_35], %broadcast_in_dim3A_33 {strides = array<i32>} : memref<1000x1xf32, #tpu.memory_space<vmem>>, vector<1000x1xf32>,
    return
  }
  func.func @transform_0(%arg0: i32) -> (i32, i32) {
    %c0_i32 = arith.constant 0 : i32
    %c0_i32_0 = arith.constant 0 : i32
    return %arg0, %c0_i32 : i32, i32
  }
  func.func @transform_1(%arg0: i32) -> (i32, i32) {
    %c0_i32 = arith.constant 0 : i32
    %c0_i32_0 = arith.constant 0 : i32
    %c0_i32_1 = arith.constant 0 : i32
    return %c0_i32, %c0_i32_0 : i32, i32
  }
  func.func @transform_2(%arg0: i32) -> (i32, i32) {
    %c0_i32 = arith.constant 0 : i32
    %c0_i32_0 = arith.constant 0 : i32
    %c0_i32_1 = arith.constant 0 : i32
    return %c0_i32, %c0_i32_0 : i32, i32
  }
  func.func @transform_3(%arg0: i32) -> (i32, i32) {
    %c0_i32 = arith.constant 0 : i32
    %c0_i32_0 = arith.constant 0 : i32
    %c0_i32_1 = arith.constant 0 : i32
    return %c0_i32, %c0_i32_0 : i32, i32
  }
  func.func @transform_4(%arg0: i32) -> (i32, i32, i32) {
    %c0_i32 = arith.constant 0 : i32
    %c0_i32_0 = arith.constant 0 : i32
    %c0_i32_1 = arith.constant 0 : i32
    return %c0_i32, %arg0, %c0_i32_0 : i32, i32, i32
  }
  func.func @transform_5(%arg0: i32) -> (i32, i32) {
    %c0_i32 = arith.constant 0 : i32
    %c0_i32_0 = arith.constant 0 : i32
    return %arg0, %c0_i32 : i32, i32
  }
  func.func @transform_6(%arg0: i32) -> (i32, i32) {
    %c0_i32 = arith.constant 0 : i32
    %c0_i32_0 = arith.constant 0 : i32
    return %arg0, %c0_i32 : i32, i32
  }
}

module attributes {stable_mosaic.version = 14 : i64} {
  func.func @_final_body(%arg0: i32, %arg1: memref<1x400x80xf32, #tpu.memory_space<vmem>>, %arg2: memref<1x400x80xf32, #tpu.memory_space<vmem>>, %arg3: memref<1x400x64xf32, #tpu.memory_space<vmem>>, %arg4: memref<1x400x64xf32, #tpu.memory_space<vmem>>, %arg5: memref<400x1xf32, #tpu.memory_space<vmem>>, %arg6: memref<400x1xf32, #tpu.memory_space<vmem>>, %arg7: memref<400x1xi32, #tpu.memory_space<vmem>>, %arg8: memref<1x128xf32, #tpu.memory_space<vmem>>, %arg9: memref<1x128xf32, #tpu.memory_space<vmem>>, %arg10: memref<1x1xf32, #tpu.memory_space<vmem>>, %arg11: memref<64x128xf32, #tpu.memory_space<vmem>>, %arg12: memref<400x1xf32, #tpu.memory_space<vmem>>, %arg13: memref<64x128xf32, #tpu.memory_space<vmem>>, %arg14: memref<64x1xf32, #tpu.memory_space<vmem>>) attributes {dimension_semantics = [#tpu.dimension_semantics<arbitrary>], iteration_bounds = array<i64: 25>, scalar_prefetch = 0 : i64, scratch_operands = 2 : i64, tpu.core_type = #tpu.core_type<tc>, window_params = [{transform_indices = @transform_0, window_bounds = array<i64: 1, 400, 80>}, {transform_indices = @transform_1, window_bounds = array<i64: 1, 400, 80>}, {transform_indices = @transform_2, window_bounds = array<i64: 1, 400, 64>}, {transform_indices = @transform_3, window_bounds = array<i64: 1, 400, 64>}, {transform_indices = @transform_4, window_bounds = array<i64: 400, 1>}, {transform_indices = @transform_5, window_bounds = array<i64: 400, 1>}, {transform_indices = @transform_6, window_bounds = array<i64: 400, 1>}, {pipeline_mode = #tpu.pipeline_mode<synchronous>, transform_indices = @transform_7, window_bounds = array<i64: 1, 128>}, {pipeline_mode = #tpu.pipeline_mode<synchronous>, transform_indices = @transform_8, window_bounds = array<i64: 1, 128>}, {pipeline_mode = #tpu.pipeline_mode<synchronous>, transform_indices = @transform_9, window_bounds = array<i64: 1, 1>}, {pipeline_mode = #tpu.pipeline_mode<synchronous>, transform_indices = @transform_10, window_bounds = array<i64: 64, 128>}, {transform_indices = @transform_11, window_bounds = array<i64: 400, 1>}]} {
    %get3A = arith.constant 0 : index
    %get3A_0 = arith.constant 0 : index
    %get3A_1 = vector.load %arg5[%get3A, %get3A_0] : memref<400x1xf32, #tpu.memory_space<vmem>>, vector<400x1xf32>
    %get3A_2 = arith.constant 0 : index
    %get3A_3 = arith.constant 0 : index
    %get3A_4 = vector.load %arg6[%get3A_2, %get3A_3] : memref<400x1xf32, #tpu.memory_space<vmem>>, vector<400x1xf32>
    %add3A = arith.addf %get3A_1, %get3A_4 : vector<400x1xf32>
    %ge3A = arith.constant 0.000000e+00 : f32
    %ge3A_5 = vector.broadcast %ge3A : f32 to vector<400x1xf32>
    %ge3A_6 = arith.cmpf oge, %add3A, %ge3A_5 : vector<400x1xf32>
    %mul3A = arith.constant 2.000000e-01 : f32
    %mul3A_7 = vector.broadcast %mul3A : f32 to vector<400x1xf32>
    %mul3A_8 = arith.mulf %mul3A_7, %add3A : vector<400x1xf32>
    %select_n3A = arith.select %ge3A_6, %add3A, %mul3A_8 : vector<400x1xi1>, vector<400x1xf32>
    %exp3A = math.exp %select_n3A : vector<400x1xf32>
    %get3A_9 = arith.constant 0 : index
    %get3A_10 = arith.constant 0 : index
    %get3A_11 = arith.constant 0 : index
    %get3A_12 = vector.load %arg3[%get3A_9, %get3A_10, %get3A_11] : memref<1x400x64xf32, #tpu.memory_space<vmem>>, vector<1x400x64xf32>
    %get3A_13 = vector.shape_cast %get3A_12 : vector<1x400x64xf32> to vector<400x64xf32>
    %get3A_14 = arith.constant 0 : index
    %get3A_15 = arith.constant 0 : index
    %get3A_16 = arith.constant 0 : index
    %get3A_17 = vector.load %arg4[%get3A_14, %get3A_15, %get3A_16] : memref<1x400x64xf32, #tpu.memory_space<vmem>>, vector<1x400x64xf32>
    %get3A_18 = vector.shape_cast %get3A_17 : vector<1x400x64xf32> to vector<400x64xf32>
    %concatenate3A = tpu.concatenate %get3A_13, %get3A_18 in 1 : vector<400x64xf32>, vector<400x64xf32> -> vector<400x128xf32>
    %get3A_19 = arith.constant 0 : index
    %get3A_20 = arith.constant 0 : index
    %get3A_21 = arith.constant 0 : index
    %get3A_22 = vector.load %arg1[%get3A_19, %get3A_20, %get3A_21] : memref<1x400x80xf32, #tpu.memory_space<vmem>>, vector<1x400x64xf32>
    %get3A_23 = vector.shape_cast %get3A_22 : vector<1x400x64xf32> to vector<400x64xf32>
    %get3A_24 = arith.constant 0 : index
    %get3A_25 = arith.constant 0 : index
    %get3A_26 = arith.constant 0 : index
    %get3A_27 = vector.load %arg2[%get3A_24, %get3A_25, %get3A_26] : memref<1x400x80xf32, #tpu.memory_space<vmem>>, vector<1x400x64xf32>
    %get3A_28 = vector.shape_cast %get3A_27 : vector<1x400x64xf32> to vector<400x64xf32>
    %concatenate3A_29 = tpu.concatenate %get3A_23, %get3A_28 in 1 : vector<400x64xf32>, vector<400x64xf32> -> vector<400x128xf32>
    %mul3A_30 = vector.broadcast %exp3A : vector<400x1xf32> to vector<400x128xf32>
    %mul3A_31 = arith.mulf %mul3A_30, %concatenate3A : vector<400x128xf32>
    %add3A_32 = arith.addf %concatenate3A_29, %mul3A_31 : vector<400x128xf32>
    %get3A_33 = arith.constant 0 : index
    %get3A_34 = arith.constant 0 : index
    %get3A_35 = arith.constant 64 : index
    %get3A_36 = vector.load %arg1[%get3A_33, %get3A_34, %get3A_35] : memref<1x400x80xf32, #tpu.memory_space<vmem>>, vector<1x400x1xf32>
    %get3A_37 = vector.shape_cast %get3A_36 : vector<1x400x1xf32> to vector<400x1xf32>
    %add3A_38 = arith.addf %get3A_37, %exp3A : vector<400x1xf32>
    %add3A_39 = arith.constant 1.000000e-16 : f32
    %add3A_40 = vector.broadcast %add3A_39 : f32 to vector<400x1xf32>
    %add3A_41 = arith.addf %add3A_38, %add3A_40 : vector<400x1xf32>
    %div3A = vector.broadcast %add3A_41 : vector<400x1xf32> to vector<400x128xf32>
    %div3A_42 = arith.divf %add3A_32, %div3A : vector<400x128xf32>
    %get3A_43 = arith.constant 0 : index
    %get3A_44 = arith.constant 0 : index
    %get3A_45 = vector.load %arg8[%get3A_43, %get3A_44] : memref<1x128xf32, #tpu.memory_space<vmem>>, vector<1x128xf32>
    %add3A_46 = vector.broadcast %get3A_45 : vector<1x128xf32> to vector<400x128xf32>
    %add3A_47 = arith.addf %div3A_42, %add3A_46 : vector<400x128xf32>
    %get3A_48 = arith.constant 0 : index
    %get3A_49 = arith.constant 0 : index
    %get3A_50 = vector.load %arg9[%get3A_48, %get3A_49] : memref<1x128xf32, #tpu.memory_space<vmem>>, vector<1x128xf32>
    %mul3A_51 = vector.broadcast %get3A_50 : vector<1x128xf32> to vector<400x128xf32>
    %mul3A_52 = arith.mulf %add3A_47, %mul3A_51 : vector<400x128xf32>
    %reduce_sum3A = arith.constant dense<0.000000e+00> : vector<400xf32>
    %reduce_sum3A_53 = vector.multi_reduction <add>, %mul3A_52, %reduce_sum3A [1] : vector<400x128xf32> to vector<400xf32>
    %broadcast_in_dim3A = vector.shape_cast %reduce_sum3A_53 : vector<400xf32> to vector<400x1xf32>
    %get3A_54 = arith.constant 0 : index
    %get3A_55 = arith.constant 0 : index
    %get3A_56 = vector.load %arg10[%get3A_54, %get3A_55] : memref<1x1xf32, #tpu.memory_space<vmem>>, vector<1x1xf32>
    %add3A_57 = vector.broadcast %get3A_56 : vector<1x1xf32> to vector<400x1xf32>
    %add3A_58 = arith.addf %broadcast_in_dim3A, %add3A_57 : vector<400x1xf32>
    %neg3A = arith.constant 0.000000e+00 : f32
    %neg3A_59 = vector.broadcast %neg3A : f32 to vector<400x1xf32>
    %neg3A_60 = arith.subf %neg3A_59, %add3A_58 : vector<400x1xf32>
    %exp3A_61 = math.exp %neg3A_60 : vector<400x1xf32>
    %add3A_62 = arith.constant 1.000000e+00 : f32
    %add3A_63 = vector.broadcast %add3A_62 : f32 to vector<400x1xf32>
    %add3A_64 = arith.addf %add3A_63, %exp3A_61 : vector<400x1xf32>
    %div3A_65 = arith.constant 1.000000e+00 : f32
    %div3A_66 = vector.broadcast %div3A_65 : f32 to vector<400x1xf32>
    %div3A_67 = arith.divf %div3A_66, %add3A_64 : vector<400x1xf32>
    %swap3A = arith.constant 0 : index
    %swap3A_68 = arith.constant 0 : index
    %swap3A_69 = vector.load %arg12[%swap3A, %swap3A_68] : memref<400x1xf32, #tpu.memory_space<vmem>>, vector<400x1xf32>
    tpu.vector_store %arg12[%swap3A, %swap3A_68], %div3A_67 {strides = array<i32>} : memref<400x1xf32, #tpu.memory_space<vmem>>, vector<400x1xf32>,
    %mul3A_70 = vector.broadcast %div3A_67 : vector<400x1xf32> to vector<400x128xf32>
    %mul3A_71 = arith.mulf %mul3A_70, %add3A_47 : vector<400x128xf32>
    %get3A_72 = arith.constant 0 : index
    %get3A_73 = arith.constant 0 : index
    %get3A_74 = vector.load %arg7[%get3A_72, %get3A_73] : memref<400x1xi32, #tpu.memory_space<vmem>>, vector<400x1xi32>
    %iota3A = tpu.iota {dimensions = array<i32: 1>} : vector<400x64xi32>
    %eq3A = vector.broadcast %get3A_74 : vector<400x1xi32> to vector<400x64xi32>
    %eq3A_75 = arith.cmpi eq, %eq3A, %iota3A : vector<400x64xi32>
    %convert_element_type3A = arith.extui %eq3A_75 : vector<400x64xi1> to vector<400x64xi32>
    %convert_element_type3A_76 = arith.sitofp %convert_element_type3A : vector<400x64xi32> to vector<400x64xf32>
    %dot_general3A = arith.constant dense<0.000000e+00> : vector<64x128xf32>
    %dot_general3A_77 = tpu.matmul %convert_element_type3A_76, %mul3A_71, %dot_general3A {dimension_numbers = #tpu.dot_dimension_numbers<[0], [0], [1], [1], [0, 1, 1, 1], [], []>, transpose_lhs_hint = false} : vector<400x64xf32>, vector<400x128xf32>, vector<64x128xf32> -> vector<64x128xf32>
    %broadcast_in_dim3A_78 = arith.constant 1.000000e+00 : f32
    %broadcast_in_dim3A_79 = vector.broadcast %broadcast_in_dim3A_78 : f32 to vector<400x1xf32>
    %dot_general3A_80 = arith.constant dense<0.000000e+00> : vector<64x1xf32>
    %dot_general3A_81 = tpu.matmul %convert_element_type3A_76, %broadcast_in_dim3A_79, %dot_general3A_80 {dimension_numbers = #tpu.dot_dimension_numbers<[0], [0], [1], [1], [0, 1, 1, 1], [], []>, transpose_lhs_hint = false} : vector<400x64xf32>, vector<400x1xf32>, vector<64x1xf32> -> vector<64x1xf32>
    %eq3A_82 = arith.constant 0 : i32
    %eq3A_83 = arith.cmpi eq, %arg0, %eq3A_82 : i32
    %convert_element_type3A_84 = arith.extui %eq3A_83 : i1 to i32
    %cond3A = arith.constant 0 : i32
    %cond3A_85 = arith.cmpi ne, %convert_element_type3A_84, %cond3A : i32
    scf.if %cond3A_85 {
      %swap3A_95 = arith.constant 0 : index
      %swap3A_96 = arith.constant 0 : index
      %swap3A_97 = vector.load %arg13[%swap3A_95, %swap3A_96] : memref<64x128xf32, #tpu.memory_space<vmem>>, vector<64x128xf32>
      tpu.vector_store %arg13[%swap3A_95, %swap3A_96], %dot_general3A_77 {strides = array<i32>} : memref<64x128xf32, #tpu.memory_space<vmem>>, vector<64x128xf32>,
      %swap3A_98 = arith.constant 0 : index
      %swap3A_99 = arith.constant 0 : index
      %swap3A_100 = vector.load %arg14[%swap3A_98, %swap3A_99] : memref<64x1xf32, #tpu.memory_space<vmem>>, vector<64x1xf32>
      tpu.vector_store %arg14[%swap3A_98, %swap3A_99], %dot_general3A_81 {strides = array<i32>} : memref<64x1xf32, #tpu.memory_space<vmem>>, vector<64x1xf32>,
    } else {
    }
    %gt3A = arith.constant 0 : i32
    %gt3A_86 = arith.cmpi sgt, %arg0, %gt3A : i32
    %convert_element_type3A_87 = arith.extui %gt3A_86 : i1 to i32
    %cond3A_88 = arith.constant 0 : i32
    %cond3A_89 = arith.cmpi ne, %convert_element_type3A_87, %cond3A_88 : i32
    scf.if %cond3A_89 {
      %get3A_95 = arith.constant 0 : index
      %get3A_96 = arith.constant 0 : index
      %get3A_97 = vector.load %arg13[%get3A_95, %get3A_96] : memref<64x128xf32, #tpu.memory_space<vmem>>, vector<64x128xf32>
      %add3A_98 = arith.addf %get3A_97, %dot_general3A_77 : vector<64x128xf32>
      %swap3A_99 = arith.constant 0 : index
      %swap3A_100 = arith.constant 0 : index
      %swap3A_101 = vector.load %arg13[%swap3A_99, %swap3A_100] : memref<64x128xf32, #tpu.memory_space<vmem>>, vector<64x128xf32>
      tpu.vector_store %arg13[%swap3A_99, %swap3A_100], %add3A_98 {strides = array<i32>} : memref<64x128xf32, #tpu.memory_space<vmem>>, vector<64x128xf32>,
      %get3A_102 = arith.constant 0 : index
      %get3A_103 = arith.constant 0 : index
      %get3A_104 = vector.load %arg14[%get3A_102, %get3A_103] : memref<64x1xf32, #tpu.memory_space<vmem>>, vector<64x1xf32>
      %add3A_105 = arith.addf %get3A_104, %dot_general3A_81 : vector<64x1xf32>
      %swap3A_106 = arith.constant 0 : index
      %swap3A_107 = arith.constant 0 : index
      %swap3A_108 = vector.load %arg14[%swap3A_106, %swap3A_107] : memref<64x1xf32, #tpu.memory_space<vmem>>, vector<64x1xf32>
      tpu.vector_store %arg14[%swap3A_106, %swap3A_107], %add3A_105 {strides = array<i32>} : memref<64x1xf32, #tpu.memory_space<vmem>>, vector<64x1xf32>,
    } else {
    }
    %eq3A_90 = arith.constant 24 : i32
    %eq3A_91 = arith.cmpi eq, %arg0, %eq3A_90 : i32
    %convert_element_type3A_92 = arith.extui %eq3A_91 : i1 to i32
    %cond3A_93 = arith.constant 0 : i32
    %cond3A_94 = arith.cmpi ne, %convert_element_type3A_92, %cond3A_93 : i32
    scf.if %cond3A_94 {
      %get3A_95 = arith.constant 0 : index
      %get3A_96 = arith.constant 0 : index
      %get3A_97 = vector.load %arg13[%get3A_95, %get3A_96] : memref<64x128xf32, #tpu.memory_space<vmem>>, vector<64x128xf32>
      %get3A_98 = arith.constant 0 : index
      %get3A_99 = arith.constant 0 : index
      %get3A_100 = vector.load %arg14[%get3A_98, %get3A_99] : memref<64x1xf32, #tpu.memory_space<vmem>>, vector<64x1xf32>
      %max3A = arith.constant 1.000000e+00 : f32
      %max3A_101 = vector.broadcast %max3A : f32 to vector<64x1xf32>
      %max3A_102 = arith.maximumf %get3A_100, %max3A_101 : vector<64x1xf32>
      %div3A_103 = vector.broadcast %max3A_102 : vector<64x1xf32> to vector<64x128xf32>
      %div3A_104 = arith.divf %get3A_97, %div3A_103 : vector<64x128xf32>
      %swap3A_105 = arith.constant 0 : index
      %swap3A_106 = arith.constant 0 : index
      %swap3A_107 = vector.load %arg11[%swap3A_105, %swap3A_106] : memref<64x128xf32, #tpu.memory_space<vmem>>, vector<64x128xf32>
      tpu.vector_store %arg11[%swap3A_105, %swap3A_106], %div3A_104 {strides = array<i32>} : memref<64x128xf32, #tpu.memory_space<vmem>>, vector<64x128xf32>,
    } else {
    }
    return
  }
  func.func @transform_0(%arg0: i32) -> (i32, i32, i32) {
    %c0_i32 = arith.constant 0 : i32
    %c0_i32_0 = arith.constant 0 : i32
    %c0_i32_1 = arith.constant 0 : i32
    return %c0_i32, %arg0, %c0_i32_0 : i32, i32, i32
  }
  func.func @transform_1(%arg0: i32) -> (i32, i32, i32) {
    %c1_i32 = arith.constant 1 : i32
    %c0_i32 = arith.constant 0 : i32
    %c0_i32_0 = arith.constant 0 : i32
    return %c1_i32, %arg0, %c0_i32 : i32, i32, i32
  }
  func.func @transform_2(%arg0: i32) -> (i32, i32, i32) {
    %c0_i32 = arith.constant 0 : i32
    %c0_i32_0 = arith.constant 0 : i32
    %c0_i32_1 = arith.constant 0 : i32
    return %c0_i32, %arg0, %c0_i32_0 : i32, i32, i32
  }
  func.func @transform_3(%arg0: i32) -> (i32, i32, i32) {
    %c1_i32 = arith.constant 1 : i32
    %c0_i32 = arith.constant 0 : i32
    %c0_i32_0 = arith.constant 0 : i32
    return %c1_i32, %arg0, %c0_i32 : i32, i32, i32
  }
  func.func @transform_4(%arg0: i32) -> (i32, i32) {
    %c0_i32 = arith.constant 0 : i32
    %c0_i32_0 = arith.constant 0 : i32
    return %arg0, %c0_i32 : i32, i32
  }
  func.func @transform_5(%arg0: i32) -> (i32, i32) {
    %c0_i32 = arith.constant 0 : i32
    %c0_i32_0 = arith.constant 0 : i32
    return %arg0, %c0_i32 : i32, i32
  }
  func.func @transform_6(%arg0: i32) -> (i32, i32) {
    %c0_i32 = arith.constant 0 : i32
    %c0_i32_0 = arith.constant 0 : i32
    return %arg0, %c0_i32 : i32, i32
  }
  func.func @transform_7(%arg0: i32) -> (i32, i32) {
    %c0_i32 = arith.constant 0 : i32
    %c0_i32_0 = arith.constant 0 : i32
    %c0_i32_1 = arith.constant 0 : i32
    return %c0_i32, %c0_i32_0 : i32, i32
  }
  func.func @transform_8(%arg0: i32) -> (i32, i32) {
    %c0_i32 = arith.constant 0 : i32
    %c0_i32_0 = arith.constant 0 : i32
    %c0_i32_1 = arith.constant 0 : i32
    return %c0_i32, %c0_i32_0 : i32, i32
  }
  func.func @transform_9(%arg0: i32) -> (i32, i32) {
    %c0_i32 = arith.constant 0 : i32
    %c0_i32_0 = arith.constant 0 : i32
    %c0_i32_1 = arith.constant 0 : i32
    return %c0_i32, %c0_i32_0 : i32, i32
  }
  func.func @transform_10(%arg0: i32) -> (i32, i32) {
    %c0_i32 = arith.constant 0 : i32
    %c0_i32_0 = arith.constant 0 : i32
    %c0_i32_1 = arith.constant 0 : i32
    return %c0_i32, %c0_i32_0 : i32, i32
  }
  func.func @transform_11(%arg0: i32) -> (i32, i32) {
    %c0_i32 = arith.constant 0 : i32
    %c0_i32_0 = arith.constant 0 : i32
    return %arg0, %c0_i32 : i32, i32
  }
}

</mosaic_0001>

<sc_bundles>
// kernel: kernel.5.cloned.1.call-start
scs
__scs_entry_jumppad:
0x0: {  	(pc) =	sbr.rel $0x88, $3  }
0x1: {  	(tag) =	ssettag $0x0;
	lr =	simm.s32 $0x1  }
0x2: {  	[smem:$0x3F98] =	sst lr;
	_ =	strace $0xD0000000  }
0x3: {  	_ = 	snop  }
0x4: {  	_ = 	snop  }
0x5: {  	_ = 	snop  }
0x6: {  	_ = 	snop  }
0x7: {  	_ = 	snop  }
__scs_overlays_trampoline_lowered:
0x8: {  	[smem:$0x3FA7] =	sst s0  }
0x9: {  	[smem:$0x3FA8] =	sst s1  }
0xa: {  	[smem:$0x3FA9] =	sst s2  }
0xb: {  	[smem:$0x3FAA] =	sst s3  }
0xc: {  	[smem:$0x3FAB] =	sst s4  }
0xd: {  	[smem:$0x3FAC] =	sst s5  }
0xe: {  	[smem:$0x3FAD] =	sst s6  }
0xf: {  	[smem:$0x3FAE] =	sst s7  }
0x10: {  	[smem:$0x3FAF] =	sst s8  }
0x11: {  	[smem:$0x3FB0] =	sst s9;
	s0 =	simm.s32 @!p0 $0x0  }
0x12: {  	s1 =	sld [smem:$0x3F96];
	s0 =	simm.s32 @p0 $0x1  }
0x13: {  	[smem:$0x3FB1] =	sst s0;
	s0 =	simm.s32 @!p1 $0x0  }
0x14: {  	s2 =	sld [smem:$0x3F95];
	s0 =	simm.s32 @p1 $0x1  }
0x15: {  	[smem:$0x3FB2] =	sst s0;
	s0 =	simm.s32 @!p2 $0x0  }
0x16: {  	s3 =	sld [smem:$0x3FDB];
	s0 =	simm.s32 @p2 $0x1  }
0x17: {  	s4 =	simm.s32 $0x1BF5;
	[smem:$0x3FB4] =	sst s0  }
0x18: {  	s0 =	sld [smem:$0x3F97];
	_ =	swait.ge [sflag:s4], $0x0  }
0x19: {  	s7 =	sld [smem:$0x3F98]  }
0x1a: {  	s8 =	sadd.s32 $0xFFFFE003, lr  }
0x1b: {  	s9 =	sadd.s32 $0xFFFFFEF7, lr;
	s5 =	simm.s32 $0xFFFFFFFF;
	p2 =	slt.u32 s8, $0xFFFFF086  }
0x1c: {  	p1 =	slt.u32 s9, $0xF7A;
	s5 =	simm.s32 @!p2 $0x0  }
0x1d: {  	s5 =	simm.s32 @p1 $0x1;
	p0 =	seq.s32 s7, s2  }
0x1e: {  	s7 =	smul.u32 @!p0 $0xF7A, s2;
	p2 =	seq.s32 @!p0 s5, $0x0  }
0x1f: {  	s9 =	smul.u32 $0xF7A, s1;
	s8 =	simm.s32 @!p0 $0x1BF5;
	p2 =	por !p2, p0  }
0x20: {  	[sflag:s8] =	ssyncset.s32 @!p0 $0xFFFFF086;
	s6 =	sadd.s32 @!p0 s3, s7;
	s7 =	simm.s32 @!p0 $0x108  }
0x21: {  	s3 =	sadd.s32 s3, s9;
	s6 =	sadd.s32 @!p0 $0x88, s6;
	s7 =	simm.s32 @p2 $0x1082  }
0x22: {  	[simem:s7], [sflag:s8] =	dma.local @!p0 [hbm:s6], $0xF7A  }
0x23: {  	s9 =	sor.u32 $0xD0000000, s2;
	s6 =	simm.s32 $0x108;
	_ =	swait.ge @!p0 [sflag:s8], $0x0  }
0x24: {  	s3 =	sadd.s32 $0x88, s3;
	s6 =	simm.s32 @!p1 $0x1082;
	[sflag:s4] =	ssyncset.s32 $0xFFFFF086  }
0x25: {  	[simem:s6], [sflag:s4] =	dma.local [hbm:s3], $0xF7A  }
0x26: {  	[smem:$0x3F98] =	sst s1;
	(tag) =	ssettag s2;
	_ =	strace s9  }
0x27: {  	s1 =	sld [smem:$0x3FA8]  }
0x28: {  	s2 =	sld [smem:$0x3FA9]  }
0x29: {  	s4 =	sld [smem:$0x3FAB]  }
0x2a: {  	p0 =	seq.s32 s5, $0x0;
	s5 =	sld [smem:$0x3FAC]  }
0x2b: {  	s6 =	sld [smem:$0x3FAD]  }
0x2c: {  	s7 =	sld [smem:$0x3FAE]  }
0x2d: {  	s3 =	simm.s32 $0x108;
	s8 =	sld [smem:$0x3FAF]  }
0x2e: {  	s3 =	simm.s32 @!p0 $0x1082;
	s9 =	sld [smem:$0x3FB0]  }
0x2f: {  	lr =	sadd.s32 s0, s3;
	s0 =	sld [smem:$0x3FA7]  }
0x30: {  	s3 =	sld [smem:$0x3FAA]  }
0x31: {  	[smem:$0x3FB3] =	sst s10  }
0x32: {  	s10 =	sld [smem:$0x3FB1];
	_ =	sdelay $0x3  }
0x33: {  	p0 =	seq.s32 s10, $0x1;
	s10 =	sld [smem:$0x3FB3];
	_ =	sdelay $0x3  }
0x34: {  	[smem:$0x3FB3] =	sst s10  }
0x35: {  	s10 =	sld [smem:$0x3FB2];
	_ =	sdelay $0x3  }
0x36: {  	p1 =	seq.s32 s10, $0x1;
	s10 =	sld [smem:$0x3FB3];
	_ =	sdelay $0x3  }
0x37: {  	[smem:$0x3FB3] =	sst s10  }
0x38: {  	s10 =	sld [smem:$0x3FB4]  }
0x39: {  	_ = 	snop;
	(pc) =	sbr.ind lr, $3  }
0x3a: {  	_ = 	snop  }
0x3b: {  	_ = 	snop  }
0x3c: {  	p2 =	seq.s32 s10, $0x1;
	s10 =	sld [smem:$0x3FB3]  }
0x3d: {  	_ =	shalt  }
0x3e: {  	_ =	shalt  }
0x3f: {  	_ =	shalt  }
0x40: {  	_ =	shalt  }
0x41: {  	_ =	shalt  }
0x42: {  	_ =	shalt  }
0x43: {  	_ =	shalt  }
0x44: {  	_ =	shalt  }
0x45: {  	_ =	shalt  }
0x46: {  	_ =	shalt  }
0x47: {  	_ =	shalt  }
0x48: {  	_ =	shalt  }
0x49: {  	_ =	shalt  }
0x4a: {  	_ =	shalt  }
0x4b: {  	_ =	shalt  }
0x4c: {  	_ =	shalt  }
0x4d: {  	_ =	shalt  }
0x4e: {  	_ =	shalt  }
0x4f: {  	_ =	shalt  }
0x50: {  	_ =	shalt  }
0x51: {  	_ =	shalt  }
0x52: {  	_ =	shalt  }
0x53: {  	_ =	shalt  }
0x54: {  	_ =	shalt  }
0x55: {  	_ =	shalt  }
0x56: {  	_ =	shalt  }
0x57: {  	_ =	shalt  }
0x58: {  	_ =	shalt  }
0x59: {  	_ =	shalt  }
0x5a: {  	_ =	shalt  }
0x5b: {  	_ =	shalt  }
0x5c: {  	_ =	shalt  }
0x5d: {  	_ =	shalt  }
0x5e: {  	_ =	shalt  }
0x5f: {  	_ =	shalt  }
0x60: {  	_ =	shalt  }
0x61: {  	_ =	shalt  }
0x62: {  	_ =	shalt  }
0x63: {  	_ =	shalt  }
0x64: {  	_ =	shalt  }
0x65: {  	_ =	shalt  }
0x66: {  	_ =	shalt  }
0x67: {  	_ =	shalt  }
0x68: {  	_ =	shalt  }
0x69: {  	_ =	shalt  }
0x6a: {  	_ =	shalt  }
0x6b: {  	_ =	shalt  }
0x6c: {  	_ =	shalt  }
0x6d: {  	_ =	shalt  }
0x6e: {  	_ =	shalt  }
0x6f: {  	_ =	shalt  }
0x70: {  	_ =	shalt  }
0x71: {  	_ =	shalt  }
0x72: {  	_ =	shalt  }
0x73: {  	_ =	shalt  }
0x74: {  	_ =	shalt  }
0x75: {  	_ =	shalt  }
0x76: {  	_ =	shalt  }
0x77: {  	_ =	shalt  }
0x78: {  	_ =	shalt  }
0x79: {  	_ =	shalt  }
0x7a: {  	_ =	shalt  }
0x7b: {  	_ =	shalt  }
0x7c: {  	_ =	shalt  }
0x7d: {  	_ =	shalt  }
0x7e: {  	_ =	shalt  }
0x7f: {  	_ =	shalt  }
0x80: {  	_ =	shalt  }
0x81: {  	_ =	shalt  }
0x82: {  	_ =	shalt  }
0x83: {  	_ =	shalt  }
0x84: {  	_ =	shalt  }
0x85: {  	_ =	shalt  }
0x86: {  	_ =	shalt  }
0x87: {  	_ =	shalt  }
.Lfunc_end0:
.L_simem_size_0:
called_computation_lowered:
.L_overlay_start_0:
0x88: {  	s2 =	sld [smem:$0x3FD9]  }
0x89: {  	s3 =	sld [smem:$0x3FFE];
	_ =	sdelay $0x1  }
0x8a: {  	s1 =	srdreg.scid  }
0x8b: {  	s0 =	sand.u32 $0x1, s1  }
0x8c: {  	s16 =	sshll.u32 s0, $0xA;
	s2 =	sadd.s32 s3, s2  }
0x8d: {  	s2 =	sadd.s32 s2, s16  }
0x8e: {  	[smem:$0x3FBF] =	sst s2  }
0x8f: {  	_ = 	snop  }
0x90: {  	(tm) =	ssettm $0x1  }
0x91: {  	s17 =	sld [smem:$0x3FFB];
	_ =	sdelay $0x3  }
0x92: {  	_ =	strace s17  }
0x93: {  	s2 =	sld [smem:$0x3FFC];
	_ =	sdelay $0x3  }
0x94: {  	_ =	strace s2  }
0x95: {  	s2 =	sld [smem:$0x3FFD];
	_ =	sdelay $0x3  }
0x96: {  	_ =	strace s2  }
0x97: {  	_ =	strace $0x8FFFFFFF  }
0x98: {  	s18 =	sld [smem:$0x3FDB];
	_ =	sdelay $0x1  }
0x99: {  	s19 =	simm.s32 $_scs_section_size  }
0x9a: {  	s4 =	simm.s32 $_size__tile_overlayer_lowered;
	s5 =	simm.s32 $_tile_overlayer_lowered  }
0x9b: {  	s22 =	simm.s32 $0x1BFF;
	s21 =	sshll.u32 s5, $0x1;
	s2 =	sadd.s32 s19, s18  }
0x9c: {  	s6 =	simm.s32 $0x0;
	s20 =	sshll.u32 s4, $0x1;
	s4 =	sadd.s32 s21, s2  }
0x9d: {  	[timem:s6], [sflag:s22] =	dma.local [hbm:s4], s20  }
0x9e: {  	_ =	swait.ge [sflag:s22], s20  }
0x9f: {  	s3 =	ssub.s32 $0x0, s20;
	[sflag:s22] =	ssyncset.done $0x0  }
0xa0: {  	[sflag:s22] =	ssyncadd.s32 s3;
	_ =	sdelay $0x1  }
0xa1: {  	s23 =	simm.s32 $0x1B8B  }
0xa2: {  	_ =	swait.ge [sflag:s23], $0x1  }
0xa3: {  	[sflag:s23] =	ssyncset.done $0x0  }
0xa4: {  	s25 =	simm.s32 $0x1B8E;
	s24 =	sld [smem:$0x3FFE];
	[sflag:s23] =	ssyncadd.s32 $0xFFFFFFFF  }
0xa5: {  	s26 =	simm.s32 $execute0_lowered;
	[smem:$0x3FD2] =	sst s25  }
0xa6: {  	s4 =	sshll.u32 s26, $0x1;
	_ =	strace $0x80000046;
	[dreg:$0x1] =	wrdreg $0xFFFFFFFF  }
0xa7: {  	s28 =	simm.s32 $_size_execute0_lowered;
	s2 =	sadd.s32 s2, s4;
	[dreg:$0x0] =	wrdreg $0x0  }
0xa8: {  	s4 =	sshll.u32 s28, $0x1;
	[dreg:$0x2] =	wrdreg s2  }
0xa9: {  	[dreg:$0x3] =	wrdreg s4  }
0xaa: {  	[dreg:$0x4] =	wrdreg $0xC0  }
0xab: {  	_ =	task [dreg:s6], $0x5FFFF  }
0xac: {  	[dreg:$0x1] =	wrdreg $0xFFFFFFFF  }
0xad: {  	[dreg:$0x0] =	wrdreg $0x60  }
0xae: {  	[dreg:$0x2] =	wrdreg s24  }
0xaf: {  	[dreg:$0x3] =	wrdreg $0xE1A00  }
0xb0: {  	[dreg:$0x4] =	wrdreg $0x9  }
0xb1: {  	_ =	task.clear_ibuf [dreg:s6], $0x5FFFF;
	_ =	strace $0x90000046  }
0xb2: {  	s29 =	simm.s32 $0x9;
	_ =	strace $0x80000048  }
0xb3: {  	_ =	swait.ge [sflag:s29], $0x1  }
0xb4: {  	[sflag:s29] =	ssyncadd.s32 $0xFFFFFFFF  }
0xb5: {  	_ =	strace $0x90000048  }
0xb6: {  	_ =	sfence  }
0xb7: {  	s30 =	sld [smem:$0x0];
	_ =	sdelay $0x2  }
0xb8: {  	s31 =	sshll.u32 s1, $0xD;
	s1 =	sshrl.u32 s1, $0x2  }
0xb9: {  	s3 =	sand.u32 $0x4000, s31;
	s1 =	sadd.s32 s1, s30  }
0xba: {  	s0 =	sor.u32 s3, s0;
	s1 =	sshll.u32 s1, $0x11  }
0xbb: {  	s0 =	sor.u32 s1, s0  }
0xbc: {  	s0 =	sadd.s32 $0x8F2B, s0  }
0xbd: {  	[sflag:s0] =	ssyncadd.remote.s32 $0x1  }
0xbe: {  	_ =	sfence.sel $0xFFFF  }
0xbf: {  	[dreg:$0x0] =	wrdreg $0xFFFFFFFF;
	(pc) =	sbr.abs _section_cstart, $3  }
0xc0: {  	[dreg:$0x1] =	wrdreg $0xFFFFFFFF  }
0xc1: {  	_ =	task.clear_ibuf [dreg:s6], $0x2FFFF;
	_ =	strace $0x9FFFFFFF  }
0xc2: {  	(tm) =	ssettm $0x7FFFFFFF  }
0xc3: {  	_ =	shalt  }
tec
execute0_lowered:
.L_overlay_start_1:
0x0: {  	(tag) =	ssettag $0x1  }
0x1: {  	s0 =	rddreg [dreg:$0x0]  }
0x2: {  	s1 =	rddreg [dreg:$0x1];
	s2 =	simm.s32 $0x0  }
0x3: {  	s3 =	srdreg.scid;
	s19 =	stileid.u32;
	s29 =	simm.s32 $0x6  }
0x4: {  	s30 =	simm.s32 $0x2710;
	s31 =	simm.s32 $0x6F20;
	s28 =	simm.s32 $0xE120  }
0x5: {  	[smem:$0x7FF] =	sst s2;
	s4 =	sadd.s32 $0x76E00, s0;
	s5 =	sadd.s32 $0x76800, s0  }
0x6: {  	s3 =	sand.u32 $0x1, s3;
	s7 =	sadd.s32 $0x76200, s0;
	s12 =	smul.u32 $0xC800, s19  }
0x7: {  	s13 =	sadd.s32 $0x8A800, s0;
	s18 =	sshll.u32 s19, $0x4;
	p0 =	sgt.u32 s19, $0x3  }
0x8: {  	_ =	strace $0x80000047;
	[dreg:$0x3] =	wrdreg s5;
	s22 =	smul.u32 $0x13880, s3  }
0x9: {  	s6 =	ssub.s32 $0x2, s3;
	[dreg:$0x4] =	wrdreg s7;
	s3 =	smul.u32 $0xC8000, s3  }
0xa: {  	s20 =	sadd.s32 s4, s18;
	s23 =	sshrl.u32 s6, $0x1;
	s7 =	sadd.s32 s12, s1  }
0xb: {  	s14 =	sadd.s32 $0x2800, s12;
	s15 =	sadd.s32 $0x5000, s12;
	s16 =	sadd.s32 $0x7800, s12  }
0xc: {  	s17 =	sadd.s32 $0xA000, s12;
	s18 =	sadd.s32 $0x9C40, s20;
	s24 =	sadd.s32 $0x100, s20  }
0xd: {  	s25 =	sadd.s32 $0x9D40, s20;
	[dreg:$0x5] =	wrdreg s20;
	s5 =	sadd.s32 s22, s0  }
0xe: {  	s6 =	ssub.s32 s6, s23;
	s8 =	sadd.s32 s14, s1;
	[dreg:$0x6] =	wrdreg s18  }
0xf: {  	s9 =	sadd.s32 s15, s1;
	s10 =	sadd.s32 s16, s1;
	[dreg:$0x7] =	wrdreg s24  }
0x10: {  	s11 =	sadd.s32 s17, s1;
	s12 =	sadd.s32 s12, s3;
	[dreg:$0x8] =	wrdreg s25  }
0x11: {  	s14 =	sadd.s32 s3, s14;
	s15 =	sadd.s32 s3, s15;
	s26 =	sadd.s32 s3, s16  }
0x12: {  	s3 =	sadd.s32 s3, s17;
	s16 =	sor.u32 $0x20, s19;
	s22 =	sor.u32 $0x30, s19  }
0x13: {  	s23 =	sadd.s32 $0x80A40, s0;
	s25 =	sadd.s32 $0x9C00, s20;
	s0 =	simm.s32 $0xE0A0  }
0x14: {  	s12 =	sshrl.u32 s12, $0x3;
	s14 =	sshrl.u32 s14, $0x3;
	s15 =	sshrl.u32 s15, $0x3  }
0x15: {  	s17 =	sshrl.u32 s26, $0x3;
	s21 =	sadd.s32 $0x4F000, s5;
	[dreg:$0x10] =	wrdreg s25  }
0x16: {  	s3 =	sshrl.u32 s3, $0x3;
	s24 =	smax.u32 s6, $0x1;
	[dreg:$0xe] =	wrdreg s21  }
0x17: {  	s26 =	sadd.s32 $0x13840, s20;
	s5 =	simm.s32 $0x80;
	[dreg:$0xf] =	wrdreg s24  }
0x18: {  	s6 =	simm.s32 $0x9720;
	s12 =	sadd.s32 s13, s12;
	[dreg:$0x11] =	wrdreg s26  }
.Ltmp0:
0x19: {  	s18 =	sadd.s32 s13, s17;
	[dreg:$0x9] =	wrdreg s12;
	(pc) =	sbr.rel .LBB2_1-.Ltmp0, $4  }
0x1a: {  	s3 =	sadd.s32 s13, s3;
	s21 =	simm.s32 $0x4EA0;
	[dreg:$0xc] =	wrdreg s18  }
0x1b: {  	s24 =	simm.s32 $0x1;
	s12 =	sadd.s32 s13, s14;
	[dreg:$0xd] =	wrdreg s3  }
0x1c: {  	v1 =	vimm.s32 $0x0;
	vm0 =	vcmask $0x300;
	s26 =	simm.s32 $0x2;
	[dreg:$0xa] =	wrdreg s12;
	s12 =	sadd.s32 s13, s15  }
0x1d: {  	v0 =	vimm.f32 $0.0e+00;
	v1 =	vsel vm0, $0x3, v1;
	vm0 =	vmmov $0x1;
	s3 =	simm.s32 $0xB8A0;
	s15 =	simm.s32 $0x0;
	[dreg:$0xb] =	wrdreg s12  }
.LBB2_13:
0x1e: {  	[bflag:$0x0] =	sbarrier.arrive $0xFFFF  }
0x1f: {  	[tilespmem:s31], [sflag:$0x6] =	stream.linear.gather [spmem:s7], $0x2800, $0x38;
	[tilespmem:$0x1A9A0] =	vst v63  }
0x20: {  	_ =	swait.ge [sflag:s29], $0x2800  }
0x21: {  	[sflag:s29] =	ssyncset.done $0x0  }
0x22: {  	s12 =	rddreg [dreg:$0x9];
	[sflag:s29] =	ssyncadd.s32 $0xFFFFD800  }
0x23: {  	[hbm4b:s12+s2] =	stream.linear.scatter [tilespmem:s31], [sflag:$0x6], $0x2800, $0x38;
	[tilespmem:$0x1A9A0] =	vst v63  }
0x24: {  	_ =	swait.ge [sflag:s29], $0x2800  }
0x25: {  	[sflag:s29] =	ssyncset.done $0x0  }
0x26: {  	[sflag:s29] =	ssyncadd.s32 $0xFFFFD800  }
0x27: {  	[tilespmem:s31], [sflag:$0x6] =	stream.linear.gather [spmem:s8], $0x2800, $0x38;
	[tilespmem:$0x1A9A0] =	vst v63  }
0x28: {  	_ =	swait.ge [sflag:s29], $0x2800  }
0x29: {  	[sflag:s29] =	ssyncset.done $0x0  }
0x2a: {  	s17 =	rddreg [dreg:$0xa];
	[sflag:s29] =	ssyncadd.s32 $0xFFFFD800  }
0x2b: {  	[hbm4b:s17+s2] =	stream.linear.scatter [tilespmem:s31], [sflag:$0x6], $0x2800, $0x38;
	[tilespmem:$0x1A9A0] =	vst v63  }
0x2c: {  	_ =	swait.ge [sflag:s29], $0x2800  }
0x2d: {  	[sflag:s29] =	ssyncset.done $0x0  }
0x2e: {  	[sflag:s29] =	ssyncadd.s32 $0xFFFFD800  }
0x2f: {  	[tilespmem:s31], [sflag:$0x6] =	stream.linear.gather [spmem:s9], $0x2800, $0x38;
	[tilespmem:$0x1A9A0] =	vst v63  }
0x30: {  	_ =	swait.ge [sflag:s29], $0x2800  }
0x31: {  	[sflag:s29] =	ssyncset.done $0x0  }
0x32: {  	s18 =	rddreg [dreg:$0xb];
	[sflag:s29] =	ssyncadd.s32 $0xFFFFD800  }
0x33: {  	[hbm4b:s18+s2] =	stream.linear.scatter [tilespmem:s31], [sflag:$0x6], $0x2800, $0x38;
	[tilespmem:$0x1A9A0] =	vst v63  }
0x34: {  	_ =	swait.ge [sflag:s29], $0x2800  }
0x35: {  	[sflag:s29] =	ssyncset.done $0x0  }
0x36: {  	[sflag:s29] =	ssyncadd.s32 $0xFFFFD800  }
0x37: {  	[tilespmem:s31], [sflag:$0x6] =	stream.linear.gather [spmem:s10], $0x2800, $0x38;
	[tilespmem:$0x1A9A0] =	vst v63  }
0x38: {  	_ =	swait.ge [sflag:s29], $0x2800  }
0x39: {  	[sflag:s29] =	ssyncset.done $0x0  }
0x3a: {  	s19 =	rddreg [dreg:$0xc];
	[sflag:s29] =	ssyncadd.s32 $0xFFFFD800  }
0x3b: {  	[hbm4b:s19+s2] =	stream.linear.scatter [tilespmem:s31], [sflag:$0x6], $0x2800, $0x38;
	[tilespmem:$0x1A9A0] =	vst v63  }
0x3c: {  	_ =	swait.ge [sflag:s29], $0x2800  }
0x3d: {  	[sflag:s29] =	ssyncset.done $0x0  }
0x3e: {  	[sflag:s29] =	ssyncadd.s32 $0xFFFFD800  }
0x3f: {  	[tilespmem:s31], [sflag:$0x6] =	stream.linear.gather [spmem:s11], $0x2800, $0x38;
	[tilespmem:$0x1A9A0] =	vst v63  }
0x40: {  	_ =	swait.ge [sflag:s29], $0x2800  }
0x41: {  	[sflag:s29] =	ssyncset.done $0x0  }
0x42: {  	s20 =	rddreg [dreg:$0xd];
	[sflag:s29] =	ssyncadd.s32 $0xFFFFD800  }
0x43: {  	[hbm4b:s20+s2] =	stream.linear.scatter [tilespmem:s31], [sflag:$0x6], $0x2800, $0x38;
	[tilespmem:$0x1A9A0] =	vst v63  }
0x44: {  	_ =	swait.ge [sflag:s29], $0x2800  }
0x45: {  	s15 =	sadd.s32 $0x1, s15;
	s25 =	rddreg [dreg:$0xf]  }
0x46: {  	p1 =	sne.s32 s15, s25  }
.Ltmp1:
0x47: {  	_ = 	snop;
	(pc) =	sbr.rel @!p1 .LBB2_14-.Ltmp1, $3  }
0x48: {  	_ =	sdelay $0x1  }
0x49: {  	[sflag:s29] =	ssyncset.done $0x0  }
0x4a: {  	[sflag:s29] =	ssyncadd.s32 $0xFFFFD800  }
.LBB2_1:
0x4b: {  	s12 =	rddreg [dreg:$0x3]  }
0x4c: {  	[tilespmem:s2], [sflag:$0x6] =	stream.linear.gather [hbm4b:s12+s2], $0x2710, $0x38;
	[tilespmem:$0x1A9A0] =	vst v63  }
0x4d: {  	_ =	swait.ge [sflag:s29], $0x2710  }
0x4e: {  	[sflag:s29] =	ssyncset.done $0x0  }
0x4f: {  	s25 =	rddreg [dreg:$0x4];
	[sflag:s29] =	ssyncadd.s32 $0xFFFFD8F0  }
0x50: {  	[tilespmem:s30], [sflag:$0x6] =	stream.linear.gather [hbm4b:s25+s2], $0x2710, $0x38;
	[tilespmem:$0x1A9A0] =	vst v63  }
0x51: {  	_ =	swait.ge [sflag:s29], $0x2710  }
0x52: {  	[sflag:s29] =	ssyncset.done $0x0  }
0x53: {  	s13 =	simm.s32 $0x140;
	s12 =	simm.s32 $0x0;
	[sflag:s29] =	ssyncadd.s32 $0xFFFFD8F0  }
.LBB2_2:
0x54: {  	p1 =	sne.s32 s13, $0x9EC0;
	[tilespmem:s12+$0x6F60] =	vst v0;
	s14 =	smov.u32 s13;
	s13 =	sadd.s32 $0x140, s13  }
.Ltmp2:
0x55: {  	[tilespmem:s12+$0x6F50] =	vst v0;
	(pc) =	sbr.rel @p1 .LBB2_2-.Ltmp2, $4  }
0x56: {  	[tilespmem:s12+$0x6F40] =	vst v0  }
0x57: {  	[tilespmem:s12+$0x6F20] =	vst v0  }
0x58: {  	[tilespmem:s12+$0x6F30] =	vst v0  }
0x59: {  	s12 =	sshra.s32 s14, $0x2  }
0x5a: {  	[tilespmem:s12+$0x6F60] =	vst v0  }
0x5b: {  	[tilespmem:s12+$0x6F50] =	vst v0  }
0x5c: {  	[tilespmem:s12+$0x6F40] =	vst v0  }
0x5d: {  	[tilespmem:s12+$0x6F20] =	vst v0  }
0x5e: {  	[tilespmem:s12+$0x6F30] =	vst v0  }
0x5f: {  	[spmem:s7] =	stream.linear.scatter [tilespmem:s31], [sflag:$0x6], $0x2800, $0x38;
	[tilespmem:$0x1A9A0] =	vst v63  }
0x60: {  	_ =	swait.ge [sflag:s29], $0x2800  }
0x61: {  	[sflag:s29] =	ssyncset.done $0x0  }
0x62: {  	[sflag:s29] =	ssyncadd.s32 $0xFFFFD800  }
0x63: {  	[spmem:s8] =	stream.linear.scatter [tilespmem:s31], [sflag:$0x6], $0x2800, $0x38;
	[tilespmem:$0x1A9A0] =	vst v63  }
0x64: {  	_ =	swait.ge [sflag:s29], $0x2800  }
0x65: {  	[sflag:s29] =	ssyncset.done $0x0  }
0x66: {  	[sflag:s29] =	ssyncadd.s32 $0xFFFFD800  }
0x67: {  	[spmem:s9] =	stream.linear.scatter [tilespmem:s31], [sflag:$0x6], $0x2800, $0x38;
	[tilespmem:$0x1A9A0] =	vst v63  }
0x68: {  	_ =	swait.ge [sflag:s29], $0x2800  }
0x69: {  	[sflag:s29] =	ssyncset.done $0x0  }
0x6a: {  	[sflag:s29] =	ssyncadd.s32 $0xFFFFD800  }
0x6b: {  	[spmem:s10] =	stream.linear.scatter [tilespmem:s31], [sflag:$0x6], $0x2800, $0x38;
	[tilespmem:$0x1A9A0] =	vst v63  }
0x6c: {  	_ =	swait.ge [sflag:s29], $0x2800  }
0x6d: {  	[sflag:s29] =	ssyncset.done $0x0  }
0x6e: {  	[sflag:s29] =	ssyncadd.s32 $0xFFFFD800  }
0x6f: {  	[spmem:s11] =	stream.linear.scatter [tilespmem:s31], [sflag:$0x6], $0x2800, $0x38;
	[tilespmem:$0x1A9A0] =	vst v63  }
0x70: {  	_ =	swait.ge [sflag:s29], $0x2800  }
0x71: {  	[sflag:s29] =	ssyncset.done $0x0  }
0x72: {  	[sflag:s29] =	ssyncadd.s32 $0xFFFFD800  }
0x73: {  	[bflag:$0x0] =	sbarrier.arrive $0xFFFF  }
0x74: {  	s17 =	simm.s32 $0x0;
	s13 =	simm.s32 $0x4E20;
	s14 =	rddreg [dreg:$0x5]  }
0x75: {  	[tilespmem:s13], [sflag:$0x1] =	stream.linear.gather [hbm4b:s14+s17], $0x80, $0x38;
	[tilespmem:$0x1A9A0] =	vst v63  }
0x76: {  	s18 =	rddreg [dreg:$0x6]  }
0x77: {  	[tilespmem:s21], [sflag:$0x1] =	stream.linear.gather [hbm4b:s18+s17], $0x80, $0x38;
	[tilespmem:$0x1A9A0] =	vst v63  }
0x78: {  	s20 =	simm.s32 $0x97A0;
	s19 =	rddreg [dreg:$0x7]  }
0x79: {  	[tilespmem:s20], [sflag:$0x2] =	stream.linear.gather [hbm4b:s19+s17], $0x80, $0x38;
	[tilespmem:$0x1A9A0] =	vst v63  }
0x7a: {  	s25 =	simm.s32 $0x9820;
	s21 =	rddreg [dreg:$0x8]  }
0x7b: {  	[tilespmem:s25], [sflag:$0x2] =	stream.linear.gather [hbm4b:s21+s17], $0x80, $0x38;
	[tilespmem:$0x1A9A0] =	vst v63  }
0x7c: {  	_ =	swait.ge [sflag:s24], $0x80  }
0x7d: {  	[sflag:s24] =	ssyncset.done $0x0  }
0x7e: {  	[sflag:s24] =	ssyncadd.s32 $0xFFFFFF80  }
0x7f: {  	_ =	swait.ge [sflag:s24], $0x80  }
0x80: {  	[sflag:s24] =	ssyncset.done $0x0  }
0x81: {  	[sflag:s24] =	ssyncadd.s32 $0xFFFFFF80  }
.LBB2_4:
0x82: {  	p2 =	seq.s32 s17, $0x0  }
0x83: {  	s12 =	simm.s32 @!p2 $0x4  }
0x84: {  	_ =	swait.ge @!p2 [sflag:s12], $0x2800  }
0x85: {  	[sflag:s12] =	ssyncset.done @!p2 $0x0  }
0x86: {  	[sflag:s12] =	ssyncadd.s32 @!p2 $0xFFFFD800  }
0x87: {  	v2 =	vld [tilespmem:$0x4EA0]  }
0x88: {  	v3 =	vld [tilespmem:$0x4EB0]  }
0x89: {  	v4 =	vld [tilespmem:$0x4EC0]  }
0x8a: {  	v5 =	vld [tilespmem:$0x4ED0]  }
0x8b: {  	v6 =	vld [tilespmem:$0x4EE0]  }
0x8c: {  	v7 =	vld [tilespmem:$0x4EF0];
	[tilespmem:$0x9720] =	vst v2  }
0x8d: {  	v2 =	vld [tilespmem:$0x4F00];
	[tilespmem:$0x9730] =	vst v3  }
0x8e: {  	v3 =	vld [tilespmem:$0x4F10];
	[tilespmem:$0x9740] =	vst v4  }
0x8f: {  	[tilespmem:$0x9750] =	vst v5  }
0x90: {  	s18 =	sshll.u32 s17, $0x5;
	p1 =	seq.s32 s17, $0x4D;
	[tilespmem:$0x9760] =	vst v6  }
0x91: {  	s12 =	sadd.s32 @!p1 s16, s18;
	[tilespmem:$0x9770] =	vst v7  }
0x92: {  	s12 =	sshll.u32 @!p1 s12, $0x4;
	[tilespmem:$0x9780] =	vst v2  }
0x93: {  	s14 =	simm.s32 @!p1 $0x0;
	s19 =	simm.s32 @!p1 $0x4E20;
	s13 =	sadd.s32 @!p1 s4, s12;
	[tilespmem:$0x9790] =	vst v3  }
0x94: {  	[tilespmem:s19], [sflag:$0x1] =	stream.linear.gather @!p1 [hbm4b:s13+s14], $0x80, $0x38;
	[tilespmem:$0x1A9A0] =	vst v63  }
0x95: {  	s12 =	sadd.s32 @!p1 s12, s23;
	s13 =	simm.s32 @!p1 $0x4EA0  }
0x96: {  	[tilespmem:s13], [sflag:$0x1] =	stream.linear.gather @!p1 [hbm4b:s12+s14], $0x80, $0x38;
	[tilespmem:$0x1A9A0] =	vst v63  }
0x97: {  	_ =	swait.ge [sflag:s26], $0x80  }
0x98: {  	[sflag:s26] =	ssyncset.done $0x0  }
0x99: {  	[sflag:s26] =	ssyncadd.s32 $0xFFFFFF80  }
0x9a: {  	_ =	swait.ge [sflag:s26], $0x80  }
0x9b: {  	[sflag:s26] =	ssyncset.done $0x0  }
0x9c: {  	s19 =	simm.s32 $0x5020;
	[sflag:s26] =	ssyncadd.s32 $0xFFFFFF80  }
0x9d: {  	v5 =	vld [tilespmem:s19+$0xFFFFFF00]  }
0x9e: {  	v4 =	vld [tilespmem:s19+$0xFFFFFF10]  }
0x9f: {  	v3 =	vld [tilespmem:s19+$0xFFFFFF20]  }
0xa0: {  	v2 =	vld [tilespmem:s19+$0xFFFFFF30]  }
0xa1: {  	v6 =	vld [tilespmem:s19+$0xFFFFFF40]  }
0xa2: {  	v7 =	vld [tilespmem:s19+$0xFFFFFF50]  }
0xa3: {  	v8 =	vld [tilespmem:s19+$0xFFFFFF60]  }
0xa4: {  	v9 =	vld [tilespmem:s19+$0xFFFFFF70]  }
0xa5: {  	v10 =	vld [tilespmem:s19+$0xFFFFFF80]  }
0xa6: {  	v11 =	vld [tilespmem:s19+$0xFFFFFF90]  }
0xa7: {  	v12 =	vld [tilespmem:s19+$0xFFFFFFA0]  }
0xa8: {  	v13 =	vld [tilespmem:s19+$0xFFFFFFB0]  }
0xa9: {  	v14 =	vld [tilespmem:s19+$0xFFFFFFC0]  }
0xaa: {  	v15 =	vld [tilespmem:s19+$0xFFFFFFD0]  }
0xab: {  	v16 =	vld [tilespmem:s19+$0xFFFFFFE0]  }
0xac: {  	v17 =	vld [tilespmem:s19+$0xFFFFFFF0]  }
0xad: {  	v18 =	vld [tilespmem:s19+$0x0]  }
0xae: {  	v19 =	vld [tilespmem:s19+$0x10]  }
0xaf: {  	v20 =	vld [tilespmem:s19+$0x20]  }
0xb0: {  	s20 =	simm.s32 $0x1;
	s21 =	simm.s32 $0x2;
	s25 =	simm.s32 $0x6;
	v22 =	vld [tilespmem:s19+$0x30]  }
0xb1: {  	v25 =	vmov s20;
	v26 =	vmov s21;
	s20 =	simm.s32 $0x4;
	v27 =	vmov s25;
	s21 =	simm.s32 $0x5;
	v24 =	vld [tilespmem:s19+$0x40]  }
0xb2: {  	v30 =	vmov s20;
	v27 =	vshrl.u32 v27, $0x3;
	v32 =	vmov s21;
	v28 =	vld [tilespmem:s19+$0x50]  }
0xb3: {  	v25 =	vshrl.u32 v25, $0x3;
	v26 =	vshrl.u32 v26, $0x3;
	v27 =	vshll.u32 v27, v1;
	v31 =	vld [tilespmem:s19+$0x60]  }
0xb4: {  	v30 =	vshrl.u32 v30, $0x3;
	v32 =	vshrl.u32 v32, $0x3;
	v25 =	vshll.u32 v25, v1;
	v33 =	vld [tilespmem:s19+$0x70]  }
0xb5: {  	v26 =	vshll.u32 v26, v1;
	v27 =	vadd.s32 $0x6, v27;
	v25 =	vadd.s32 $0x1, v25;
	v34 =	vld [tilespmem:s19+$0x80]  }
0xb6: {  	v26 =	vadd.s32 $0x2, v26;
	v30 =	vshll.u32 v30, v1;
	v27 =	vbroadcast v27, $0x0;
	v35 =	vld [tilespmem:s19+$0x90]  }
0xb7: {  	v32 =	vshll.u32 v32, v1;
	v25 =	vbroadcast v25, $0x0;
	v30 =	vadd.s32 $0x4, v30;
	v36 =	vld [tilespmem:s19+$0xA0]  }
0xb8: {  	v26 =	vbroadcast v26, $0x0;
	v32 =	vadd.s32 $0x5, v32;
	v30 =	vbroadcast v30, $0x0;
	s13 =	simm.s32 $0x7;
	s14 =	simm.s32 $0x0;
	v37 =	vld [tilespmem:s19+$0xB0]  }
0xb9: {  	v32 =	vbroadcast v32, $0x0;
	v21 =	vmov s13;
	v23 =	vmov s14;
	s13 =	simm.s32 $0x3;
	v38 =	vld [tilespmem:s19+$0xC0]  }
0xba: {  	v21 =	vshrl.u32 v21, $0x3;
	v29 =	vmov s13;
	v23 =	vshrl.u32 v23, $0x3;
	v39 =	vld [tilespmem:s19+$0xD0]  }
0xbb: {  	v21 =	vshll.u32 v21, v1;
	v29 =	vshrl.u32 v29, $0x3;
	v23 =	vshll.u32 v23, v1;
	v40 =	vld [tilespmem:s19+$0xE0]  }
0xbc: {  	v23 =	vbroadcast v23, $0x0;
	v21 =	vadd.s32 $0x7, v21;
	v29 =	vshll.u32 v29, v1;
	v27 =	vld.idx.msk [tilespmem:v27+s28+$0x0], $0xffff  }
0xbd: {  	v21 =	vbroadcast v21, $0x0;
	v29 =	vadd.s32 $0x3, v29;
	v41 =	vld [tilespmem:s19+$0xF0]  }
0xbe: {  	v29 =	vbroadcast v29, $0x0;
	v25 =	vld.idx.msk [tilespmem:v25+s28+$0x0], $0xffff  }
0xbf: {  	v26 =	vld.idx.msk [tilespmem:v26+s28+$0x0], $0xffff  }
0xc0: {  	v30 =	vld.idx.msk [tilespmem:v30+s28+$0x0], $0xffff  }
0xc1: {  	v32 =	vld.idx.msk [tilespmem:v32+s28+$0x0], $0xffff  }
0xc2: {  	v23 =	vld.idx.msk [tilespmem:v23+s28+$0x0], $0xffff;
	v37 =	vmul.f32 v37, v27  }
0xc3: {  	s19 =	simm.s32 $0x7060;
	v21 =	vld.idx.msk [tilespmem:v21+s28+$0x0], $0xffff;
	v34 =	vmul.f32 v34, v27  }
0xc4: {  	v29 =	vld.idx.msk [tilespmem:v29+s28+$0x0], $0xffff;
	v35 =	vmul.f32 v35, v27;
	[tilespmem:s19+$0xD0] =	vst v37  }
0xc5: {  	v36 =	vmul.f32 v36, v27;
	[tilespmem:s19+$0xA0] =	vst v34  }
0xc6: {  	v6 =	vmul.f32 v6, v25;
	[tilespmem:s19+$0xB0] =	vst v35  }
0xc7: {  	v7 =	vmul.f32 v7, v25;
	[tilespmem:s19+$0xC0] =	vst v36  }
0xc8: {  	v8 =	vmul.f32 v8, v25;
	[tilespmem:s19+$0xFFFFFF10] =	vst v6  }
0xc9: {  	v6 =	vmul.f32 v9, v25;
	[tilespmem:s19+$0xFFFFFF20] =	vst v7  }
0xca: {  	v7 =	vmul.f32 v10, v26;
	[tilespmem:s19+$0xFFFFFF30] =	vst v8  }
0xcb: {  	v8 =	vmul.f32 v11, v26;
	[tilespmem:s19+$0xFFFFFF40] =	vst v6  }
0xcc: {  	v5 =	vmul.f32 v5, v23;
	[tilespmem:s19+$0xFFFFFF60] =	vst v7  }
0xcd: {  	v4 =	vmul.f32 v4, v23;
	[tilespmem:s19+$0xFFFFFF70] =	vst v8  }
0xce: {  	v3 =	vmul.f32 v3, v23;
	[tilespmem:s19+$0xFFFFFEC0] =	vst v5  }
0xcf: {  	v2 =	vmul.f32 v2, v23;
	[tilespmem:s19+$0xFFFFFED0] =	vst v4  }
0xd0: {  	v6 =	vmul.f32 v12, v26;
	[tilespmem:s19+$0xFFFFFEE0] =	vst v3  }
0xd1: {  	v7 =	vmul.f32 v13, v26;
	[tilespmem:s19+$0xFFFFFEF0] =	vst v2  }
0xd2: {  	[tilespmem:s19+$0xFFFFFF80] =	vst v6  }
0xd3: {  	v3 =	vnsel vm0, $0x0, v25;
	[tilespmem:s19+$0xFFFFFF90] =	vst v7  }
0xd4: {  	v8 =	vmul.f32 v14, v29;
	v2 =	vnsel vm0, $0x0, v26;
	[tilespmem:s19+$0xFFFFFF50] =	vst v3  }
0xd5: {  	[tilespmem:s19+$0xFFFFFFA0] =	vst v2  }
0xd6: {  	v3 =	vnsel vm0, $0x0, v29;
	[tilespmem:s19+$0xFFFFFFB0] =	vst v8  }
0xd7: {  	v4 =	vmul.f32 v38, v21;
	v2 =	vnsel vm0, $0x0, v30;
	[tilespmem:s19+$0xFFFFFFF0] =	vst v3  }
0xd8: {  	v6 =	vmul.f32 v15, v29;
	[tilespmem:s19+$0x40] =	vst v2  }
0xd9: {  	v7 =	vmul.f32 v16, v29;
	[tilespmem:s19+$0xF0] =	vst v4  }
0xda: {  	[tilespmem:s19+$0xFFFFFFC0] =	vst v6  }
0xdb: {  	v3 =	vnsel vm0, $0x0, v32;
	[tilespmem:s19+$0xFFFFFFD0] =	vst v7  }
0xdc: {  	v8 =	vmul.f32 v17, v29;
	v2 =	vnsel vm0, $0x0, v27;
	[tilespmem:s19+$0x90] =	vst v3  }
0xdd: {  	v4 =	vmul.f32 v41, v21;
	[tilespmem:s19+$0xE0] =	vst v2  }
0xde: {  	v6 =	vmul.f32 v18, v30;
	[tilespmem:s19+$0xFFFFFFE0] =	vst v8  }
0xdf: {  	v7 =	vmul.f32 v19, v30;
	[tilespmem:s19+$0x120] =	vst v4  }
0xe0: {  	v3 =	vmul.f32 v39, v21;
	[tilespmem:s19+$0x0] =	vst v6  }
0xe1: {  	v2 =	vmul.f32 v40, v21;
	[tilespmem:s19+$0x10] =	vst v7  }
0xe2: {  	v8 =	vmul.f32 v20, v30;
	[tilespmem:s19+$0x100] =	vst v3  }
0xe3: {  	[tilespmem:s19+$0x110] =	vst v2  }
0xe4: {  	v2 =	vnsel vm0, $0x0, v23;
	[tilespmem:s19+$0x20] =	vst v8  }
0xe5: {  	v6 =	vmul.f32 v22, v30;
	v3 =	vnsel vm0, $0x0, v21;
	[tilespmem:s19+$0xFFFFFF00] =	vst v2  }
0xe6: {  	v7 =	vmul.f32 v24, v32;
	[tilespmem:s19+$0x130] =	vst v3  }
0xe7: {  	v8 =	vmul.f32 v28, v32;
	[tilespmem:s19+$0x30] =	vst v6  }
0xe8: {  	v6 =	vmul.f32 v31, v32;
	[tilespmem:s19+$0x50] =	vst v7  }
0xe9: {  	v7 =	vmul.f32 v33, v32;
	[tilespmem:s19+$0x60] =	vst v8  }
0xea: {  	[tilespmem:s19+$0x70] =	vst v6  }
0xeb: {  	s20 =	simm.s32 $0x5220;
	[tilespmem:s19+$0x80] =	vst v7  }
0xec: {  	v4 =	vld [tilespmem:s20+$0xFFFFFF00]  }
0xed: {  	v5 =	vld [tilespmem:s20+$0xFFFFFF10]  }
0xee: {  	v2 =	vld [tilespmem:s20+$0xFFFFFF20]  }
0xef: {  	v3 =	vld [tilespmem:s20+$0xFFFFFF30]  }
0xf0: {  	v21 =	vld [tilespmem:s20+$0xFFFFFF40]  }
0xf1: {  	v22 =	vld [tilespmem:s20+$0xFFFFFF50]  }
0xf2: {  	v19 =	vld [tilespmem:s20+$0xFFFFFF60]  }
0xf3: {  	v20 =	vld [tilespmem:s20+$0xFFFFFF70]  }
0xf4: {  	v16 =	vld [tilespmem:s20+$0xFFFFFF80]  }
0xf5: {  	v17 =	vld [tilespmem:s20+$0xFFFFFF90]  }
0xf6: {  	v14 =	vld [tilespmem:s20+$0xFFFFFFA0]  }
0xf7: {  	v15 =	vld [tilespmem:s20+$0xFFFFFFB0]  }
0xf8: {  	v11 =	vld [tilespmem:s20+$0xFFFFFFC0]  }
0xf9: {  	v12 =	vld [tilespmem:s20+$0xFFFFFFD0]  }
0xfa: {  	v9 =	vld [tilespmem:s20+$0xFFFFFFE0]  }
0xfb: {  	v10 =	vld [tilespmem:s20+$0xFFFFFFF0]  }
0xfc: {  	v7 =	vld [tilespmem:s20+$0x0]  }
0xfd: {  	v8 =	vld [tilespmem:s20+$0x10]  }
0xfe: {  	s21 =	simm.s32 $0xF;
	v6 =	vld [tilespmem:s20+$0x20]  }
0xff: {  	s25 =	simm.s32 $0x8;
	s12 =	simm.s32 $0x9;
	v18 =	vmov s21;
	v13 =	vld [tilespmem:s20+$0x30]  }
0x100: {  	s14 =	simm.s32 $0xA;
	s13 =	simm.s32 $0xE;
	v24 =	vmov s25;
	v23 =	vshrl.u32 v18, $0x3;
	s25 =	simm.s32 $0x17;
	v18 =	vld [tilespmem:s20+$0x40]  }
.LBB2_5:
0x101: {  	p3 =	sne.s32 s25, $0x7F;
	v25 =	vmov s12;
	v26 =	vmov s14;
	s12 =	sadd.s32 $0xFFFFFFFC, s21;
	s14 =	sadd.s32 $0xFFFFFFFD, s21;
	v27 =	vmov s13;
	v28 =	vld [tilespmem:s20+$0x50]  }
0x102: {  	v29 =	vmov s12;
	v30 =	vmov s14;
	s12 =	sadd.s32 $0xFFFFFFFE, s21;
	v27 =	vshrl.u32 v27, $0x3;
	v31 =	vld [tilespmem:s20+$0x60];
	s21 =	smov.u32 s25  }
0x103: {  	v24 =	vshrl.u32 v24, $0x3;
	v32 =	vmov s12;
	v27 =	vshll.u32 v27, v1;
	v33 =	vld [tilespmem:s20+$0x70]  }
0x104: {  	v23 =	vshll.u32 v23, v1;
	v25 =	vshrl.u32 v25, $0x3;
	v27 =	vadd.s32 $0x6, v27;
	v34 =	vld [tilespmem:s20+$0x80]  }
0x105: {  	v26 =	vshrl.u32 v26, $0x3;
	v29 =	vshrl.u32 v29, $0x3;
	v27 =	vbroadcast v27, $0x0;
	v35 =	vld [tilespmem:s20+$0x90]  }
0x106: {  	v24 =	vshll.u32 v24, v1;
	v30 =	vshrl.u32 v30, $0x3;
	v32 =	vshrl.u32 v32, $0x3;
	v36 =	vld [tilespmem:s20+$0xA0]  }
0x107: {  	v23 =	vadd.s32 $0x7, v23;
	v24 =	vbroadcast v24, $0x0;
	v25 =	vshll.u32 v25, v1;
	v37 =	vld [tilespmem:s20+$0xB0]  }
0x108: {  	v26 =	vshll.u32 v26, v1;
	v23 =	vbroadcast v23, $0x0;
	v25 =	vadd.s32 $0x1, v25;
	v38 =	vld [tilespmem:s20+$0xC0]  }
0x109: {  	v26 =	vadd.s32 $0x2, v26;
	v29 =	vshll.u32 v29, v1;
	v25 =	vbroadcast v25, $0x0;
	v39 =	vld [tilespmem:s20+$0xD0]  }
0x10a: {  	v30 =	vshll.u32 v30, v1;
	v26 =	vbroadcast v26, $0x0;
	v29 =	vadd.s32 $0x3, v29;
	v40 =	vld [tilespmem:s20+$0xE0]  }
0x10b: {  	v30 =	vadd.s32 $0x4, v30;
	v32 =	vshll.u32 v32, v1;
	v29 =	vbroadcast v29, $0x0;
	v27 =	vld.idx.msk [tilespmem:v27+s28+$0x0], $0xffff  }
0x10c: {  	v30 =	vbroadcast v30, $0x0;
	v32 =	vadd.s32 $0x5, v32;
	v41 =	vld [tilespmem:s20+$0xF0]  }
0x10d: {  	v32 =	vbroadcast v32, $0x0;
	v24 =	vld.idx.msk [tilespmem:v24+s28+$0x0], $0xffff  }
0x10e: {  	v23 =	vld.idx.msk [tilespmem:v23+s28+$0x0], $0xffff  }
0x10f: {  	v25 =	vld.idx.msk [tilespmem:v25+s28+$0x0], $0xffff  }
0x110: {  	v26 =	vld.idx.msk [tilespmem:v26+s28+$0x0], $0xffff  }
0x111: {  	v34 =	vmul.f32 v34, v27;
	v37 =	vmul.f32 v37, v27;
	v42 =	vnsel vm0, $0x0, v27;
	v29 =	vld.idx.msk [tilespmem:v29+s28+$0x0], $0xffff  }
0x112: {  	s19 =	sadd.s32 $0x280, s19;
	v35 =	vmul.f32 v35, v27;
	v27 =	vmul.f32 v36, v27;
	v30 =	vld.idx.msk [tilespmem:v30+s28+$0x0], $0xffff  }
0x113: {  	v4 =	vmul.f32 v4, v24;
	v5 =	vmul.f32 v5, v24;
	v36 =	vnsel vm0, $0x0, v24;
	v32 =	vld.idx.msk [tilespmem:v32+s28+$0x0], $0xffff;
	[tilespmem:s19+$0xD0] =	vst v37  }
0x114: {  	v2 =	vmul.f32 v2, v24;
	v3 =	vmul.f32 v3, v24;
	v24 =	vnsel vm0, $0x0, v23;
	[tilespmem:s19+$0xA0] =	vst v34  }
0x115: {  	v21 =	vmul.f32 v21, v25;
	v22 =	vmul.f32 v22, v25;
	v34 =	vnsel vm0, $0x0, v25;
	[tilespmem:s19+$0xB0] =	vst v35  }
0x116: {  	v19 =	vmul.f32 v19, v25;
	v20 =	vmul.f32 v20, v25;
	v25 =	vnsel vm0, $0x0, v26;
	[tilespmem:s19+$0xC0] =	vst v27  }
0x117: {  	v16 =	vmul.f32 v16, v26;
	v17 =	vmul.f32 v17, v26;
	[tilespmem:s19+$0xFFFFFF10] =	vst v21;
	v21 =	vnsel vm0, $0x0, v29  }
0x118: {  	v14 =	vmul.f32 v14, v26;
	v15 =	vmul.f32 v15, v26;
	[tilespmem:s19+$0xFFFFFF20] =	vst v22;
	v22 =	vnsel vm0, $0x0, v30  }
0x119: {  	v11 =	vmul.f32 v11, v29;
	v12 =	vmul.f32 v12, v29;
	[tilespmem:s19+$0xFFFFFF30] =	vst v19;
	v19 =	vnsel vm0, $0x0, v32  }
0x11a: {  	v9 =	vmul.f32 v9, v29;
	v10 =	vmul.f32 v10, v29;
	[tilespmem:s19+$0xFFFFFF40] =	vst v20  }
0x11b: {  	v7 =	vmul.f32 v7, v30;
	v8 =	vmul.f32 v8, v30;
	[tilespmem:s19+$0xFFFFFF60] =	vst v16  }
0x11c: {  	v6 =	vmul.f32 v6, v30;
	v13 =	vmul.f32 v13, v30;
	[tilespmem:s19+$0xFFFFFF70] =	vst v17  }
0x11d: {  	v16 =	vmul.f32 v28, v32;
	[tilespmem:s19+$0xFFFFFF80] =	vst v14;
	v14 =	vmul.f32 v18, v32  }
0x11e: {  	v17 =	vmul.f32 v33, v32;
	[tilespmem:s19+$0xFFFFFF90] =	vst v15;
	v15 =	vmul.f32 v31, v32  }
0x11f: {  	v18 =	vmul.f32 v39, v23;
	[tilespmem:s19+$0xFFFFFFB0] =	vst v11;
	v11 =	vmul.f32 v38, v23  }
0x120: {  	v20 =	vmul.f32 v41, v23;
	[tilespmem:s19+$0xFFFFFFC0] =	vst v12;
	v12 =	vmul.f32 v40, v23  }
0x121: {  	[tilespmem:s19+$0xFFFFFFD0] =	vst v9  }
0x122: {  	[tilespmem:s19+$0xFFFFFFE0] =	vst v10  }
0x123: {  	[tilespmem:s19+$0x0] =	vst v7  }
0x124: {  	[tilespmem:s19+$0x10] =	vst v8  }
0x125: {  	[tilespmem:s19+$0x20] =	vst v6  }
0x126: {  	[tilespmem:s19+$0x30] =	vst v13  }
0x127: {  	[tilespmem:s19+$0x50] =	vst v14  }
0x128: {  	[tilespmem:s19+$0x60] =	vst v16  }
0x129: {  	[tilespmem:s19+$0x70] =	vst v15  }
0x12a: {  	[tilespmem:s19+$0x80] =	vst v17  }
0x12b: {  	[tilespmem:s19+$0xFFFFFEC0] =	vst v4  }
0x12c: {  	[tilespmem:s19+$0xFFFFFED0] =	vst v5  }
0x12d: {  	[tilespmem:s19+$0xFFFFFEE0] =	vst v2  }
0x12e: {  	[tilespmem:s19+$0xFFFFFEF0] =	vst v3  }
0x12f: {  	[tilespmem:s19+$0xFFFFFF50] =	vst v34  }
0x130: {  	[tilespmem:s19+$0xFFFFFFA0] =	vst v25  }
0x131: {  	[tilespmem:s19+$0xFFFFFFF0] =	vst v21  }
0x132: {  	[tilespmem:s19+$0x40] =	vst v22  }
0x133: {  	[tilespmem:s19+$0x90] =	vst v19  }
0x134: {  	[tilespmem:s19+$0xE0] =	vst v42  }
0x135: {  	[tilespmem:s19+$0xF0] =	vst v11  }
0x136: {  	[tilespmem:s19+$0x100] =	vst v18  }
0x137: {  	[tilespmem:s19+$0x110] =	vst v12  }
0x138: {  	[tilespmem:s19+$0x120] =	vst v20  }
0x139: {  	[tilespmem:s19+$0xFFFFFF00] =	vst v36  }
0x13a: {  	s20 =	sadd.s32 $0x200, s20;
	[tilespmem:s19+$0x130] =	vst v24  }
0x13b: {  	v4 =	vld [tilespmem:s20+$0xFFFFFF00]  }
0x13c: {  	v5 =	vld [tilespmem:s20+$0xFFFFFF10]  }
0x13d: {  	v2 =	vld [tilespmem:s20+$0xFFFFFF20]  }
0x13e: {  	v3 =	vld [tilespmem:s20+$0xFFFFFF30]  }
0x13f: {  	v21 =	vld [tilespmem:s20+$0xFFFFFF40]  }
0x140: {  	v22 =	vld [tilespmem:s20+$0xFFFFFF50]  }
0x141: {  	v19 =	vld [tilespmem:s20+$0xFFFFFF60]  }
0x142: {  	v20 =	vld [tilespmem:s20+$0xFFFFFF70]  }
0x143: {  	v16 =	vld [tilespmem:s20+$0xFFFFFF80]  }
0x144: {  	v17 =	vld [tilespmem:s20+$0xFFFFFF90]  }
0x145: {  	v14 =	vld [tilespmem:s20+$0xFFFFFFA0]  }
0x146: {  	v15 =	vld [tilespmem:s20+$0xFFFFFFB0]  }
0x147: {  	v11 =	vld [tilespmem:s20+$0xFFFFFFC0]  }
0x148: {  	v12 =	vld [tilespmem:s20+$0xFFFFFFD0]  }
0x149: {  	v9 =	vld [tilespmem:s20+$0xFFFFFFE0]  }
0x14a: {  	v10 =	vld [tilespmem:s20+$0xFFFFFFF0]  }
.Ltmp3:
0x14b: {  	v7 =	vld [tilespmem:s20+$0x0];
	(pc) =	sbr.rel @p3 .LBB2_5-.Ltmp3, $4  }
0x14c: {  	v8 =	vld [tilespmem:s20+$0x10]  }
0x14d: {  	v6 =	vld [tilespmem:s20+$0x20]  }
0x14e: {  	s13 =	sadd.s32 $0xFFFFFFF9, s25;
	s12 =	sadd.s32 $0xFFFFFFFA, s25;
	v18 =	vmov s25;
	v13 =	vld [tilespmem:s20+$0x30]  }
0x14f: {  	s14 =	sadd.s32 $0xFFFFFFFB, s21;
	s25 =	sadd.s32 $0x8, s25;
	v23 =	vshrl.u32 v18, $0x3;
	v24 =	vmov s13;
	s13 =	sadd.s32 $0xFFFFFFFF, s21;
	v18 =	vld [tilespmem:s20+$0x40]  }
0x150: {  	v25 =	vmov s12;
	v26 =	vmov s14;
	s14 =	sadd.s32 $0xFFFFFFFC, s21;
	v27 =	vmov s13;
	v28 =	vld [tilespmem:s20+$0x50]  }
0x151: {  	s25 =	sadd.s32 $0xFFFFFFFD, s21;
	s13 =	sadd.s32 $0xFFFFFFFE, s21;
	v31 =	vld [tilespmem:s20+$0x60];
	v24 =	vshrl.u32 v24, $0x3;
	v23 =	vshll.u32 v23, v1;
	v29 =	vmov s14  }
0x152: {  	v33 =	vld [tilespmem:s20+$0x70];
	v30 =	vmov s25;
	v27 =	vshrl.u32 v27, $0x3;
	v32 =	vmov s13  }
0x153: {  	v34 =	vld [tilespmem:s20+$0x80];
	v25 =	vshrl.u32 v25, $0x3;
	v26 =	vshrl.u32 v26, $0x3;
	v24 =	vshll.u32 v24, v1  }
0x154: {  	v35 =	vld [tilespmem:s20+$0x90];
	v23 =	vadd.s32 $0x7, v23;
	v27 =	vshll.u32 v27, v1;
	v29 =	vshrl.u32 v29, $0x3  }
0x155: {  	v36 =	vld [tilespmem:s20+$0xA0];
	v30 =	vshrl.u32 v30, $0x3;
	v32 =	vshrl.u32 v32, $0x3;
	v24 =	vbroadcast v24, $0x0  }
0x156: {  	v37 =	vld [tilespmem:s20+$0xB0];
	v25 =	vshll.u32 v25, v1;
	v23 =	vbroadcast v23, $0x0;
	v27 =	vadd.s32 $0x6, v27  }
0x157: {  	v38 =	vld [tilespmem:s20+$0xC0];
	v26 =	vshll.u32 v26, v1;
	v25 =	vadd.s32 $0x1, v25;
	v27 =	vbroadcast v27, $0x0  }
0x158: {  	v39 =	vld [tilespmem:s20+$0xD0];
	v26 =	vadd.s32 $0x2, v26;
	v29 =	vshll.u32 v29, v1;
	v25 =	vbroadcast v25, $0x0  }
0x159: {  	v40 =	vld [tilespmem:s20+$0xE0];
	v30 =	vshll.u32 v30, v1;
	v26 =	vbroadcast v26, $0x0;
	v29 =	vadd.s32 $0x3, v29  }
0x15a: {  	v41 =	vld [tilespmem:s20+$0xF0];
	v32 =	vshll.u32 v32, v1;
	v30 =	vadd.s32 $0x4, v30;
	v29 =	vbroadcast v29, $0x0  }
0x15b: {  	v32 =	vadd.s32 $0x5, v32;
	v30 =	vbroadcast v30, $0x0;
	v24 =	vld.idx.msk [tilespmem:v24+s28+$0x0], $0xffff  }
0x15c: {  	v32 =	vbroadcast v32, $0x0;
	v23 =	vld.idx.msk [tilespmem:v23+s28+$0x0], $0xffff  }
0x15d: {  	v27 =	vld.idx.msk [tilespmem:v27+s28+$0x0], $0xffff  }
0x15e: {  	v25 =	vld.idx.msk [tilespmem:v25+s28+$0x0], $0xffff  }
0x15f: {  	v26 =	vld.idx.msk [tilespmem:v26+s28+$0x0], $0xffff  }
0x160: {  	v29 =	vld.idx.msk [tilespmem:v29+s28+$0x0], $0xffff;
	v4 =	vmul.f32 v4, v24  }
0x161: {  	s19 =	sadd.s32 $0x280, s19;
	v30 =	vld.idx.msk [tilespmem:v30+s28+$0x0], $0xffff;
	v5 =	vmul.f32 v5, v24  }
0x162: {  	v32 =	vld.idx.msk [tilespmem:v32+s28+$0x0], $0xffff;
	v2 =	vmul.f32 v2, v24;
	[tilespmem:s19+$0xFFFFFEC0] =	vst v4  }
0x163: {  	v3 =	vmul.f32 v3, v24;
	[tilespmem:s19+$0xFFFFFED0] =	vst v5  }
0x164: {  	[tilespmem:s19+$0xFFFFFEE0] =	vst v2  }
0x165: {  	v2 =	vnsel vm0, $0x0, v25;
	[tilespmem:s19+$0xFFFFFEF0] =	vst v3  }
0x166: {  	v37 =	vmul.f32 v37, v27;
	v3 =	vnsel vm0, $0x0, v26;
	[tilespmem:s19+$0xFFFFFF50] =	vst v2  }
0x167: {  	v34 =	vmul.f32 v34, v27;
	[tilespmem:s19+$0xFFFFFFA0] =	vst v3  }
0x168: {  	v35 =	vmul.f32 v35, v27;
	[tilespmem:s19+$0xD0] =	vst v37  }
0x169: {  	v36 =	vmul.f32 v36, v27;
	[tilespmem:s19+$0xA0] =	vst v34  }
0x16a: {  	v21 =	vmul.f32 v21, v25;
	[tilespmem:s19+$0xB0] =	vst v35  }
0x16b: {  	v22 =	vmul.f32 v22, v25;
	[tilespmem:s19+$0xC0] =	vst v36  }
0x16c: {  	v19 =	vmul.f32 v19, v25;
	[tilespmem:s19+$0xFFFFFF10] =	vst v21  }
0x16d: {  	v20 =	vmul.f32 v20, v25;
	[tilespmem:s19+$0xFFFFFF20] =	vst v22  }
0x16e: {  	v16 =	vmul.f32 v16, v26;
	[tilespmem:s19+$0xFFFFFF30] =	vst v19  }
0x16f: {  	v17 =	vmul.f32 v17, v26;
	[tilespmem:s19+$0xFFFFFF40] =	vst v20  }
0x170: {  	v14 =	vmul.f32 v14, v26;
	[tilespmem:s19+$0xFFFFFF60] =	vst v16  }
0x171: {  	v15 =	vmul.f32 v15, v26;
	[tilespmem:s19+$0xFFFFFF70] =	vst v17  }
0x172: {  	[tilespmem:s19+$0xFFFFFF80] =	vst v14  }
0x173: {  	v2 =	vnsel vm0, $0x0, v29;
	[tilespmem:s19+$0xFFFFFF90] =	vst v15  }
0x174: {  	v4 =	vmul.f32 v38, v23;
	v3 =	vnsel vm0, $0x0, v30;
	[tilespmem:s19+$0xFFFFFFF0] =	vst v2  }
0x175: {  	v11 =	vmul.f32 v11, v29;
	[tilespmem:s19+$0x40] =	vst v3  }
0x176: {  	v12 =	vmul.f32 v12, v29;
	[tilespmem:s19+$0xF0] =	vst v4  }
0x177: {  	v9 =	vmul.f32 v9, v29;
	[tilespmem:s19+$0xFFFFFFB0] =	vst v11  }
0x178: {  	v10 =	vmul.f32 v10, v29;
	[tilespmem:s19+$0xFFFFFFC0] =	vst v12  }
0x179: {  	v7 =	vmul.f32 v7, v30;
	[tilespmem:s19+$0xFFFFFFD0] =	vst v9  }
0x17a: {  	v8 =	vmul.f32 v8, v30;
	[tilespmem:s19+$0xFFFFFFE0] =	vst v10  }
0x17b: {  	v6 =	vmul.f32 v6, v30;
	[tilespmem:s19+$0x0] =	vst v7  }
0x17c: {  	[tilespmem:s19+$0x10] =	vst v8  }
0x17d: {  	v2 =	vnsel vm0, $0x0, v32;
	[tilespmem:s19+$0x20] =	vst v6  }
0x17e: {  	v3 =	vnsel vm0, $0x0, v27;
	v4 =	vmul.f32 v41, v23;
	[tilespmem:s19+$0x90] =	vst v2  }
0x17f: {  	v7 =	vmul.f32 v13, v30;
	[tilespmem:s19+$0xE0] =	vst v3  }
0x180: {  	v8 =	vmul.f32 v18, v32;
	[tilespmem:s19+$0x120] =	vst v4  }
0x181: {  	v6 =	vmul.f32 v28, v32;
	[tilespmem:s19+$0x30] =	vst v7  }
0x182: {  	v2 =	vmul.f32 v39, v23;
	[tilespmem:s19+$0x50] =	vst v8  }
0x183: {  	v3 =	vmul.f32 v40, v23;
	[tilespmem:s19+$0x60] =	vst v6  }
0x184: {  	[tilespmem:s19+$0x100] =	vst v2  }
0x185: {  	[tilespmem:s19+$0x110] =	vst v3;
	v2 =	vnsel vm0, $0x0, v24  }
0x186: {  	v7 =	vmul.f32 v31, v32;
	v3 =	vnsel vm0, $0x0, v23;
	[tilespmem:s19+$0xFFFFFF00] =	vst v2  }
0x187: {  	v8 =	vmul.f32 v33, v32;
	[tilespmem:s19+$0x130] =	vst v3  }
0x188: {  	[tilespmem:s19+$0x70] =	vst v7  }
0x189: {  	s12 =	simm.s32 @!p2 $0x5;
	[tilespmem:s19+$0x80] =	vst v8  }
0x18a: {  	[spmem:s1] =	stream.indirect.scatter.add.f32 [tilespmem:s31], [sflag:$0x4], $0x50, s6, s5, $0xb8;
	[tilespmem:$0x1A9A0] =	vst v63  }
0x18b: {  	_ =	swait.ge @!p2 [sflag:s12], $0x2800  }
0x18c: {  	[sflag:s12] =	ssyncset.done @!p2 $0x0  }
0x18d: {  	[sflag:s12] =	ssyncadd.s32 @!p2 $0xFFFFD800  }
0x18e: {  	v2 =	vld [tilespmem:$0x9820]  }
0x18f: {  	v3 =	vld [tilespmem:$0x9830]  }
0x190: {  	v4 =	vld [tilespmem:$0x9840]  }
0x191: {  	v5 =	vld [tilespmem:$0x9850]  }
0x192: {  	v6 =	vld [tilespmem:$0x9860]  }
0x193: {  	v7 =	vld [tilespmem:$0x9870];
	[tilespmem:$0xE0A0] =	vst v2  }
0x194: {  	v2 =	vld [tilespmem:$0x9880];
	[tilespmem:$0xE0B0] =	vst v3  }
0x195: {  	v3 =	vld [tilespmem:$0x9890];
	[tilespmem:$0xE0C0] =	vst v4  }
0x196: {  	[tilespmem:$0xE0D0] =	vst v5  }
0x197: {  	[tilespmem:$0xE0E0] =	vst v6  }
0x198: {  	s12 =	sadd.s32 @!p1 s22, s18;
	[tilespmem:$0xE0F0] =	vst v7  }
0x199: {  	s12 =	sshll.u32 @!p1 s12, $0x4;
	[tilespmem:$0xE100] =	vst v2  }
0x19a: {  	s14 =	simm.s32 @!p1 $0x0;
	s18 =	simm.s32 @!p1 $0x97A0;
	s13 =	sadd.s32 @!p1 s4, s12;
	[tilespmem:$0xE110] =	vst v3  }
0x19b: {  	[tilespmem:s18], [sflag:$0x2] =	stream.linear.gather @!p1 [hbm4b:s13+s14], $0x80, $0x38;
	[tilespmem:$0x1A9A0] =	vst v63  }
0x19c: {  	s12 =	sadd.s32 @!p1 s12, s23;
	s13 =	simm.s32 @!p1 $0x9820  }
0x19d: {  	[tilespmem:s13], [sflag:$0x2] =	stream.linear.gather @!p1 [hbm4b:s12+s14], $0x80, $0x38;
	[tilespmem:$0x1A9A0] =	vst v63  }
0x19e: {  	s12 =	simm.s32 @!p1 $0x1  }
0x19f: {  	_ =	swait.ge @!p1 [sflag:s12], $0x80  }
0x1a0: {  	[sflag:s12] =	ssyncset.done @!p1 $0x0  }
0x1a1: {  	[sflag:s12] =	ssyncadd.s32 @!p1 $0xFFFFFF80  }
0x1a2: {  	_ =	swait.ge @!p1 [sflag:s12], $0x80  }
0x1a3: {  	[sflag:s12] =	ssyncset.done @!p1 $0x0  }
0x1a4: {  	s18 =	simm.s32 $0x99A0;
	[sflag:s12] =	ssyncadd.s32 @!p1 $0xFFFFFF80  }
0x1a5: {  	v5 =	vld [tilespmem:s18+$0xFFFFFF00]  }
0x1a6: {  	v4 =	vld [tilespmem:s18+$0xFFFFFF10]  }
0x1a7: {  	v3 =	vld [tilespmem:s18+$0xFFFFFF20]  }
0x1a8: {  	v2 =	vld [tilespmem:s18+$0xFFFFFF30]  }
0x1a9: {  	v6 =	vld [tilespmem:s18+$0xFFFFFF40]  }
0x1aa: {  	v7 =	vld [tilespmem:s18+$0xFFFFFF50]  }
0x1ab: {  	v8 =	vld [tilespmem:s18+$0xFFFFFF60]  }
0x1ac: {  	v9 =	vld [tilespmem:s18+$0xFFFFFF70]  }
0x1ad: {  	v10 =	vld [tilespmem:s18+$0xFFFFFF80]  }
0x1ae: {  	v11 =	vld [tilespmem:s18+$0xFFFFFF90]  }
0x1af: {  	v12 =	vld [tilespmem:s18+$0xFFFFFFA0]  }
0x1b0: {  	v13 =	vld [tilespmem:s18+$0xFFFFFFB0]  }
0x1b1: {  	v14 =	vld [tilespmem:s18+$0xFFFFFFC0]  }
0x1b2: {  	v15 =	vld [tilespmem:s18+$0xFFFFFFD0]  }
0x1b3: {  	v16 =	vld [tilespmem:s18+$0xFFFFFFE0]  }
0x1b4: {  	v17 =	vld [tilespmem:s18+$0xFFFFFFF0]  }
0x1b5: {  	v18 =	vld [tilespmem:s18+$0x0]  }
0x1b6: {  	v19 =	vld [tilespmem:s18+$0x10]  }
0x1b7: {  	s20 =	simm.s32 $0x1;
	v20 =	vld [tilespmem:s18+$0x20]  }
0x1b8: {  	s21 =	simm.s32 $0x2;
	v25 =	vmov s20;
	s20 =	simm.s32 $0x4;
	v22 =	vld [tilespmem:s18+$0x30]  }
0x1b9: {  	s25 =	simm.s32 $0x6;
	v26 =	vmov s21;
	s21 =	simm.s32 $0x5;
	v52 =	vmov s20;
	v24 =	vld [tilespmem:s18+$0x40]  }
0x1ba: {  	v54 =	vmov s21;
	v25 =	vshrl.u32 v25, $0x3;
	v27 =	vmov s25;
	v50 =	vld [tilespmem:s18+$0x50]  }
0x1bb: {  	v26 =	vshrl.u32 v26, $0x3;
	v25 =	vshll.u32 v25, v1;
	v27 =	vshrl.u32 v27, $0x3;
	v53 =	vld [tilespmem:s18+$0x60]  }
0x1bc: {  	v26 =	vshll.u32 v26, v1;
	v30 =	vshrl.u32 v52, $0x3;
	v27 =	vshll.u32 v27, v1;
	s19 =	simm.s32 $0x0;
	v55 =	vld [tilespmem:s18+$0x70]  }
0x1bd: {  	v25 =	vadd.s32 $0x1, v25;
	v27 =	vadd.s32 $0x6, v27;
	v23 =	vmov s19;
	v56 =	vld [tilespmem:s18+$0x80]  }
0x1be: {  	v26 =	vadd.s32 $0x2, v26;
	v27 =	vbroadcast v27, $0x0;
	s19 =	simm.s32 $0x3;
	v23 =	vshrl.u32 v23, $0x3;
	v57 =	vld [tilespmem:s18+$0x90]  }
0x1bf: {  	v25 =	vbroadcast v25, $0x0;
	v51 =	vmov s19;
	v23 =	vshll.u32 v23, v1;
	v58 =	vld [tilespmem:s18+$0xA0]  }
0x1c0: {  	v26 =	vbroadcast v26, $0x0;
	v29 =	vshrl.u32 v51, $0x3;
	v23 =	vbroadcast v23, $0x0;
	v59 =	vld [tilespmem:s18+$0xB0]  }
0x1c1: {  	v30 =	vshll.u32 v30, v1;
	v32 =	vshrl.u32 v54, $0x3;
	v29 =	vshll.u32 v29, v1;
	s14 =	simm.s32 $0x7;
	v60 =	vld [tilespmem:s18+$0xC0]  }
0x1c2: {  	v30 =	vadd.s32 $0x4, v30;
	v29 =	vadd.s32 $0x3, v29;
	v21 =	vmov s14;
	v61 =	vld [tilespmem:s18+$0xD0]  }
0x1c3: {  	v32 =	vshll.u32 v32, v1;
	v29 =	vbroadcast v29, $0x0;
	v21 =	vshrl.u32 v21, $0x3;
	v62 =	vld [tilespmem:s18+$0xE0]  }
0x1c4: {  	v30 =	vbroadcast v30, $0x0;
	v32 =	vadd.s32 $0x5, v32;
	v21 =	vshll.u32 v21, v1;
	v27 =	vld.idx.msk [tilespmem:v27+s28+$0x0], $0xffff  }
0x1c5: {  	v32 =	vbroadcast v32, $0x0;
	v21 =	vadd.s32 $0x7, v21;
	v63 =	vld [tilespmem:s18+$0xF0]  }
0x1c6: {  	v21 =	vbroadcast v21, $0x0;
	v23 =	vld.idx.msk [tilespmem:v23+s28+$0x0], $0xffff  }
0x1c7: {  	v25 =	vld.idx.msk [tilespmem:v25+s28+$0x0], $0xffff  }
0x1c8: {  	v26 =	vld.idx.msk [tilespmem:v26+s28+$0x0], $0xffff  }
0x1c9: {  	v29 =	vld.idx.msk [tilespmem:v29+s28+$0x0], $0xffff  }
0x1ca: {  	v30 =	vld.idx.msk [tilespmem:v30+s28+$0x0], $0xffff;
	v37 =	vmul.f32 v59, v27  }
0x1cb: {  	s18 =	simm.s32 $0xB9E0;
	v32 =	vld.idx.msk [tilespmem:v32+s28+$0x0], $0xffff;
	v34 =	vmul.f32 v56, v27  }
0x1cc: {  	v21 =	vld.idx.msk [tilespmem:v21+s28+$0x0], $0xffff;
	v35 =	vmul.f32 v57, v27;
	[tilespmem:s18+$0xD0] =	vst v37  }
0x1cd: {  	v36 =	vmul.f32 v58, v27;
	[tilespmem:s18+$0xA0] =	vst v34  }
0x1ce: {  	v6 =	vmul.f32 v6, v25;
	[tilespmem:s18+$0xB0] =	vst v35  }
0x1cf: {  	v7 =	vmul.f32 v7, v25;
	[tilespmem:s18+$0xC0] =	vst v36  }
0x1d0: {  	v8 =	vmul.f32 v8, v25;
	[tilespmem:s18+$0xFFFFFF10] =	vst v6  }
0x1d1: {  	v5 =	vmul.f32 v5, v23;
	[tilespmem:s18+$0xFFFFFF20] =	vst v7  }
0x1d2: {  	v4 =	vmul.f32 v4, v23;
	[tilespmem:s18+$0xFFFFFF30] =	vst v8  }
0x1d3: {  	v3 =	vmul.f32 v3, v23;
	[tilespmem:s18+$0xFFFFFEC0] =	vst v5  }
0x1d4: {  	v2 =	vmul.f32 v2, v23;
	[tilespmem:s18+$0xFFFFFED0] =	vst v4  }
0x1d5: {  	[tilespmem:s18+$0xFFFFFEE0] =	vst v3  }
0x1d6: {  	v3 =	vnsel vm0, $0x0, v25;
	[tilespmem:s18+$0xFFFFFEF0] =	vst v2  }
0x1d7: {  	v6 =	vmul.f32 v9, v25;
	v2 =	vnsel vm0, $0x0, v26;
	[tilespmem:s18+$0xFFFFFF50] =	vst v3  }
0x1d8: {  	v7 =	vmul.f32 v10, v26;
	[tilespmem:s18+$0xFFFFFFA0] =	vst v2  }
0x1d9: {  	v8 =	vmul.f32 v11, v26;
	[tilespmem:s18+$0xFFFFFF40] =	vst v6  }
0x1da: {  	[tilespmem:s18+$0xFFFFFF60] =	vst v7  }
0x1db: {  	v3 =	vnsel vm0, $0x0, v29;
	[tilespmem:s18+$0xFFFFFF70] =	vst v8  }
0x1dc: {  	v2 =	vnsel vm0, $0x0, v30;
	[tilespmem:s18+$0xFFFFFFF0] =	vst v3  }
0x1dd: {  	v3 =	vnsel vm0, $0x0, v32;
	[tilespmem:s18+$0x40] =	vst v2  }
0x1de: {  	v6 =	vmul.f32 v12, v26;
	v2 =	vnsel vm0, $0x0, v27;
	[tilespmem:s18+$0x90] =	vst v3  }
0x1df: {  	v7 =	vmul.f32 v13, v26;
	[tilespmem:s18+$0xE0] =	vst v2  }
0x1e0: {  	v8 =	vmul.f32 v14, v29;
	[tilespmem:s18+$0xFFFFFF80] =	vst v6  }
0x1e1: {  	v4 =	vmul.f32 v60, v21;
	[tilespmem:s18+$0xFFFFFF90] =	vst v7  }
0x1e2: {  	v3 =	vmul.f32 v61, v21;
	[tilespmem:s18+$0xFFFFFFB0] =	vst v8  }
0x1e3: {  	v2 =	vmul.f32 v62, v21;
	[tilespmem:s18+$0xF0] =	vst v4  }
0x1e4: {  	v6 =	vmul.f32 v15, v29;
	[tilespmem:s18+$0x100] =	vst v3  }
0x1e5: {  	v7 =	vmul.f32 v16, v29;
	[tilespmem:s18+$0x110] =	vst v2  }
0x1e6: {  	v8 =	vmul.f32 v17, v29;
	[tilespmem:s18+$0xFFFFFFC0] =	vst v6  }
0x1e7: {  	v4 =	vmul.f32 v63, v21;
	[tilespmem:s18+$0xFFFFFFD0] =	vst v7  }
0x1e8: {  	[tilespmem:s18+$0xFFFFFFE0] =	vst v8  }
0x1e9: {  	v2 =	vnsel vm0, $0x0, v23;
	[tilespmem:s18+$0x120] =	vst v4  }
0x1ea: {  	v3 =	vnsel vm0, $0x0, v21;
	v6 =	vmul.f32 v18, v30;
	[tilespmem:s18+$0xFFFFFF00] =	vst v2  }
0x1eb: {  	v7 =	vmul.f32 v19, v30;
	[tilespmem:s18+$0x130] =	vst v3  }
0x1ec: {  	v8 =	vmul.f32 v20, v30;
	[tilespmem:s18+$0x0] =	vst v6  }
0x1ed: {  	v6 =	vmul.f32 v22, v30;
	[tilespmem:s18+$0x10] =	vst v7  }
0x1ee: {  	v7 =	vmul.f32 v24, v32;
	[tilespmem:s18+$0x20] =	vst v8  }
0x1ef: {  	v8 =	vmul.f32 v50, v32;
	[tilespmem:s18+$0x30] =	vst v6  }
0x1f0: {  	v6 =	vmul.f32 v53, v32;
	[tilespmem:s18+$0x50] =	vst v7  }
0x1f1: {  	v7 =	vmul.f32 v55, v32;
	[tilespmem:s18+$0x60] =	vst v8  }
0x1f2: {  	[tilespmem:s18+$0x70] =	vst v6  }
0x1f3: {  	s19 =	simm.s32 $0x9BA0;
	[tilespmem:s18+$0x80] =	vst v7  }
0x1f4: {  	v4 =	vld [tilespmem:s19+$0xFFFFFF00]  }
0x1f5: {  	v5 =	vld [tilespmem:s19+$0xFFFFFF10]  }
0x1f6: {  	v2 =	vld [tilespmem:s19+$0xFFFFFF20]  }
0x1f7: {  	v3 =	vld [tilespmem:s19+$0xFFFFFF30]  }
0x1f8: {  	v21 =	vld [tilespmem:s19+$0xFFFFFF40]  }
0x1f9: {  	v22 =	vld [tilespmem:s19+$0xFFFFFF50]  }
0x1fa: {  	v19 =	vld [tilespmem:s19+$0xFFFFFF60]  }
0x1fb: {  	v20 =	vld [tilespmem:s19+$0xFFFFFF70]  }
0x1fc: {  	v16 =	vld [tilespmem:s19+$0xFFFFFF80]  }
0x1fd: {  	v17 =	vld [tilespmem:s19+$0xFFFFFF90]  }
0x1fe: {  	v14 =	vld [tilespmem:s19+$0xFFFFFFA0]  }
0x1ff: {  	v15 =	vld [tilespmem:s19+$0xFFFFFFB0]  }
0x200: {  	v11 =	vld [tilespmem:s19+$0xFFFFFFC0]  }
0x201: {  	v12 =	vld [tilespmem:s19+$0xFFFFFFD0]  }
0x202: {  	v9 =	vld [tilespmem:s19+$0xFFFFFFE0]  }
0x203: {  	v10 =	vld [tilespmem:s19+$0xFFFFFFF0]  }
0x204: {  	v7 =	vld [tilespmem:s19+$0x0]  }
0x205: {  	v8 =	vld [tilespmem:s19+$0x10]  }
0x206: {  	s20 =	simm.s32 $0xF;
	v6 =	vld [tilespmem:s19+$0x20]  }
0x207: {  	s21 =	simm.s32 $0x17;
	s25 =	simm.s32 $0x8;
	v18 =	vmov s20;
	v13 =	vld [tilespmem:s19+$0x30]  }
0x208: {  	s13 =	simm.s32 $0xE;
	s14 =	simm.s32 $0xA;
	s12 =	simm.s32 $0x9;
	v23 =	vshrl.u32 v18, $0x3;
	v24 =	vmov s25;
	v18 =	vld [tilespmem:s19+$0x40]  }
.LBB2_7:
0x209: {  	p1 =	sne.s32 s21, $0x7F;
	v25 =	vmov s12;
	v26 =	vmov s14;
	s12 =	sadd.s32 $0xFFFFFFFC, s20;
	s14 =	sadd.s32 $0xFFFFFFFD, s20;
	v27 =	vmov s13;
	v28 =	vld [tilespmem:s19+$0x50]  }
0x20a: {  	v29 =	vmov s12;
	v30 =	vmov s14;
	s12 =	sadd.s32 $0xFFFFFFFE, s20;
	v27 =	vshrl.u32 v27, $0x3;
	v31 =	vld [tilespmem:s19+$0x60];
	s20 =	smov.u32 s21  }
0x20b: {  	v24 =	vshrl.u32 v24, $0x3;
	v32 =	vmov s12;
	v27 =	vshll.u32 v27, v1;
	v33 =	vld [tilespmem:s19+$0x70]  }
0x20c: {  	v23 =	vshll.u32 v23, v1;
	v25 =	vshrl.u32 v25, $0x3;
	v27 =	vadd.s32 $0x6, v27;
	v34 =	vld [tilespmem:s19+$0x80]  }
0x20d: {  	v26 =	vshrl.u32 v26, $0x3;
	v29 =	vshrl.u32 v29, $0x3;
	v27 =	vbroadcast v27, $0x0;
	v35 =	vld [tilespmem:s19+$0x90]  }
0x20e: {  	v24 =	vshll.u32 v24, v1;
	v30 =	vshrl.u32 v30, $0x3;
	v32 =	vshrl.u32 v32, $0x3;
	v36 =	vld [tilespmem:s19+$0xA0]  }
0x20f: {  	v23 =	vadd.s32 $0x7, v23;
	v24 =	vbroadcast v24, $0x0;
	v25 =	vshll.u32 v25, v1;
	v37 =	vld [tilespmem:s19+$0xB0]  }
0x210: {  	v26 =	vshll.u32 v26, v1;
	v23 =	vbroadcast v23, $0x0;
	v25 =	vadd.s32 $0x1, v25;
	v38 =	vld [tilespmem:s19+$0xC0]  }
0x211: {  	v26 =	vadd.s32 $0x2, v26;
	v29 =	vshll.u32 v29, v1;
	v25 =	vbroadcast v25, $0x0;
	v39 =	vld [tilespmem:s19+$0xD0]  }
0x212: {  	v30 =	vshll.u32 v30, v1;
	v26 =	vbroadcast v26, $0x0;
	v29 =	vadd.s32 $0x3, v29;
	v40 =	vld [tilespmem:s19+$0xE0]  }
0x213: {  	v30 =	vadd.s32 $0x4, v30;
	v32 =	vshll.u32 v32, v1;
	v29 =	vbroadcast v29, $0x0;
	v27 =	vld.idx.msk [tilespmem:v27+s28+$0x0], $0xffff  }
0x214: {  	v30 =	vbroadcast v30, $0x0;
	v32 =	vadd.s32 $0x5, v32;
	v41 =	vld [tilespmem:s19+$0xF0]  }
0x215: {  	v32 =	vbroadcast v32, $0x0;
	v24 =	vld.idx.msk [tilespmem:v24+s28+$0x0], $0xffff  }
0x216: {  	v23 =	vld.idx.msk [tilespmem:v23+s28+$0x0], $0xffff  }
0x217: {  	v25 =	vld.idx.msk [tilespmem:v25+s28+$0x0], $0xffff  }
0x218: {  	v26 =	vld.idx.msk [tilespmem:v26+s28+$0x0], $0xffff  }
0x219: {  	v34 =	vmul.f32 v34, v27;
	v37 =	vmul.f32 v37, v27;
	v42 =	vnsel vm0, $0x0, v27;
	v29 =	vld.idx.msk [tilespmem:v29+s28+$0x0], $0xffff  }
0x21a: {  	s18 =	sadd.s32 $0x280, s18;
	v35 =	vmul.f32 v35, v27;
	v27 =	vmul.f32 v36, v27;
	v30 =	vld.idx.msk [tilespmem:v30+s28+$0x0], $0xffff  }
0x21b: {  	v4 =	vmul.f32 v4, v24;
	v5 =	vmul.f32 v5, v24;
	v36 =	vnsel vm0, $0x0, v24;
	v32 =	vld.idx.msk [tilespmem:v32+s28+$0x0], $0xffff;
	[tilespmem:s18+$0xD0] =	vst v37  }
0x21c: {  	v2 =	vmul.f32 v2, v24;
	v3 =	vmul.f32 v3, v24;
	v24 =	vnsel vm0, $0x0, v23;
	[tilespmem:s18+$0xA0] =	vst v34  }
0x21d: {  	v21 =	vmul.f32 v21, v25;
	v22 =	vmul.f32 v22, v25;
	v34 =	vnsel vm0, $0x0, v25;
	[tilespmem:s18+$0xB0] =	vst v35  }
0x21e: {  	v19 =	vmul.f32 v19, v25;
	v20 =	vmul.f32 v20, v25;
	v25 =	vnsel vm0, $0x0, v26;
	[tilespmem:s18+$0xC0] =	vst v27  }
0x21f: {  	v16 =	vmul.f32 v16, v26;
	v17 =	vmul.f32 v17, v26;
	[tilespmem:s18+$0xFFFFFF10] =	vst v21;
	v21 =	vnsel vm0, $0x0, v29  }
0x220: {  	v14 =	vmul.f32 v14, v26;
	v15 =	vmul.f32 v15, v26;
	[tilespmem:s18+$0xFFFFFF20] =	vst v22;
	v22 =	vnsel vm0, $0x0, v30  }
0x221: {  	v11 =	vmul.f32 v11, v29;
	v12 =	vmul.f32 v12, v29;
	[tilespmem:s18+$0xFFFFFF30] =	vst v19;
	v19 =	vnsel vm0, $0x0, v32  }
0x222: {  	v9 =	vmul.f32 v9, v29;
	v10 =	vmul.f32 v10, v29;
	[tilespmem:s18+$0xFFFFFF40] =	vst v20  }
0x223: {  	v7 =	vmul.f32 v7, v30;
	v8 =	vmul.f32 v8, v30;
	[tilespmem:s18+$0xFFFFFF60] =	vst v16  }
0x224: {  	v6 =	vmul.f32 v6, v30;
	v13 =	vmul.f32 v13, v30;
	[tilespmem:s18+$0xFFFFFF70] =	vst v17  }
0x225: {  	v16 =	vmul.f32 v28, v32;
	[tilespmem:s18+$0xFFFFFF80] =	vst v14;
	v14 =	vmul.f32 v18, v32  }
0x226: {  	v17 =	vmul.f32 v33, v32;
	[tilespmem:s18+$0xFFFFFF90] =	vst v15;
	v15 =	vmul.f32 v31, v32  }
0x227: {  	v18 =	vmul.f32 v39, v23;
	[tilespmem:s18+$0xFFFFFFB0] =	vst v11;
	v11 =	vmul.f32 v38, v23  }
0x228: {  	v20 =	vmul.f32 v41, v23;
	[tilespmem:s18+$0xFFFFFFC0] =	vst v12;
	v12 =	vmul.f32 v40, v23  }
0x229: {  	[tilespmem:s18+$0xFFFFFFD0] =	vst v9  }
0x22a: {  	[tilespmem:s18+$0xFFFFFFE0] =	vst v10  }
0x22b: {  	[tilespmem:s18+$0x0] =	vst v7  }
0x22c: {  	[tilespmem:s18+$0x10] =	vst v8  }
0x22d: {  	[tilespmem:s18+$0x20] =	vst v6  }
0x22e: {  	[tilespmem:s18+$0x30] =	vst v13  }
0x22f: {  	[tilespmem:s18+$0x50] =	vst v14  }
0x230: {  	[tilespmem:s18+$0x60] =	vst v16  }
0x231: {  	[tilespmem:s18+$0x70] =	vst v15  }
0x232: {  	[tilespmem:s18+$0x80] =	vst v17  }
0x233: {  	[tilespmem:s18+$0xFFFFFEC0] =	vst v4  }
0x234: {  	[tilespmem:s18+$0xFFFFFED0] =	vst v5  }
0x235: {  	[tilespmem:s18+$0xFFFFFEE0] =	vst v2  }
0x236: {  	[tilespmem:s18+$0xFFFFFEF0] =	vst v3  }
0x237: {  	[tilespmem:s18+$0xFFFFFF50] =	vst v34  }
0x238: {  	[tilespmem:s18+$0xFFFFFFA0] =	vst v25  }
0x239: {  	[tilespmem:s18+$0xFFFFFFF0] =	vst v21  }
0x23a: {  	[tilespmem:s18+$0x40] =	vst v22  }
0x23b: {  	[tilespmem:s18+$0x90] =	vst v19  }
0x23c: {  	[tilespmem:s18+$0xE0] =	vst v42  }
0x23d: {  	[tilespmem:s18+$0xF0] =	vst v11  }
0x23e: {  	[tilespmem:s18+$0x100] =	vst v18  }
0x23f: {  	[tilespmem:s18+$0x110] =	vst v12  }
0x240: {  	[tilespmem:s18+$0x120] =	vst v20  }
0x241: {  	[tilespmem:s18+$0xFFFFFF00] =	vst v36  }
0x242: {  	s19 =	sadd.s32 $0x200, s19;
	[tilespmem:s18+$0x130] =	vst v24  }
0x243: {  	v4 =	vld [tilespmem:s19+$0xFFFFFF00]  }
0x244: {  	v5 =	vld [tilespmem:s19+$0xFFFFFF10]  }
0x245: {  	v2 =	vld [tilespmem:s19+$0xFFFFFF20]  }
0x246: {  	v3 =	vld [tilespmem:s19+$0xFFFFFF30]  }
0x247: {  	v21 =	vld [tilespmem:s19+$0xFFFFFF40]  }
0x248: {  	v22 =	vld [tilespmem:s19+$0xFFFFFF50]  }
0x249: {  	v19 =	vld [tilespmem:s19+$0xFFFFFF60]  }
0x24a: {  	v20 =	vld [tilespmem:s19+$0xFFFFFF70]  }
0x24b: {  	v16 =	vld [tilespmem:s19+$0xFFFFFF80]  }
0x24c: {  	v17 =	vld [tilespmem:s19+$0xFFFFFF90]  }
0x24d: {  	v14 =	vld [tilespmem:s19+$0xFFFFFFA0]  }
0x24e: {  	v15 =	vld [tilespmem:s19+$0xFFFFFFB0]  }
0x24f: {  	v11 =	vld [tilespmem:s19+$0xFFFFFFC0]  }
0x250: {  	v12 =	vld [tilespmem:s19+$0xFFFFFFD0]  }
0x251: {  	v9 =	vld [tilespmem:s19+$0xFFFFFFE0]  }
0x252: {  	v10 =	vld [tilespmem:s19+$0xFFFFFFF0]  }
.Ltmp4:
0x253: {  	v7 =	vld [tilespmem:s19+$0x0];
	(pc) =	sbr.rel @p1 .LBB2_7-.Ltmp4, $4  }
0x254: {  	v8 =	vld [tilespmem:s19+$0x10]  }
0x255: {  	v6 =	vld [tilespmem:s19+$0x20]  }
0x256: {  	s13 =	sadd.s32 $0xFFFFFFF9, s21;
	s12 =	sadd.s32 $0xFFFFFFFA, s21;
	v18 =	vmov s21;
	v13 =	vld [tilespmem:s19+$0x30]  }
0x257: {  	s14 =	sadd.s32 $0xFFFFFFFB, s20;
	s21 =	sadd.s32 $0x8, s21;
	v23 =	vshrl.u32 v18, $0x3;
	v24 =	vmov s13;
	s13 =	sadd.s32 $0xFFFFFFFF, s20;
	v18 =	vld [tilespmem:s19+$0x40]  }
0x258: {  	v25 =	vmov s12;
	v26 =	vmov s14;
	s14 =	sadd.s32 $0xFFFFFFFC, s20;
	v27 =	vmov s13;
	v28 =	vld [tilespmem:s19+$0x50]  }
0x259: {  	s21 =	sadd.s32 $0xFFFFFFFD, s20;
	s25 =	sadd.s32 $0xFFFFFFFE, s20;
	v31 =	vld [tilespmem:s19+$0x60];
	v24 =	vshrl.u32 v24, $0x3;
	v23 =	vshll.u32 v23, v1;
	v29 =	vmov s14  }
0x25a: {  	v33 =	vld [tilespmem:s19+$0x70];
	v30 =	vmov s21;
	v27 =	vshrl.u32 v27, $0x3;
	v32 =	vmov s25  }
0x25b: {  	v34 =	vld [tilespmem:s19+$0x80];
	v25 =	vshrl.u32 v25, $0x3;
	v26 =	vshrl.u32 v26, $0x3;
	v24 =	vshll.u32 v24, v1  }
0x25c: {  	v35 =	vld [tilespmem:s19+$0x90];
	v23 =	vadd.s32 $0x7, v23;
	v27 =	vshll.u32 v27, v1;
	v29 =	vshrl.u32 v29, $0x3  }
0x25d: {  	v36 =	vld [tilespmem:s19+$0xA0];
	v30 =	vshrl.u32 v30, $0x3;
	v32 =	vshrl.u32 v32, $0x3;
	v24 =	vbroadcast v24, $0x0  }
0x25e: {  	v37 =	vld [tilespmem:s19+$0xB0];
	v25 =	vshll.u32 v25, v1;
	v23 =	vbroadcast v23, $0x0;
	v27 =	vadd.s32 $0x6, v27  }
0x25f: {  	v38 =	vld [tilespmem:s19+$0xC0];
	v26 =	vshll.u32 v26, v1;
	v25 =	vadd.s32 $0x1, v25;
	v27 =	vbroadcast v27, $0x0  }
0x260: {  	v39 =	vld [tilespmem:s19+$0xD0];
	v26 =	vadd.s32 $0x2, v26;
	v29 =	vshll.u32 v29, v1;
	v25 =	vbroadcast v25, $0x0  }
0x261: {  	v40 =	vld [tilespmem:s19+$0xE0];
	v30 =	vshll.u32 v30, v1;
	v26 =	vbroadcast v26, $0x0;
	v29 =	vadd.s32 $0x3, v29  }
0x262: {  	v41 =	vld [tilespmem:s19+$0xF0];
	v32 =	vshll.u32 v32, v1;
	v30 =	vadd.s32 $0x4, v30;
	v29 =	vbroadcast v29, $0x0  }
0x263: {  	v32 =	vadd.s32 $0x5, v32;
	v30 =	vbroadcast v30, $0x0;
	v24 =	vld.idx.msk [tilespmem:v24+s28+$0x0], $0xffff  }
0x264: {  	v32 =	vbroadcast v32, $0x0;
	v23 =	vld.idx.msk [tilespmem:v23+s28+$0x0], $0xffff  }
0x265: {  	v27 =	vld.idx.msk [tilespmem:v27+s28+$0x0], $0xffff  }
0x266: {  	v25 =	vld.idx.msk [tilespmem:v25+s28+$0x0], $0xffff  }
0x267: {  	v26 =	vld.idx.msk [tilespmem:v26+s28+$0x0], $0xffff  }
0x268: {  	v29 =	vld.idx.msk [tilespmem:v29+s28+$0x0], $0xffff;
	v4 =	vmul.f32 v4, v24  }
0x269: {  	s18 =	sadd.s32 $0x280, s18;
	v30 =	vld.idx.msk [tilespmem:v30+s28+$0x0], $0xffff;
	v5 =	vmul.f32 v5, v24  }
0x26a: {  	v32 =	vld.idx.msk [tilespmem:v32+s28+$0x0], $0xffff;
	v2 =	vmul.f32 v2, v24;
	[tilespmem:s18+$0xFFFFFEC0] =	vst v4  }
0x26b: {  	v3 =	vmul.f32 v3, v24;
	[tilespmem:s18+$0xFFFFFED0] =	vst v5  }
0x26c: {  	v62 =	vmul.f32 v38, v23;
	[tilespmem:s18+$0xFFFFFEE0] =	vst v2  }
0x26d: {  	v63 =	vmul.f32 v41, v23;
	[tilespmem:s18+$0xFFFFFEF0] =	vst v3  }
0x26e: {  	[tilespmem:s18+$0xF0] =	vst v62  }
0x26f: {  	v2 =	vnsel vm0, $0x0, v25;
	[tilespmem:s18+$0x120] =	vst v63  }
0x270: {  	v37 =	vmul.f32 v37, v27;
	v3 =	vnsel vm0, $0x0, v26;
	[tilespmem:s18+$0xFFFFFF50] =	vst v2  }
0x271: {  	v34 =	vmul.f32 v34, v27;
	[tilespmem:s18+$0xFFFFFFA0] =	vst v3  }
0x272: {  	v35 =	vmul.f32 v35, v27;
	[tilespmem:s18+$0xD0] =	vst v37  }
0x273: {  	v36 =	vmul.f32 v36, v27;
	[tilespmem:s18+$0xA0] =	vst v34  }
0x274: {  	v21 =	vmul.f32 v21, v25;
	[tilespmem:s18+$0xB0] =	vst v35  }
0x275: {  	v22 =	vmul.f32 v22, v25;
	[tilespmem:s18+$0xC0] =	vst v36  }
0x276: {  	v19 =	vmul.f32 v19, v25;
	[tilespmem:s18+$0xFFFFFF10] =	vst v21  }
0x277: {  	v20 =	vmul.f32 v20, v25;
	[tilespmem:s18+$0xFFFFFF20] =	vst v22  }
0x278: {  	v16 =	vmul.f32 v16, v26;
	[tilespmem:s18+$0xFFFFFF30] =	vst v19  }
0x279: {  	v17 =	vmul.f32 v17, v26;
	[tilespmem:s18+$0xFFFFFF40] =	vst v20  }
0x27a: {  	v14 =	vmul.f32 v14, v26;
	[tilespmem:s18+$0xFFFFFF60] =	vst v16  }
0x27b: {  	v15 =	vmul.f32 v15, v26;
	[tilespmem:s18+$0xFFFFFF70] =	vst v17  }
0x27c: {  	[tilespmem:s18+$0xFFFFFF80] =	vst v14  }
0x27d: {  	v2 =	vnsel vm0, $0x0, v29;
	[tilespmem:s18+$0xFFFFFF90] =	vst v15  }
0x27e: {  	v11 =	vmul.f32 v11, v29;
	v3 =	vnsel vm0, $0x0, v30;
	[tilespmem:s18+$0xFFFFFFF0] =	vst v2  }
0x27f: {  	v12 =	vmul.f32 v12, v29;
	[tilespmem:s18+$0x40] =	vst v3  }
0x280: {  	v9 =	vmul.f32 v9, v29;
	[tilespmem:s18+$0xFFFFFFB0] =	vst v11  }
0x281: {  	v10 =	vmul.f32 v10, v29;
	[tilespmem:s18+$0xFFFFFFC0] =	vst v12  }
0x282: {  	v7 =	vmul.f32 v7, v30;
	[tilespmem:s18+$0xFFFFFFD0] =	vst v9  }
0x283: {  	v8 =	vmul.f32 v8, v30;
	[tilespmem:s18+$0xFFFFFFE0] =	vst v10  }
0x284: {  	v6 =	vmul.f32 v6, v30;
	[tilespmem:s18+$0x0] =	vst v7  }
0x285: {  	v57 =	vmul.f32 v13, v30;
	[tilespmem:s18+$0x10] =	vst v8  }
0x286: {  	v58 =	vmul.f32 v18, v32;
	[tilespmem:s18+$0x20] =	vst v6  }
0x287: {  	v59 =	vmul.f32 v28, v32;
	[tilespmem:s18+$0x30] =	vst v57  }
0x288: {  	v60 =	vmul.f32 v31, v32;
	[tilespmem:s18+$0x50] =	vst v58  }
0x289: {  	v61 =	vmul.f32 v33, v32;
	[tilespmem:s18+$0x60] =	vst v59  }
0x28a: {  	[tilespmem:s18+$0x70] =	vst v60  }
0x28b: {  	v2 =	vnsel vm0, $0x0, v32;
	[tilespmem:s18+$0x80] =	vst v61  }
0x28c: {  	s17 =	sadd.s32 $0x1, s17;
	v3 =	vnsel vm0, $0x0, v27;
	[tilespmem:s18+$0x90] =	vst v2;
	v2 =	vmul.f32 v39, v23  }
0x28d: {  	p1 =	sne.s32 s17, $0x4E;
	[tilespmem:s18+$0xE0] =	vst v3;
	v3 =	vmul.f32 v40, v23  }
.Ltmp5:
0x28e: {  	[tilespmem:s18+$0x100] =	vst v2;
	(pc) =	sbr.rel @p1 .LBB2_4-.Ltmp5, $4  }
0x28f: {  	[tilespmem:s18+$0x110] =	vst v3;
	v2 =	vnsel vm0, $0x0, v24  }
0x290: {  	v3 =	vnsel vm0, $0x0, v23;
	[tilespmem:s18+$0xFFFFFF00] =	vst v2  }
0x291: {  	[tilespmem:s18+$0x130] =	vst v3  }
0x292: {  	[spmem:s1] =	stream.indirect.scatter.add.f32 [tilespmem:s3], [sflag:$0x5], $0x50, s0, s5, $0xb8;
	[tilespmem:$0x1A9A0] =	vst v63  }
0x293: {  	s12 =	simm.s32 $0x4  }
0x294: {  	_ =	swait.ge [sflag:s12], $0x2800  }
.Ltmp6:
0x295: {  	[sflag:s12] =	ssyncset.done $0x0;
	(pc) =	sbr.rel @p0 .LBB2_13-.Ltmp6, $4  }
0x296: {  	s25 =	simm.s32 $0x5;
	[sflag:s12] =	ssyncadd.s32 $0xFFFFD800  }
0x297: {  	_ =	swait.ge [sflag:s25], $0x2800  }
0x298: {  	[sflag:s25] =	ssyncset.done $0x0  }
0x299: {  	s21 =	simm.s32 $0x4EA0;
	[sflag:s25] =	ssyncadd.s32 $0xFFFFD800  }
0x29a: {  	s12 =	rddreg [dreg:$0x10];
	s13 =	simm.s32 $0x4E20  }
0x29b: {  	[tilespmem:s13], [sflag:$0x6] =	stream.linear.gather [hbm4b:s12+s2], $0x80, $0x38;
	[tilespmem:$0x1A9A0] =	vst v63  }
0x29c: {  	_ =	swait.ge [sflag:s29], $0x80  }
0x29d: {  	[sflag:s29] =	ssyncset.done $0x0  }
0x29e: {  	s20 =	rddreg [dreg:$0x11];
	[sflag:s29] =	ssyncadd.s32 $0xFFFFFF80  }
0x29f: {  	[tilespmem:s21], [sflag:$0x6] =	stream.linear.gather [hbm4b:s20+s2], $0x80, $0x38;
	[tilespmem:$0x1A9A0] =	vst v63  }
0x2a0: {  	_ =	swait.ge [sflag:s29], $0x80  }
0x2a1: {  	[sflag:s29] =	ssyncset.done $0x0  }
0x2a2: {  	s14 =	simm.s32 $0x4F20;
	s25 =	rddreg [dreg:$0xe];
	[sflag:s29] =	ssyncadd.s32 $0xFFFFFF80  }
0x2a3: {  	[tilespmem:s14], [sflag:$0x3] =	stream.indirect.gather [hbm4b:s25+s5], $0x40, s13, s5, $0xb8;
	[tilespmem:$0x1A9A0] =	vst v63  }
0x2a4: {  	s13 =	simm.s32 $0x3  }
0x2a5: {  	_ =	swait.ge [sflag:s13], $0x2000  }
0x2a6: {  	[sflag:s13] =	ssyncset.done $0x0  }
0x2a7: {  	[sflag:s13] =	ssyncadd.s32 $0xFFFFE000  }
0x2a8: {  	v2 =	vld [tilespmem:$0x4E20]  }
0x2a9: {  	v3 =	vld [tilespmem:$0x4E30]  }
0x2aa: {  	v4 =	vld [tilespmem:$0x4E40]  }
0x2ab: {  	v5 =	vld [tilespmem:$0x4E50]  }
0x2ac: {  	v6 =	vld [tilespmem:$0x4E60]  }
0x2ad: {  	v7 =	vld [tilespmem:$0x4E70]  }
0x2ae: {  	v8 =	vld [tilespmem:$0x4E80]  }
0x2af: {  	v9 =	vld [tilespmem:$0x4E90]  }
0x2b0: {  	v10 =	vld [tilespmem:$0x4EA0]  }
0x2b1: {  	v11 =	vld [tilespmem:$0x4EB0]  }
0x2b2: {  	v12 =	vld [tilespmem:$0x4EC0]  }
0x2b3: {  	v13 =	vld [tilespmem:$0x4ED0]  }
0x2b4: {  	v14 =	vld [tilespmem:$0x4EE0]  }
0x2b5: {  	v15 =	vld [tilespmem:$0x4EF0]  }
0x2b6: {  	v16 =	vld [tilespmem:$0x4F00]  }
0x2b7: {  	v17 =	vld [tilespmem:$0x4F10]  }
0x2b8: {  	v2 =	vld.idx.msk [tilespmem:v2+s2+$0x0], $0xffff  }
0x2b9: {  	v10 =	vld.idx.msk [tilespmem:v10+s30+$0x0], $0xffff  }
0x2ba: {  	v3 =	vld.idx.msk [tilespmem:v3+s2+$0x0], $0xffff  }
0x2bb: {  	v4 =	vld.idx.msk [tilespmem:v4+s2+$0x0], $0xffff  }
0x2bc: {  	v5 =	vld.idx.msk [tilespmem:v5+s2+$0x0], $0xffff  }
0x2bd: {  	v11 =	vld.idx.msk [tilespmem:v11+s30+$0x0], $0xffff  }
0x2be: {  	v12 =	vld.idx.msk [tilespmem:v12+s30+$0x0], $0xffff;
	v2 =	vadd.f32 v10, v2  }
0x2bf: {  	v10 =	vld.idx.msk [tilespmem:v13+s30+$0x0], $0xffff  }
0x2c0: {  	v6 =	vld.idx.msk [tilespmem:v6+s2+$0x0], $0xffff;
	v13 =	vmul.f32 $2.000000030e-01, v2  }
0x2c1: {  	v7 =	vld.idx.msk [tilespmem:v7+s2+$0x0], $0xffff;
	vm1 =	vge.f32 v2, $0.0e+00  }
0x2c2: {  	v8 =	vld.idx.msk [tilespmem:v8+s2+$0x0], $0xffff;
	v3 =	vadd.f32 v11, v3;
	v2 =	vsel vm1, v2, v13  }
0x2c3: {  	v11 =	vld.idx.msk [tilespmem:v14+s30+$0x0], $0xffff;
	v4 =	vadd.f32 v12, v4;
	v2 =	vmul.f32 $1.442695020e+00, v2  }
0x2c4: {  	v9 =	vld.idx.msk [tilespmem:v9+s2+$0x0], $0xffff;
	v12 =	vmul.f32 $2.000000030e-01, v3;
	v5 =	vadd.f32 v10, v5  }
0x2c5: {  	vm1 =	vge.f32 v3, $0.0e+00;
	v10 =	vld.idx.msk [tilespmem:v15+s30+$0x0], $0xffff;
	(erf) = vpow2.f32 v2;
	v2 =	vmul.f32 $2.000000030e-01, v4  }
0x2c6: {  	v13 =	vld.idx.msk [tilespmem:v16+s30+$0x0], $0xffff;
	v3 =	vsel vm1, v3, v12;
	vm1 =	vge.f32 v4, $0.0e+00;
	v12 =	vmul.f32 $2.000000030e-01, v5  }
0x2c7: {  	v14 =	vld.idx.msk [tilespmem:v17+s30+$0x0], $0xffff;
	v3 =	vmul.f32 $1.442695020e+00, v3;
	v2 =	vsel vm1, v4, v2;
	vm1 =	vge.f32 v5, $0.0e+00  }
0x2c8: {  	v2 =	vmul.f32 $1.442695020e+00, v2;
	v4 =	vsel vm1, v5, v12;
	v5 =	vadd.f32 v11, v6  }
0x2c9: {  	(erf) = vpow2.f32 v3;
	v3 =	vmul.f32 $1.442695020e+00, v4  }
0x2ca: {  	v4 =	vadd.f32 v10, v7;
	(erf) = vpow2.f32 v2;
	v2 =	vmul.f32 $2.000000030e-01, v5  }
0x2cb: {  	vm1 =	vge.f32 v5, $0.0e+00;
	(erf) = vpow2.f32 v3;
	v3 =	vadd.f32 v13, v8  }
0x2cc: {  	v6 =	vadd.f32 v14, v9;
	v2 =	vsel vm1, v5, v2;
	v5 =	vmul.f32 $2.000000030e-01, v4  }
0x2cd: {  	vm1 =	vge.f32 v4, $0.0e+00;
	v2 =	vmul.f32 $1.442695020e+00, v2;
	v7 =	vmul.f32 $2.000000030e-01, v3  }
0x2ce: {  	v4 =	vsel vm1, v4, v5;
	vm1 =	vge.f32 v3, $0.0e+00;
	v5 =	vmul.f32 $2.000000030e-01, v6  }
0x2cf: {  	v4 =	vmul.f32 $1.442695020e+00, v4;
	v3 =	vsel vm1, v3, v7;
	vm1 =	vge.f32 v6, $0.0e+00  }
0x2d0: {  	(erf) = vpow2.f32 v2;
	v2 =	vmul.f32 $1.442695020e+00, v3;
	v3 =	vsel vm1, v6, v5  }
0x2d1: {  	(erf) = vpow2.f32 v4;
	v3 =	vmul.f32 $1.442695020e+00, v3  }
0x2d2: {  	(erf) = vpow2.f32 v2  }
0x2d3: {  	(erf) = vpow2.f32 v3;
	_ =	sdelay $0x1  }
0x2d4: {  	v2 =	vpop (erf)  }
0x2d5: {  	v3 =	vpop (erf);
	[tilespmem:$0xE120] =	vst v2  }
0x2d6: {  	v2 =	vpop (erf);
	[tilespmem:$0xE130] =	vst v3  }
0x2d7: {  	v3 =	vpop (erf);
	[tilespmem:$0xE140] =	vst v2  }
0x2d8: {  	v2 =	vpop (erf);
	[tilespmem:$0xE150] =	vst v3  }
0x2d9: {  	[tilespmem:$0xE160] =	vst v2;
	v3 =	vpop (erf)  }
0x2da: {  	v2 =	vpop (erf);
	[tilespmem:$0xE170] =	vst v3  }
0x2db: {  	[tilespmem:$0xE180] =	vst v2;
	v2 =	vpop (erf)  }
0x2dc: {  	s17 =	simm.s32 $0x5020;
	[tilespmem:$0xE190] =	vst v2  }
0x2dd: {  	v5 =	vld [tilespmem:s17+$0xFFFFFF00]  }
0x2de: {  	v4 =	vld [tilespmem:s17+$0xFFFFFF10]  }
0x2df: {  	v3 =	vld [tilespmem:s17+$0xFFFFFF20]  }
0x2e0: {  	v2 =	vld [tilespmem:s17+$0xFFFFFF30]  }
0x2e1: {  	v6 =	vld [tilespmem:s17+$0xFFFFFF40]  }
0x2e2: {  	v7 =	vld [tilespmem:s17+$0xFFFFFF50]  }
0x2e3: {  	v8 =	vld [tilespmem:s17+$0xFFFFFF60]  }
0x2e4: {  	v9 =	vld [tilespmem:s17+$0xFFFFFF70]  }
0x2e5: {  	v10 =	vld [tilespmem:s17+$0xFFFFFF80]  }
0x2e6: {  	v11 =	vld [tilespmem:s17+$0xFFFFFF90]  }
0x2e7: {  	v12 =	vld [tilespmem:s17+$0xFFFFFFA0]  }
0x2e8: {  	v13 =	vld [tilespmem:s17+$0xFFFFFFB0]  }
0x2e9: {  	v14 =	vld [tilespmem:s17+$0xFFFFFFC0]  }
0x2ea: {  	v15 =	vld [tilespmem:s17+$0xFFFFFFD0]  }
0x2eb: {  	v16 =	vld [tilespmem:s17+$0xFFFFFFE0]  }
0x2ec: {  	v17 =	vld [tilespmem:s17+$0xFFFFFFF0]  }
0x2ed: {  	v18 =	vld [tilespmem:s17+$0x0]  }
0x2ee: {  	v19 =	vld [tilespmem:s17+$0x10]  }
0x2ef: {  	s18 =	simm.s32 $0x0;
	v20 =	vld [tilespmem:s17+$0x20]  }
0x2f0: {  	s19 =	simm.s32 $0x1;
	v23 =	vmov s18;
	s18 =	simm.s32 $0x3;
	v22 =	vld [tilespmem:s17+$0x30]  }
0x2f1: {  	v25 =	vmov s19;
	s19 =	simm.s32 $0x4;
	v29 =	vmov s18;
	s25 =	simm.s32 $0x6;
	v24 =	vld [tilespmem:s17+$0x40]  }
0x2f2: {  	v30 =	vmov s19;
	v23 =	vshrl.u32 v23, $0x3;
	v27 =	vmov s25;
	v28 =	vld [tilespmem:s17+$0x50]  }
0x2f3: {  	v25 =	vshrl.u32 v25, $0x3;
	v29 =	vshrl.u32 v29, $0x3;
	v27 =	vshrl.u32 v27, $0x3;
	v31 =	vld [tilespmem:s17+$0x60]  }
0x2f4: {  	v23 =	vshll.u32 v23, v1;
	v30 =	vshrl.u32 v30, $0x3;
	s14 =	simm.s32 $0x7;
	v27 =	vshll.u32 v27, v1;
	v33 =	vld [tilespmem:s17+$0x70]  }
0x2f5: {  	v25 =	vshll.u32 v25, v1;
	v21 =	vmov s14;
	v27 =	vadd.s32 $0x6, v27;
	v34 =	vld [tilespmem:s17+$0x80]  }
0x2f6: {  	v23 =	vbroadcast v23, $0x0;
	s20 =	simm.s32 $0x2;
	v21 =	vshrl.u32 v21, $0x3;
	v27 =	vbroadcast v27, $0x0;
	v35 =	vld [tilespmem:s17+$0x90]  }
0x2f7: {  	v25 =	vadd.s32 $0x1, v25;
	v26 =	vmov s20;
	v21 =	vshll.u32 v21, v1;
	v36 =	vld [tilespmem:s17+$0xA0]  }
0x2f8: {  	v29 =	vshll.u32 v29, v1;
	v26 =	vshrl.u32 v26, $0x3;
	v21 =	vadd.s32 $0x7, v21;
	v37 =	vld [tilespmem:s17+$0xB0]  }
0x2f9: {  	v30 =	vshll.u32 v30, v1;
	s20 =	simm.s32 $0x5;
	v26 =	vshll.u32 v26, v1;
	v21 =	vbroadcast v21, $0x0;
	v38 =	vld [tilespmem:s17+$0xC0]  }
0x2fa: {  	v25 =	vbroadcast v25, $0x0;
	v32 =	vmov s20;
	v26 =	vadd.s32 $0x2, v26;
	v39 =	vld [tilespmem:s17+$0xD0]  }
0x2fb: {  	v29 =	vadd.s32 $0x3, v29;
	v32 =	vshrl.u32 v32, $0x3;
	v26 =	vbroadcast v26, $0x0;
	v40 =	vld [tilespmem:s17+$0xE0]  }
0x2fc: {  	v30 =	vadd.s32 $0x4, v30;
	v29 =	vbroadcast v29, $0x0;
	v32 =	vshll.u32 v32, v1;
	v27 =	vld.idx.msk [tilespmem:v27+s28+$0x0], $0xffff  }
0x2fd: {  	v30 =	vbroadcast v30, $0x0;
	v32 =	vadd.s32 $0x5, v32;
	v41 =	vld [tilespmem:s17+$0xF0]  }
0x2fe: {  	v32 =	vbroadcast v32, $0x0;
	v23 =	vld.idx.msk [tilespmem:v23+s28+$0x0], $0xffff  }
0x2ff: {  	v21 =	vld.idx.msk [tilespmem:v21+s28+$0x0], $0xffff  }
0x300: {  	v25 =	vld.idx.msk [tilespmem:v25+s28+$0x0], $0xffff  }
0x301: {  	v26 =	vld.idx.msk [tilespmem:v26+s28+$0x0], $0xffff  }
0x302: {  	v29 =	vld.idx.msk [tilespmem:v29+s28+$0x0], $0xffff;
	v37 =	vmul.f32 v37, v27  }
0x303: {  	v30 =	vld.idx.msk [tilespmem:v30+s28+$0x0], $0xffff;
	s17 =	simm.s32 $0x7060;
	v34 =	vmul.f32 v34, v27  }
0x304: {  	v32 =	vld.idx.msk [tilespmem:v32+s28+$0x0], $0xffff;
	v35 =	vmul.f32 v35, v27;
	[tilespmem:s17+$0xD0] =	vst v37  }
0x305: {  	v36 =	vmul.f32 v36, v27;
	[tilespmem:s17+$0xA0] =	vst v34  }
0x306: {  	v6 =	vmul.f32 v6, v25;
	[tilespmem:s17+$0xB0] =	vst v35  }
0x307: {  	v7 =	vmul.f32 v7, v25;
	[tilespmem:s17+$0xC0] =	vst v36  }
0x308: {  	v8 =	vmul.f32 v8, v25;
	[tilespmem:s17+$0xFFFFFF10] =	vst v6  }
0x309: {  	v5 =	vmul.f32 v5, v23;
	[tilespmem:s17+$0xFFFFFF20] =	vst v7  }
0x30a: {  	v4 =	vmul.f32 v4, v23;
	[tilespmem:s17+$0xFFFFFF30] =	vst v8  }
0x30b: {  	v3 =	vmul.f32 v3, v23;
	[tilespmem:s17+$0xFFFFFEC0] =	vst v5  }
0x30c: {  	v2 =	vmul.f32 v2, v23;
	[tilespmem:s17+$0xFFFFFED0] =	vst v4  }
0x30d: {  	[tilespmem:s17+$0xFFFFFEE0] =	vst v3  }
0x30e: {  	v3 =	vnsel vm0, $0x0, v25;
	[tilespmem:s17+$0xFFFFFEF0] =	vst v2  }
0x30f: {  	v6 =	vmul.f32 v9, v25;
	v2 =	vnsel vm0, $0x0, v26;
	[tilespmem:s17+$0xFFFFFF50] =	vst v3  }
0x310: {  	v7 =	vmul.f32 v10, v26;
	[tilespmem:s17+$0xFFFFFFA0] =	vst v2  }
0x311: {  	v8 =	vmul.f32 v11, v26;
	[tilespmem:s17+$0xFFFFFF40] =	vst v6  }
0x312: {  	[tilespmem:s17+$0xFFFFFF60] =	vst v7  }
0x313: {  	v3 =	vnsel vm0, $0x0, v29;
	[tilespmem:s17+$0xFFFFFF70] =	vst v8  }
0x314: {  	v4 =	vmul.f32 v38, v21;
	v2 =	vnsel vm0, $0x0, v30;
	[tilespmem:s17+$0xFFFFFFF0] =	vst v3  }
0x315: {  	[tilespmem:s17+$0x40] =	vst v2  }
0x316: {  	v3 =	vnsel vm0, $0x0, v32;
	[tilespmem:s17+$0xF0] =	vst v4  }
0x317: {  	v6 =	vmul.f32 v12, v26;
	v2 =	vnsel vm0, $0x0, v27;
	[tilespmem:s17+$0x90] =	vst v3  }
0x318: {  	v7 =	vmul.f32 v13, v26;
	[tilespmem:s17+$0xE0] =	vst v2  }
0x319: {  	v8 =	vmul.f32 v14, v29;
	[tilespmem:s17+$0xFFFFFF80] =	vst v6  }
0x31a: {  	v4 =	vmul.f32 v41, v21;
	[tilespmem:s17+$0xFFFFFF90] =	vst v7  }
0x31b: {  	v3 =	vmul.f32 v39, v21;
	[tilespmem:s17+$0xFFFFFFB0] =	vst v8  }
0x31c: {  	v2 =	vmul.f32 v40, v21;
	[tilespmem:s17+$0x120] =	vst v4  }
0x31d: {  	v6 =	vmul.f32 v15, v29;
	[tilespmem:s17+$0x100] =	vst v3  }
0x31e: {  	v7 =	vmul.f32 v16, v29;
	[tilespmem:s17+$0x110] =	vst v2  }
0x31f: {  	v8 =	vmul.f32 v17, v29;
	[tilespmem:s17+$0xFFFFFFC0] =	vst v6  }
0x320: {  	[tilespmem:s17+$0xFFFFFFD0] =	vst v7  }
0x321: {  	v2 =	vnsel vm0, $0x0, v23;
	[tilespmem:s17+$0xFFFFFFE0] =	vst v8  }
0x322: {  	v3 =	vnsel vm0, $0x0, v21;
	v6 =	vmul.f32 v18, v30;
	[tilespmem:s17+$0xFFFFFF00] =	vst v2  }
0x323: {  	v7 =	vmul.f32 v19, v30;
	[tilespmem:s17+$0x130] =	vst v3  }
0x324: {  	v8 =	vmul.f32 v20, v30;
	[tilespmem:s17+$0x0] =	vst v6  }
0x325: {  	v6 =	vmul.f32 v22, v30;
	[tilespmem:s17+$0x10] =	vst v7  }
0x326: {  	v7 =	vmul.f32 v24, v32;
	[tilespmem:s17+$0x20] =	vst v8  }
0x327: {  	v8 =	vmul.f32 v28, v32;
	[tilespmem:s17+$0x30] =	vst v6  }
0x328: {  	v6 =	vmul.f32 v31, v32;
	[tilespmem:s17+$0x50] =	vst v7  }
0x329: {  	v7 =	vmul.f32 v33, v32;
	[tilespmem:s17+$0x60] =	vst v8  }
0x32a: {  	[tilespmem:s17+$0x70] =	vst v6  }
0x32b: {  	s18 =	simm.s32 $0x5220;
	[tilespmem:s17+$0x80] =	vst v7  }
0x32c: {  	v4 =	vld [tilespmem:s18+$0xFFFFFF00]  }
0x32d: {  	v5 =	vld [tilespmem:s18+$0xFFFFFF10]  }
0x32e: {  	v2 =	vld [tilespmem:s18+$0xFFFFFF20]  }
0x32f: {  	v3 =	vld [tilespmem:s18+$0xFFFFFF30]  }
0x330: {  	v21 =	vld [tilespmem:s18+$0xFFFFFF40]  }
0x331: {  	v22 =	vld [tilespmem:s18+$0xFFFFFF50]  }
0x332: {  	v19 =	vld [tilespmem:s18+$0xFFFFFF60]  }
0x333: {  	v20 =	vld [tilespmem:s18+$0xFFFFFF70]  }
0x334: {  	v16 =	vld [tilespmem:s18+$0xFFFFFF80]  }
0x335: {  	v17 =	vld [tilespmem:s18+$0xFFFFFF90]  }
0x336: {  	v14 =	vld [tilespmem:s18+$0xFFFFFFA0]  }
0x337: {  	v15 =	vld [tilespmem:s18+$0xFFFFFFB0]  }
0x338: {  	v11 =	vld [tilespmem:s18+$0xFFFFFFC0]  }
0x339: {  	v12 =	vld [tilespmem:s18+$0xFFFFFFD0]  }
0x33a: {  	v9 =	vld [tilespmem:s18+$0xFFFFFFE0]  }
0x33b: {  	v10 =	vld [tilespmem:s18+$0xFFFFFFF0]  }
0x33c: {  	v7 =	vld [tilespmem:s18+$0x0]  }
0x33d: {  	v8 =	vld [tilespmem:s18+$0x10]  }
0x33e: {  	s19 =	simm.s32 $0xF;
	v6 =	vld [tilespmem:s18+$0x20]  }
0x33f: {  	s12 =	simm.s32 $0x9;
	s25 =	simm.s32 $0x8;
	v18 =	vmov s19;
	v13 =	vld [tilespmem:s18+$0x30]  }
0x340: {  	s20 =	simm.s32 $0x17;
	s14 =	simm.s32 $0xA;
	s13 =	simm.s32 $0xE;
	v23 =	vshrl.u32 v18, $0x3;
	v24 =	vmov s25;
	v18 =	vld [tilespmem:s18+$0x40]  }
.LBB2_11:
0x341: {  	p1 =	sne.s32 s20, $0x7F;
	v25 =	vmov s12;
	v26 =	vmov s14;
	s12 =	sadd.s32 $0xFFFFFFFC, s19;
	s14 =	sadd.s32 $0xFFFFFFFD, s19;
	v27 =	vmov s13;
	v28 =	vld [tilespmem:s18+$0x50]  }
0x342: {  	v29 =	vmov s12;
	v30 =	vmov s14;
	s12 =	sadd.s32 $0xFFFFFFFE, s19;
	v27 =	vshrl.u32 v27, $0x3;
	v31 =	vld [tilespmem:s18+$0x60];
	s19 =	smov.u32 s20  }
0x343: {  	v24 =	vshrl.u32 v24, $0x3;
	v32 =	vmov s12;
	v27 =	vshll.u32 v27, v1;
	v33 =	vld [tilespmem:s18+$0x70]  }
0x344: {  	v23 =	vshll.u32 v23, v1;
	v25 =	vshrl.u32 v25, $0x3;
	v27 =	vadd.s32 $0x6, v27;
	v34 =	vld [tilespmem:s18+$0x80]  }
0x345: {  	v26 =	vshrl.u32 v26, $0x3;
	v29 =	vshrl.u32 v29, $0x3;
	v27 =	vbroadcast v27, $0x0;
	v35 =	vld [tilespmem:s18+$0x90]  }
0x346: {  	v24 =	vshll.u32 v24, v1;
	v30 =	vshrl.u32 v30, $0x3;
	v32 =	vshrl.u32 v32, $0x3;
	v36 =	vld [tilespmem:s18+$0xA0]  }
0x347: {  	v23 =	vadd.s32 $0x7, v23;
	v24 =	vbroadcast v24, $0x0;
	v25 =	vshll.u32 v25, v1;
	v37 =	vld [tilespmem:s18+$0xB0]  }
0x348: {  	v26 =	vshll.u32 v26, v1;
	v23 =	vbroadcast v23, $0x0;
	v25 =	vadd.s32 $0x1, v25;
	v38 =	vld [tilespmem:s18+$0xC0]  }
0x349: {  	v26 =	vadd.s32 $0x2, v26;
	v29 =	vshll.u32 v29, v1;
	v25 =	vbroadcast v25, $0x0;
	v39 =	vld [tilespmem:s18+$0xD0]  }
0x34a: {  	v30 =	vshll.u32 v30, v1;
	v26 =	vbroadcast v26, $0x0;
	v29 =	vadd.s32 $0x3, v29;
	v40 =	vld [tilespmem:s18+$0xE0]  }
0x34b: {  	v30 =	vadd.s32 $0x4, v30;
	v32 =	vshll.u32 v32, v1;
	v29 =	vbroadcast v29, $0x0;
	v27 =	vld.idx.msk [tilespmem:v27+s28+$0x0], $0xffff  }
0x34c: {  	v30 =	vbroadcast v30, $0x0;
	v32 =	vadd.s32 $0x5, v32;
	v41 =	vld [tilespmem:s18+$0xF0]  }
0x34d: {  	v32 =	vbroadcast v32, $0x0;
	v24 =	vld.idx.msk [tilespmem:v24+s28+$0x0], $0xffff  }
0x34e: {  	v23 =	vld.idx.msk [tilespmem:v23+s28+$0x0], $0xffff  }
0x34f: {  	v25 =	vld.idx.msk [tilespmem:v25+s28+$0x0], $0xffff  }
0x350: {  	v26 =	vld.idx.msk [tilespmem:v26+s28+$0x0], $0xffff  }
0x351: {  	v34 =	vmul.f32 v34, v27;
	v37 =	vmul.f32 v37, v27;
	v42 =	vnsel vm0, $0x0, v27;
	v29 =	vld.idx.msk [tilespmem:v29+s28+$0x0], $0xffff  }
0x352: {  	s17 =	sadd.s32 $0x280, s17;
	v35 =	vmul.f32 v35, v27;
	v27 =	vmul.f32 v36, v27;
	v30 =	vld.idx.msk [tilespmem:v30+s28+$0x0], $0xffff  }
0x353: {  	v4 =	vmul.f32 v4, v24;
	v5 =	vmul.f32 v5, v24;
	v36 =	vnsel vm0, $0x0, v24;
	v32 =	vld.idx.msk [tilespmem:v32+s28+$0x0], $0xffff;
	[tilespmem:s17+$0xD0] =	vst v37  }
0x354: {  	v2 =	vmul.f32 v2, v24;
	v3 =	vmul.f32 v3, v24;
	v24 =	vnsel vm0, $0x0, v23;
	[tilespmem:s17+$0xA0] =	vst v34  }
0x355: {  	v21 =	vmul.f32 v21, v25;
	v22 =	vmul.f32 v22, v25;
	v34 =	vnsel vm0, $0x0, v25;
	[tilespmem:s17+$0xB0] =	vst v35  }
0x356: {  	v19 =	vmul.f32 v19, v25;
	v20 =	vmul.f32 v20, v25;
	v25 =	vnsel vm0, $0x0, v26;
	[tilespmem:s17+$0xC0] =	vst v27  }
0x357: {  	v16 =	vmul.f32 v16, v26;
	v17 =	vmul.f32 v17, v26;
	[tilespmem:s17+$0xFFFFFF10] =	vst v21;
	v21 =	vnsel vm0, $0x0, v29  }
0x358: {  	v14 =	vmul.f32 v14, v26;
	v15 =	vmul.f32 v15, v26;
	[tilespmem:s17+$0xFFFFFF20] =	vst v22;
	v22 =	vnsel vm0, $0x0, v30  }
0x359: {  	v11 =	vmul.f32 v11, v29;
	v12 =	vmul.f32 v12, v29;
	[tilespmem:s17+$0xFFFFFF30] =	vst v19;
	v19 =	vnsel vm0, $0x0, v32  }
0x35a: {  	v9 =	vmul.f32 v9, v29;
	v10 =	vmul.f32 v10, v29;
	[tilespmem:s17+$0xFFFFFF40] =	vst v20  }
0x35b: {  	v7 =	vmul.f32 v7, v30;
	v8 =	vmul.f32 v8, v30;
	[tilespmem:s17+$0xFFFFFF60] =	vst v16  }
0x35c: {  	v6 =	vmul.f32 v6, v30;
	v13 =	vmul.f32 v13, v30;
	[tilespmem:s17+$0xFFFFFF70] =	vst v17  }
0x35d: {  	v16 =	vmul.f32 v28, v32;
	[tilespmem:s17+$0xFFFFFF80] =	vst v14;
	v14 =	vmul.f32 v18, v32  }
0x35e: {  	v17 =	vmul.f32 v33, v32;
	[tilespmem:s17+$0xFFFFFF90] =	vst v15;
	v15 =	vmul.f32 v31, v32  }
0x35f: {  	v18 =	vmul.f32 v39, v23;
	[tilespmem:s17+$0xFFFFFFB0] =	vst v11;
	v11 =	vmul.f32 v38, v23  }
0x360: {  	v20 =	vmul.f32 v41, v23;
	[tilespmem:s17+$0xFFFFFFC0] =	vst v12;
	v12 =	vmul.f32 v40, v23  }
0x361: {  	[tilespmem:s17+$0xFFFFFFD0] =	vst v9  }
0x362: {  	[tilespmem:s17+$0xFFFFFFE0] =	vst v10  }
0x363: {  	[tilespmem:s17+$0x0] =	vst v7  }
0x364: {  	[tilespmem:s17+$0x10] =	vst v8  }
0x365: {  	[tilespmem:s17+$0x20] =	vst v6  }
0x366: {  	[tilespmem:s17+$0x30] =	vst v13  }
0x367: {  	[tilespmem:s17+$0x50] =	vst v14  }
0x368: {  	[tilespmem:s17+$0x60] =	vst v16  }
0x369: {  	[tilespmem:s17+$0x70] =	vst v15  }
0x36a: {  	[tilespmem:s17+$0x80] =	vst v17  }
0x36b: {  	[tilespmem:s17+$0xFFFFFEC0] =	vst v4  }
0x36c: {  	[tilespmem:s17+$0xFFFFFED0] =	vst v5  }
0x36d: {  	[tilespmem:s17+$0xFFFFFEE0] =	vst v2  }
0x36e: {  	[tilespmem:s17+$0xFFFFFEF0] =	vst v3  }
0x36f: {  	[tilespmem:s17+$0xFFFFFF50] =	vst v34  }
0x370: {  	[tilespmem:s17+$0xFFFFFFA0] =	vst v25  }
0x371: {  	[tilespmem:s17+$0xFFFFFFF0] =	vst v21  }
0x372: {  	[tilespmem:s17+$0x40] =	vst v22  }
0x373: {  	[tilespmem:s17+$0x90] =	vst v19  }
0x374: {  	[tilespmem:s17+$0xE0] =	vst v42  }
0x375: {  	[tilespmem:s17+$0xF0] =	vst v11  }
0x376: {  	[tilespmem:s17+$0x100] =	vst v18  }
0x377: {  	[tilespmem:s17+$0x110] =	vst v12  }
0x378: {  	[tilespmem:s17+$0x120] =	vst v20  }
0x379: {  	[tilespmem:s17+$0xFFFFFF00] =	vst v36  }
0x37a: {  	s18 =	sadd.s32 $0x200, s18;
	[tilespmem:s17+$0x130] =	vst v24  }
0x37b: {  	v4 =	vld [tilespmem:s18+$0xFFFFFF00]  }
0x37c: {  	v5 =	vld [tilespmem:s18+$0xFFFFFF10]  }
0x37d: {  	v2 =	vld [tilespmem:s18+$0xFFFFFF20]  }
0x37e: {  	v3 =	vld [tilespmem:s18+$0xFFFFFF30]  }
0x37f: {  	v21 =	vld [tilespmem:s18+$0xFFFFFF40]  }
0x380: {  	v22 =	vld [tilespmem:s18+$0xFFFFFF50]  }
0x381: {  	v19 =	vld [tilespmem:s18+$0xFFFFFF60]  }
0x382: {  	v20 =	vld [tilespmem:s18+$0xFFFFFF70]  }
0x383: {  	v16 =	vld [tilespmem:s18+$0xFFFFFF80]  }
0x384: {  	v17 =	vld [tilespmem:s18+$0xFFFFFF90]  }
0x385: {  	v14 =	vld [tilespmem:s18+$0xFFFFFFA0]  }
0x386: {  	v15 =	vld [tilespmem:s18+$0xFFFFFFB0]  }
0x387: {  	v11 =	vld [tilespmem:s18+$0xFFFFFFC0]  }
0x388: {  	v12 =	vld [tilespmem:s18+$0xFFFFFFD0]  }
0x389: {  	v9 =	vld [tilespmem:s18+$0xFFFFFFE0]  }
0x38a: {  	v10 =	vld [tilespmem:s18+$0xFFFFFFF0]  }
.Ltmp7:
0x38b: {  	v7 =	vld [tilespmem:s18+$0x0];
	(pc) =	sbr.rel @p1 .LBB2_11-.Ltmp7, $4  }
0x38c: {  	v8 =	vld [tilespmem:s18+$0x10]  }
0x38d: {  	v6 =	vld [tilespmem:s18+$0x20]  }
0x38e: {  	s13 =	sadd.s32 $0xFFFFFFF9, s20;
	s12 =	sadd.s32 $0xFFFFFFFA, s20;
	v18 =	vmov s20;
	v13 =	vld [tilespmem:s18+$0x30]  }
0x38f: {  	s14 =	sadd.s32 $0xFFFFFFFB, s19;
	s20 =	sadd.s32 $0x8, s20;
	v23 =	vshrl.u32 v18, $0x3;
	v24 =	vmov s13;
	s13 =	sadd.s32 $0xFFFFFFFF, s19;
	v18 =	vld [tilespmem:s18+$0x40]  }
0x390: {  	v25 =	vmov s12;
	v26 =	vmov s14;
	s14 =	sadd.s32 $0xFFFFFFFC, s19;
	v27 =	vmov s13;
	v28 =	vld [tilespmem:s18+$0x50]  }
0x391: {  	s20 =	sadd.s32 $0xFFFFFFFD, s19;
	s25 =	sadd.s32 $0xFFFFFFFE, s19;
	v31 =	vld [tilespmem:s18+$0x60];
	v24 =	vshrl.u32 v24, $0x3;
	v23 =	vshll.u32 v23, v1;
	v29 =	vmov s14  }
0x392: {  	v33 =	vld [tilespmem:s18+$0x70];
	v30 =	vmov s20;
	v27 =	vshrl.u32 v27, $0x3;
	v32 =	vmov s25  }
0x393: {  	v34 =	vld [tilespmem:s18+$0x80];
	v25 =	vshrl.u32 v25, $0x3;
	v26 =	vshrl.u32 v26, $0x3;
	v24 =	vshll.u32 v24, v1  }
0x394: {  	v35 =	vld [tilespmem:s18+$0x90];
	v23 =	vadd.s32 $0x7, v23;
	v27 =	vshll.u32 v27, v1;
	v29 =	vshrl.u32 v29, $0x3  }
0x395: {  	v36 =	vld [tilespmem:s18+$0xA0];
	v30 =	vshrl.u32 v30, $0x3;
	v32 =	vshrl.u32 v32, $0x3;
	v24 =	vbroadcast v24, $0x0  }
0x396: {  	v37 =	vld [tilespmem:s18+$0xB0];
	v25 =	vshll.u32 v25, v1;
	v23 =	vbroadcast v23, $0x0;
	v27 =	vadd.s32 $0x6, v27  }
0x397: {  	v38 =	vld [tilespmem:s18+$0xC0];
	v26 =	vshll.u32 v26, v1;
	v25 =	vadd.s32 $0x1, v25;
	v27 =	vbroadcast v27, $0x0  }
0x398: {  	v39 =	vld [tilespmem:s18+$0xD0];
	v26 =	vadd.s32 $0x2, v26;
	v29 =	vshll.u32 v29, v1;
	v25 =	vbroadcast v25, $0x0  }
0x399: {  	v40 =	vld [tilespmem:s18+$0xE0];
	v30 =	vshll.u32 v30, v1;
	v26 =	vbroadcast v26, $0x0;
	v29 =	vadd.s32 $0x3, v29  }
0x39a: {  	v41 =	vld [tilespmem:s18+$0xF0];
	v32 =	vshll.u32 v32, v1;
	v30 =	vadd.s32 $0x4, v30;
	v29 =	vbroadcast v29, $0x0  }
0x39b: {  	v32 =	vadd.s32 $0x5, v32;
	v30 =	vbroadcast v30, $0x0;
	v24 =	vld.idx.msk [tilespmem:v24+s28+$0x0], $0xffff  }
0x39c: {  	v32 =	vbroadcast v32, $0x0;
	v23 =	vld.idx.msk [tilespmem:v23+s28+$0x0], $0xffff  }
0x39d: {  	v27 =	vld.idx.msk [tilespmem:v27+s28+$0x0], $0xffff  }
0x39e: {  	v25 =	vld.idx.msk [tilespmem:v25+s28+$0x0], $0xffff  }
0x39f: {  	v26 =	vld.idx.msk [tilespmem:v26+s28+$0x0], $0xffff  }
0x3a0: {  	v29 =	vld.idx.msk [tilespmem:v29+s28+$0x0], $0xffff;
	v4 =	vmul.f32 v4, v24  }
0x3a1: {  	s17 =	sadd.s32 $0x280, s17;
	v30 =	vld.idx.msk [tilespmem:v30+s28+$0x0], $0xffff;
	v5 =	vmul.f32 v5, v24  }
0x3a2: {  	v32 =	vld.idx.msk [tilespmem:v32+s28+$0x0], $0xffff;
	v2 =	vmul.f32 v2, v24;
	[tilespmem:s17+$0xFFFFFEC0] =	vst v4  }
0x3a3: {  	v3 =	vmul.f32 v3, v24;
	[tilespmem:s17+$0xFFFFFED0] =	vst v5  }
0x3a4: {  	v62 =	vmul.f32 v38, v23;
	[tilespmem:s17+$0xFFFFFEE0] =	vst v2  }
0x3a5: {  	v63 =	vmul.f32 v41, v23;
	[tilespmem:s17+$0xFFFFFEF0] =	vst v3  }
0x3a6: {  	[tilespmem:s17+$0xF0] =	vst v62  }
0x3a7: {  	v2 =	vnsel vm0, $0x0, v25;
	[tilespmem:s17+$0x120] =	vst v63  }
0x3a8: {  	v37 =	vmul.f32 v37, v27;
	v3 =	vnsel vm0, $0x0, v26;
	[tilespmem:s17+$0xFFFFFF50] =	vst v2  }
0x3a9: {  	v34 =	vmul.f32 v34, v27;
	[tilespmem:s17+$0xFFFFFFA0] =	vst v3  }
0x3aa: {  	v35 =	vmul.f32 v35, v27;
	[tilespmem:s17+$0xD0] =	vst v37  }
0x3ab: {  	v36 =	vmul.f32 v36, v27;
	[tilespmem:s17+$0xA0] =	vst v34  }
0x3ac: {  	v21 =	vmul.f32 v21, v25;
	[tilespmem:s17+$0xB0] =	vst v35  }
0x3ad: {  	v22 =	vmul.f32 v22, v25;
	[tilespmem:s17+$0xC0] =	vst v36  }
0x3ae: {  	v19 =	vmul.f32 v19, v25;
	[tilespmem:s17+$0xFFFFFF10] =	vst v21  }
0x3af: {  	v20 =	vmul.f32 v20, v25;
	[tilespmem:s17+$0xFFFFFF20] =	vst v22  }
0x3b0: {  	v16 =	vmul.f32 v16, v26;
	[tilespmem:s17+$0xFFFFFF30] =	vst v19  }
0x3b1: {  	v17 =	vmul.f32 v17, v26;
	[tilespmem:s17+$0xFFFFFF40] =	vst v20  }
0x3b2: {  	v14 =	vmul.f32 v14, v26;
	[tilespmem:s17+$0xFFFFFF60] =	vst v16  }
0x3b3: {  	v15 =	vmul.f32 v15, v26;
	[tilespmem:s17+$0xFFFFFF70] =	vst v17  }
0x3b4: {  	[tilespmem:s17+$0xFFFFFF80] =	vst v14  }
0x3b5: {  	v2 =	vnsel vm0, $0x0, v29;
	[tilespmem:s17+$0xFFFFFF90] =	vst v15  }
0x3b6: {  	v11 =	vmul.f32 v11, v29;
	v3 =	vnsel vm0, $0x0, v30;
	[tilespmem:s17+$0xFFFFFFF0] =	vst v2  }
0x3b7: {  	v12 =	vmul.f32 v12, v29;
	[tilespmem:s17+$0x40] =	vst v3  }
0x3b8: {  	v9 =	vmul.f32 v9, v29;
	[tilespmem:s17+$0xFFFFFFB0] =	vst v11  }
0x3b9: {  	v10 =	vmul.f32 v10, v29;
	[tilespmem:s17+$0xFFFFFFC0] =	vst v12  }
0x3ba: {  	v7 =	vmul.f32 v7, v30;
	[tilespmem:s17+$0xFFFFFFD0] =	vst v9  }
0x3bb: {  	v8 =	vmul.f32 v8, v30;
	[tilespmem:s17+$0xFFFFFFE0] =	vst v10  }
0x3bc: {  	v6 =	vmul.f32 v6, v30;
	[tilespmem:s17+$0x0] =	vst v7  }
0x3bd: {  	v57 =	vmul.f32 v13, v30;
	[tilespmem:s17+$0x10] =	vst v8  }
0x3be: {  	v58 =	vmul.f32 v18, v32;
	[tilespmem:s17+$0x20] =	vst v6  }
0x3bf: {  	v59 =	vmul.f32 v28, v32;
	[tilespmem:s17+$0x30] =	vst v57  }
0x3c0: {  	v60 =	vmul.f32 v31, v32;
	[tilespmem:s17+$0x50] =	vst v58  }
0x3c1: {  	v61 =	vmul.f32 v33, v32;
	[tilespmem:s17+$0x60] =	vst v59  }
0x3c2: {  	[tilespmem:s17+$0x70] =	vst v60  }
0x3c3: {  	v2 =	vnsel vm0, $0x0, v32;
	[tilespmem:s17+$0x80] =	vst v61  }
0x3c4: {  	v3 =	vnsel vm0, $0x0, v27;
	[tilespmem:s17+$0x90] =	vst v2;
	v2 =	vmul.f32 v39, v23  }
0x3c5: {  	[tilespmem:s17+$0xE0] =	vst v3;
	v3 =	vmul.f32 v40, v23  }
0x3c6: {  	[tilespmem:s17+$0x100] =	vst v2  }
0x3c7: {  	[tilespmem:s17+$0x110] =	vst v3;
	v2 =	vnsel vm0, $0x0, v24  }
0x3c8: {  	v3 =	vnsel vm0, $0x0, v23;
	[tilespmem:s17+$0xFFFFFF00] =	vst v2  }
.Ltmp8:
0x3c9: {  	[tilespmem:s17+$0x130] =	vst v3;
	(pc) =	sbr.rel .LBB2_13-.Ltmp8, $4  }
0x3ca: {  	[spmem:s1] =	stream.indirect.scatter.add.f32 [tilespmem:s31], [sflag:$0x6], $0x50, s21, s5, $0xb8;
	[tilespmem:$0x1A9A0] =	vst v63  }
0x3cb: {  	_ =	swait.ge [sflag:s29], $0x2800  }
0x3cc: {  	[sflag:s29] =	ssyncset.done $0x0  }
0x3cd: {  	[sflag:s29] =	ssyncadd.s32 $0xFFFFD800  }
.LBB2_14:
0x3ce: {  	_ =	sfence.sel $0x180000  }
0x3cf: {  	[bflag:$0x0] =	sbarrier.arrive $0xFFFF  }
0x3d0: {  	_ =	strace $0x90000047  }
0x3d1: {  	s0 =	stileid.u32;
	[bflag:$0x2] =	sbarrier.arrive $0xFFFF  }
0x3d2: {  	p0 =	sne.s32 s0, $0x0;
	s0 =	rddreg [dreg:$0x2]  }
0x3d3: {  	s0 =	sadd.s32 @!p0 $0x100000, s0  }
0x3d4: {  	[sflag:s0] =	ssyncadd.tile.s32 @!p0 $0x1;
	_ =	shalt  }
.Lfunc_end2:
_tile_overlayer_lowered:
.L_overlay_start_2:
0x3d5: {  	(tag) =	ssettag $0x2  }
0x3d6: {  	s0 =	rddreg [dreg:$0x0];
	s2 =	stileid.u32  }
0x3d7: {  	s1 =	rddreg [dreg:$0x1];
	p0 =	sne.s32 s2, $0x0  }
0x3d8: {  	s3 =	rddreg [dreg:$0x2];
	[bflag:$0x3] =	sbarrier.arrive $0xFFFF;
	s2 =	simm.s32 @!p0 $0x1C06  }
0x3d9: {  	[timem:s3], [sflag:s2] =	dma.local @!p0 [hbm:s0], s1  }
0x3da: {  	s0 =	simm.s32 @!p0 $0x6  }
0x3db: {  	_ =	swait.ge @!p0 [sflag:s0], s1  }
0x3dc: {  	s1 =	ssub.s32 @!p0 $0x0, s1;
	[sflag:s0] =	ssyncset.done @!p0 $0x0  }
0x3dd: {  	[sflag:s0] =	ssyncadd.s32 @!p0 s1  }
0x3de: {  	[bflag:$0x3] =	sbarrier.arrive $0xFFFF  }
0x3df: {  	_ =	shalt  }

</sc_bundles>
